<compile_context>
chip_gen: v7x
topology: tpu7x:2x2x1
jax: 0.10.2.dev20260603
libtpu: 0.0.44.dev20260713+nightly
codegen_flags: <defaults>
</compile_context>

<pallas_src>
import functools

import jax
import jax.numpy as jnp
from jax import lax
from jax.experimental import pallas as pl
from jax.experimental.pallas import tpu as pltpu
from jax.experimental.pallas import tpu_sc as plsc

T = 2048
D = 768
E = 8
K = 2
F = 768
TK = T * K

BT = 256
NT = T // BT

BG = 256
MAXT = TK // BG + (E - 1)
SLOTS = MAXT * BG

NC = 2
NS = 16
NW = NC * NS
CHUNK = TK // NW
BLK = TK // NS
TPW = T // NW


def _silu(x):
    return x * jax.nn.sigmoid(x)


def _take16(vec, idx):
    return lax.gather(
        vec, idx[:, None],
        dimension_numbers=lax.GatherDimensionNumbers(
            offset_dims=(), collapsed_slice_dims=(0,), start_index_map=(0,)),
        slice_sizes=(1,),
        mode=lax.GatherScatterMode.PROMISE_IN_BOUNDS)



def _router_body(x_ref, gwt_ref, eidx_ref, wpair_ref):
    x = x_ref[...]
    logits = jnp.dot(x, gwt_ref[...], preferred_element_type=jnp.float32)
    p = jax.nn.sigmoid(logits)
    iota = lax.broadcasted_iota(jnp.int32, p.shape, 1)
    v1 = jnp.max(p, axis=-1, keepdims=True)
    i1 = jnp.min(jnp.where(p == v1, iota, E), axis=-1, keepdims=True)
    p2 = jnp.where(iota == i1, -jnp.inf, p)
    v2 = jnp.max(p2, axis=-1, keepdims=True)
    i2 = jnp.min(jnp.where(p2 == v2, iota, E), axis=-1, keepdims=True)
    denom = v1 + v2
    eidx_ref[...] = jnp.concatenate([i1, i2], axis=-1)
    wpair_ref[...] = jnp.concatenate([v1 / denom, v2 / denom], axis=-1)


def _router(x, gwt):
    return pl.pallas_call(
        _router_body,
        grid=(NT,),
        in_specs=[
            pl.BlockSpec((BT, D), lambda t: (t, 0)),
            pl.BlockSpec((D, E), lambda t: (0, 0)),
        ],
        out_specs=[
            pl.BlockSpec((BT, K), lambda t: (t, 0)),
            pl.BlockSpec((BT, K), lambda t: (t, 0)),
        ],
        out_shape=[
            jax.ShapeDtypeStruct((T, K), jnp.int32),
            jax.ShapeDtypeStruct((T, K), jnp.float32),
        ],
    )(x, gwt)



def _dispatch_body(eidx_hbm, x_hbm,
                   xs_hbm, pos_hbm, te_hbm,
                   eid_v, hstage_v, hist_v, pos_v, posw_v, idxg_v,
                   xbuf_v, te_v, hist_sh, sem_g, sem_s):
    c = lax.axis_index("c")
    s = lax.axis_index("s")
    wid = s * NC + c
    lane = lax.broadcasted_iota(jnp.int32, (16,), 0)
    z16 = jnp.zeros((16,), jnp.int32)
    gbase = s * BLK + c * CHUNK

    for i in range(CHUNK // 16):
        idxg_v[pl.ds(16 * i, 16)] = (lane + gbase + 16 * i) >> 1
    gcp = pltpu.async_copy(x_hbm.at[idxg_v], xbuf_v, sem_g)

    pltpu.sync_copy(eidx_hbm.at[pl.ds(s * BLK, BLK)], eid_v)

    def h_body(i, carry):
        tot, half = carry
        v = eid_v[pl.ds(i * 16, 16)]
        contrib = z16
        def e_body(e, acc):
            m = v == e
            csum = plsc.cumsum(m.astype(jnp.int32))
            cnt = _take16(csum, jnp.full((16,), 15, jnp.int32))
            return acc + jnp.where(lane == e, cnt, 0)
        contrib = lax.fori_loop(0, E, e_body, contrib)
        flag = (i < 8).astype(jnp.int32)
        return tot + contrib, half + contrib * flag

    blk_hist, half_hist = lax.fori_loop(0, 16, h_body, (z16, z16))
    hstage_v[...] = blk_hist
    pltpu.sync_copy(hstage_v, hist_sh.at[pl.ds(s * 16, 16)])
    plsc.subcore_barrier()
    pltpu.sync_copy(hist_sh, hist_v)

    def r_body(jj, carry):
        tot, pre = carry
        row = hist_v[pl.ds(jj * 16, 16)]
        return tot + row, pre + row * (jj < s).astype(jnp.int32)

    totals, pre_blk = lax.fori_loop(0, NS, r_body, (z16, z16))

    tiles_e = (totals + (BG - 1)) >> 8
    ts_inc = plsc.cumsum(tiles_e)
    tile_start = ts_inc - tiles_e
    slot_base = tile_start * BG
    bases = slot_base + pre_blk + half_hist * c

    used = _take16(ts_inc, jnp.full((16,), E - 1, jnp.int32))
    for jv in range(2):
        jvec = lane + 16 * jv
        acc = jnp.full((16,), -1, jnp.int32)
        for e in range(E):
            st = _take16(tile_start, jnp.full((16,), e, jnp.int32))
            acc = acc + (jvec >= st).astype(jnp.int32)
        if jv == 1:
            acc = jnp.where(lane == 15, used, acc)
        te_v[pl.ds(16 * jv, 16)] = acc

    @pl.when(wid == 0)
    def _():
        pltpu.sync_copy(te_v, te_hbm)

    def j_body(j, run):
        v = eid_v[pl.ds(c * CHUNK + 16 * j, 16)]
        rank = z16
        cnt = z16
        for e in range(E):
            m = v == e
            csum = plsc.cumsum(m.astype(jnp.int32))
            rank = jnp.where(m, csum, rank)
            cnt = cnt + jnp.where(lane == e,
                                  _take16(csum, jnp.full((16,), 15, jnp.int32)), 0)
        basev = _take16(bases + run, v)
        pos16 = basev + rank - 1
        pos_v[pl.ds(16 * j, 16)] = pos16
        posw_v[0, pl.ds(16 * j, 16)] = pos16
        return run + cnt

    lax.fori_loop(0, CHUNK // 16, j_body, z16)
    gcp.wait()
    pltpu.async_copy(xbuf_v, xs_hbm.at[posw_v.at[0]], sem_s).wait()
    pltpu.sync_copy(pos_v, pos_hbm.at[pl.ds(gbase, CHUNK)])


def _dispatch(eidx_flat, x):
    mesh = plsc.VectorSubcoreMesh(core_axis_name="c", subcore_axis_name="s", num_cores=NC, num_subcores=NS)
    f = pl.kernel(
        _dispatch_body,
        out_type=[
            jax.ShapeDtypeStruct((SLOTS, D), jnp.float32),
            jax.ShapeDtypeStruct((TK,), jnp.int32),
            jax.ShapeDtypeStruct((32,), jnp.int32),
        ],
        mesh=mesh,
        compiler_params=pltpu.CompilerParams(needs_layout_passes=False),
        scratch_types=[
            pltpu.VMEM((BLK,), jnp.int32),
            pltpu.VMEM((16,), jnp.int32),
            pltpu.VMEM((NS * 16,), jnp.int32),
            pltpu.VMEM((CHUNK,), jnp.int32),
            pltpu.VMEM((1, CHUNK), jnp.int32),
            pltpu.VMEM((CHUNK,), jnp.int32),
            pltpu.VMEM((CHUNK, D), jnp.float32),
            pltpu.VMEM((32,), jnp.int32),
            pltpu.VMEM_SHARED((NS * 16,), jnp.int32),
            pltpu.SemaphoreType.DMA,
            pltpu.SemaphoreType.DMA,
        ],
    )
    return f(eidx_flat, x)



def _group_body(te_ref, xs_ref, w1_ref, w2_ref, ys_ref):
    @pl.when(pl.program_id(0) < te_ref[31])
    def _():
        x = xs_ref[...].astype(jnp.bfloat16)
        w1b = w1_ref[0].astype(jnp.bfloat16)
        h = jnp.dot(x, w1b, preferred_element_type=jnp.float32)
        a = (_silu(h[:, :F]) * h[:, F:]).astype(jnp.bfloat16)
        w2b = w2_ref[0].astype(jnp.bfloat16)
        ys_ref[...] = jnp.dot(a, w2b, preferred_element_type=jnp.float32)


def _grouped(tile_expert, x_slots, w1, w2):
    grid_spec = pltpu.PrefetchScalarGridSpec(
        num_scalar_prefetch=1,
        grid=(MAXT,),
        in_specs=[
            pl.BlockSpec((BG, D), lambda t, te: (t, 0)),
            pl.BlockSpec((1, D, 2 * F), lambda t, te: (te[t], 0, 0)),
            pl.BlockSpec((1, F, D), lambda t, te: (te[t], 0, 0)),
        ],
        out_specs=pl.BlockSpec((BG, D), lambda t, te: (t, 0)),
    )
    return pl.pallas_call(
        _group_body,
        grid_spec=grid_spec,
        out_shape=jax.ShapeDtypeStruct((SLOTS, D), jnp.float32),
    )(tile_expert, x_slots, w1, w2)



def _combine_body(ys_hbm, pos_hbm, wpair_hbm, routed_hbm, pos_v, wv_v,
                  posmat_v, ybuf_a, ybuf_b, obuf_v, sem_a, sem_b):
    c = lax.axis_index("c")
    s = lax.axis_index("s")
    wid = s * NC + c
    nj = TPW // 8
    pltpu.sync_copy(pos_hbm.at[pl.ds(wid * (2 * TPW), 2 * TPW)], pos_v)
    pltpu.sync_copy(wpair_hbm.at[pl.ds(wid * (2 * TPW), 2 * TPW)], wv_v)
    for j in range(nj):
        posmat_v[j, :] = pos_v[pl.ds(16 * j, 16)]

    bufs = (ybuf_a, ybuf_b)
    sems = (sem_a, sem_b)
    cps = [pltpu.async_copy(ys_hbm.at[posmat_v.at[0]], bufs[0], sems[0])]
    for j in range(nj):
        ybuf_v = bufs[j % 2]
        if j + 1 < nj:
            cps.append(pltpu.async_copy(ys_hbm.at[posmat_v.at[j + 1]],
                                        bufs[(j + 1) % 2], sems[(j + 1) % 2]))
        cps[j].wait()
        w16 = wv_v[pl.ds(16 * j, 16)]
        wbc = [_take16(w16, jnp.full((16,), r, jnp.int32)) for r in range(16)]

        def k_body(k, _2):
            for i in range(8):
                a = ybuf_v[2 * i, pl.ds(16 * k, 16)]
                b = ybuf_v[2 * i + 1, pl.ds(16 * k, 16)]
                obuf_v[i, pl.ds(16 * k, 16)] = a * wbc[2 * i] + b * wbc[2 * i + 1]
            return 0

        lax.fori_loop(0, D // 16, k_body, 0)
        pltpu.sync_copy(obuf_v, routed_hbm.at[pl.ds(wid * TPW + 8 * j, 8)])


def _combine(y_slots, pos_pair, wpair_flat):
    mesh = plsc.VectorSubcoreMesh(core_axis_name="c", subcore_axis_name="s", num_cores=NC, num_subcores=NS)
    f = pl.kernel(
        _combine_body,
        out_type=jax.ShapeDtypeStruct((T, D), jnp.float32),
        mesh=mesh,
        compiler_params=pltpu.CompilerParams(needs_layout_passes=False),
        scratch_types=[
            pltpu.VMEM((2 * TPW,), jnp.int32),
            pltpu.VMEM((2 * TPW,), jnp.float32),
            pltpu.VMEM((TPW // 8, 16), jnp.int32),
            pltpu.VMEM((16, D), jnp.float32),
            pltpu.VMEM((16, D), jnp.float32),
            pltpu.VMEM((8, D), jnp.float32),
            pltpu.SemaphoreType.DMA,
            pltpu.SemaphoreType.DMA,
        ],
    )
    return f(y_slots, pos_pair, wpair_flat)



def _shared_body(x_ref, ws1_ref, ws2_ref, out_ref):
    x = x_ref[...].astype(jnp.bfloat16)
    h = jnp.dot(x, ws1_ref[...].astype(jnp.bfloat16),
                preferred_element_type=jnp.float32)
    a = (_silu(h[:, :F]) * h[:, F:]).astype(jnp.bfloat16)
    out_ref[...] = jnp.dot(a, ws2_ref[...].astype(jnp.bfloat16),
                           preferred_element_type=jnp.float32)


def _shared(x, ws1, ws2):
    return pl.pallas_call(
        _shared_body,
        grid=(NT,),
        in_specs=[
            pl.BlockSpec((BT, D), lambda t: (t, 0)),
            pl.BlockSpec((D, 2 * F), lambda t: (0, 0)),
            pl.BlockSpec((F, D), lambda t: (0, 0)),
        ],
        out_specs=pl.BlockSpec((BT, D), lambda t: (t, 0)),
        out_shape=jax.ShapeDtypeStruct((T, D), jnp.float32),
    )(x, ws1, ws2)


def kernel(hidden_states, gate_w, w1, w2, ws1, ws2):
    orig_shape = hidden_states.shape
    x = hidden_states.reshape(-1, D)
    eidx, wpair = _router(x, gate_w.T)
    x_slots, pos_pair, tile_expert = _dispatch(eidx.reshape(TK), x)
    shared = _shared(x, ws1, ws2)
    y_slots = _grouped(tile_expert, x_slots, w1, w2)
    routed = _combine(y_slots, pos_pair, wpair.reshape(TK))
    return shared, routed.reshape(orig_shape)

# --- scband reference (transcript-rebuilt; emitter-appended) ---
"""Pipeline reference for scband-step3p5-decoder-layer-27676769255765 (READ-ONLY COPY).

The authoritative reference and input builder live on the scoring server;
editing this copy changes nothing except your own understanding.
"""

import jax, jax.numpy as jnp
import numpy as np

T = 2048      # tokens (batch=1 * seq_len=2048)
D = 768       # hidden_size
E = 8         # moe_num_experts
K = 2         # moe_top_k
F = 768       # moe_intermediate_size
FS = 768      # shared expert intermediate size
SCALE = 1.0   # moe_router_scaling_factor


def setup_inputs(seed: int = 0) -> dict:
    key = jax.random.key(seed)
    ks = jax.random.split(key, 6)
    return {
        "hidden_states": jax.random.normal(ks[0], (T, D), dtype=jnp.float32),
        "gate_w": jax.random.normal(ks[1], (E, D), dtype=jnp.float32) * 0.02,
        "w1": jax.random.normal(ks[2], (E, D, 2 * F), dtype=jnp.float32) * 0.02,
        "w2": jax.random.normal(ks[3], (E, F, D), dtype=jnp.float32) * 0.02,
        "ws1": jax.random.normal(ks[4], (D, 2 * FS), dtype=jnp.float32) * 0.02,
        "ws2": jax.random.normal(ks[5], (FS, D), dtype=jnp.float32) * 0.02,
    }


def _silu(x):
    return x * jax.nn.sigmoid(x)


def reference(hidden_states, gate_w, w1, w2, ws1, ws2):
    orig_shape = hidden_states.shape
    x = hidden_states.reshape(-1, D)
    # need_fp32_gate: fp32 router logits via replicated gate
    router_logits = x.astype(jnp.float32) @ gate_w.astype(jnp.float32).T  # [T, E]
    # sigmoid_routing_function
    gate_prob = jax.nn.sigmoid(router_logits)
    gate_prob = gate_prob / jnp.sum(gate_prob, axis=-1, keepdims=True)
    topk_prob, topk_idx = jax.lax.top_k(gate_prob, K)  # values + int32 indices
    # renormalize (norm_expert_weight=True)
    topk_w = topk_prob / jnp.sum(topk_prob, axis=-1, keepdims=True)
    # scatter top-k weights into dense combine weights [T, E]
    tok = jnp.arange(x.shape[0])[:, None]
    combine_w = jnp.zeros((x.shape[0], E), dtype=jnp.float32).at[tok, topk_idx].add(topk_w)
    # dense all-expert SwiGLU FFN (faithful math; compute-bound combine)
    h = jnp.einsum('td,edf->tef', x, w1)                 # [T, E, 2F]
    g, u = jnp.split(h, 2, axis=-1)
    a = _silu(g) * u                                     # [T, E, F]
    y = jnp.einsum('tef,efd->ted', a, w2)                # [T, E, D]
    routed = jnp.einsum('ted,te->td', y, combine_w) * SCALE
    # shared experts branch (SharedFusedMoE returns both)
    hs = x @ ws1
    gs, us = jnp.split(hs, 2, axis=-1)
    shared_out = (_silu(gs) * us) @ ws2
    return shared_out, routed.reshape(orig_shape)

if __name__ == "__main__":
    import jax
    _d = setup_inputs()
    print(jax.jit(kernel)(*tuple(_d.values())))

</pallas_src>

<mosaic_0001>
#map = affine_map<(d0, d1) -> (0, 0)>
#map1 = affine_map<(d0, d1) -> (0)>
module attributes {stable_mosaic.version = 14 : i64} {
  func.func @_combine_body(%arg0: i32, %arg1: i32, %arg2: memref<5888x768xf32, #tpu.memory_space<hbm>>, %arg3: memref<4096xi32, #tpu.memory_space<hbm>>, %arg4: memref<4096xf32, #tpu.memory_space<hbm>>, %arg5: memref<2048x768xf32, #tpu.memory_space<hbm>>, %arg6: memref<128xi32, #tpu.memory_space<vmem>>, %arg7: memref<128xf32, #tpu.memory_space<vmem>>, %arg8: memref<8x16xi32, #tpu.memory_space<vmem>>, %arg9: memref<16x768xf32, #tpu.memory_space<vmem>>, %arg10: memref<16x768xf32, #tpu.memory_space<vmem>>, %arg11: memref<8x768xf32, #tpu.memory_space<vmem>>, %arg12: memref<!tpu.dma_semaphore, #tpu.memory_space<semaphore_mem>>, %arg13: memref<!tpu.dma_semaphore, #tpu.memory_space<semaphore_mem>>) attributes {dimension_semantics = [#tpu.dimension_semantics<core_parallel>, #tpu.dimension_semantics<subcore_parallel>], iteration_bounds = array<i64: 2, 16>, scalar_prefetch = 0 : i64, scratch_operands = 8 : i64, tpu.core_type = #tpu.core_type<sc_vector_subcore>, window_params = [{transform_indices = #map}, {transform_indices = #map1}, {transform_indices = #map1}, {transform_indices = #map}]} {
    %mul3A = arith.constant 2 : i32
    %mul3A_0 = arith.muli %arg1, %mul3A : i32
    %add3A = arith.addi %mul3A_0, %arg0 : i32
    %mul3A_1 = arith.constant 128 : i32
    %mul3A_2 = arith.muli %add3A, %mul3A_1 : i32
    "tpu.region"() ({
      %run_scoped3A = tpu.sem_alloc : memref<!tpu.dma_semaphore, #tpu.memory_space<semaphore_mem>>
      %dma_start3A_902 = tpu.memref_slice %arg3[%mul3A_2] : memref<4096xi32, #tpu.memory_space<hbm>> -> memref<128xi32, #tpu.memory_space<hbm>>
      %dma_start3A_903 = tpu.memref_slice %arg3[%mul3A_2] : memref<4096xi32, #tpu.memory_space<hbm>> -> memref<128xi32, #tpu.memory_space<hbm>>
      tpu.enqueue_dma source(%dma_start3A_903 : memref<128xi32, #tpu.memory_space<hbm>>) target(%arg6 : memref<128xi32, #tpu.memory_space<vmem>>) target_semaphore(%run_scoped3A : memref<!tpu.dma_semaphore, #tpu.memory_space<semaphore_mem>>)
      %dma_wait3A_904 = tpu.memref_slice %arg3[%mul3A_2] : memref<4096xi32, #tpu.memory_space<hbm>> -> memref<128xi32, #tpu.memory_space<hbm>>
      %dma_wait3A_905 = tpu.memref_slice %arg3[%mul3A_2] : memref<4096xi32, #tpu.memory_space<hbm>> -> memref<128xi32, #tpu.memory_space<hbm>>
      tpu.wait_dma2 semaphore(%run_scoped3A : memref<!tpu.dma_semaphore, #tpu.memory_space<semaphore_mem>>) src(%dma_wait3A_905 : memref<128xi32, #tpu.memory_space<hbm>>) dst(%arg6 : memref<128xi32, #tpu.memory_space<vmem>>)
      tpu.yield
    }) : () -> ()
    %mul3A_3 = arith.constant 128 : i32
    %mul3A_4 = arith.muli %add3A, %mul3A_3 : i32
    "tpu.region"() ({
      %run_scoped3A = tpu.sem_alloc : memref<!tpu.dma_semaphore, #tpu.memory_space<semaphore_mem>>
      %dma_start3A_902 = tpu.memref_slice %arg4[%mul3A_4] : memref<4096xf32, #tpu.memory_space<hbm>> -> memref<128xf32, #tpu.memory_space<hbm>>
      %dma_start3A_903 = tpu.memref_slice %arg4[%mul3A_4] : memref<4096xf32, #tpu.memory_space<hbm>> -> memref<128xf32, #tpu.memory_space<hbm>>
      tpu.enqueue_dma source(%dma_start3A_903 : memref<128xf32, #tpu.memory_space<hbm>>) target(%arg7 : memref<128xf32, #tpu.memory_space<vmem>>) target_semaphore(%run_scoped3A : memref<!tpu.dma_semaphore, #tpu.memory_space<semaphore_mem>>)
      %dma_wait3A_904 = tpu.memref_slice %arg4[%mul3A_4] : memref<4096xf32, #tpu.memory_space<hbm>> -> memref<128xf32, #tpu.memory_space<hbm>>
      %dma_wait3A_905 = tpu.memref_slice %arg4[%mul3A_4] : memref<4096xf32, #tpu.memory_space<hbm>> -> memref<128xf32, #tpu.memory_space<hbm>>
      tpu.wait_dma2 semaphore(%run_scoped3A : memref<!tpu.dma_semaphore, #tpu.memory_space<semaphore_mem>>) src(%dma_wait3A_905 : memref<128xf32, #tpu.memory_space<hbm>>) dst(%arg7 : memref<128xf32, #tpu.memory_space<vmem>>)
      tpu.yield
    }) : () -> ()
    %get3A = arith.constant 0 : index
    %get3A_5 = tpu.vector_load %arg6[%get3A] {strides = array<i32>} : memref<128xi32, #tpu.memory_space<vmem>>, vector<16xi32>,
    %swap3A = arith.constant 0 : i32
    %swap3A_6 = arith.index_cast %swap3A : i32 to index
    %swap3A_7 = arith.constant 0 : index
    %swap3A_8 = tpu.vector_load %arg8[%swap3A_6, %swap3A_7] {strides = array<i32>} : memref<8x16xi32, #tpu.memory_space<vmem>>, vector<16xi32>,
    tpu.vector_store %arg8[%swap3A_6, %swap3A_7], %get3A_5 {strides = array<i32>} : memref<8x16xi32, #tpu.memory_space<vmem>>, vector<16xi32>,
    %get3A_9 = arith.constant 16 : index
    %get3A_10 = tpu.vector_load %arg6[%get3A_9] {strides = array<i32>} : memref<128xi32, #tpu.memory_space<vmem>>, vector<16xi32>,
    %swap3A_11 = arith.constant 1 : i32
    %swap3A_12 = arith.index_cast %swap3A_11 : i32 to index
    %swap3A_13 = arith.constant 0 : index
    %swap3A_14 = tpu.vector_load %arg8[%swap3A_12, %swap3A_13] {strides = array<i32>} : memref<8x16xi32, #tpu.memory_space<vmem>>, vector<16xi32>,
    tpu.vector_store %arg8[%swap3A_12, %swap3A_13], %get3A_10 {strides = array<i32>} : memref<8x16xi32, #tpu.memory_space<vmem>>, vector<16xi32>,
    %get3A_15 = arith.constant 32 : index
    %get3A_16 = tpu.vector_load %arg6[%get3A_15] {strides = array<i32>} : memref<128xi32, #tpu.memory_space<vmem>>, vector<16xi32>,
    %swap3A_17 = arith.constant 2 : i32
    %swap3A_18 = arith.index_cast %swap3A_17 : i32 to index
    %swap3A_19 = arith.constant 0 : index
    %swap3A_20 = tpu.vector_load %arg8[%swap3A_18, %swap3A_19] {strides = array<i32>} : memref<8x16xi32, #tpu.memory_space<vmem>>, vector<16xi32>,
    tpu.vector_store %arg8[%swap3A_18, %swap3A_19], %get3A_16 {strides = array<i32>} : memref<8x16xi32, #tpu.memory_space<vmem>>, vector<16xi32>,
    %get3A_21 = arith.constant 48 : index
    %get3A_22 = tpu.vector_load %arg6[%get3A_21] {strides = array<i32>} : memref<128xi32, #tpu.memory_space<vmem>>, vector<16xi32>,
    %swap3A_23 = arith.constant 3 : i32
    %swap3A_24 = arith.index_cast %swap3A_23 : i32 to index
    %swap3A_25 = arith.constant 0 : index
    %swap3A_26 = tpu.vector_load %arg8[%swap3A_24, %swap3A_25] {strides = array<i32>} : memref<8x16xi32, #tpu.memory_space<vmem>>, vector<16xi32>,
    tpu.vector_store %arg8[%swap3A_24, %swap3A_25], %get3A_22 {strides = array<i32>} : memref<8x16xi32, #tpu.memory_space<vmem>>, vector<16xi32>,
    %get3A_27 = arith.constant 64 : index
    %get3A_28 = tpu.vector_load %arg6[%get3A_27] {strides = array<i32>} : memref<128xi32, #tpu.memory_space<vmem>>, vector<16xi32>,
    %swap3A_29 = arith.constant 4 : i32
    %swap3A_30 = arith.index_cast %swap3A_29 : i32 to index
    %swap3A_31 = arith.constant 0 : index
    %swap3A_32 = tpu.vector_load %arg8[%swap3A_30, %swap3A_31] {strides = array<i32>} : memref<8x16xi32, #tpu.memory_space<vmem>>, vector<16xi32>,
    tpu.vector_store %arg8[%swap3A_30, %swap3A_31], %get3A_28 {strides = array<i32>} : memref<8x16xi32, #tpu.memory_space<vmem>>, vector<16xi32>,
    %get3A_33 = arith.constant 80 : index
    %get3A_34 = tpu.vector_load %arg6[%get3A_33] {strides = array<i32>} : memref<128xi32, #tpu.memory_space<vmem>>, vector<16xi32>,
    %swap3A_35 = arith.constant 5 : i32
    %swap3A_36 = arith.index_cast %swap3A_35 : i32 to index
    %swap3A_37 = arith.constant 0 : index
    %swap3A_38 = tpu.vector_load %arg8[%swap3A_36, %swap3A_37] {strides = array<i32>} : memref<8x16xi32, #tpu.memory_space<vmem>>, vector<16xi32>,
    tpu.vector_store %arg8[%swap3A_36, %swap3A_37], %get3A_34 {strides = array<i32>} : memref<8x16xi32, #tpu.memory_space<vmem>>, vector<16xi32>,
    %get3A_39 = arith.constant 96 : index
    %get3A_40 = tpu.vector_load %arg6[%get3A_39] {strides = array<i32>} : memref<128xi32, #tpu.memory_space<vmem>>, vector<16xi32>,
    %swap3A_41 = arith.constant 6 : i32
    %swap3A_42 = arith.index_cast %swap3A_41 : i32 to index
    %swap3A_43 = arith.constant 0 : index
    %swap3A_44 = tpu.vector_load %arg8[%swap3A_42, %swap3A_43] {strides = array<i32>} : memref<8x16xi32, #tpu.memory_space<vmem>>, vector<16xi32>,
    tpu.vector_store %arg8[%swap3A_42, %swap3A_43], %get3A_40 {strides = array<i32>} : memref<8x16xi32, #tpu.memory_space<vmem>>, vector<16xi32>,
    %get3A_45 = arith.constant 112 : index
    %get3A_46 = tpu.vector_load %arg6[%get3A_45] {strides = array<i32>} : memref<128xi32, #tpu.memory_space<vmem>>, vector<16xi32>,
    %swap3A_47 = arith.constant 7 : i32
    %swap3A_48 = arith.index_cast %swap3A_47 : i32 to index
    %swap3A_49 = arith.constant 0 : index
    %swap3A_50 = tpu.vector_load %arg8[%swap3A_48, %swap3A_49] {strides = array<i32>} : memref<8x16xi32, #tpu.memory_space<vmem>>, vector<16xi32>,
    tpu.vector_store %arg8[%swap3A_48, %swap3A_49], %get3A_46 {strides = array<i32>} : memref<8x16xi32, #tpu.memory_space<vmem>>, vector<16xi32>,
    %dma_start3A = arith.constant 0 : i32
    %dma_start3A_51 = arith.constant 0 : i32
    %dma_start3A_52 = tpu.memref_slice %arg8[%dma_start3A, %dma_start3A_51] : memref<8x16xi32, #tpu.memory_space<vmem>> -> memref<1x16xi32, #tpu.memory_space<vmem>>
    %dma_start3A_53 = tpu.memref_squeeze %dma_start3A_52 : memref<1x16xi32, #tpu.memory_space<vmem>> -> memref<16xi32, #tpu.memory_space<vmem>>
    %dma_start3A_54 = arith.constant 0 : i32
    %dma_start3A_55 = arith.constant 0 : i32
    %dma_start3A_56 = tpu.memref_slice %arg2[%dma_start3A_54, %dma_start3A_55] : memref<5888x768xf32, #tpu.memory_space<hbm>> -> memref<5888x768xf32, #tpu.memory_space<hbm>>
    tpu.enqueue_indirect_dma source(%dma_start3A_56 : memref<5888x768xf32, #tpu.memory_space<hbm>>) target(%arg9 : memref<16x768xf32, #tpu.memory_space<vmem>>) offsets(%dma_start3A_53 : memref<16xi32, #tpu.memory_space<vmem>>) semaphore(%arg12 : memref<!tpu.dma_semaphore, #tpu.memory_space<semaphore_mem>>)
    %dma_start3A_57 = arith.constant 1 : i32
    %dma_start3A_58 = arith.constant 0 : i32
    %dma_start3A_59 = tpu.memref_slice %arg8[%dma_start3A_57, %dma_start3A_58] : memref<8x16xi32, #tpu.memory_space<vmem>> -> memref<1x16xi32, #tpu.memory_space<vmem>>
    %dma_start3A_60 = tpu.memref_squeeze %dma_start3A_59 : memref<1x16xi32, #tpu.memory_space<vmem>> -> memref<16xi32, #tpu.memory_space<vmem>>
    %dma_start3A_61 = arith.constant 0 : i32
    %dma_start3A_62 = arith.constant 0 : i32
    %dma_start3A_63 = tpu.memref_slice %arg2[%dma_start3A_61, %dma_start3A_62] : memref<5888x768xf32, #tpu.memory_space<hbm>> -> memref<5888x768xf32, #tpu.memory_space<hbm>>
    tpu.enqueue_indirect_dma source(%dma_start3A_63 : memref<5888x768xf32, #tpu.memory_space<hbm>>) target(%arg10 : memref<16x768xf32, #tpu.memory_space<vmem>>) offsets(%dma_start3A_60 : memref<16xi32, #tpu.memory_space<vmem>>) semaphore(%arg13 : memref<!tpu.dma_semaphore, #tpu.memory_space<semaphore_mem>>)
    %dma_wait3A = arith.constant 0 : i32
    %dma_wait3A_64 = arith.constant 0 : i32
    %dma_wait3A_65 = tpu.memref_slice %arg8[%dma_wait3A, %dma_wait3A_64] : memref<8x16xi32, #tpu.memory_space<vmem>> -> memref<1x16xi32, #tpu.memory_space<vmem>>
    %dma_wait3A_66 = tpu.memref_squeeze %dma_wait3A_65 : memref<1x16xi32, #tpu.memory_space<vmem>> -> memref<16xi32, #tpu.memory_space<vmem>>
    %dma_wait3A_67 = arith.constant 0 : i32
    %dma_wait3A_68 = arith.constant 0 : i32
    %dma_wait3A_69 = tpu.memref_slice %arg2[%dma_wait3A_67, %dma_wait3A_68] : memref<5888x768xf32, #tpu.memory_space<hbm>> -> memref<5888x768xf32, #tpu.memory_space<hbm>>
    tpu.wait_indirect_dma semaphore(%arg12 : memref<!tpu.dma_semaphore, #tpu.memory_space<semaphore_mem>>) src(%dma_wait3A_69 : memref<5888x768xf32, #tpu.memory_space<hbm>>) dst(%arg9 : memref<16x768xf32, #tpu.memory_space<vmem>>)
    %get3A_70 = arith.constant 0 : index
    %get3A_71 = tpu.vector_load %arg7[%get3A_70] {strides = array<i32>} : memref<128xf32, #tpu.memory_space<vmem>>, vector<16xf32>,
    %broadcast_in_dim3A = arith.constant 0 : i32
    %broadcast_in_dim3A_72 = vector.broadcast %broadcast_in_dim3A : i32 to vector<16xi32>
    %broadcast_in_dim3A_73 = vector.shape_cast %broadcast_in_dim3A_72 : vector<16xi32> to vector<16x1xi32>
    %gather3A = vector.shape_cast %broadcast_in_dim3A_73 : vector<16x1xi32> to vector<16xi32>
    %gather3A_74 = tpu.dynamic_gather %get3A_71[%gather3A] in [0] : vector<16xf32>, vector<16xi32> -> vector<16xf32>
    %broadcast_in_dim3A_75 = arith.constant 1 : i32
    %broadcast_in_dim3A_76 = vector.broadcast %broadcast_in_dim3A_75 : i32 to vector<16xi32>
    %broadcast_in_dim3A_77 = vector.shape_cast %broadcast_in_dim3A_76 : vector<16xi32> to vector<16x1xi32>
    %gather3A_78 = vector.shape_cast %broadcast_in_dim3A_77 : vector<16x1xi32> to vector<16xi32>
    %gather3A_79 = tpu.dynamic_gather %get3A_71[%gather3A_78] in [0] : vector<16xf32>, vector<16xi32> -> vector<16xf32>
    %broadcast_in_dim3A_80 = arith.constant 2 : i32
    %broadcast_in_dim3A_81 = vector.broadcast %broadcast_in_dim3A_80 : i32 to vector<16xi32>
    %broadcast_in_dim3A_82 = vector.shape_cast %broadcast_in_dim3A_81 : vector<16xi32> to vector<16x1xi32>
    %gather3A_83 = vector.shape_cast %broadcast_in_dim3A_82 : vector<16x1xi32> to vector<16xi32>
    %gather3A_84 = tpu.dynamic_gather %get3A_71[%gather3A_83] in [0] : vector<16xf32>, vector<16xi32> -> vector<16xf32>
    %broadcast_in_dim3A_85 = arith.constant 3 : i32
    %broadcast_in_dim3A_86 = vector.broadcast %broadcast_in_dim3A_85 : i32 to vector<16xi32>
    %broadcast_in_dim3A_87 = vector.shape_cast %broadcast_in_dim3A_86 : vector<16xi32> to vector<16x1xi32>
    %gather3A_88 = vector.shape_cast %broadcast_in_dim3A_87 : vector<16x1xi32> to vector<16xi32>
    %gather3A_89 = tpu.dynamic_gather %get3A_71[%gather3A_88] in [0] : vector<16xf32>, vector<16xi32> -> vector<16xf32>
    %broadcast_in_dim3A_90 = arith.constant 4 : i32
    %broadcast_in_dim3A_91 = vector.broadcast %broadcast_in_dim3A_90 : i32 to vector<16xi32>
    %broadcast_in_dim3A_92 = vector.shape_cast %broadcast_in_dim3A_91 : vector<16xi32> to vector<16x1xi32>
    %gather3A_93 = vector.shape_cast %broadcast_in_dim3A_92 : vector<16x1xi32> to vector<16xi32>
    %gather3A_94 = tpu.dynamic_gather %get3A_71[%gather3A_93] in [0] : vector<16xf32>, vector<16xi32> -> vector<16xf32>
    %broadcast_in_dim3A_95 = arith.constant 5 : i32
    %broadcast_in_dim3A_96 = vector.broadcast %broadcast_in_dim3A_95 : i32 to vector<16xi32>
    %broadcast_in_dim3A_97 = vector.shape_cast %broadcast_in_dim3A_96 : vector<16xi32> to vector<16x1xi32>
    %gather3A_98 = vector.shape_cast %broadcast_in_dim3A_97 : vector<16x1xi32> to vector<16xi32>
    %gather3A_99 = tpu.dynamic_gather %get3A_71[%gather3A_98] in [0] : vector<16xf32>, vector<16xi32> -> vector<16xf32>
    %broadcast_in_dim3A_100 = arith.constant 6 : i32
    %broadcast_in_dim3A_101 = vector.broadcast %broadcast_in_dim3A_100 : i32 to vector<16xi32>
    %broadcast_in_dim3A_102 = vector.shape_cast %broadcast_in_dim3A_101 : vector<16xi32> to vector<16x1xi32>
    %gather3A_103 = vector.shape_cast %broadcast_in_dim3A_102 : vector<16x1xi32> to vector<16xi32>
    %gather3A_104 = tpu.dynamic_gather %get3A_71[%gather3A_103] in [0] : vector<16xf32>, vector<16xi32> -> vector<16xf32>
    %broadcast_in_dim3A_105 = arith.constant 7 : i32
    %broadcast_in_dim3A_106 = vector.broadcast %broadcast_in_dim3A_105 : i32 to vector<16xi32>
    %broadcast_in_dim3A_107 = vector.shape_cast %broadcast_in_dim3A_106 : vector<16xi32> to vector<16x1xi32>
    %gather3A_108 = vector.shape_cast %broadcast_in_dim3A_107 : vector<16x1xi32> to vector<16xi32>
    %gather3A_109 = tpu.dynamic_gather %get3A_71[%gather3A_108] in [0] : vector<16xf32>, vector<16xi32> -> vector<16xf32>
    %broadcast_in_dim3A_110 = arith.constant 8 : i32
    %broadcast_in_dim3A_111 = vector.broadcast %broadcast_in_dim3A_110 : i32 to vector<16xi32>
    %broadcast_in_dim3A_112 = vector.shape_cast %broadcast_in_dim3A_111 : vector<16xi32> to vector<16x1xi32>
    %gather3A_113 = vector.shape_cast %broadcast_in_dim3A_112 : vector<16x1xi32> to vector<16xi32>
    %gather3A_114 = tpu.dynamic_gather %get3A_71[%gather3A_113] in [0] : vector<16xf32>, vector<16xi32> -> vector<16xf32>
    %broadcast_in_dim3A_115 = arith.constant 9 : i32
    %broadcast_in_dim3A_116 = vector.broadcast %broadcast_in_dim3A_115 : i32 to vector<16xi32>
    %broadcast_in_dim3A_117 = vector.shape_cast %broadcast_in_dim3A_116 : vector<16xi32> to vector<16x1xi32>
    %gather3A_118 = vector.shape_cast %broadcast_in_dim3A_117 : vector<16x1xi32> to vector<16xi32>
    %gather3A_119 = tpu.dynamic_gather %get3A_71[%gather3A_118] in [0] : vector<16xf32>, vector<16xi32> -> vector<16xf32>
    %broadcast_in_dim3A_120 = arith.constant 10 : i32
    %broadcast_in_dim3A_121 = vector.broadcast %broadcast_in_dim3A_120 : i32 to vector<16xi32>
    %broadcast_in_dim3A_122 = vector.shape_cast %broadcast_in_dim3A_121 : vector<16xi32> to vector<16x1xi32>
    %gather3A_123 = vector.shape_cast %broadcast_in_dim3A_122 : vector<16x1xi32> to vector<16xi32>
    %gather3A_124 = tpu.dynamic_gather %get3A_71[%gather3A_123] in [0] : vector<16xf32>, vector<16xi32> -> vector<16xf32>
    %broadcast_in_dim3A_125 = arith.constant 11 : i32
    %broadcast_in_dim3A_126 = vector.broadcast %broadcast_in_dim3A_125 : i32 to vector<16xi32>
    %broadcast_in_dim3A_127 = vector.shape_cast %broadcast_in_dim3A_126 : vector<16xi32> to vector<16x1xi32>
    %gather3A_128 = vector.shape_cast %broadcast_in_dim3A_127 : vector<16x1xi32> to vector<16xi32>
    %gather3A_129 = tpu.dynamic_gather %get3A_71[%gather3A_128] in [0] : vector<16xf32>, vector<16xi32> -> vector<16xf32>
    %broadcast_in_dim3A_130 = arith.constant 12 : i32
    %broadcast_in_dim3A_131 = vector.broadcast %broadcast_in_dim3A_130 : i32 to vector<16xi32>
    %broadcast_in_dim3A_132 = vector.shape_cast %broadcast_in_dim3A_131 : vector<16xi32> to vector<16x1xi32>
    %gather3A_133 = vector.shape_cast %broadcast_in_dim3A_132 : vector<16x1xi32> to vector<16xi32>
    %gather3A_134 = tpu.dynamic_gather %get3A_71[%gather3A_133] in [0] : vector<16xf32>, vector<16xi32> -> vector<16xf32>
    %broadcast_in_dim3A_135 = arith.constant 13 : i32
    %broadcast_in_dim3A_136 = vector.broadcast %broadcast_in_dim3A_135 : i32 to vector<16xi32>
    %broadcast_in_dim3A_137 = vector.shape_cast %broadcast_in_dim3A_136 : vector<16xi32> to vector<16x1xi32>
    %gather3A_138 = vector.shape_cast %broadcast_in_dim3A_137 : vector<16x1xi32> to vector<16xi32>
    %gather3A_139 = tpu.dynamic_gather %get3A_71[%gather3A_138] in [0] : vector<16xf32>, vector<16xi32> -> vector<16xf32>
    %broadcast_in_dim3A_140 = arith.constant 14 : i32
    %broadcast_in_dim3A_141 = vector.broadcast %broadcast_in_dim3A_140 : i32 to vector<16xi32>
    %broadcast_in_dim3A_142 = vector.shape_cast %broadcast_in_dim3A_141 : vector<16xi32> to vector<16x1xi32>
    %gather3A_143 = vector.shape_cast %broadcast_in_dim3A_142 : vector<16x1xi32> to vector<16xi32>
    %gather3A_144 = tpu.dynamic_gather %get3A_71[%gather3A_143] in [0] : vector<16xf32>, vector<16xi32> -> vector<16xf32>
    %broadcast_in_dim3A_145 = arith.constant 15 : i32
    %broadcast_in_dim3A_146 = vector.broadcast %broadcast_in_dim3A_145 : i32 to vector<16xi32>
    %broadcast_in_dim3A_147 = vector.shape_cast %broadcast_in_dim3A_146 : vector<16xi32> to vector<16x1xi32>
    %gather3A_148 = vector.shape_cast %broadcast_in_dim3A_147 : vector<16x1xi32> to vector<16xi32>
    %gather3A_149 = tpu.dynamic_gather %get3A_71[%gather3A_148] in [0] : vector<16xf32>, vector<16xi32> -> vector<16xf32>
    %scan3A = arith.constant 0 : i32
    %scan3A_150 = arith.constant 0 : i32
    %scan3A_151 = arith.constant 48 : i32
    %scan3A_152 = arith.addi %scan3A_150, %scan3A_151 : i32
    %scan3A_153 = arith.constant 1 : i32
    %scan3A_154 = scf.for %scan3A_902 = %scan3A_150 to %scan3A_152 step %scan3A_153 iter_args(%scan3A_903 = %scan3A) -> (i32)  : i32 {
      %mul3A_904 = arith.constant 16 : i32
      %mul3A_905 = arith.muli %mul3A_904, %scan3A_902 : i32
      %get3A_906 = arith.constant 0 : i32
      %get3A_907 = arith.index_cast %get3A_906 : i32 to index
      %get3A_908 = arith.index_cast %mul3A_905 : i32 to index
      %get3A_909 = tpu.vector_load %arg9[%get3A_907, %get3A_908] {strides = array<i32>} : memref<16x768xf32, #tpu.memory_space<vmem>>, vector<16xf32>,
      %mul3A_910 = arith.constant 16 : i32
      %mul3A_911 = arith.muli %mul3A_910, %scan3A_902 : i32
      %get3A_912 = arith.constant 1 : i32
      %get3A_913 = arith.index_cast %get3A_912 : i32 to index
      %get3A_914 = arith.index_cast %mul3A_911 : i32 to index
      %get3A_915 = tpu.vector_load %arg9[%get3A_913, %get3A_914] {strides = array<i32>} : memref<16x768xf32, #tpu.memory_space<vmem>>, vector<16xf32>,
      %mul3A_916 = arith.mulf %get3A_909, %gather3A_74 : vector<16xf32>
      %mul3A_917 = arith.mulf %get3A_915, %gather3A_79 : vector<16xf32>
      %add3A_918 = arith.addf %mul3A_916, %mul3A_917 : vector<16xf32>
      %mul3A_919 = arith.constant 16 : i32
      %mul3A_920 = arith.muli %mul3A_919, %scan3A_902 : i32
      %swap3A_921 = arith.constant 0 : i32
      %swap3A_922 = arith.index_cast %swap3A_921 : i32 to index
      %swap3A_923 = arith.index_cast %mul3A_920 : i32 to index
      %swap3A_924 = tpu.vector_load %arg11[%swap3A_922, %swap3A_923] {strides = array<i32>} : memref<8x768xf32, #tpu.memory_space<vmem>>, vector<16xf32>,
      tpu.vector_store %arg11[%swap3A_922, %swap3A_923], %add3A_918 {strides = array<i32>} : memref<8x768xf32, #tpu.memory_space<vmem>>, vector<16xf32>,
      %mul3A_925 = arith.constant 16 : i32
      %mul3A_926 = arith.muli %mul3A_925, %scan3A_902 : i32
      %get3A_927 = arith.constant 2 : i32
      %get3A_928 = arith.index_cast %get3A_927 : i32 to index
      %get3A_929 = arith.index_cast %mul3A_926 : i32 to index
      %get3A_930 = tpu.vector_load %arg9[%get3A_928, %get3A_929] {strides = array<i32>} : memref<16x768xf32, #tpu.memory_space<vmem>>, vector<16xf32>,
      %mul3A_931 = arith.constant 16 : i32
      %mul3A_932 = arith.muli %mul3A_931, %scan3A_902 : i32
      %get3A_933 = arith.constant 3 : i32
      %get3A_934 = arith.index_cast %get3A_933 : i32 to index
      %get3A_935 = arith.index_cast %mul3A_932 : i32 to index
      %get3A_936 = tpu.vector_load %arg9[%get3A_934, %get3A_935] {strides = array<i32>} : memref<16x768xf32, #tpu.memory_space<vmem>>, vector<16xf32>,
      %mul3A_937 = arith.mulf %get3A_930, %gather3A_84 : vector<16xf32>
      %mul3A_938 = arith.mulf %get3A_936, %gather3A_89 : vector<16xf32>
      %add3A_939 = arith.addf %mul3A_937, %mul3A_938 : vector<16xf32>
      %mul3A_940 = arith.constant 16 : i32
      %mul3A_941 = arith.muli %mul3A_940, %scan3A_902 : i32
      %swap3A_942 = arith.constant 1 : i32
      %swap3A_943 = arith.index_cast %swap3A_942 : i32 to index
      %swap3A_944 = arith.index_cast %mul3A_941 : i32 to index
      %swap3A_945 = tpu.vector_load %arg11[%swap3A_943, %swap3A_944] {strides = array<i32>} : memref<8x768xf32, #tpu.memory_space<vmem>>, vector<16xf32>,
      tpu.vector_store %arg11[%swap3A_943, %swap3A_944], %add3A_939 {strides = array<i32>} : memref<8x768xf32, #tpu.memory_space<vmem>>, vector<16xf32>,
      %mul3A_946 = arith.constant 16 : i32
      %mul3A_947 = arith.muli %mul3A_946, %scan3A_902 : i32
      %get3A_948 = arith.constant 4 : i32
      %get3A_949 = arith.index_cast %get3A_948 : i32 to index
      %get3A_950 = arith.index_cast %mul3A_947 : i32 to index
      %get3A_951 = tpu.vector_load %arg9[%get3A_949, %get3A_950] {strides = array<i32>} : memref<16x768xf32, #tpu.memory_space<vmem>>, vector<16xf32>,
      %mul3A_952 = arith.constant 16 : i32
      %mul3A_953 = arith.muli %mul3A_952, %scan3A_902 : i32
      %get3A_954 = arith.constant 5 : i32
      %get3A_955 = arith.index_cast %get3A_954 : i32 to index
      %get3A_956 = arith.index_cast %mul3A_953 : i32 to index
      %get3A_957 = tpu.vector_load %arg9[%get3A_955, %get3A_956] {strides = array<i32>} : memref<16x768xf32, #tpu.memory_space<vmem>>, vector<16xf32>,
      %mul3A_958 = arith.mulf %get3A_951, %gather3A_94 : vector<16xf32>
      %mul3A_959 = arith.mulf %get3A_957, %gather3A_99 : vector<16xf32>
      %add3A_960 = arith.addf %mul3A_958, %mul3A_959 : vector<16xf32>
      %mul3A_961 = arith.constant 16 : i32
      %mul3A_962 = arith.muli %mul3A_961, %scan3A_902 : i32
      %swap3A_963 = arith.constant 2 : i32
      %swap3A_964 = arith.index_cast %swap3A_963 : i32 to index
      %swap3A_965 = arith.index_cast %mul3A_962 : i32 to index
      %swap3A_966 = tpu.vector_load %arg11[%swap3A_964, %swap3A_965] {strides = array<i32>} : memref<8x768xf32, #tpu.memory_space<vmem>>, vector<16xf32>,
      tpu.vector_store %arg11[%swap3A_964, %swap3A_965], %add3A_960 {strides = array<i32>} : memref<8x768xf32, #tpu.memory_space<vmem>>, vector<16xf32>,
      %mul3A_967 = arith.constant 16 : i32
      %mul3A_968 = arith.muli %mul3A_967, %scan3A_902 : i32
      %get3A_969 = arith.constant 6 : i32
      %get3A_970 = arith.index_cast %get3A_969 : i32 to index
      %get3A_971 = arith.index_cast %mul3A_968 : i32 to index
      %get3A_972 = tpu.vector_load %arg9[%get3A_970, %get3A_971] {strides = array<i32>} : memref<16x768xf32, #tpu.memory_space<vmem>>, vector<16xf32>,
      %mul3A_973 = arith.constant 16 : i32
      %mul3A_974 = arith.muli %mul3A_973, %scan3A_902 : i32
      %get3A_975 = arith.constant 7 : i32
      %get3A_976 = arith.index_cast %get3A_975 : i32 to index
      %get3A_977 = arith.index_cast %mul3A_974 : i32 to index
      %get3A_978 = tpu.vector_load %arg9[%get3A_976, %get3A_977] {strides = array<i32>} : memref<16x768xf32, #tpu.memory_space<vmem>>, vector<16xf32>,
      %mul3A_979 = arith.mulf %get3A_972, %gather3A_104 : vector<16xf32>
      %mul3A_980 = arith.mulf %get3A_978, %gather3A_109 : vector<16xf32>
      %add3A_981 = arith.addf %mul3A_979, %mul3A_980 : vector<16xf32>
      %mul3A_982 = arith.constant 16 : i32
      %mul3A_983 = arith.muli %mul3A_982, %scan3A_902 : i32
      %swap3A_984 = arith.constant 3 : i32
      %swap3A_985 = arith.index_cast %swap3A_984 : i32 to index
      %swap3A_986 = arith.index_cast %mul3A_983 : i32 to index
      %swap3A_987 = tpu.vector_load %arg11[%swap3A_985, %swap3A_986] {strides = array<i32>} : memref<8x768xf32, #tpu.memory_space<vmem>>, vector<16xf32>,
      tpu.vector_store %arg11[%swap3A_985, %swap3A_986], %add3A_981 {strides = array<i32>} : memref<8x768xf32, #tpu.memory_space<vmem>>, vector<16xf32>,
      %mul3A_988 = arith.constant 16 : i32
      %mul3A_989 = arith.muli %mul3A_988, %scan3A_902 : i32
      %get3A_990 = arith.constant 8 : i32
      %get3A_991 = arith.index_cast %get3A_990 : i32 to index
      %get3A_992 = arith.index_cast %mul3A_989 : i32 to index
      %get3A_993 = tpu.vector_load %arg9[%get3A_991, %get3A_992] {strides = array<i32>} : memref<16x768xf32, #tpu.memory_space<vmem>>, vector<16xf32>,
      %mul3A_994 = arith.constant 16 : i32
      %mul3A_995 = arith.muli %mul3A_994, %scan3A_902 : i32
      %get3A_996 = arith.constant 9 : i32
      %get3A_997 = arith.index_cast %get3A_996 : i32 to index
      %get3A_998 = arith.index_cast %mul3A_995 : i32 to index
      %get3A_999 = tpu.vector_load %arg9[%get3A_997, %get3A_998] {strides = array<i32>} : memref<16x768xf32, #tpu.memory_space<vmem>>, vector<16xf32>,
      %mul3A_1000 = arith.mulf %get3A_993, %gather3A_114 : vector<16xf32>
      %mul3A_1001 = arith.mulf %get3A_999, %gather3A_119 : vector<16xf32>
      %add3A_1002 = arith.addf %mul3A_1000, %mul3A_1001 : vector<16xf32>
      %mul3A_1003 = arith.constant 16 : i32
      %mul3A_1004 = arith.muli %mul3A_1003, %scan3A_902 : i32
      %swap3A_1005 = arith.constant 4 : i32
      %swap3A_1006 = arith.index_cast %swap3A_1005 : i32 to index
      %swap3A_1007 = arith.index_cast %mul3A_1004 : i32 to index
      %swap3A_1008 = tpu.vector_load %arg11[%swap3A_1006, %swap3A_1007] {strides = array<i32>} : memref<8x768xf32, #tpu.memory_space<vmem>>, vector<16xf32>,
      tpu.vector_store %arg11[%swap3A_1006, %swap3A_1007], %add3A_1002 {strides = array<i32>} : memref<8x768xf32, #tpu.memory_space<vmem>>, vector<16xf32>,
      %mul3A_1009 = arith.constant 16 : i32
      %mul3A_1010 = arith.muli %mul3A_1009, %scan3A_902 : i32
      %get3A_1011 = arith.constant 10 : i32
      %get3A_1012 = arith.index_cast %get3A_1011 : i32 to index
      %get3A_1013 = arith.index_cast %mul3A_1010 : i32 to index
      %get3A_1014 = tpu.vector_load %arg9[%get3A_1012, %get3A_1013] {strides = array<i32>} : memref<16x768xf32, #tpu.memory_space<vmem>>, vector<16xf32>,
      %mul3A_1015 = arith.constant 16 : i32
      %mul3A_1016 = arith.muli %mul3A_1015, %scan3A_902 : i32
      %get3A_1017 = arith.constant 11 : i32
      %get3A_1018 = arith.index_cast %get3A_1017 : i32 to index
      %get3A_1019 = arith.index_cast %mul3A_1016 : i32 to index
      %get3A_1020 = tpu.vector_load %arg9[%get3A_1018, %get3A_1019] {strides = array<i32>} : memref<16x768xf32, #tpu.memory_space<vmem>>, vector<16xf32>,
      %mul3A_1021 = arith.mulf %get3A_1014, %gather3A_124 : vector<16xf32>
      %mul3A_1022 = arith.mulf %get3A_1020, %gather3A_129 : vector<16xf32>
      %add3A_1023 = arith.addf %mul3A_1021, %mul3A_1022 : vector<16xf32>
      %mul3A_1024 = arith.constant 16 : i32
      %mul3A_1025 = arith.muli %mul3A_1024, %scan3A_902 : i32
      %swap3A_1026 = arith.constant 5 : i32
      %swap3A_1027 = arith.index_cast %swap3A_1026 : i32 to index
      %swap3A_1028 = arith.index_cast %mul3A_1025 : i32 to index
      %swap3A_1029 = tpu.vector_load %arg11[%swap3A_1027, %swap3A_1028] {strides = array<i32>} : memref<8x768xf32, #tpu.memory_space<vmem>>, vector<16xf32>,
      tpu.vector_store %arg11[%swap3A_1027, %swap3A_1028], %add3A_1023 {strides = array<i32>} : memref<8x768xf32, #tpu.memory_space<vmem>>, vector<16xf32>,
      %mul3A_1030 = arith.constant 16 : i32
      %mul3A_1031 = arith.muli %mul3A_1030, %scan3A_902 : i32
      %get3A_1032 = arith.constant 12 : i32
      %get3A_1033 = arith.index_cast %get3A_1032 : i32 to index
      %get3A_1034 = arith.index_cast %mul3A_1031 : i32 to index
      %get3A_1035 = tpu.vector_load %arg9[%get3A_1033, %get3A_1034] {strides = array<i32>} : memref<16x768xf32, #tpu.memory_space<vmem>>, vector<16xf32>,
      %mul3A_1036 = arith.constant 16 : i32
      %mul3A_1037 = arith.muli %mul3A_1036, %scan3A_902 : i32
      %get3A_1038 = arith.constant 13 : i32
      %get3A_1039 = arith.index_cast %get3A_1038 : i32 to index
      %get3A_1040 = arith.index_cast %mul3A_1037 : i32 to index
      %get3A_1041 = tpu.vector_load %arg9[%get3A_1039, %get3A_1040] {strides = array<i32>} : memref<16x768xf32, #tpu.memory_space<vmem>>, vector<16xf32>,
      %mul3A_1042 = arith.mulf %get3A_1035, %gather3A_134 : vector<16xf32>
      %mul3A_1043 = arith.mulf %get3A_1041, %gather3A_139 : vector<16xf32>
      %add3A_1044 = arith.addf %mul3A_1042, %mul3A_1043 : vector<16xf32>
      %mul3A_1045 = arith.constant 16 : i32
      %mul3A_1046 = arith.muli %mul3A_1045, %scan3A_902 : i32
      %swap3A_1047 = arith.constant 6 : i32
      %swap3A_1048 = arith.index_cast %swap3A_1047 : i32 to index
      %swap3A_1049 = arith.index_cast %mul3A_1046 : i32 to index
      %swap3A_1050 = tpu.vector_load %arg11[%swap3A_1048, %swap3A_1049] {strides = array<i32>} : memref<8x768xf32, #tpu.memory_space<vmem>>, vector<16xf32>,
      tpu.vector_store %arg11[%swap3A_1048, %swap3A_1049], %add3A_1044 {strides = array<i32>} : memref<8x768xf32, #tpu.memory_space<vmem>>, vector<16xf32>,
      %mul3A_1051 = arith.constant 16 : i32
      %mul3A_1052 = arith.muli %mul3A_1051, %scan3A_902 : i32
      %get3A_1053 = arith.constant 14 : i32
      %get3A_1054 = arith.index_cast %get3A_1053 : i32 to index
      %get3A_1055 = arith.index_cast %mul3A_1052 : i32 to index
      %get3A_1056 = tpu.vector_load %arg9[%get3A_1054, %get3A_1055] {strides = array<i32>} : memref<16x768xf32, #tpu.memory_space<vmem>>, vector<16xf32>,
      %mul3A_1057 = arith.constant 16 : i32
      %mul3A_1058 = arith.muli %mul3A_1057, %scan3A_902 : i32
      %get3A_1059 = arith.constant 15 : i32
      %get3A_1060 = arith.index_cast %get3A_1059 : i32 to index
      %get3A_1061 = arith.index_cast %mul3A_1058 : i32 to index
      %get3A_1062 = tpu.vector_load %arg9[%get3A_1060, %get3A_1061] {strides = array<i32>} : memref<16x768xf32, #tpu.memory_space<vmem>>, vector<16xf32>,
      %mul3A_1063 = arith.mulf %get3A_1056, %gather3A_144 : vector<16xf32>
      %mul3A_1064 = arith.mulf %get3A_1062, %gather3A_149 : vector<16xf32>
      %add3A_1065 = arith.addf %mul3A_1063, %mul3A_1064 : vector<16xf32>
      %mul3A_1066 = arith.constant 16 : i32
      %mul3A_1067 = arith.muli %mul3A_1066, %scan3A_902 : i32
      %swap3A_1068 = arith.constant 7 : i32
      %swap3A_1069 = arith.index_cast %swap3A_1068 : i32 to index
      %swap3A_1070 = arith.index_cast %mul3A_1067 : i32 to index
      %swap3A_1071 = tpu.vector_load %arg11[%swap3A_1069, %swap3A_1070] {strides = array<i32>} : memref<8x768xf32, #tpu.memory_space<vmem>>, vector<16xf32>,
      tpu.vector_store %arg11[%swap3A_1069, %swap3A_1070], %add3A_1065 {strides = array<i32>} : memref<8x768xf32, #tpu.memory_space<vmem>>, vector<16xf32>,
      %scan3A_1072 = arith.constant 0 : i32
      scf.yield %scan3A_1072 : i32
    }
    %scan3A_155 = arith.constant 48 : i32
    %mul3A_156 = arith.constant 64 : i32
    %mul3A_157 = arith.muli %add3A, %mul3A_156 : i32
    %add3A_158 = arith.constant 0 : i32
    %add3A_159 = arith.addi %mul3A_157, %add3A_158 : i32
    "tpu.region"() ({
      %run_scoped3A = tpu.sem_alloc : memref<!tpu.dma_semaphore, #tpu.memory_space<semaphore_mem>>
      %dma_start3A_902 = arith.constant 0 : i32
      %dma_start3A_903 = tpu.memref_slice %arg5[%add3A_159, %dma_start3A_902] : memref<2048x768xf32, #tpu.memory_space<hbm>> -> memref<8x768xf32, #tpu.memory_space<hbm>>
      %dma_start3A_904 = arith.constant 0 : i32
      %dma_start3A_905 = tpu.memref_slice %arg5[%add3A_159, %dma_start3A_904] : memref<2048x768xf32, #tpu.memory_space<hbm>> -> memref<8x768xf32, #tpu.memory_space<hbm>>
      tpu.enqueue_dma source(%arg11 : memref<8x768xf32, #tpu.memory_space<vmem>>) target(%dma_start3A_905 : memref<8x768xf32, #tpu.memory_space<hbm>>) target_semaphore(%run_scoped3A : memref<!tpu.dma_semaphore, #tpu.memory_space<semaphore_mem>>)
      %dma_wait3A_906 = arith.constant 0 : i32
      %dma_wait3A_907 = tpu.memref_slice %arg5[%add3A_159, %dma_wait3A_906] : memref<2048x768xf32, #tpu.memory_space<hbm>> -> memref<8x768xf32, #tpu.memory_space<hbm>>
      %dma_wait3A_908 = arith.constant 0 : i32
      %dma_wait3A_909 = tpu.memref_slice %arg5[%add3A_159, %dma_wait3A_908] : memref<2048x768xf32, #tpu.memory_space<hbm>> -> memref<8x768xf32, #tpu.memory_space<hbm>>
      tpu.wait_dma2 semaphore(%run_scoped3A : memref<!tpu.dma_semaphore, #tpu.memory_space<semaphore_mem>>) src(%arg11 : memref<8x768xf32, #tpu.memory_space<vmem>>) dst(%dma_wait3A_909 : memref<8x768xf32, #tpu.memory_space<hbm>>)
      tpu.yield
    }) : () -> ()
    %dma_start3A_160 = arith.constant 2 : i32
    %dma_start3A_161 = arith.constant 0 : i32
    %dma_start3A_162 = tpu.memref_slice %arg8[%dma_start3A_160, %dma_start3A_161] : memref<8x16xi32, #tpu.memory_space<vmem>> -> memref<1x16xi32, #tpu.memory_space<vmem>>
    %dma_start3A_163 = tpu.memref_squeeze %dma_start3A_162 : memref<1x16xi32, #tpu.memory_space<vmem>> -> memref<16xi32, #tpu.memory_space<vmem>>
    %dma_start3A_164 = arith.constant 0 : i32
    %dma_start3A_165 = arith.constant 0 : i32
    %dma_start3A_166 = tpu.memref_slice %arg2[%dma_start3A_164, %dma_start3A_165] : memref<5888x768xf32, #tpu.memory_space<hbm>> -> memref<5888x768xf32, #tpu.memory_space<hbm>>
    tpu.enqueue_indirect_dma source(%dma_start3A_166 : memref<5888x768xf32, #tpu.memory_space<hbm>>) target(%arg9 : memref<16x768xf32, #tpu.memory_space<vmem>>) offsets(%dma_start3A_163 : memref<16xi32, #tpu.memory_space<vmem>>) semaphore(%arg12 : memref<!tpu.dma_semaphore, #tpu.memory_space<semaphore_mem>>)
    %dma_wait3A_167 = arith.constant 1 : i32
    %dma_wait3A_168 = arith.constant 0 : i32
    %dma_wait3A_169 = tpu.memref_slice %arg8[%dma_wait3A_167, %dma_wait3A_168] : memref<8x16xi32, #tpu.memory_space<vmem>> -> memref<1x16xi32, #tpu.memory_space<vmem>>
    %dma_wait3A_170 = tpu.memref_squeeze %dma_wait3A_169 : memref<1x16xi32, #tpu.memory_space<vmem>> -> memref<16xi32, #tpu.memory_space<vmem>>
    %dma_wait3A_171 = arith.constant 0 : i32
    %dma_wait3A_172 = arith.constant 0 : i32
    %dma_wait3A_173 = tpu.memref_slice %arg2[%dma_wait3A_171, %dma_wait3A_172] : memref<5888x768xf32, #tpu.memory_space<hbm>> -> memref<5888x768xf32, #tpu.memory_space<hbm>>
    tpu.wait_indirect_dma semaphore(%arg13 : memref<!tpu.dma_semaphore, #tpu.memory_space<semaphore_mem>>) src(%dma_wait3A_173 : memref<5888x768xf32, #tpu.memory_space<hbm>>) dst(%arg10 : memref<16x768xf32, #tpu.memory_space<vmem>>)
    %get3A_174 = arith.constant 16 : index
    %get3A_175 = tpu.vector_load %arg7[%get3A_174] {strides = array<i32>} : memref<128xf32, #tpu.memory_space<vmem>>, vector<16xf32>,
    %broadcast_in_dim3A_176 = arith.constant 0 : i32
    %broadcast_in_dim3A_177 = vector.broadcast %broadcast_in_dim3A_176 : i32 to vector<16xi32>
    %broadcast_in_dim3A_178 = vector.shape_cast %broadcast_in_dim3A_177 : vector<16xi32> to vector<16x1xi32>
    %gather3A_179 = vector.shape_cast %broadcast_in_dim3A_178 : vector<16x1xi32> to vector<16xi32>
    %gather3A_180 = tpu.dynamic_gather %get3A_175[%gather3A_179] in [0] : vector<16xf32>, vector<16xi32> -> vector<16xf32>
    %broadcast_in_dim3A_181 = arith.constant 1 : i32
    %broadcast_in_dim3A_182 = vector.broadcast %broadcast_in_dim3A_181 : i32 to vector<16xi32>
    %broadcast_in_dim3A_183 = vector.shape_cast %broadcast_in_dim3A_182 : vector<16xi32> to vector<16x1xi32>
    %gather3A_184 = vector.shape_cast %broadcast_in_dim3A_183 : vector<16x1xi32> to vector<16xi32>
    %gather3A_185 = tpu.dynamic_gather %get3A_175[%gather3A_184] in [0] : vector<16xf32>, vector<16xi32> -> vector<16xf32>
    %broadcast_in_dim3A_186 = arith.constant 2 : i32
    %broadcast_in_dim3A_187 = vector.broadcast %broadcast_in_dim3A_186 : i32 to vector<16xi32>
    %broadcast_in_dim3A_188 = vector.shape_cast %broadcast_in_dim3A_187 : vector<16xi32> to vector<16x1xi32>
    %gather3A_189 = vector.shape_cast %broadcast_in_dim3A_188 : vector<16x1xi32> to vector<16xi32>
    %gather3A_190 = tpu.dynamic_gather %get3A_175[%gather3A_189] in [0] : vector<16xf32>, vector<16xi32> -> vector<16xf32>
    %broadcast_in_dim3A_191 = arith.constant 3 : i32
    %broadcast_in_dim3A_192 = vector.broadcast %broadcast_in_dim3A_191 : i32 to vector<16xi32>
    %broadcast_in_dim3A_193 = vector.shape_cast %broadcast_in_dim3A_192 : vector<16xi32> to vector<16x1xi32>
    %gather3A_194 = vector.shape_cast %broadcast_in_dim3A_193 : vector<16x1xi32> to vector<16xi32>
    %gather3A_195 = tpu.dynamic_gather %get3A_175[%gather3A_194] in [0] : vector<16xf32>, vector<16xi32> -> vector<16xf32>
    %broadcast_in_dim3A_196 = arith.constant 4 : i32
    %broadcast_in_dim3A_197 = vector.broadcast %broadcast_in_dim3A_196 : i32 to vector<16xi32>
    %broadcast_in_dim3A_198 = vector.shape_cast %broadcast_in_dim3A_197 : vector<16xi32> to vector<16x1xi32>
    %gather3A_199 = vector.shape_cast %broadcast_in_dim3A_198 : vector<16x1xi32> to vector<16xi32>
    %gather3A_200 = tpu.dynamic_gather %get3A_175[%gather3A_199] in [0] : vector<16xf32>, vector<16xi32> -> vector<16xf32>
    %broadcast_in_dim3A_201 = arith.constant 5 : i32
    %broadcast_in_dim3A_202 = vector.broadcast %broadcast_in_dim3A_201 : i32 to vector<16xi32>
    %broadcast_in_dim3A_203 = vector.shape_cast %broadcast_in_dim3A_202 : vector<16xi32> to vector<16x1xi32>
    %gather3A_204 = vector.shape_cast %broadcast_in_dim3A_203 : vector<16x1xi32> to vector<16xi32>
    %gather3A_205 = tpu.dynamic_gather %get3A_175[%gather3A_204] in [0] : vector<16xf32>, vector<16xi32> -> vector<16xf32>
    %broadcast_in_dim3A_206 = arith.constant 6 : i32
    %broadcast_in_dim3A_207 = vector.broadcast %broadcast_in_dim3A_206 : i32 to vector<16xi32>
    %broadcast_in_dim3A_208 = vector.shape_cast %broadcast_in_dim3A_207 : vector<16xi32> to vector<16x1xi32>
    %gather3A_209 = vector.shape_cast %broadcast_in_dim3A_208 : vector<16x1xi32> to vector<16xi32>
    %gather3A_210 = tpu.dynamic_gather %get3A_175[%gather3A_209] in [0] : vector<16xf32>, vector<16xi32> -> vector<16xf32>
    %broadcast_in_dim3A_211 = arith.constant 7 : i32
    %broadcast_in_dim3A_212 = vector.broadcast %broadcast_in_dim3A_211 : i32 to vector<16xi32>
    %broadcast_in_dim3A_213 = vector.shape_cast %broadcast_in_dim3A_212 : vector<16xi32> to vector<16x1xi32>
    %gather3A_214 = vector.shape_cast %broadcast_in_dim3A_213 : vector<16x1xi32> to vector<16xi32>
    %gather3A_215 = tpu.dynamic_gather %get3A_175[%gather3A_214] in [0] : vector<16xf32>, vector<16xi32> -> vector<16xf32>
    %broadcast_in_dim3A_216 = arith.constant 8 : i32
    %broadcast_in_dim3A_217 = vector.broadcast %broadcast_in_dim3A_216 : i32 to vector<16xi32>
    %broadcast_in_dim3A_218 = vector.shape_cast %broadcast_in_dim3A_217 : vector<16xi32> to vector<16x1xi32>
    %gather3A_219 = vector.shape_cast %broadcast_in_dim3A_218 : vector<16x1xi32> to vector<16xi32>
    %gather3A_220 = tpu.dynamic_gather %get3A_175[%gather3A_219] in [0] : vector<16xf32>, vector<16xi32> -> vector<16xf32>
    %broadcast_in_dim3A_221 = arith.constant 9 : i32
    %broadcast_in_dim3A_222 = vector.broadcast %broadcast_in_dim3A_221 : i32 to vector<16xi32>
    %broadcast_in_dim3A_223 = vector.shape_cast %broadcast_in_dim3A_222 : vector<16xi32> to vector<16x1xi32>
    %gather3A_224 = vector.shape_cast %broadcast_in_dim3A_223 : vector<16x1xi32> to vector<16xi32>
    %gather3A_225 = tpu.dynamic_gather %get3A_175[%gather3A_224] in [0] : vector<16xf32>, vector<16xi32> -> vector<16xf32>
    %broadcast_in_dim3A_226 = arith.constant 10 : i32
    %broadcast_in_dim3A_227 = vector.broadcast %broadcast_in_dim3A_226 : i32 to vector<16xi32>
    %broadcast_in_dim3A_228 = vector.shape_cast %broadcast_in_dim3A_227 : vector<16xi32> to vector<16x1xi32>
    %gather3A_229 = vector.shape_cast %broadcast_in_dim3A_228 : vector<16x1xi32> to vector<16xi32>
    %gather3A_230 = tpu.dynamic_gather %get3A_175[%gather3A_229] in [0] : vector<16xf32>, vector<16xi32> -> vector<16xf32>
    %broadcast_in_dim3A_231 = arith.constant 11 : i32
    %broadcast_in_dim3A_232 = vector.broadcast %broadcast_in_dim3A_231 : i32 to vector<16xi32>
    %broadcast_in_dim3A_233 = vector.shape_cast %broadcast_in_dim3A_232 : vector<16xi32> to vector<16x1xi32>
    %gather3A_234 = vector.shape_cast %broadcast_in_dim3A_233 : vector<16x1xi32> to vector<16xi32>
    %gather3A_235 = tpu.dynamic_gather %get3A_175[%gather3A_234] in [0] : vector<16xf32>, vector<16xi32> -> vector<16xf32>
    %broadcast_in_dim3A_236 = arith.constant 12 : i32
    %broadcast_in_dim3A_237 = vector.broadcast %broadcast_in_dim3A_236 : i32 to vector<16xi32>
    %broadcast_in_dim3A_238 = vector.shape_cast %broadcast_in_dim3A_237 : vector<16xi32> to vector<16x1xi32>
    %gather3A_239 = vector.shape_cast %broadcast_in_dim3A_238 : vector<16x1xi32> to vector<16xi32>
    %gather3A_240 = tpu.dynamic_gather %get3A_175[%gather3A_239] in [0] : vector<16xf32>, vector<16xi32> -> vector<16xf32>
    %broadcast_in_dim3A_241 = arith.constant 13 : i32
    %broadcast_in_dim3A_242 = vector.broadcast %broadcast_in_dim3A_241 : i32 to vector<16xi32>
    %broadcast_in_dim3A_243 = vector.shape_cast %broadcast_in_dim3A_242 : vector<16xi32> to vector<16x1xi32>
    %gather3A_244 = vector.shape_cast %broadcast_in_dim3A_243 : vector<16x1xi32> to vector<16xi32>
    %gather3A_245 = tpu.dynamic_gather %get3A_175[%gather3A_244] in [0] : vector<16xf32>, vector<16xi32> -> vector<16xf32>
    %broadcast_in_dim3A_246 = arith.constant 14 : i32
    %broadcast_in_dim3A_247 = vector.broadcast %broadcast_in_dim3A_246 : i32 to vector<16xi32>
    %broadcast_in_dim3A_248 = vector.shape_cast %broadcast_in_dim3A_247 : vector<16xi32> to vector<16x1xi32>
    %gather3A_249 = vector.shape_cast %broadcast_in_dim3A_248 : vector<16x1xi32> to vector<16xi32>
    %gather3A_250 = tpu.dynamic_gather %get3A_175[%gather3A_249] in [0] : vector<16xf32>, vector<16xi32> -> vector<16xf32>
    %broadcast_in_dim3A_251 = arith.constant 15 : i32
    %broadcast_in_dim3A_252 = vector.broadcast %broadcast_in_dim3A_251 : i32 to vector<16xi32>
    %broadcast_in_dim3A_253 = vector.shape_cast %broadcast_in_dim3A_252 : vector<16xi32> to vector<16x1xi32>
    %gather3A_254 = vector.shape_cast %broadcast_in_dim3A_253 : vector<16x1xi32> to vector<16xi32>
    %gather3A_255 = tpu.dynamic_gather %get3A_175[%gather3A_254] in [0] : vector<16xf32>, vector<16xi32> -> vector<16xf32>
    %scan3A_256 = arith.constant 0 : i32
    %scan3A_257 = arith.constant 0 : i32
    %scan3A_258 = arith.constant 48 : i32
    %scan3A_259 = arith.addi %scan3A_257, %scan3A_258 : i32
    %scan3A_260 = arith.constant 1 : i32
    %scan3A_261 = scf.for %scan3A_902 = %scan3A_257 to %scan3A_259 step %scan3A_260 iter_args(%scan3A_903 = %scan3A_256) -> (i32)  : i32 {
      %mul3A_904 = arith.constant 16 : i32
      %mul3A_905 = arith.muli %mul3A_904, %scan3A_902 : i32
      %get3A_906 = arith.constant 0 : i32
      %get3A_907 = arith.index_cast %get3A_906 : i32 to index
      %get3A_908 = arith.index_cast %mul3A_905 : i32 to index
      %get3A_909 = tpu.vector_load %arg10[%get3A_907, %get3A_908] {strides = array<i32>} : memref<16x768xf32, #tpu.memory_space<vmem>>, vector<16xf32>,
      %mul3A_910 = arith.constant 16 : i32
      %mul3A_911 = arith.muli %mul3A_910, %scan3A_902 : i32
      %get3A_912 = arith.constant 1 : i32
      %get3A_913 = arith.index_cast %get3A_912 : i32 to index
      %get3A_914 = arith.index_cast %mul3A_911 : i32 to index
      %get3A_915 = tpu.vector_load %arg10[%get3A_913, %get3A_914] {strides = array<i32>} : memref<16x768xf32, #tpu.memory_space<vmem>>, vector<16xf32>,
      %mul3A_916 = arith.mulf %get3A_909, %gather3A_180 : vector<16xf32>
      %mul3A_917 = arith.mulf %get3A_915, %gather3A_185 : vector<16xf32>
      %add3A_918 = arith.addf %mul3A_916, %mul3A_917 : vector<16xf32>
      %mul3A_919 = arith.constant 16 : i32
      %mul3A_920 = arith.muli %mul3A_919, %scan3A_902 : i32
      %swap3A_921 = arith.constant 0 : i32
      %swap3A_922 = arith.index_cast %swap3A_921 : i32 to index
      %swap3A_923 = arith.index_cast %mul3A_920 : i32 to index
      %swap3A_924 = tpu.vector_load %arg11[%swap3A_922, %swap3A_923] {strides = array<i32>} : memref<8x768xf32, #tpu.memory_space<vmem>>, vector<16xf32>,
      tpu.vector_store %arg11[%swap3A_922, %swap3A_923], %add3A_918 {strides = array<i32>} : memref<8x768xf32, #tpu.memory_space<vmem>>, vector<16xf32>,
      %mul3A_925 = arith.constant 16 : i32
      %mul3A_926 = arith.muli %mul3A_925, %scan3A_902 : i32
      %get3A_927 = arith.constant 2 : i32
      %get3A_928 = arith.index_cast %get3A_927 : i32 to index
      %get3A_929 = arith.index_cast %mul3A_926 : i32 to index
      %get3A_930 = tpu.vector_load %arg10[%get3A_928, %get3A_929] {strides = array<i32>} : memref<16x768xf32, #tpu.memory_space<vmem>>, vector<16xf32>,
      %mul3A_931 = arith.constant 16 : i32
      %mul3A_932 = arith.muli %mul3A_931, %scan3A_902 : i32
      %get3A_933 = arith.constant 3 : i32
      %get3A_934 = arith.index_cast %get3A_933 : i32 to index
      %get3A_935 = arith.index_cast %mul3A_932 : i32 to index
      %get3A_936 = tpu.vector_load %arg10[%get3A_934, %get3A_935] {strides = array<i32>} : memref<16x768xf32, #tpu.memory_space<vmem>>, vector<16xf32>,
      %mul3A_937 = arith.mulf %get3A_930, %gather3A_190 : vector<16xf32>
      %mul3A_938 = arith.mulf %get3A_936, %gather3A_195 : vector<16xf32>
      %add3A_939 = arith.addf %mul3A_937, %mul3A_938 : vector<16xf32>
      %mul3A_940 = arith.constant 16 : i32
      %mul3A_941 = arith.muli %mul3A_940, %scan3A_902 : i32
      %swap3A_942 = arith.constant 1 : i32
      %swap3A_943 = arith.index_cast %swap3A_942 : i32 to index
      %swap3A_944 = arith.index_cast %mul3A_941 : i32 to index
      %swap3A_945 = tpu.vector_load %arg11[%swap3A_943, %swap3A_944] {strides = array<i32>} : memref<8x768xf32, #tpu.memory_space<vmem>>, vector<16xf32>,
      tpu.vector_store %arg11[%swap3A_943, %swap3A_944], %add3A_939 {strides = array<i32>} : memref<8x768xf32, #tpu.memory_space<vmem>>, vector<16xf32>,
      %mul3A_946 = arith.constant 16 : i32
      %mul3A_947 = arith.muli %mul3A_946, %scan3A_902 : i32
      %get3A_948 = arith.constant 4 : i32
      %get3A_949 = arith.index_cast %get3A_948 : i32 to index
      %get3A_950 = arith.index_cast %mul3A_947 : i32 to index
      %get3A_951 = tpu.vector_load %arg10[%get3A_949, %get3A_950] {strides = array<i32>} : memref<16x768xf32, #tpu.memory_space<vmem>>, vector<16xf32>,
      %mul3A_952 = arith.constant 16 : i32
      %mul3A_953 = arith.muli %mul3A_952, %scan3A_902 : i32
      %get3A_954 = arith.constant 5 : i32
      %get3A_955 = arith.index_cast %get3A_954 : i32 to index
      %get3A_956 = arith.index_cast %mul3A_953 : i32 to index
      %get3A_957 = tpu.vector_load %arg10[%get3A_955, %get3A_956] {strides = array<i32>} : memref<16x768xf32, #tpu.memory_space<vmem>>, vector<16xf32>,
      %mul3A_958 = arith.mulf %get3A_951, %gather3A_200 : vector<16xf32>
      %mul3A_959 = arith.mulf %get3A_957, %gather3A_205 : vector<16xf32>
      %add3A_960 = arith.addf %mul3A_958, %mul3A_959 : vector<16xf32>
      %mul3A_961 = arith.constant 16 : i32
      %mul3A_962 = arith.muli %mul3A_961, %scan3A_902 : i32
      %swap3A_963 = arith.constant 2 : i32
      %swap3A_964 = arith.index_cast %swap3A_963 : i32 to index
      %swap3A_965 = arith.index_cast %mul3A_962 : i32 to index
      %swap3A_966 = tpu.vector_load %arg11[%swap3A_964, %swap3A_965] {strides = array<i32>} : memref<8x768xf32, #tpu.memory_space<vmem>>, vector<16xf32>,
      tpu.vector_store %arg11[%swap3A_964, %swap3A_965], %add3A_960 {strides = array<i32>} : memref<8x768xf32, #tpu.memory_space<vmem>>, vector<16xf32>,
      %mul3A_967 = arith.constant 16 : i32
      %mul3A_968 = arith.muli %mul3A_967, %scan3A_902 : i32
      %get3A_969 = arith.constant 6 : i32
      %get3A_970 = arith.index_cast %get3A_969 : i32 to index
      %get3A_971 = arith.index_cast %mul3A_968 : i32 to index
      %get3A_972 = tpu.vector_load %arg10[%get3A_970, %get3A_971] {strides = array<i32>} : memref<16x768xf32, #tpu.memory_space<vmem>>, vector<16xf32>,
      %mul3A_973 = arith.constant 16 : i32
      %mul3A_974 = arith.muli %mul3A_973, %scan3A_902 : i32
      %get3A_975 = arith.constant 7 : i32
      %get3A_976 = arith.index_cast %get3A_975 : i32 to index
      %get3A_977 = arith.index_cast %mul3A_974 : i32 to index
      %get3A_978 = tpu.vector_load %arg10[%get3A_976, %get3A_977] {strides = array<i32>} : memref<16x768xf32, #tpu.memory_space<vmem>>, vector<16xf32>,
      %mul3A_979 = arith.mulf %get3A_972, %gather3A_210 : vector<16xf32>
      %mul3A_980 = arith.mulf %get3A_978, %gather3A_215 : vector<16xf32>
      %add3A_981 = arith.addf %mul3A_979, %mul3A_980 : vector<16xf32>
      %mul3A_982 = arith.constant 16 : i32
      %mul3A_983 = arith.muli %mul3A_982, %scan3A_902 : i32
      %swap3A_984 = arith.constant 3 : i32
      %swap3A_985 = arith.index_cast %swap3A_984 : i32 to index
      %swap3A_986 = arith.index_cast %mul3A_983 : i32 to index
      %swap3A_987 = tpu.vector_load %arg11[%swap3A_985, %swap3A_986] {strides = array<i32>} : memref<8x768xf32, #tpu.memory_space<vmem>>, vector<16xf32>,
      tpu.vector_store %arg11[%swap3A_985, %swap3A_986], %add3A_981 {strides = array<i32>} : memref<8x768xf32, #tpu.memory_space<vmem>>, vector<16xf32>,
      %mul3A_988 = arith.constant 16 : i32
      %mul3A_989 = arith.muli %mul3A_988, %scan3A_902 : i32
      %get3A_990 = arith.constant 8 : i32
      %get3A_991 = arith.index_cast %get3A_990 : i32 to index
      %get3A_992 = arith.index_cast %mul3A_989 : i32 to index
      %get3A_993 = tpu.vector_load %arg10[%get3A_991, %get3A_992] {strides = array<i32>} : memref<16x768xf32, #tpu.memory_space<vmem>>, vector<16xf32>,
      %mul3A_994 = arith.constant 16 : i32
      %mul3A_995 = arith.muli %mul3A_994, %scan3A_902 : i32
      %get3A_996 = arith.constant 9 : i32
      %get3A_997 = arith.index_cast %get3A_996 : i32 to index
      %get3A_998 = arith.index_cast %mul3A_995 : i32 to index
      %get3A_999 = tpu.vector_load %arg10[%get3A_997, %get3A_998] {strides = array<i32>} : memref<16x768xf32, #tpu.memory_space<vmem>>, vector<16xf32>,
      %mul3A_1000 = arith.mulf %get3A_993, %gather3A_220 : vector<16xf32>
      %mul3A_1001 = arith.mulf %get3A_999, %gather3A_225 : vector<16xf32>
      %add3A_1002 = arith.addf %mul3A_1000, %mul3A_1001 : vector<16xf32>
      %mul3A_1003 = arith.constant 16 : i32
      %mul3A_1004 = arith.muli %mul3A_1003, %scan3A_902 : i32
      %swap3A_1005 = arith.constant 4 : i32
      %swap3A_1006 = arith.index_cast %swap3A_1005 : i32 to index
      %swap3A_1007 = arith.index_cast %mul3A_1004 : i32 to index
      %swap3A_1008 = tpu.vector_load %arg11[%swap3A_1006, %swap3A_1007] {strides = array<i32>} : memref<8x768xf32, #tpu.memory_space<vmem>>, vector<16xf32>,
      tpu.vector_store %arg11[%swap3A_1006, %swap3A_1007], %add3A_1002 {strides = array<i32>} : memref<8x768xf32, #tpu.memory_space<vmem>>, vector<16xf32>,
      %mul3A_1009 = arith.constant 16 : i32
      %mul3A_1010 = arith.muli %mul3A_1009, %scan3A_902 : i32
      %get3A_1011 = arith.constant 10 : i32
      %get3A_1012 = arith.index_cast %get3A_1011 : i32 to index
      %get3A_1013 = arith.index_cast %mul3A_1010 : i32 to index
      %get3A_1014 = tpu.vector_load %arg10[%get3A_1012, %get3A_1013] {strides = array<i32>} : memref<16x768xf32, #tpu.memory_space<vmem>>, vector<16xf32>,
      %mul3A_1015 = arith.constant 16 : i32
      %mul3A_1016 = arith.muli %mul3A_1015, %scan3A_902 : i32
      %get3A_1017 = arith.constant 11 : i32
      %get3A_1018 = arith.index_cast %get3A_1017 : i32 to index
      %get3A_1019 = arith.index_cast %mul3A_1016 : i32 to index
      %get3A_1020 = tpu.vector_load %arg10[%get3A_1018, %get3A_1019] {strides = array<i32>} : memref<16x768xf32, #tpu.memory_space<vmem>>, vector<16xf32>,
      %mul3A_1021 = arith.mulf %get3A_1014, %gather3A_230 : vector<16xf32>
      %mul3A_1022 = arith.mulf %get3A_1020, %gather3A_235 : vector<16xf32>
      %add3A_1023 = arith.addf %mul3A_1021, %mul3A_1022 : vector<16xf32>
      %mul3A_1024 = arith.constant 16 : i32
      %mul3A_1025 = arith.muli %mul3A_1024, %scan3A_902 : i32
      %swap3A_1026 = arith.constant 5 : i32
      %swap3A_1027 = arith.index_cast %swap3A_1026 : i32 to index
      %swap3A_1028 = arith.index_cast %mul3A_1025 : i32 to index
      %swap3A_1029 = tpu.vector_load %arg11[%swap3A_1027, %swap3A_1028] {strides = array<i32>} : memref<8x768xf32, #tpu.memory_space<vmem>>, vector<16xf32>,
      tpu.vector_store %arg11[%swap3A_1027, %swap3A_1028], %add3A_1023 {strides = array<i32>} : memref<8x768xf32, #tpu.memory_space<vmem>>, vector<16xf32>,
      %mul3A_1030 = arith.constant 16 : i32
      %mul3A_1031 = arith.muli %mul3A_1030, %scan3A_902 : i32
      %get3A_1032 = arith.constant 12 : i32
      %get3A_1033 = arith.index_cast %get3A_1032 : i32 to index
      %get3A_1034 = arith.index_cast %mul3A_1031 : i32 to index
      %get3A_1035 = tpu.vector_load %arg10[%get3A_1033, %get3A_1034] {strides = array<i32>} : memref<16x768xf32, #tpu.memory_space<vmem>>, vector<16xf32>,
      %mul3A_1036 = arith.constant 16 : i32
      %mul3A_1037 = arith.muli %mul3A_1036, %scan3A_902 : i32
      %get3A_1038 = arith.constant 13 : i32
      %get3A_1039 = arith.index_cast %get3A_1038 : i32 to index
      %get3A_1040 = arith.index_cast %mul3A_1037 : i32 to index
      %get3A_1041 = tpu.vector_load %arg10[%get3A_1039, %get3A_1040] {strides = array<i32>} : memref<16x768xf32, #tpu.memory_space<vmem>>, vector<16xf32>,
      %mul3A_1042 = arith.mulf %get3A_1035, %gather3A_240 : vector<16xf32>
      %mul3A_1043 = arith.mulf %get3A_1041, %gather3A_245 : vector<16xf32>
      %add3A_1044 = arith.addf %mul3A_1042, %mul3A_1043 : vector<16xf32>
      %mul3A_1045 = arith.constant 16 : i32
      %mul3A_1046 = arith.muli %mul3A_1045, %scan3A_902 : i32
      %swap3A_1047 = arith.constant 6 : i32
      %swap3A_1048 = arith.index_cast %swap3A_1047 : i32 to index
      %swap3A_1049 = arith.index_cast %mul3A_1046 : i32 to index
      %swap3A_1050 = tpu.vector_load %arg11[%swap3A_1048, %swap3A_1049] {strides = array<i32>} : memref<8x768xf32, #tpu.memory_space<vmem>>, vector<16xf32>,
      tpu.vector_store %arg11[%swap3A_1048, %swap3A_1049], %add3A_1044 {strides = array<i32>} : memref<8x768xf32, #tpu.memory_space<vmem>>, vector<16xf32>,
      %mul3A_1051 = arith.constant 16 : i32
      %mul3A_1052 = arith.muli %mul3A_1051, %scan3A_902 : i32
      %get3A_1053 = arith.constant 14 : i32
      %get3A_1054 = arith.index_cast %get3A_1053 : i32 to index
      %get3A_1055 = arith.index_cast %mul3A_1052 : i32 to index
      %get3A_1056 = tpu.vector_load %arg10[%get3A_1054, %get3A_1055] {strides = array<i32>} : memref<16x768xf32, #tpu.memory_space<vmem>>, vector<16xf32>,
      %mul3A_1057 = arith.constant 16 : i32
      %mul3A_1058 = arith.muli %mul3A_1057, %scan3A_902 : i32
      %get3A_1059 = arith.constant 15 : i32
      %get3A_1060 = arith.index_cast %get3A_1059 : i32 to index
      %get3A_1061 = arith.index_cast %mul3A_1058 : i32 to index
      %get3A_1062 = tpu.vector_load %arg10[%get3A_1060, %get3A_1061] {strides = array<i32>} : memref<16x768xf32, #tpu.memory_space<vmem>>, vector<16xf32>,
      %mul3A_1063 = arith.mulf %get3A_1056, %gather3A_250 : vector<16xf32>
      %mul3A_1064 = arith.mulf %get3A_1062, %gather3A_255 : vector<16xf32>
      %add3A_1065 = arith.addf %mul3A_1063, %mul3A_1064 : vector<16xf32>
      %mul3A_1066 = arith.constant 16 : i32
      %mul3A_1067 = arith.muli %mul3A_1066, %scan3A_902 : i32
      %swap3A_1068 = arith.constant 7 : i32
      %swap3A_1069 = arith.index_cast %swap3A_1068 : i32 to index
      %swap3A_1070 = arith.index_cast %mul3A_1067 : i32 to index
      %swap3A_1071 = tpu.vector_load %arg11[%swap3A_1069, %swap3A_1070] {strides = array<i32>} : memref<8x768xf32, #tpu.memory_space<vmem>>, vector<16xf32>,
      tpu.vector_store %arg11[%swap3A_1069, %swap3A_1070], %add3A_1065 {strides = array<i32>} : memref<8x768xf32, #tpu.memory_space<vmem>>, vector<16xf32>,
      %scan3A_1072 = arith.constant 0 : i32
      scf.yield %scan3A_1072 : i32
    }
    %scan3A_262 = arith.constant 48 : i32
    %mul3A_263 = arith.constant 64 : i32
    %mul3A_264 = arith.muli %add3A, %mul3A_263 : i32
    %add3A_265 = arith.constant 8 : i32
    %add3A_266 = arith.addi %mul3A_264, %add3A_265 : i32
    "tpu.region"() ({
      %run_scoped3A = tpu.sem_alloc : memref<!tpu.dma_semaphore, #tpu.memory_space<semaphore_mem>>
      %dma_start3A_902 = arith.constant 0 : i32
      %dma_start3A_903 = tpu.memref_slice %arg5[%add3A_266, %dma_start3A_902] : memref<2048x768xf32, #tpu.memory_space<hbm>> -> memref<8x768xf32, #tpu.memory_space<hbm>>
      %dma_start3A_904 = arith.constant 0 : i32
      %dma_start3A_905 = tpu.memref_slice %arg5[%add3A_266, %dma_start3A_904] : memref<2048x768xf32, #tpu.memory_space<hbm>> -> memref<8x768xf32, #tpu.memory_space<hbm>>
      tpu.enqueue_dma source(%arg11 : memref<8x768xf32, #tpu.memory_space<vmem>>) target(%dma_start3A_905 : memref<8x768xf32, #tpu.memory_space<hbm>>) target_semaphore(%run_scoped3A : memref<!tpu.dma_semaphore, #tpu.memory_space<semaphore_mem>>)
      %dma_wait3A_906 = arith.constant 0 : i32
      %dma_wait3A_907 = tpu.memref_slice %arg5[%add3A_266, %dma_wait3A_906] : memref<2048x768xf32, #tpu.memory_space<hbm>> -> memref<8x768xf32, #tpu.memory_space<hbm>>
      %dma_wait3A_908 = arith.constant 0 : i32
      %dma_wait3A_909 = tpu.memref_slice %arg5[%add3A_266, %dma_wait3A_908] : memref<2048x768xf32, #tpu.memory_space<hbm>> -> memref<8x768xf32, #tpu.memory_space<hbm>>
      tpu.wait_dma2 semaphore(%run_scoped3A : memref<!tpu.dma_semaphore, #tpu.memory_space<semaphore_mem>>) src(%arg11 : memref<8x768xf32, #tpu.memory_space<vmem>>) dst(%dma_wait3A_909 : memref<8x768xf32, #tpu.memory_space<hbm>>)
      tpu.yield
    }) : () -> ()
    %dma_start3A_267 = arith.constant 3 : i32
    %dma_start3A_268 = arith.constant 0 : i32
    %dma_start3A_269 = tpu.memref_slice %arg8[%dma_start3A_267, %dma_start3A_268] : memref<8x16xi32, #tpu.memory_space<vmem>> -> memref<1x16xi32, #tpu.memory_space<vmem>>
    %dma_start3A_270 = tpu.memref_squeeze %dma_start3A_269 : memref<1x16xi32, #tpu.memory_space<vmem>> -> memref<16xi32, #tpu.memory_space<vmem>>
    %dma_start3A_271 = arith.constant 0 : i32
    %dma_start3A_272 = arith.constant 0 : i32
    %dma_start3A_273 = tpu.memref_slice %arg2[%dma_start3A_271, %dma_start3A_272] : memref<5888x768xf32, #tpu.memory_space<hbm>> -> memref<5888x768xf32, #tpu.memory_space<hbm>>
    tpu.enqueue_indirect_dma source(%dma_start3A_273 : memref<5888x768xf32, #tpu.memory_space<hbm>>) target(%arg10 : memref<16x768xf32, #tpu.memory_space<vmem>>) offsets(%dma_start3A_270 : memref<16xi32, #tpu.memory_space<vmem>>) semaphore(%arg13 : memref<!tpu.dma_semaphore, #tpu.memory_space<semaphore_mem>>)
    %dma_wait3A_274 = arith.constant 2 : i32
    %dma_wait3A_275 = arith.constant 0 : i32
    %dma_wait3A_276 = tpu.memref_slice %arg8[%dma_wait3A_274, %dma_wait3A_275] : memref<8x16xi32, #tpu.memory_space<vmem>> -> memref<1x16xi32, #tpu.memory_space<vmem>>
    %dma_wait3A_277 = tpu.memref_squeeze %dma_wait3A_276 : memref<1x16xi32, #tpu.memory_space<vmem>> -> memref<16xi32, #tpu.memory_space<vmem>>
    %dma_wait3A_278 = arith.constant 0 : i32
    %dma_wait3A_279 = arith.constant 0 : i32
    %dma_wait3A_280 = tpu.memref_slice %arg2[%dma_wait3A_278, %dma_wait3A_279] : memref<5888x768xf32, #tpu.memory_space<hbm>> -> memref<5888x768xf32, #tpu.memory_space<hbm>>
    tpu.wait_indirect_dma semaphore(%arg12 : memref<!tpu.dma_semaphore, #tpu.memory_space<semaphore_mem>>) src(%dma_wait3A_280 : memref<5888x768xf32, #tpu.memory_space<hbm>>) dst(%arg9 : memref<16x768xf32, #tpu.memory_space<vmem>>)
    %get3A_281 = arith.constant 32 : index
    %get3A_282 = tpu.vector_load %arg7[%get3A_281] {strides = array<i32>} : memref<128xf32, #tpu.memory_space<vmem>>, vector<16xf32>,
    %broadcast_in_dim3A_283 = arith.constant 0 : i32
    %broadcast_in_dim3A_284 = vector.broadcast %broadcast_in_dim3A_283 : i32 to vector<16xi32>
    %broadcast_in_dim3A_285 = vector.shape_cast %broadcast_in_dim3A_284 : vector<16xi32> to vector<16x1xi32>
    %gather3A_286 = vector.shape_cast %broadcast_in_dim3A_285 : vector<16x1xi32> to vector<16xi32>
    %gather3A_287 = tpu.dynamic_gather %get3A_282[%gather3A_286] in [0] : vector<16xf32>, vector<16xi32> -> vector<16xf32>
    %broadcast_in_dim3A_288 = arith.constant 1 : i32
    %broadcast_in_dim3A_289 = vector.broadcast %broadcast_in_dim3A_288 : i32 to vector<16xi32>
    %broadcast_in_dim3A_290 = vector.shape_cast %broadcast_in_dim3A_289 : vector<16xi32> to vector<16x1xi32>
    %gather3A_291 = vector.shape_cast %broadcast_in_dim3A_290 : vector<16x1xi32> to vector<16xi32>
    %gather3A_292 = tpu.dynamic_gather %get3A_282[%gather3A_291] in [0] : vector<16xf32>, vector<16xi32> -> vector<16xf32>
    %broadcast_in_dim3A_293 = arith.constant 2 : i32
    %broadcast_in_dim3A_294 = vector.broadcast %broadcast_in_dim3A_293 : i32 to vector<16xi32>
    %broadcast_in_dim3A_295 = vector.shape_cast %broadcast_in_dim3A_294 : vector<16xi32> to vector<16x1xi32>
    %gather3A_296 = vector.shape_cast %broadcast_in_dim3A_295 : vector<16x1xi32> to vector<16xi32>
    %gather3A_297 = tpu.dynamic_gather %get3A_282[%gather3A_296] in [0] : vector<16xf32>, vector<16xi32> -> vector<16xf32>
    %broadcast_in_dim3A_298 = arith.constant 3 : i32
    %broadcast_in_dim3A_299 = vector.broadcast %broadcast_in_dim3A_298 : i32 to vector<16xi32>
    %broadcast_in_dim3A_300 = vector.shape_cast %broadcast_in_dim3A_299 : vector<16xi32> to vector<16x1xi32>
    %gather3A_301 = vector.shape_cast %broadcast_in_dim3A_300 : vector<16x1xi32> to vector<16xi32>
    %gather3A_302 = tpu.dynamic_gather %get3A_282[%gather3A_301] in [0] : vector<16xf32>, vector<16xi32> -> vector<16xf32>
    %broadcast_in_dim3A_303 = arith.constant 4 : i32
    %broadcast_in_dim3A_304 = vector.broadcast %broadcast_in_dim3A_303 : i32 to vector<16xi32>
    %broadcast_in_dim3A_305 = vector.shape_cast %broadcast_in_dim3A_304 : vector<16xi32> to vector<16x1xi32>
    %gather3A_306 = vector.shape_cast %broadcast_in_dim3A_305 : vector<16x1xi32> to vector<16xi32>
    %gather3A_307 = tpu.dynamic_gather %get3A_282[%gather3A_306] in [0] : vector<16xf32>, vector<16xi32> -> vector<16xf32>
    %broadcast_in_dim3A_308 = arith.constant 5 : i32
    %broadcast_in_dim3A_309 = vector.broadcast %broadcast_in_dim3A_308 : i32 to vector<16xi32>
    %broadcast_in_dim3A_310 = vector.shape_cast %broadcast_in_dim3A_309 : vector<16xi32> to vector<16x1xi32>
    %gather3A_311 = vector.shape_cast %broadcast_in_dim3A_310 : vector<16x1xi32> to vector<16xi32>
    %gather3A_312 = tpu.dynamic_gather %get3A_282[%gather3A_311] in [0] : vector<16xf32>, vector<16xi32> -> vector<16xf32>
    %broadcast_in_dim3A_313 = arith.constant 6 : i32
    %broadcast_in_dim3A_314 = vector.broadcast %broadcast_in_dim3A_313 : i32 to vector<16xi32>
    %broadcast_in_dim3A_315 = vector.shape_cast %broadcast_in_dim3A_314 : vector<16xi32> to vector<16x1xi32>
    %gather3A_316 = vector.shape_cast %broadcast_in_dim3A_315 : vector<16x1xi32> to vector<16xi32>
    %gather3A_317 = tpu.dynamic_gather %get3A_282[%gather3A_316] in [0] : vector<16xf32>, vector<16xi32> -> vector<16xf32>
    %broadcast_in_dim3A_318 = arith.constant 7 : i32
    %broadcast_in_dim3A_319 = vector.broadcast %broadcast_in_dim3A_318 : i32 to vector<16xi32>
    %broadcast_in_dim3A_320 = vector.shape_cast %broadcast_in_dim3A_319 : vector<16xi32> to vector<16x1xi32>
    %gather3A_321 = vector.shape_cast %broadcast_in_dim3A_320 : vector<16x1xi32> to vector<16xi32>
    %gather3A_322 = tpu.dynamic_gather %get3A_282[%gather3A_321] in [0] : vector<16xf32>, vector<16xi32> -> vector<16xf32>
    %broadcast_in_dim3A_323 = arith.constant 8 : i32
    %broadcast_in_dim3A_324 = vector.broadcast %broadcast_in_dim3A_323 : i32 to vector<16xi32>
    %broadcast_in_dim3A_325 = vector.shape_cast %broadcast_in_dim3A_324 : vector<16xi32> to vector<16x1xi32>
    %gather3A_326 = vector.shape_cast %broadcast_in_dim3A_325 : vector<16x1xi32> to vector<16xi32>
    %gather3A_327 = tpu.dynamic_gather %get3A_282[%gather3A_326] in [0] : vector<16xf32>, vector<16xi32> -> vector<16xf32>
    %broadcast_in_dim3A_328 = arith.constant 9 : i32
    %broadcast_in_dim3A_329 = vector.broadcast %broadcast_in_dim3A_328 : i32 to vector<16xi32>
    %broadcast_in_dim3A_330 = vector.shape_cast %broadcast_in_dim3A_329 : vector<16xi32> to vector<16x1xi32>
    %gather3A_331 = vector.shape_cast %broadcast_in_dim3A_330 : vector<16x1xi32> to vector<16xi32>
    %gather3A_332 = tpu.dynamic_gather %get3A_282[%gather3A_331] in [0] : vector<16xf32>, vector<16xi32> -> vector<16xf32>
    %broadcast_in_dim3A_333 = arith.constant 10 : i32
    %broadcast_in_dim3A_334 = vector.broadcast %broadcast_in_dim3A_333 : i32 to vector<16xi32>
    %broadcast_in_dim3A_335 = vector.shape_cast %broadcast_in_dim3A_334 : vector<16xi32> to vector<16x1xi32>
    %gather3A_336 = vector.shape_cast %broadcast_in_dim3A_335 : vector<16x1xi32> to vector<16xi32>
    %gather3A_337 = tpu.dynamic_gather %get3A_282[%gather3A_336] in [0] : vector<16xf32>, vector<16xi32> -> vector<16xf32>
    %broadcast_in_dim3A_338 = arith.constant 11 : i32
    %broadcast_in_dim3A_339 = vector.broadcast %broadcast_in_dim3A_338 : i32 to vector<16xi32>
    %broadcast_in_dim3A_340 = vector.shape_cast %broadcast_in_dim3A_339 : vector<16xi32> to vector<16x1xi32>
    %gather3A_341 = vector.shape_cast %broadcast_in_dim3A_340 : vector<16x1xi32> to vector<16xi32>
    %gather3A_342 = tpu.dynamic_gather %get3A_282[%gather3A_341] in [0] : vector<16xf32>, vector<16xi32> -> vector<16xf32>
    %broadcast_in_dim3A_343 = arith.constant 12 : i32
    %broadcast_in_dim3A_344 = vector.broadcast %broadcast_in_dim3A_343 : i32 to vector<16xi32>
    %broadcast_in_dim3A_345 = vector.shape_cast %broadcast_in_dim3A_344 : vector<16xi32> to vector<16x1xi32>
    %gather3A_346 = vector.shape_cast %broadcast_in_dim3A_345 : vector<16x1xi32> to vector<16xi32>
    %gather3A_347 = tpu.dynamic_gather %get3A_282[%gather3A_346] in [0] : vector<16xf32>, vector<16xi32> -> vector<16xf32>
    %broadcast_in_dim3A_348 = arith.constant 13 : i32
    %broadcast_in_dim3A_349 = vector.broadcast %broadcast_in_dim3A_348 : i32 to vector<16xi32>
    %broadcast_in_dim3A_350 = vector.shape_cast %broadcast_in_dim3A_349 : vector<16xi32> to vector<16x1xi32>
    %gather3A_351 = vector.shape_cast %broadcast_in_dim3A_350 : vector<16x1xi32> to vector<16xi32>
    %gather3A_352 = tpu.dynamic_gather %get3A_282[%gather3A_351] in [0] : vector<16xf32>, vector<16xi32> -> vector<16xf32>
    %broadcast_in_dim3A_353 = arith.constant 14 : i32
    %broadcast_in_dim3A_354 = vector.broadcast %broadcast_in_dim3A_353 : i32 to vector<16xi32>
    %broadcast_in_dim3A_355 = vector.shape_cast %broadcast_in_dim3A_354 : vector<16xi32> to vector<16x1xi32>
    %gather3A_356 = vector.shape_cast %broadcast_in_dim3A_355 : vector<16x1xi32> to vector<16xi32>
    %gather3A_357 = tpu.dynamic_gather %get3A_282[%gather3A_356] in [0] : vector<16xf32>, vector<16xi32> -> vector<16xf32>
    %broadcast_in_dim3A_358 = arith.constant 15 : i32
    %broadcast_in_dim3A_359 = vector.broadcast %broadcast_in_dim3A_358 : i32 to vector<16xi32>
    %broadcast_in_dim3A_360 = vector.shape_cast %broadcast_in_dim3A_359 : vector<16xi32> to vector<16x1xi32>
    %gather3A_361 = vector.shape_cast %broadcast_in_dim3A_360 : vector<16x1xi32> to vector<16xi32>
    %gather3A_362 = tpu.dynamic_gather %get3A_282[%gather3A_361] in [0] : vector<16xf32>, vector<16xi32> -> vector<16xf32>
    %scan3A_363 = arith.constant 0 : i32
    %scan3A_364 = arith.constant 0 : i32
    %scan3A_365 = arith.constant 48 : i32
    %scan3A_366 = arith.addi %scan3A_364, %scan3A_365 : i32
    %scan3A_367 = arith.constant 1 : i32
    %scan3A_368 = scf.for %scan3A_902 = %scan3A_364 to %scan3A_366 step %scan3A_367 iter_args(%scan3A_903 = %scan3A_363) -> (i32)  : i32 {
      %mul3A_904 = arith.constant 16 : i32
      %mul3A_905 = arith.muli %mul3A_904, %scan3A_902 : i32
      %get3A_906 = arith.constant 0 : i32
      %get3A_907 = arith.index_cast %get3A_906 : i32 to index
      %get3A_908 = arith.index_cast %mul3A_905 : i32 to index
      %get3A_909 = tpu.vector_load %arg9[%get3A_907, %get3A_908] {strides = array<i32>} : memref<16x768xf32, #tpu.memory_space<vmem>>, vector<16xf32>,
      %mul3A_910 = arith.constant 16 : i32
      %mul3A_911 = arith.muli %mul3A_910, %scan3A_902 : i32
      %get3A_912 = arith.constant 1 : i32
      %get3A_913 = arith.index_cast %get3A_912 : i32 to index
      %get3A_914 = arith.index_cast %mul3A_911 : i32 to index
      %get3A_915 = tpu.vector_load %arg9[%get3A_913, %get3A_914] {strides = array<i32>} : memref<16x768xf32, #tpu.memory_space<vmem>>, vector<16xf32>,
      %mul3A_916 = arith.mulf %get3A_909, %gather3A_287 : vector<16xf32>
      %mul3A_917 = arith.mulf %get3A_915, %gather3A_292 : vector<16xf32>
      %add3A_918 = arith.addf %mul3A_916, %mul3A_917 : vector<16xf32>
      %mul3A_919 = arith.constant 16 : i32
      %mul3A_920 = arith.muli %mul3A_919, %scan3A_902 : i32
      %swap3A_921 = arith.constant 0 : i32
      %swap3A_922 = arith.index_cast %swap3A_921 : i32 to index
      %swap3A_923 = arith.index_cast %mul3A_920 : i32 to index
      %swap3A_924 = tpu.vector_load %arg11[%swap3A_922, %swap3A_923] {strides = array<i32>} : memref<8x768xf32, #tpu.memory_space<vmem>>, vector<16xf32>,
      tpu.vector_store %arg11[%swap3A_922, %swap3A_923], %add3A_918 {strides = array<i32>} : memref<8x768xf32, #tpu.memory_space<vmem>>, vector<16xf32>,
      %mul3A_925 = arith.constant 16 : i32
      %mul3A_926 = arith.muli %mul3A_925, %scan3A_902 : i32
      %get3A_927 = arith.constant 2 : i32
      %get3A_928 = arith.index_cast %get3A_927 : i32 to index
      %get3A_929 = arith.index_cast %mul3A_926 : i32 to index
      %get3A_930 = tpu.vector_load %arg9[%get3A_928, %get3A_929] {strides = array<i32>} : memref<16x768xf32, #tpu.memory_space<vmem>>, vector<16xf32>,
      %mul3A_931 = arith.constant 16 : i32
      %mul3A_932 = arith.muli %mul3A_931, %scan3A_902 : i32
      %get3A_933 = arith.constant 3 : i32
      %get3A_934 = arith.index_cast %get3A_933 : i32 to index
      %get3A_935 = arith.index_cast %mul3A_932 : i32 to index
      %get3A_936 = tpu.vector_load %arg9[%get3A_934, %get3A_935] {strides = array<i32>} : memref<16x768xf32, #tpu.memory_space<vmem>>, vector<16xf32>,
      %mul3A_937 = arith.mulf %get3A_930, %gather3A_297 : vector<16xf32>
      %mul3A_938 = arith.mulf %get3A_936, %gather3A_302 : vector<16xf32>
      %add3A_939 = arith.addf %mul3A_937, %mul3A_938 : vector<16xf32>
      %mul3A_940 = arith.constant 16 : i32
      %mul3A_941 = arith.muli %mul3A_940, %scan3A_902 : i32
      %swap3A_942 = arith.constant 1 : i32
      %swap3A_943 = arith.index_cast %swap3A_942 : i32 to index
      %swap3A_944 = arith.index_cast %mul3A_941 : i32 to index
      %swap3A_945 = tpu.vector_load %arg11[%swap3A_943, %swap3A_944] {strides = array<i32>} : memref<8x768xf32, #tpu.memory_space<vmem>>, vector<16xf32>,
      tpu.vector_store %arg11[%swap3A_943, %swap3A_944], %add3A_939 {strides = array<i32>} : memref<8x768xf32, #tpu.memory_space<vmem>>, vector<16xf32>,
      %mul3A_946 = arith.constant 16 : i32
      %mul3A_947 = arith.muli %mul3A_946, %scan3A_902 : i32
      %get3A_948 = arith.constant 4 : i32
      %get3A_949 = arith.index_cast %get3A_948 : i32 to index
      %get3A_950 = arith.index_cast %mul3A_947 : i32 to index
      %get3A_951 = tpu.vector_load %arg9[%get3A_949, %get3A_950] {strides = array<i32>} : memref<16x768xf32, #tpu.memory_space<vmem>>, vector<16xf32>,
      %mul3A_952 = arith.constant 16 : i32
      %mul3A_953 = arith.muli %mul3A_952, %scan3A_902 : i32
      %get3A_954 = arith.constant 5 : i32
      %get3A_955 = arith.index_cast %get3A_954 : i32 to index
      %get3A_956 = arith.index_cast %mul3A_953 : i32 to index
      %get3A_957 = tpu.vector_load %arg9[%get3A_955, %get3A_956] {strides = array<i32>} : memref<16x768xf32, #tpu.memory_space<vmem>>, vector<16xf32>,
      %mul3A_958 = arith.mulf %get3A_951, %gather3A_307 : vector<16xf32>
      %mul3A_959 = arith.mulf %get3A_957, %gather3A_312 : vector<16xf32>
      %add3A_960 = arith.addf %mul3A_958, %mul3A_959 : vector<16xf32>
      %mul3A_961 = arith.constant 16 : i32
      %mul3A_962 = arith.muli %mul3A_961, %scan3A_902 : i32
      %swap3A_963 = arith.constant 2 : i32
      %swap3A_964 = arith.index_cast %swap3A_963 : i32 to index
      %swap3A_965 = arith.index_cast %mul3A_962 : i32 to index
      %swap3A_966 = tpu.vector_load %arg11[%swap3A_964, %swap3A_965] {strides = array<i32>} : memref<8x768xf32, #tpu.memory_space<vmem>>, vector<16xf32>,
      tpu.vector_store %arg11[%swap3A_964, %swap3A_965], %add3A_960 {strides = array<i32>} : memref<8x768xf32, #tpu.memory_space<vmem>>, vector<16xf32>,
      %mul3A_967 = arith.constant 16 : i32
      %mul3A_968 = arith.muli %mul3A_967, %scan3A_902 : i32
      %get3A_969 = arith.constant 6 : i32
      %get3A_970 = arith.index_cast %get3A_969 : i32 to index
      %get3A_971 = arith.index_cast %mul3A_968 : i32 to index
      %get3A_972 = tpu.vector_load %arg9[%get3A_970, %get3A_971] {strides = array<i32>} : memref<16x768xf32, #tpu.memory_space<vmem>>, vector<16xf32>,
      %mul3A_973 = arith.constant 16 : i32
      %mul3A_974 = arith.muli %mul3A_973, %scan3A_902 : i32
      %get3A_975 = arith.constant 7 : i32
      %get3A_976 = arith.index_cast %get3A_975 : i32 to index
      %get3A_977 = arith.index_cast %mul3A_974 : i32 to index
      %get3A_978 = tpu.vector_load %arg9[%get3A_976, %get3A_977] {strides = array<i32>} : memref<16x768xf32, #tpu.memory_space<vmem>>, vector<16xf32>,
      %mul3A_979 = arith.mulf %get3A_972, %gather3A_317 : vector<16xf32>
      %mul3A_980 = arith.mulf %get3A_978, %gather3A_322 : vector<16xf32>
      %add3A_981 = arith.addf %mul3A_979, %mul3A_980 : vector<16xf32>
      %mul3A_982 = arith.constant 16 : i32
      %mul3A_983 = arith.muli %mul3A_982, %scan3A_902 : i32
      %swap3A_984 = arith.constant 3 : i32
      %swap3A_985 = arith.index_cast %swap3A_984 : i32 to index
      %swap3A_986 = arith.index_cast %mul3A_983 : i32 to index
      %swap3A_987 = tpu.vector_load %arg11[%swap3A_985, %swap3A_986] {strides = array<i32>} : memref<8x768xf32, #tpu.memory_space<vmem>>, vector<16xf32>,
      tpu.vector_store %arg11[%swap3A_985, %swap3A_986], %add3A_981 {strides = array<i32>} : memref<8x768xf32, #tpu.memory_space<vmem>>, vector<16xf32>,
      %mul3A_988 = arith.constant 16 : i32
      %mul3A_989 = arith.muli %mul3A_988, %scan3A_902 : i32
      %get3A_990 = arith.constant 8 : i32
      %get3A_991 = arith.index_cast %get3A_990 : i32 to index
      %get3A_992 = arith.index_cast %mul3A_989 : i32 to index
      %get3A_993 = tpu.vector_load %arg9[%get3A_991, %get3A_992] {strides = array<i32>} : memref<16x768xf32, #tpu.memory_space<vmem>>, vector<16xf32>,
      %mul3A_994 = arith.constant 16 : i32
      %mul3A_995 = arith.muli %mul3A_994, %scan3A_902 : i32
      %get3A_996 = arith.constant 9 : i32
      %get3A_997 = arith.index_cast %get3A_996 : i32 to index
      %get3A_998 = arith.index_cast %mul3A_995 : i32 to index
      %get3A_999 = tpu.vector_load %arg9[%get3A_997, %get3A_998] {strides = array<i32>} : memref<16x768xf32, #tpu.memory_space<vmem>>, vector<16xf32>,
      %mul3A_1000 = arith.mulf %get3A_993, %gather3A_327 : vector<16xf32>
      %mul3A_1001 = arith.mulf %get3A_999, %gather3A_332 : vector<16xf32>
      %add3A_1002 = arith.addf %mul3A_1000, %mul3A_1001 : vector<16xf32>
      %mul3A_1003 = arith.constant 16 : i32
      %mul3A_1004 = arith.muli %mul3A_1003, %scan3A_902 : i32
      %swap3A_1005 = arith.constant 4 : i32
      %swap3A_1006 = arith.index_cast %swap3A_1005 : i32 to index
      %swap3A_1007 = arith.index_cast %mul3A_1004 : i32 to index
      %swap3A_1008 = tpu.vector_load %arg11[%swap3A_1006, %swap3A_1007] {strides = array<i32>} : memref<8x768xf32, #tpu.memory_space<vmem>>, vector<16xf32>,
      tpu.vector_store %arg11[%swap3A_1006, %swap3A_1007], %add3A_1002 {strides = array<i32>} : memref<8x768xf32, #tpu.memory_space<vmem>>, vector<16xf32>,
      %mul3A_1009 = arith.constant 16 : i32
      %mul3A_1010 = arith.muli %mul3A_1009, %scan3A_902 : i32
      %get3A_1011 = arith.constant 10 : i32
      %get3A_1012 = arith.index_cast %get3A_1011 : i32 to index
      %get3A_1013 = arith.index_cast %mul3A_1010 : i32 to index
      %get3A_1014 = tpu.vector_load %arg9[%get3A_1012, %get3A_1013] {strides = array<i32>} : memref<16x768xf32, #tpu.memory_space<vmem>>, vector<16xf32>,
      %mul3A_1015 = arith.constant 16 : i32
      %mul3A_1016 = arith.muli %mul3A_1015, %scan3A_902 : i32
      %get3A_1017 = arith.constant 11 : i32
      %get3A_1018 = arith.index_cast %get3A_1017 : i32 to index
      %get3A_1019 = arith.index_cast %mul3A_1016 : i32 to index
      %get3A_1020 = tpu.vector_load %arg9[%get3A_1018, %get3A_1019] {strides = array<i32>} : memref<16x768xf32, #tpu.memory_space<vmem>>, vector<16xf32>,
      %mul3A_1021 = arith.mulf %get3A_1014, %gather3A_337 : vector<16xf32>
      %mul3A_1022 = arith.mulf %get3A_1020, %gather3A_342 : vector<16xf32>
      %add3A_1023 = arith.addf %mul3A_1021, %mul3A_1022 : vector<16xf32>
      %mul3A_1024 = arith.constant 16 : i32
      %mul3A_1025 = arith.muli %mul3A_1024, %scan3A_902 : i32
      %swap3A_1026 = arith.constant 5 : i32
      %swap3A_1027 = arith.index_cast %swap3A_1026 : i32 to index
      %swap3A_1028 = arith.index_cast %mul3A_1025 : i32 to index
      %swap3A_1029 = tpu.vector_load %arg11[%swap3A_1027, %swap3A_1028] {strides = array<i32>} : memref<8x768xf32, #tpu.memory_space<vmem>>, vector<16xf32>,
      tpu.vector_store %arg11[%swap3A_1027, %swap3A_1028], %add3A_1023 {strides = array<i32>} : memref<8x768xf32, #tpu.memory_space<vmem>>, vector<16xf32>,
      %mul3A_1030 = arith.constant 16 : i32
      %mul3A_1031 = arith.muli %mul3A_1030, %scan3A_902 : i32
      %get3A_1032 = arith.constant 12 : i32
      %get3A_1033 = arith.index_cast %get3A_1032 : i32 to index
      %get3A_1034 = arith.index_cast %mul3A_1031 : i32 to index
      %get3A_1035 = tpu.vector_load %arg9[%get3A_1033, %get3A_1034] {strides = array<i32>} : memref<16x768xf32, #tpu.memory_space<vmem>>, vector<16xf32>,
      %mul3A_1036 = arith.constant 16 : i32
      %mul3A_1037 = arith.muli %mul3A_1036, %scan3A_902 : i32
      %get3A_1038 = arith.constant 13 : i32
      %get3A_1039 = arith.index_cast %get3A_1038 : i32 to index
      %get3A_1040 = arith.index_cast %mul3A_1037 : i32 to index
      %get3A_1041 = tpu.vector_load %arg9[%get3A_1039, %get3A_1040] {strides = array<i32>} : memref<16x768xf32, #tpu.memory_space<vmem>>, vector<16xf32>,
      %mul3A_1042 = arith.mulf %get3A_1035, %gather3A_347 : vector<16xf32>
      %mul3A_1043 = arith.mulf %get3A_1041, %gather3A_352 : vector<16xf32>
      %add3A_1044 = arith.addf %mul3A_1042, %mul3A_1043 : vector<16xf32>
      %mul3A_1045 = arith.constant 16 : i32
      %mul3A_1046 = arith.muli %mul3A_1045, %scan3A_902 : i32
      %swap3A_1047 = arith.constant 6 : i32
      %swap3A_1048 = arith.index_cast %swap3A_1047 : i32 to index
      %swap3A_1049 = arith.index_cast %mul3A_1046 : i32 to index
      %swap3A_1050 = tpu.vector_load %arg11[%swap3A_1048, %swap3A_1049] {strides = array<i32>} : memref<8x768xf32, #tpu.memory_space<vmem>>, vector<16xf32>,
      tpu.vector_store %arg11[%swap3A_1048, %swap3A_1049], %add3A_1044 {strides = array<i32>} : memref<8x768xf32, #tpu.memory_space<vmem>>, vector<16xf32>,
      %mul3A_1051 = arith.constant 16 : i32
      %mul3A_1052 = arith.muli %mul3A_1051, %scan3A_902 : i32
      %get3A_1053 = arith.constant 14 : i32
      %get3A_1054 = arith.index_cast %get3A_1053 : i32 to index
      %get3A_1055 = arith.index_cast %mul3A_1052 : i32 to index
      %get3A_1056 = tpu.vector_load %arg9[%get3A_1054, %get3A_1055] {strides = array<i32>} : memref<16x768xf32, #tpu.memory_space<vmem>>, vector<16xf32>,
      %mul3A_1057 = arith.constant 16 : i32
      %mul3A_1058 = arith.muli %mul3A_1057, %scan3A_902 : i32
      %get3A_1059 = arith.constant 15 : i32
      %get3A_1060 = arith.index_cast %get3A_1059 : i32 to index
      %get3A_1061 = arith.index_cast %mul3A_1058 : i32 to index
      %get3A_1062 = tpu.vector_load %arg9[%get3A_1060, %get3A_1061] {strides = array<i32>} : memref<16x768xf32, #tpu.memory_space<vmem>>, vector<16xf32>,
      %mul3A_1063 = arith.mulf %get3A_1056, %gather3A_357 : vector<16xf32>
      %mul3A_1064 = arith.mulf %get3A_1062, %gather3A_362 : vector<16xf32>
      %add3A_1065 = arith.addf %mul3A_1063, %mul3A_1064 : vector<16xf32>
      %mul3A_1066 = arith.constant 16 : i32
      %mul3A_1067 = arith.muli %mul3A_1066, %scan3A_902 : i32
      %swap3A_1068 = arith.constant 7 : i32
      %swap3A_1069 = arith.index_cast %swap3A_1068 : i32 to index
      %swap3A_1070 = arith.index_cast %mul3A_1067 : i32 to index
      %swap3A_1071 = tpu.vector_load %arg11[%swap3A_1069, %swap3A_1070] {strides = array<i32>} : memref<8x768xf32, #tpu.memory_space<vmem>>, vector<16xf32>,
      tpu.vector_store %arg11[%swap3A_1069, %swap3A_1070], %add3A_1065 {strides = array<i32>} : memref<8x768xf32, #tpu.memory_space<vmem>>, vector<16xf32>,
      %scan3A_1072 = arith.constant 0 : i32
      scf.yield %scan3A_1072 : i32
    }
    %scan3A_369 = arith.constant 48 : i32
    %mul3A_370 = arith.constant 64 : i32
    %mul3A_371 = arith.muli %add3A, %mul3A_370 : i32
    %add3A_372 = arith.constant 16 : i32
    %add3A_373 = arith.addi %mul3A_371, %add3A_372 : i32
    "tpu.region"() ({
      %run_scoped3A = tpu.sem_alloc : memref<!tpu.dma_semaphore, #tpu.memory_space<semaphore_mem>>
      %dma_start3A_902 = arith.constant 0 : i32
      %dma_start3A_903 = tpu.memref_slice %arg5[%add3A_373, %dma_start3A_902] : memref<2048x768xf32, #tpu.memory_space<hbm>> -> memref<8x768xf32, #tpu.memory_space<hbm>>
      %dma_start3A_904 = arith.constant 0 : i32
      %dma_start3A_905 = tpu.memref_slice %arg5[%add3A_373, %dma_start3A_904] : memref<2048x768xf32, #tpu.memory_space<hbm>> -> memref<8x768xf32, #tpu.memory_space<hbm>>
      tpu.enqueue_dma source(%arg11 : memref<8x768xf32, #tpu.memory_space<vmem>>) target(%dma_start3A_905 : memref<8x768xf32, #tpu.memory_space<hbm>>) target_semaphore(%run_scoped3A : memref<!tpu.dma_semaphore, #tpu.memory_space<semaphore_mem>>)
      %dma_wait3A_906 = arith.constant 0 : i32
      %dma_wait3A_907 = tpu.memref_slice %arg5[%add3A_373, %dma_wait3A_906] : memref<2048x768xf32, #tpu.memory_space<hbm>> -> memref<8x768xf32, #tpu.memory_space<hbm>>
      %dma_wait3A_908 = arith.constant 0 : i32
      %dma_wait3A_909 = tpu.memref_slice %arg5[%add3A_373, %dma_wait3A_908] : memref<2048x768xf32, #tpu.memory_space<hbm>> -> memref<8x768xf32, #tpu.memory_space<hbm>>
      tpu.wait_dma2 semaphore(%run_scoped3A : memref<!tpu.dma_semaphore, #tpu.memory_space<semaphore_mem>>) src(%arg11 : memref<8x768xf32, #tpu.memory_space<vmem>>) dst(%dma_wait3A_909 : memref<8x768xf32, #tpu.memory_space<hbm>>)
      tpu.yield
    }) : () -> ()
    %dma_start3A_374 = arith.constant 4 : i32
    %dma_start3A_375 = arith.constant 0 : i32
    %dma_start3A_376 = tpu.memref_slice %arg8[%dma_start3A_374, %dma_start3A_375] : memref<8x16xi32, #tpu.memory_space<vmem>> -> memref<1x16xi32, #tpu.memory_space<vmem>>
    %dma_start3A_377 = tpu.memref_squeeze %dma_start3A_376 : memref<1x16xi32, #tpu.memory_space<vmem>> -> memref<16xi32, #tpu.memory_space<vmem>>
    %dma_start3A_378 = arith.constant 0 : i32
    %dma_start3A_379 = arith.constant 0 : i32
    %dma_start3A_380 = tpu.memref_slice %arg2[%dma_start3A_378, %dma_start3A_379] : memref<5888x768xf32, #tpu.memory_space<hbm>> -> memref<5888x768xf32, #tpu.memory_space<hbm>>
    tpu.enqueue_indirect_dma source(%dma_start3A_380 : memref<5888x768xf32, #tpu.memory_space<hbm>>) target(%arg9 : memref<16x768xf32, #tpu.memory_space<vmem>>) offsets(%dma_start3A_377 : memref<16xi32, #tpu.memory_space<vmem>>) semaphore(%arg12 : memref<!tpu.dma_semaphore, #tpu.memory_space<semaphore_mem>>)
    %dma_wait3A_381 = arith.constant 3 : i32
    %dma_wait3A_382 = arith.constant 0 : i32
    %dma_wait3A_383 = tpu.memref_slice %arg8[%dma_wait3A_381, %dma_wait3A_382] : memref<8x16xi32, #tpu.memory_space<vmem>> -> memref<1x16xi32, #tpu.memory_space<vmem>>
    %dma_wait3A_384 = tpu.memref_squeeze %dma_wait3A_383 : memref<1x16xi32, #tpu.memory_space<vmem>> -> memref<16xi32, #tpu.memory_space<vmem>>
    %dma_wait3A_385 = arith.constant 0 : i32
    %dma_wait3A_386 = arith.constant 0 : i32
    %dma_wait3A_387 = tpu.memref_slice %arg2[%dma_wait3A_385, %dma_wait3A_386] : memref<5888x768xf32, #tpu.memory_space<hbm>> -> memref<5888x768xf32, #tpu.memory_space<hbm>>
    tpu.wait_indirect_dma semaphore(%arg13 : memref<!tpu.dma_semaphore, #tpu.memory_space<semaphore_mem>>) src(%dma_wait3A_387 : memref<5888x768xf32, #tpu.memory_space<hbm>>) dst(%arg10 : memref<16x768xf32, #tpu.memory_space<vmem>>)
    %get3A_388 = arith.constant 48 : index
    %get3A_389 = tpu.vector_load %arg7[%get3A_388] {strides = array<i32>} : memref<128xf32, #tpu.memory_space<vmem>>, vector<16xf32>,
    %broadcast_in_dim3A_390 = arith.constant 0 : i32
    %broadcast_in_dim3A_391 = vector.broadcast %broadcast_in_dim3A_390 : i32 to vector<16xi32>
    %broadcast_in_dim3A_392 = vector.shape_cast %broadcast_in_dim3A_391 : vector<16xi32> to vector<16x1xi32>
    %gather3A_393 = vector.shape_cast %broadcast_in_dim3A_392 : vector<16x1xi32> to vector<16xi32>
    %gather3A_394 = tpu.dynamic_gather %get3A_389[%gather3A_393] in [0] : vector<16xf32>, vector<16xi32> -> vector<16xf32>
    %broadcast_in_dim3A_395 = arith.constant 1 : i32
    %broadcast_in_dim3A_396 = vector.broadcast %broadcast_in_dim3A_395 : i32 to vector<16xi32>
    %broadcast_in_dim3A_397 = vector.shape_cast %broadcast_in_dim3A_396 : vector<16xi32> to vector<16x1xi32>
    %gather3A_398 = vector.shape_cast %broadcast_in_dim3A_397 : vector<16x1xi32> to vector<16xi32>
    %gather3A_399 = tpu.dynamic_gather %get3A_389[%gather3A_398] in [0] : vector<16xf32>, vector<16xi32> -> vector<16xf32>
    %broadcast_in_dim3A_400 = arith.constant 2 : i32
    %broadcast_in_dim3A_401 = vector.broadcast %broadcast_in_dim3A_400 : i32 to vector<16xi32>
    %broadcast_in_dim3A_402 = vector.shape_cast %broadcast_in_dim3A_401 : vector<16xi32> to vector<16x1xi32>
    %gather3A_403 = vector.shape_cast %broadcast_in_dim3A_402 : vector<16x1xi32> to vector<16xi32>
    %gather3A_404 = tpu.dynamic_gather %get3A_389[%gather3A_403] in [0] : vector<16xf32>, vector<16xi32> -> vector<16xf32>
    %broadcast_in_dim3A_405 = arith.constant 3 : i32
    %broadcast_in_dim3A_406 = vector.broadcast %broadcast_in_dim3A_405 : i32 to vector<16xi32>
    %broadcast_in_dim3A_407 = vector.shape_cast %broadcast_in_dim3A_406 : vector<16xi32> to vector<16x1xi32>
    %gather3A_408 = vector.shape_cast %broadcast_in_dim3A_407 : vector<16x1xi32> to vector<16xi32>
    %gather3A_409 = tpu.dynamic_gather %get3A_389[%gather3A_408] in [0] : vector<16xf32>, vector<16xi32> -> vector<16xf32>
    %broadcast_in_dim3A_410 = arith.constant 4 : i32
    %broadcast_in_dim3A_411 = vector.broadcast %broadcast_in_dim3A_410 : i32 to vector<16xi32>
    %broadcast_in_dim3A_412 = vector.shape_cast %broadcast_in_dim3A_411 : vector<16xi32> to vector<16x1xi32>
    %gather3A_413 = vector.shape_cast %broadcast_in_dim3A_412 : vector<16x1xi32> to vector<16xi32>
    %gather3A_414 = tpu.dynamic_gather %get3A_389[%gather3A_413] in [0] : vector<16xf32>, vector<16xi32> -> vector<16xf32>
    %broadcast_in_dim3A_415 = arith.constant 5 : i32
    %broadcast_in_dim3A_416 = vector.broadcast %broadcast_in_dim3A_415 : i32 to vector<16xi32>
    %broadcast_in_dim3A_417 = vector.shape_cast %broadcast_in_dim3A_416 : vector<16xi32> to vector<16x1xi32>
    %gather3A_418 = vector.shape_cast %broadcast_in_dim3A_417 : vector<16x1xi32> to vector<16xi32>
    %gather3A_419 = tpu.dynamic_gather %get3A_389[%gather3A_418] in [0] : vector<16xf32>, vector<16xi32> -> vector<16xf32>
    %broadcast_in_dim3A_420 = arith.constant 6 : i32
    %broadcast_in_dim3A_421 = vector.broadcast %broadcast_in_dim3A_420 : i32 to vector<16xi32>
    %broadcast_in_dim3A_422 = vector.shape_cast %broadcast_in_dim3A_421 : vector<16xi32> to vector<16x1xi32>
    %gather3A_423 = vector.shape_cast %broadcast_in_dim3A_422 : vector<16x1xi32> to vector<16xi32>
    %gather3A_424 = tpu.dynamic_gather %get3A_389[%gather3A_423] in [0] : vector<16xf32>, vector<16xi32> -> vector<16xf32>
    %broadcast_in_dim3A_425 = arith.constant 7 : i32
    %broadcast_in_dim3A_426 = vector.broadcast %broadcast_in_dim3A_425 : i32 to vector<16xi32>
    %broadcast_in_dim3A_427 = vector.shape_cast %broadcast_in_dim3A_426 : vector<16xi32> to vector<16x1xi32>
    %gather3A_428 = vector.shape_cast %broadcast_in_dim3A_427 : vector<16x1xi32> to vector<16xi32>
    %gather3A_429 = tpu.dynamic_gather %get3A_389[%gather3A_428] in [0] : vector<16xf32>, vector<16xi32> -> vector<16xf32>
    %broadcast_in_dim3A_430 = arith.constant 8 : i32
    %broadcast_in_dim3A_431 = vector.broadcast %broadcast_in_dim3A_430 : i32 to vector<16xi32>
    %broadcast_in_dim3A_432 = vector.shape_cast %broadcast_in_dim3A_431 : vector<16xi32> to vector<16x1xi32>
    %gather3A_433 = vector.shape_cast %broadcast_in_dim3A_432 : vector<16x1xi32> to vector<16xi32>
    %gather3A_434 = tpu.dynamic_gather %get3A_389[%gather3A_433] in [0] : vector<16xf32>, vector<16xi32> -> vector<16xf32>
    %broadcast_in_dim3A_435 = arith.constant 9 : i32
    %broadcast_in_dim3A_436 = vector.broadcast %broadcast_in_dim3A_435 : i32 to vector<16xi32>
    %broadcast_in_dim3A_437 = vector.shape_cast %broadcast_in_dim3A_436 : vector<16xi32> to vector<16x1xi32>
    %gather3A_438 = vector.shape_cast %broadcast_in_dim3A_437 : vector<16x1xi32> to vector<16xi32>
    %gather3A_439 = tpu.dynamic_gather %get3A_389[%gather3A_438] in [0] : vector<16xf32>, vector<16xi32> -> vector<16xf32>
    %broadcast_in_dim3A_440 = arith.constant 10 : i32
    %broadcast_in_dim3A_441 = vector.broadcast %broadcast_in_dim3A_440 : i32 to vector<16xi32>
    %broadcast_in_dim3A_442 = vector.shape_cast %broadcast_in_dim3A_441 : vector<16xi32> to vector<16x1xi32>
    %gather3A_443 = vector.shape_cast %broadcast_in_dim3A_442 : vector<16x1xi32> to vector<16xi32>
    %gather3A_444 = tpu.dynamic_gather %get3A_389[%gather3A_443] in [0] : vector<16xf32>, vector<16xi32> -> vector<16xf32>
    %broadcast_in_dim3A_445 = arith.constant 11 : i32
    %broadcast_in_dim3A_446 = vector.broadcast %broadcast_in_dim3A_445 : i32 to vector<16xi32>
    %broadcast_in_dim3A_447 = vector.shape_cast %broadcast_in_dim3A_446 : vector<16xi32> to vector<16x1xi32>
    %gather3A_448 = vector.shape_cast %broadcast_in_dim3A_447 : vector<16x1xi32> to vector<16xi32>
    %gather3A_449 = tpu.dynamic_gather %get3A_389[%gather3A_448] in [0] : vector<16xf32>, vector<16xi32> -> vector<16xf32>
    %broadcast_in_dim3A_450 = arith.constant 12 : i32
    %broadcast_in_dim3A_451 = vector.broadcast %broadcast_in_dim3A_450 : i32 to vector<16xi32>
    %broadcast_in_dim3A_452 = vector.shape_cast %broadcast_in_dim3A_451 : vector<16xi32> to vector<16x1xi32>
    %gather3A_453 = vector.shape_cast %broadcast_in_dim3A_452 : vector<16x1xi32> to vector<16xi32>
    %gather3A_454 = tpu.dynamic_gather %get3A_389[%gather3A_453] in [0] : vector<16xf32>, vector<16xi32> -> vector<16xf32>
    %broadcast_in_dim3A_455 = arith.constant 13 : i32
    %broadcast_in_dim3A_456 = vector.broadcast %broadcast_in_dim3A_455 : i32 to vector<16xi32>
    %broadcast_in_dim3A_457 = vector.shape_cast %broadcast_in_dim3A_456 : vector<16xi32> to vector<16x1xi32>
    %gather3A_458 = vector.shape_cast %broadcast_in_dim3A_457 : vector<16x1xi32> to vector<16xi32>
    %gather3A_459 = tpu.dynamic_gather %get3A_389[%gather3A_458] in [0] : vector<16xf32>, vector<16xi32> -> vector<16xf32>
    %broadcast_in_dim3A_460 = arith.constant 14 : i32
    %broadcast_in_dim3A_461 = vector.broadcast %broadcast_in_dim3A_460 : i32 to vector<16xi32>
    %broadcast_in_dim3A_462 = vector.shape_cast %broadcast_in_dim3A_461 : vector<16xi32> to vector<16x1xi32>
    %gather3A_463 = vector.shape_cast %broadcast_in_dim3A_462 : vector<16x1xi32> to vector<16xi32>
    %gather3A_464 = tpu.dynamic_gather %get3A_389[%gather3A_463] in [0] : vector<16xf32>, vector<16xi32> -> vector<16xf32>
    %broadcast_in_dim3A_465 = arith.constant 15 : i32
    %broadcast_in_dim3A_466 = vector.broadcast %broadcast_in_dim3A_465 : i32 to vector<16xi32>
    %broadcast_in_dim3A_467 = vector.shape_cast %broadcast_in_dim3A_466 : vector<16xi32> to vector<16x1xi32>
    %gather3A_468 = vector.shape_cast %broadcast_in_dim3A_467 : vector<16x1xi32> to vector<16xi32>
    %gather3A_469 = tpu.dynamic_gather %get3A_389[%gather3A_468] in [0] : vector<16xf32>, vector<16xi32> -> vector<16xf32>
    %scan3A_470 = arith.constant 0 : i32
    %scan3A_471 = arith.constant 0 : i32
    %scan3A_472 = arith.constant 48 : i32
    %scan3A_473 = arith.addi %scan3A_471, %scan3A_472 : i32
    %scan3A_474 = arith.constant 1 : i32
    %scan3A_475 = scf.for %scan3A_902 = %scan3A_471 to %scan3A_473 step %scan3A_474 iter_args(%scan3A_903 = %scan3A_470) -> (i32)  : i32 {
      %mul3A_904 = arith.constant 16 : i32
      %mul3A_905 = arith.muli %mul3A_904, %scan3A_902 : i32
      %get3A_906 = arith.constant 0 : i32
      %get3A_907 = arith.index_cast %get3A_906 : i32 to index
      %get3A_908 = arith.index_cast %mul3A_905 : i32 to index
      %get3A_909 = tpu.vector_load %arg10[%get3A_907, %get3A_908] {strides = array<i32>} : memref<16x768xf32, #tpu.memory_space<vmem>>, vector<16xf32>,
      %mul3A_910 = arith.constant 16 : i32
      %mul3A_911 = arith.muli %mul3A_910, %scan3A_902 : i32
      %get3A_912 = arith.constant 1 : i32
      %get3A_913 = arith.index_cast %get3A_912 : i32 to index
      %get3A_914 = arith.index_cast %mul3A_911 : i32 to index
      %get3A_915 = tpu.vector_load %arg10[%get3A_913, %get3A_914] {strides = array<i32>} : memref<16x768xf32, #tpu.memory_space<vmem>>, vector<16xf32>,
      %mul3A_916 = arith.mulf %get3A_909, %gather3A_394 : vector<16xf32>
      %mul3A_917 = arith.mulf %get3A_915, %gather3A_399 : vector<16xf32>
      %add3A_918 = arith.addf %mul3A_916, %mul3A_917 : vector<16xf32>
      %mul3A_919 = arith.constant 16 : i32
      %mul3A_920 = arith.muli %mul3A_919, %scan3A_902 : i32
      %swap3A_921 = arith.constant 0 : i32
      %swap3A_922 = arith.index_cast %swap3A_921 : i32 to index
      %swap3A_923 = arith.index_cast %mul3A_920 : i32 to index
      %swap3A_924 = tpu.vector_load %arg11[%swap3A_922, %swap3A_923] {strides = array<i32>} : memref<8x768xf32, #tpu.memory_space<vmem>>, vector<16xf32>,
      tpu.vector_store %arg11[%swap3A_922, %swap3A_923], %add3A_918 {strides = array<i32>} : memref<8x768xf32, #tpu.memory_space<vmem>>, vector<16xf32>,
      %mul3A_925 = arith.constant 16 : i32
      %mul3A_926 = arith.muli %mul3A_925, %scan3A_902 : i32
      %get3A_927 = arith.constant 2 : i32
      %get3A_928 = arith.index_cast %get3A_927 : i32 to index
      %get3A_929 = arith.index_cast %mul3A_926 : i32 to index
      %get3A_930 = tpu.vector_load %arg10[%get3A_928, %get3A_929] {strides = array<i32>} : memref<16x768xf32, #tpu.memory_space<vmem>>, vector<16xf32>,
      %mul3A_931 = arith.constant 16 : i32
      %mul3A_932 = arith.muli %mul3A_931, %scan3A_902 : i32
      %get3A_933 = arith.constant 3 : i32
      %get3A_934 = arith.index_cast %get3A_933 : i32 to index
      %get3A_935 = arith.index_cast %mul3A_932 : i32 to index
      %get3A_936 = tpu.vector_load %arg10[%get3A_934, %get3A_935] {strides = array<i32>} : memref<16x768xf32, #tpu.memory_space<vmem>>, vector<16xf32>,
      %mul3A_937 = arith.mulf %get3A_930, %gather3A_404 : vector<16xf32>
      %mul3A_938 = arith.mulf %get3A_936, %gather3A_409 : vector<16xf32>
      %add3A_939 = arith.addf %mul3A_937, %mul3A_938 : vector<16xf32>
      %mul3A_940 = arith.constant 16 : i32
      %mul3A_941 = arith.muli %mul3A_940, %scan3A_902 : i32
      %swap3A_942 = arith.constant 1 : i32
      %swap3A_943 = arith.index_cast %swap3A_942 : i32 to index
      %swap3A_944 = arith.index_cast %mul3A_941 : i32 to index
      %swap3A_945 = tpu.vector_load %arg11[%swap3A_943, %swap3A_944] {strides = array<i32>} : memref<8x768xf32, #tpu.memory_space<vmem>>, vector<16xf32>,
      tpu.vector_store %arg11[%swap3A_943, %swap3A_944], %add3A_939 {strides = array<i32>} : memref<8x768xf32, #tpu.memory_space<vmem>>, vector<16xf32>,
      %mul3A_946 = arith.constant 16 : i32
      %mul3A_947 = arith.muli %mul3A_946, %scan3A_902 : i32
      %get3A_948 = arith.constant 4 : i32
      %get3A_949 = arith.index_cast %get3A_948 : i32 to index
      %get3A_950 = arith.index_cast %mul3A_947 : i32 to index
      %get3A_951 = tpu.vector_load %arg10[%get3A_949, %get3A_950] {strides = array<i32>} : memref<16x768xf32, #tpu.memory_space<vmem>>, vector<16xf32>,
      %mul3A_952 = arith.constant 16 : i32
      %mul3A_953 = arith.muli %mul3A_952, %scan3A_902 : i32
      %get3A_954 = arith.constant 5 : i32
      %get3A_955 = arith.index_cast %get3A_954 : i32 to index
      %get3A_956 = arith.index_cast %mul3A_953 : i32 to index
      %get3A_957 = tpu.vector_load %arg10[%get3A_955, %get3A_956] {strides = array<i32>} : memref<16x768xf32, #tpu.memory_space<vmem>>, vector<16xf32>,
      %mul3A_958 = arith.mulf %get3A_951, %gather3A_414 : vector<16xf32>
      %mul3A_959 = arith.mulf %get3A_957, %gather3A_419 : vector<16xf32>
      %add3A_960 = arith.addf %mul3A_958, %mul3A_959 : vector<16xf32>
      %mul3A_961 = arith.constant 16 : i32
      %mul3A_962 = arith.muli %mul3A_961, %scan3A_902 : i32
      %swap3A_963 = arith.constant 2 : i32
      %swap3A_964 = arith.index_cast %swap3A_963 : i32 to index
      %swap3A_965 = arith.index_cast %mul3A_962 : i32 to index
      %swap3A_966 = tpu.vector_load %arg11[%swap3A_964, %swap3A_965] {strides = array<i32>} : memref<8x768xf32, #tpu.memory_space<vmem>>, vector<16xf32>,
      tpu.vector_store %arg11[%swap3A_964, %swap3A_965], %add3A_960 {strides = array<i32>} : memref<8x768xf32, #tpu.memory_space<vmem>>, vector<16xf32>,
      %mul3A_967 = arith.constant 16 : i32
      %mul3A_968 = arith.muli %mul3A_967, %scan3A_902 : i32
      %get3A_969 = arith.constant 6 : i32
      %get3A_970 = arith.index_cast %get3A_969 : i32 to index
      %get3A_971 = arith.index_cast %mul3A_968 : i32 to index
      %get3A_972 = tpu.vector_load %arg10[%get3A_970, %get3A_971] {strides = array<i32>} : memref<16x768xf32, #tpu.memory_space<vmem>>, vector<16xf32>,
      %mul3A_973 = arith.constant 16 : i32
      %mul3A_974 = arith.muli %mul3A_973, %scan3A_902 : i32
      %get3A_975 = arith.constant 7 : i32
      %get3A_976 = arith.index_cast %get3A_975 : i32 to index
      %get3A_977 = arith.index_cast %mul3A_974 : i32 to index
      %get3A_978 = tpu.vector_load %arg10[%get3A_976, %get3A_977] {strides = array<i32>} : memref<16x768xf32, #tpu.memory_space<vmem>>, vector<16xf32>,
      %mul3A_979 = arith.mulf %get3A_972, %gather3A_424 : vector<16xf32>
      %mul3A_980 = arith.mulf %get3A_978, %gather3A_429 : vector<16xf32>
      %add3A_981 = arith.addf %mul3A_979, %mul3A_980 : vector<16xf32>
      %mul3A_982 = arith.constant 16 : i32
      %mul3A_983 = arith.muli %mul3A_982, %scan3A_902 : i32
      %swap3A_984 = arith.constant 3 : i32
      %swap3A_985 = arith.index_cast %swap3A_984 : i32 to index
      %swap3A_986 = arith.index_cast %mul3A_983 : i32 to index
      %swap3A_987 = tpu.vector_load %arg11[%swap3A_985, %swap3A_986] {strides = array<i32>} : memref<8x768xf32, #tpu.memory_space<vmem>>, vector<16xf32>,
      tpu.vector_store %arg11[%swap3A_985, %swap3A_986], %add3A_981 {strides = array<i32>} : memref<8x768xf32, #tpu.memory_space<vmem>>, vector<16xf32>,
      %mul3A_988 = arith.constant 16 : i32
      %mul3A_989 = arith.muli %mul3A_988, %scan3A_902 : i32
      %get3A_990 = arith.constant 8 : i32
      %get3A_991 = arith.index_cast %get3A_990 : i32 to index
      %get3A_992 = arith.index_cast %mul3A_989 : i32 to index
      %get3A_993 = tpu.vector_load %arg10[%get3A_991, %get3A_992] {strides = array<i32>} : memref<16x768xf32, #tpu.memory_space<vmem>>, vector<16xf32>,
      %mul3A_994 = arith.constant 16 : i32
      %mul3A_995 = arith.muli %mul3A_994, %scan3A_902 : i32
      %get3A_996 = arith.constant 9 : i32
      %get3A_997 = arith.index_cast %get3A_996 : i32 to index
      %get3A_998 = arith.index_cast %mul3A_995 : i32 to index
      %get3A_999 = tpu.vector_load %arg10[%get3A_997, %get3A_998] {strides = array<i32>} : memref<16x768xf32, #tpu.memory_space<vmem>>, vector<16xf32>,
      %mul3A_1000 = arith.mulf %get3A_993, %gather3A_434 : vector<16xf32>
      %mul3A_1001 = arith.mulf %get3A_999, %gather3A_439 : vector<16xf32>
      %add3A_1002 = arith.addf %mul3A_1000, %mul3A_1001 : vector<16xf32>
      %mul3A_1003 = arith.constant 16 : i32
      %mul3A_1004 = arith.muli %mul3A_1003, %scan3A_902 : i32
      %swap3A_1005 = arith.constant 4 : i32
      %swap3A_1006 = arith.index_cast %swap3A_1005 : i32 to index
      %swap3A_1007 = arith.index_cast %mul3A_1004 : i32 to index
      %swap3A_1008 = tpu.vector_load %arg11[%swap3A_1006, %swap3A_1007] {strides = array<i32>} : memref<8x768xf32, #tpu.memory_space<vmem>>, vector<16xf32>,
      tpu.vector_store %arg11[%swap3A_1006, %swap3A_1007], %add3A_1002 {strides = array<i32>} : memref<8x768xf32, #tpu.memory_space<vmem>>, vector<16xf32>,
      %mul3A_1009 = arith.constant 16 : i32
      %mul3A_1010 = arith.muli %mul3A_1009, %scan3A_902 : i32
      %get3A_1011 = arith.constant 10 : i32
      %get3A_1012 = arith.index_cast %get3A_1011 : i32 to index
      %get3A_1013 = arith.index_cast %mul3A_1010 : i32 to index
      %get3A_1014 = tpu.vector_load %arg10[%get3A_1012, %get3A_1013] {strides = array<i32>} : memref<16x768xf32, #tpu.memory_space<vmem>>, vector<16xf32>,
      %mul3A_1015 = arith.constant 16 : i32
      %mul3A_1016 = arith.muli %mul3A_1015, %scan3A_902 : i32
      %get3A_1017 = arith.constant 11 : i32
      %get3A_1018 = arith.index_cast %get3A_1017 : i32 to index
      %get3A_1019 = arith.index_cast %mul3A_1016 : i32 to index
      %get3A_1020 = tpu.vector_load %arg10[%get3A_1018, %get3A_1019] {strides = array<i32>} : memref<16x768xf32, #tpu.memory_space<vmem>>, vector<16xf32>,
      %mul3A_1021 = arith.mulf %get3A_1014, %gather3A_444 : vector<16xf32>
      %mul3A_1022 = arith.mulf %get3A_1020, %gather3A_449 : vector<16xf32>
      %add3A_1023 = arith.addf %mul3A_1021, %mul3A_1022 : vector<16xf32>
      %mul3A_1024 = arith.constant 16 : i32
      %mul3A_1025 = arith.muli %mul3A_1024, %scan3A_902 : i32
      %swap3A_1026 = arith.constant 5 : i32
      %swap3A_1027 = arith.index_cast %swap3A_1026 : i32 to index
      %swap3A_1028 = arith.index_cast %mul3A_1025 : i32 to index
      %swap3A_1029 = tpu.vector_load %arg11[%swap3A_1027, %swap3A_1028] {strides = array<i32>} : memref<8x768xf32, #tpu.memory_space<vmem>>, vector<16xf32>,
      tpu.vector_store %arg11[%swap3A_1027, %swap3A_1028], %add3A_1023 {strides = array<i32>} : memref<8x768xf32, #tpu.memory_space<vmem>>, vector<16xf32>,
      %mul3A_1030 = arith.constant 16 : i32
      %mul3A_1031 = arith.muli %mul3A_1030, %scan3A_902 : i32
      %get3A_1032 = arith.constant 12 : i32
      %get3A_1033 = arith.index_cast %get3A_1032 : i32 to index
      %get3A_1034 = arith.index_cast %mul3A_1031 : i32 to index
      %get3A_1035 = tpu.vector_load %arg10[%get3A_1033, %get3A_1034] {strides = array<i32>} : memref<16x768xf32, #tpu.memory_space<vmem>>, vector<16xf32>,
      %mul3A_1036 = arith.constant 16 : i32
      %mul3A_1037 = arith.muli %mul3A_1036, %scan3A_902 : i32
      %get3A_1038 = arith.constant 13 : i32
      %get3A_1039 = arith.index_cast %get3A_1038 : i32 to index
      %get3A_1040 = arith.index_cast %mul3A_1037 : i32 to index
      %get3A_1041 = tpu.vector_load %arg10[%get3A_1039, %get3A_1040] {strides = array<i32>} : memref<16x768xf32, #tpu.memory_space<vmem>>, vector<16xf32>,
      %mul3A_1042 = arith.mulf %get3A_1035, %gather3A_454 : vector<16xf32>
      %mul3A_1043 = arith.mulf %get3A_1041, %gather3A_459 : vector<16xf32>
      %add3A_1044 = arith.addf %mul3A_1042, %mul3A_1043 : vector<16xf32>
      %mul3A_1045 = arith.constant 16 : i32
      %mul3A_1046 = arith.muli %mul3A_1045, %scan3A_902 : i32
      %swap3A_1047 = arith.constant 6 : i32
      %swap3A_1048 = arith.index_cast %swap3A_1047 : i32 to index
      %swap3A_1049 = arith.index_cast %mul3A_1046 : i32 to index
      %swap3A_1050 = tpu.vector_load %arg11[%swap3A_1048, %swap3A_1049] {strides = array<i32>} : memref<8x768xf32, #tpu.memory_space<vmem>>, vector<16xf32>,
      tpu.vector_store %arg11[%swap3A_1048, %swap3A_1049], %add3A_1044 {strides = array<i32>} : memref<8x768xf32, #tpu.memory_space<vmem>>, vector<16xf32>,
      %mul3A_1051 = arith.constant 16 : i32
      %mul3A_1052 = arith.muli %mul3A_1051, %scan3A_902 : i32
      %get3A_1053 = arith.constant 14 : i32
      %get3A_1054 = arith.index_cast %get3A_1053 : i32 to index
      %get3A_1055 = arith.index_cast %mul3A_1052 : i32 to index
      %get3A_1056 = tpu.vector_load %arg10[%get3A_1054, %get3A_1055] {strides = array<i32>} : memref<16x768xf32, #tpu.memory_space<vmem>>, vector<16xf32>,
      %mul3A_1057 = arith.constant 16 : i32
      %mul3A_1058 = arith.muli %mul3A_1057, %scan3A_902 : i32
      %get3A_1059 = arith.constant 15 : i32
      %get3A_1060 = arith.index_cast %get3A_1059 : i32 to index
      %get3A_1061 = arith.index_cast %mul3A_1058 : i32 to index
      %get3A_1062 = tpu.vector_load %arg10[%get3A_1060, %get3A_1061] {strides = array<i32>} : memref<16x768xf32, #tpu.memory_space<vmem>>, vector<16xf32>,
      %mul3A_1063 = arith.mulf %get3A_1056, %gather3A_464 : vector<16xf32>
      %mul3A_1064 = arith.mulf %get3A_1062, %gather3A_469 : vector<16xf32>
      %add3A_1065 = arith.addf %mul3A_1063, %mul3A_1064 : vector<16xf32>
      %mul3A_1066 = arith.constant 16 : i32
      %mul3A_1067 = arith.muli %mul3A_1066, %scan3A_902 : i32
      %swap3A_1068 = arith.constant 7 : i32
      %swap3A_1069 = arith.index_cast %swap3A_1068 : i32 to index
      %swap3A_1070 = arith.index_cast %mul3A_1067 : i32 to index
      %swap3A_1071 = tpu.vector_load %arg11[%swap3A_1069, %swap3A_1070] {strides = array<i32>} : memref<8x768xf32, #tpu.memory_space<vmem>>, vector<16xf32>,
      tpu.vector_store %arg11[%swap3A_1069, %swap3A_1070], %add3A_1065 {strides = array<i32>} : memref<8x768xf32, #tpu.memory_space<vmem>>, vector<16xf32>,
      %scan3A_1072 = arith.constant 0 : i32
      scf.yield %scan3A_1072 : i32
    }
    %scan3A_476 = arith.constant 48 : i32
    %mul3A_477 = arith.constant 64 : i32
    %mul3A_478 = arith.muli %add3A, %mul3A_477 : i32
    %add3A_479 = arith.constant 24 : i32
    %add3A_480 = arith.addi %mul3A_478, %add3A_479 : i32
    "tpu.region"() ({
      %run_scoped3A = tpu.sem_alloc : memref<!tpu.dma_semaphore, #tpu.memory_space<semaphore_mem>>
      %dma_start3A_902 = arith.constant 0 : i32
      %dma_start3A_903 = tpu.memref_slice %arg5[%add3A_480, %dma_start3A_902] : memref<2048x768xf32, #tpu.memory_space<hbm>> -> memref<8x768xf32, #tpu.memory_space<hbm>>
      %dma_start3A_904 = arith.constant 0 : i32
      %dma_start3A_905 = tpu.memref_slice %arg5[%add3A_480, %dma_start3A_904] : memref<2048x768xf32, #tpu.memory_space<hbm>> -> memref<8x768xf32, #tpu.memory_space<hbm>>
      tpu.enqueue_dma source(%arg11 : memref<8x768xf32, #tpu.memory_space<vmem>>) target(%dma_start3A_905 : memref<8x768xf32, #tpu.memory_space<hbm>>) target_semaphore(%run_scoped3A : memref<!tpu.dma_semaphore, #tpu.memory_space<semaphore_mem>>)
      %dma_wait3A_906 = arith.constant 0 : i32
      %dma_wait3A_907 = tpu.memref_slice %arg5[%add3A_480, %dma_wait3A_906] : memref<2048x768xf32, #tpu.memory_space<hbm>> -> memref<8x768xf32, #tpu.memory_space<hbm>>
      %dma_wait3A_908 = arith.constant 0 : i32
      %dma_wait3A_909 = tpu.memref_slice %arg5[%add3A_480, %dma_wait3A_908] : memref<2048x768xf32, #tpu.memory_space<hbm>> -> memref<8x768xf32, #tpu.memory_space<hbm>>
      tpu.wait_dma2 semaphore(%run_scoped3A : memref<!tpu.dma_semaphore, #tpu.memory_space<semaphore_mem>>) src(%arg11 : memref<8x768xf32, #tpu.memory_space<vmem>>) dst(%dma_wait3A_909 : memref<8x768xf32, #tpu.memory_space<hbm>>)
      tpu.yield
    }) : () -> ()
    %dma_start3A_481 = arith.constant 5 : i32
    %dma_start3A_482 = arith.constant 0 : i32
    %dma_start3A_483 = tpu.memref_slice %arg8[%dma_start3A_481, %dma_start3A_482] : memref<8x16xi32, #tpu.memory_space<vmem>> -> memref<1x16xi32, #tpu.memory_space<vmem>>
    %dma_start3A_484 = tpu.memref_squeeze %dma_start3A_483 : memref<1x16xi32, #tpu.memory_space<vmem>> -> memref<16xi32, #tpu.memory_space<vmem>>
    %dma_start3A_485 = arith.constant 0 : i32
    %dma_start3A_486 = arith.constant 0 : i32
    %dma_start3A_487 = tpu.memref_slice %arg2[%dma_start3A_485, %dma_start3A_486] : memref<5888x768xf32, #tpu.memory_space<hbm>> -> memref<5888x768xf32, #tpu.memory_space<hbm>>
    tpu.enqueue_indirect_dma source(%dma_start3A_487 : memref<5888x768xf32, #tpu.memory_space<hbm>>) target(%arg10 : memref<16x768xf32, #tpu.memory_space<vmem>>) offsets(%dma_start3A_484 : memref<16xi32, #tpu.memory_space<vmem>>) semaphore(%arg13 : memref<!tpu.dma_semaphore, #tpu.memory_space<semaphore_mem>>)
    %dma_wait3A_488 = arith.constant 4 : i32
    %dma_wait3A_489 = arith.constant 0 : i32
    %dma_wait3A_490 = tpu.memref_slice %arg8[%dma_wait3A_488, %dma_wait3A_489] : memref<8x16xi32, #tpu.memory_space<vmem>> -> memref<1x16xi32, #tpu.memory_space<vmem>>
    %dma_wait3A_491 = tpu.memref_squeeze %dma_wait3A_490 : memref<1x16xi32, #tpu.memory_space<vmem>> -> memref<16xi32, #tpu.memory_space<vmem>>
    %dma_wait3A_492 = arith.constant 0 : i32
    %dma_wait3A_493 = arith.constant 0 : i32
    %dma_wait3A_494 = tpu.memref_slice %arg2[%dma_wait3A_492, %dma_wait3A_493] : memref<5888x768xf32, #tpu.memory_space<hbm>> -> memref<5888x768xf32, #tpu.memory_space<hbm>>
    tpu.wait_indirect_dma semaphore(%arg12 : memref<!tpu.dma_semaphore, #tpu.memory_space<semaphore_mem>>) src(%dma_wait3A_494 : memref<5888x768xf32, #tpu.memory_space<hbm>>) dst(%arg9 : memref<16x768xf32, #tpu.memory_space<vmem>>)
    %get3A_495 = arith.constant 64 : index
    %get3A_496 = tpu.vector_load %arg7[%get3A_495] {strides = array<i32>} : memref<128xf32, #tpu.memory_space<vmem>>, vector<16xf32>,
    %broadcast_in_dim3A_497 = arith.constant 0 : i32
    %broadcast_in_dim3A_498 = vector.broadcast %broadcast_in_dim3A_497 : i32 to vector<16xi32>
    %broadcast_in_dim3A_499 = vector.shape_cast %broadcast_in_dim3A_498 : vector<16xi32> to vector<16x1xi32>
    %gather3A_500 = vector.shape_cast %broadcast_in_dim3A_499 : vector<16x1xi32> to vector<16xi32>
    %gather3A_501 = tpu.dynamic_gather %get3A_496[%gather3A_500] in [0] : vector<16xf32>, vector<16xi32> -> vector<16xf32>
    %broadcast_in_dim3A_502 = arith.constant 1 : i32
    %broadcast_in_dim3A_503 = vector.broadcast %broadcast_in_dim3A_502 : i32 to vector<16xi32>
    %broadcast_in_dim3A_504 = vector.shape_cast %broadcast_in_dim3A_503 : vector<16xi32> to vector<16x1xi32>
    %gather3A_505 = vector.shape_cast %broadcast_in_dim3A_504 : vector<16x1xi32> to vector<16xi32>
    %gather3A_506 = tpu.dynamic_gather %get3A_496[%gather3A_505] in [0] : vector<16xf32>, vector<16xi32> -> vector<16xf32>
    %broadcast_in_dim3A_507 = arith.constant 2 : i32
    %broadcast_in_dim3A_508 = vector.broadcast %broadcast_in_dim3A_507 : i32 to vector<16xi32>
    %broadcast_in_dim3A_509 = vector.shape_cast %broadcast_in_dim3A_508 : vector<16xi32> to vector<16x1xi32>
    %gather3A_510 = vector.shape_cast %broadcast_in_dim3A_509 : vector<16x1xi32> to vector<16xi32>
    %gather3A_511 = tpu.dynamic_gather %get3A_496[%gather3A_510] in [0] : vector<16xf32>, vector<16xi32> -> vector<16xf32>
    %broadcast_in_dim3A_512 = arith.constant 3 : i32
    %broadcast_in_dim3A_513 = vector.broadcast %broadcast_in_dim3A_512 : i32 to vector<16xi32>
    %broadcast_in_dim3A_514 = vector.shape_cast %broadcast_in_dim3A_513 : vector<16xi32> to vector<16x1xi32>
    %gather3A_515 = vector.shape_cast %broadcast_in_dim3A_514 : vector<16x1xi32> to vector<16xi32>
    %gather3A_516 = tpu.dynamic_gather %get3A_496[%gather3A_515] in [0] : vector<16xf32>, vector<16xi32> -> vector<16xf32>
    %broadcast_in_dim3A_517 = arith.constant 4 : i32
    %broadcast_in_dim3A_518 = vector.broadcast %broadcast_in_dim3A_517 : i32 to vector<16xi32>
    %broadcast_in_dim3A_519 = vector.shape_cast %broadcast_in_dim3A_518 : vector<16xi32> to vector<16x1xi32>
    %gather3A_520 = vector.shape_cast %broadcast_in_dim3A_519 : vector<16x1xi32> to vector<16xi32>
    %gather3A_521 = tpu.dynamic_gather %get3A_496[%gather3A_520] in [0] : vector<16xf32>, vector<16xi32> -> vector<16xf32>
    %broadcast_in_dim3A_522 = arith.constant 5 : i32
    %broadcast_in_dim3A_523 = vector.broadcast %broadcast_in_dim3A_522 : i32 to vector<16xi32>
    %broadcast_in_dim3A_524 = vector.shape_cast %broadcast_in_dim3A_523 : vector<16xi32> to vector<16x1xi32>
    %gather3A_525 = vector.shape_cast %broadcast_in_dim3A_524 : vector<16x1xi32> to vector<16xi32>
    %gather3A_526 = tpu.dynamic_gather %get3A_496[%gather3A_525] in [0] : vector<16xf32>, vector<16xi32> -> vector<16xf32>
    %broadcast_in_dim3A_527 = arith.constant 6 : i32
    %broadcast_in_dim3A_528 = vector.broadcast %broadcast_in_dim3A_527 : i32 to vector<16xi32>
    %broadcast_in_dim3A_529 = vector.shape_cast %broadcast_in_dim3A_528 : vector<16xi32> to vector<16x1xi32>
    %gather3A_530 = vector.shape_cast %broadcast_in_dim3A_529 : vector<16x1xi32> to vector<16xi32>
    %gather3A_531 = tpu.dynamic_gather %get3A_496[%gather3A_530] in [0] : vector<16xf32>, vector<16xi32> -> vector<16xf32>
    %broadcast_in_dim3A_532 = arith.constant 7 : i32
    %broadcast_in_dim3A_533 = vector.broadcast %broadcast_in_dim3A_532 : i32 to vector<16xi32>
    %broadcast_in_dim3A_534 = vector.shape_cast %broadcast_in_dim3A_533 : vector<16xi32> to vector<16x1xi32>
    %gather3A_535 = vector.shape_cast %broadcast_in_dim3A_534 : vector<16x1xi32> to vector<16xi32>
    %gather3A_536 = tpu.dynamic_gather %get3A_496[%gather3A_535] in [0] : vector<16xf32>, vector<16xi32> -> vector<16xf32>
    %broadcast_in_dim3A_537 = arith.constant 8 : i32
    %broadcast_in_dim3A_538 = vector.broadcast %broadcast_in_dim3A_537 : i32 to vector<16xi32>
    %broadcast_in_dim3A_539 = vector.shape_cast %broadcast_in_dim3A_538 : vector<16xi32> to vector<16x1xi32>
    %gather3A_540 = vector.shape_cast %broadcast_in_dim3A_539 : vector<16x1xi32> to vector<16xi32>
    %gather3A_541 = tpu.dynamic_gather %get3A_496[%gather3A_540] in [0] : vector<16xf32>, vector<16xi32> -> vector<16xf32>
    %broadcast_in_dim3A_542 = arith.constant 9 : i32
    %broadcast_in_dim3A_543 = vector.broadcast %broadcast_in_dim3A_542 : i32 to vector<16xi32>
    %broadcast_in_dim3A_544 = vector.shape_cast %broadcast_in_dim3A_543 : vector<16xi32> to vector<16x1xi32>
    %gather3A_545 = vector.shape_cast %broadcast_in_dim3A_544 : vector<16x1xi32> to vector<16xi32>
    %gather3A_546 = tpu.dynamic_gather %get3A_496[%gather3A_545] in [0] : vector<16xf32>, vector<16xi32> -> vector<16xf32>
    %broadcast_in_dim3A_547 = arith.constant 10 : i32
    %broadcast_in_dim3A_548 = vector.broadcast %broadcast_in_dim3A_547 : i32 to vector<16xi32>
    %broadcast_in_dim3A_549 = vector.shape_cast %broadcast_in_dim3A_548 : vector<16xi32> to vector<16x1xi32>
    %gather3A_550 = vector.shape_cast %broadcast_in_dim3A_549 : vector<16x1xi32> to vector<16xi32>
    %gather3A_551 = tpu.dynamic_gather %get3A_496[%gather3A_550] in [0] : vector<16xf32>, vector<16xi32> -> vector<16xf32>
    %broadcast_in_dim3A_552 = arith.constant 11 : i32
    %broadcast_in_dim3A_553 = vector.broadcast %broadcast_in_dim3A_552 : i32 to vector<16xi32>
    %broadcast_in_dim3A_554 = vector.shape_cast %broadcast_in_dim3A_553 : vector<16xi32> to vector<16x1xi32>
    %gather3A_555 = vector.shape_cast %broadcast_in_dim3A_554 : vector<16x1xi32> to vector<16xi32>
    %gather3A_556 = tpu.dynamic_gather %get3A_496[%gather3A_555] in [0] : vector<16xf32>, vector<16xi32> -> vector<16xf32>
    %broadcast_in_dim3A_557 = arith.constant 12 : i32
    %broadcast_in_dim3A_558 = vector.broadcast %broadcast_in_dim3A_557 : i32 to vector<16xi32>
    %broadcast_in_dim3A_559 = vector.shape_cast %broadcast_in_dim3A_558 : vector<16xi32> to vector<16x1xi32>
    %gather3A_560 = vector.shape_cast %broadcast_in_dim3A_559 : vector<16x1xi32> to vector<16xi32>
    %gather3A_561 = tpu.dynamic_gather %get3A_496[%gather3A_560] in [0] : vector<16xf32>, vector<16xi32> -> vector<16xf32>
    %broadcast_in_dim3A_562 = arith.constant 13 : i32
    %broadcast_in_dim3A_563 = vector.broadcast %broadcast_in_dim3A_562 : i32 to vector<16xi32>
    %broadcast_in_dim3A_564 = vector.shape_cast %broadcast_in_dim3A_563 : vector<16xi32> to vector<16x1xi32>
    %gather3A_565 = vector.shape_cast %broadcast_in_dim3A_564 : vector<16x1xi32> to vector<16xi32>
    %gather3A_566 = tpu.dynamic_gather %get3A_496[%gather3A_565] in [0] : vector<16xf32>, vector<16xi32> -> vector<16xf32>
    %broadcast_in_dim3A_567 = arith.constant 14 : i32
    %broadcast_in_dim3A_568 = vector.broadcast %broadcast_in_dim3A_567 : i32 to vector<16xi32>
    %broadcast_in_dim3A_569 = vector.shape_cast %broadcast_in_dim3A_568 : vector<16xi32> to vector<16x1xi32>
    %gather3A_570 = vector.shape_cast %broadcast_in_dim3A_569 : vector<16x1xi32> to vector<16xi32>
    %gather3A_571 = tpu.dynamic_gather %get3A_496[%gather3A_570] in [0] : vector<16xf32>, vector<16xi32> -> vector<16xf32>
    %broadcast_in_dim3A_572 = arith.constant 15 : i32
    %broadcast_in_dim3A_573 = vector.broadcast %broadcast_in_dim3A_572 : i32 to vector<16xi32>
    %broadcast_in_dim3A_574 = vector.shape_cast %broadcast_in_dim3A_573 : vector<16xi32> to vector<16x1xi32>
    %gather3A_575 = vector.shape_cast %broadcast_in_dim3A_574 : vector<16x1xi32> to vector<16xi32>
    %gather3A_576 = tpu.dynamic_gather %get3A_496[%gather3A_575] in [0] : vector<16xf32>, vector<16xi32> -> vector<16xf32>
    %scan3A_577 = arith.constant 0 : i32
    %scan3A_578 = arith.constant 0 : i32
    %scan3A_579 = arith.constant 48 : i32
    %scan3A_580 = arith.addi %scan3A_578, %scan3A_579 : i32
    %scan3A_581 = arith.constant 1 : i32
    %scan3A_582 = scf.for %scan3A_902 = %scan3A_578 to %scan3A_580 step %scan3A_581 iter_args(%scan3A_903 = %scan3A_577) -> (i32)  : i32 {
      %mul3A_904 = arith.constant 16 : i32
      %mul3A_905 = arith.muli %mul3A_904, %scan3A_902 : i32
      %get3A_906 = arith.constant 0 : i32
      %get3A_907 = arith.index_cast %get3A_906 : i32 to index
      %get3A_908 = arith.index_cast %mul3A_905 : i32 to index
      %get3A_909 = tpu.vector_load %arg9[%get3A_907, %get3A_908] {strides = array<i32>} : memref<16x768xf32, #tpu.memory_space<vmem>>, vector<16xf32>,
      %mul3A_910 = arith.constant 16 : i32
      %mul3A_911 = arith.muli %mul3A_910, %scan3A_902 : i32
      %get3A_912 = arith.constant 1 : i32
      %get3A_913 = arith.index_cast %get3A_912 : i32 to index
      %get3A_914 = arith.index_cast %mul3A_911 : i32 to index
      %get3A_915 = tpu.vector_load %arg9[%get3A_913, %get3A_914] {strides = array<i32>} : memref<16x768xf32, #tpu.memory_space<vmem>>, vector<16xf32>,
      %mul3A_916 = arith.mulf %get3A_909, %gather3A_501 : vector<16xf32>
      %mul3A_917 = arith.mulf %get3A_915, %gather3A_506 : vector<16xf32>
      %add3A_918 = arith.addf %mul3A_916, %mul3A_917 : vector<16xf32>
      %mul3A_919 = arith.constant 16 : i32
      %mul3A_920 = arith.muli %mul3A_919, %scan3A_902 : i32
      %swap3A_921 = arith.constant 0 : i32
      %swap3A_922 = arith.index_cast %swap3A_921 : i32 to index
      %swap3A_923 = arith.index_cast %mul3A_920 : i32 to index
      %swap3A_924 = tpu.vector_load %arg11[%swap3A_922, %swap3A_923] {strides = array<i32>} : memref<8x768xf32, #tpu.memory_space<vmem>>, vector<16xf32>,
      tpu.vector_store %arg11[%swap3A_922, %swap3A_923], %add3A_918 {strides = array<i32>} : memref<8x768xf32, #tpu.memory_space<vmem>>, vector<16xf32>,
      %mul3A_925 = arith.constant 16 : i32
      %mul3A_926 = arith.muli %mul3A_925, %scan3A_902 : i32
      %get3A_927 = arith.constant 2 : i32
      %get3A_928 = arith.index_cast %get3A_927 : i32 to index
      %get3A_929 = arith.index_cast %mul3A_926 : i32 to index
      %get3A_930 = tpu.vector_load %arg9[%get3A_928, %get3A_929] {strides = array<i32>} : memref<16x768xf32, #tpu.memory_space<vmem>>, vector<16xf32>,
      %mul3A_931 = arith.constant 16 : i32
      %mul3A_932 = arith.muli %mul3A_931, %scan3A_902 : i32
      %get3A_933 = arith.constant 3 : i32
      %get3A_934 = arith.index_cast %get3A_933 : i32 to index
      %get3A_935 = arith.index_cast %mul3A_932 : i32 to index
      %get3A_936 = tpu.vector_load %arg9[%get3A_934, %get3A_935] {strides = array<i32>} : memref<16x768xf32, #tpu.memory_space<vmem>>, vector<16xf32>,
      %mul3A_937 = arith.mulf %get3A_930, %gather3A_511 : vector<16xf32>
      %mul3A_938 = arith.mulf %get3A_936, %gather3A_516 : vector<16xf32>
      %add3A_939 = arith.addf %mul3A_937, %mul3A_938 : vector<16xf32>
      %mul3A_940 = arith.constant 16 : i32
      %mul3A_941 = arith.muli %mul3A_940, %scan3A_902 : i32
      %swap3A_942 = arith.constant 1 : i32
      %swap3A_943 = arith.index_cast %swap3A_942 : i32 to index
      %swap3A_944 = arith.index_cast %mul3A_941 : i32 to index
      %swap3A_945 = tpu.vector_load %arg11[%swap3A_943, %swap3A_944] {strides = array<i32>} : memref<8x768xf32, #tpu.memory_space<vmem>>, vector<16xf32>,
      tpu.vector_store %arg11[%swap3A_943, %swap3A_944], %add3A_939 {strides = array<i32>} : memref<8x768xf32, #tpu.memory_space<vmem>>, vector<16xf32>,
      %mul3A_946 = arith.constant 16 : i32
      %mul3A_947 = arith.muli %mul3A_946, %scan3A_902 : i32
      %get3A_948 = arith.constant 4 : i32
      %get3A_949 = arith.index_cast %get3A_948 : i32 to index
      %get3A_950 = arith.index_cast %mul3A_947 : i32 to index
      %get3A_951 = tpu.vector_load %arg9[%get3A_949, %get3A_950] {strides = array<i32>} : memref<16x768xf32, #tpu.memory_space<vmem>>, vector<16xf32>,
      %mul3A_952 = arith.constant 16 : i32
      %mul3A_953 = arith.muli %mul3A_952, %scan3A_902 : i32
      %get3A_954 = arith.constant 5 : i32
      %get3A_955 = arith.index_cast %get3A_954 : i32 to index
      %get3A_956 = arith.index_cast %mul3A_953 : i32 to index
      %get3A_957 = tpu.vector_load %arg9[%get3A_955, %get3A_956] {strides = array<i32>} : memref<16x768xf32, #tpu.memory_space<vmem>>, vector<16xf32>,
      %mul3A_958 = arith.mulf %get3A_951, %gather3A_521 : vector<16xf32>
      %mul3A_959 = arith.mulf %get3A_957, %gather3A_526 : vector<16xf32>
      %add3A_960 = arith.addf %mul3A_958, %mul3A_959 : vector<16xf32>
      %mul3A_961 = arith.constant 16 : i32
      %mul3A_962 = arith.muli %mul3A_961, %scan3A_902 : i32
      %swap3A_963 = arith.constant 2 : i32
      %swap3A_964 = arith.index_cast %swap3A_963 : i32 to index
      %swap3A_965 = arith.index_cast %mul3A_962 : i32 to index
      %swap3A_966 = tpu.vector_load %arg11[%swap3A_964, %swap3A_965] {strides = array<i32>} : memref<8x768xf32, #tpu.memory_space<vmem>>, vector<16xf32>,
      tpu.vector_store %arg11[%swap3A_964, %swap3A_965], %add3A_960 {strides = array<i32>} : memref<8x768xf32, #tpu.memory_space<vmem>>, vector<16xf32>,
      %mul3A_967 = arith.constant 16 : i32
      %mul3A_968 = arith.muli %mul3A_967, %scan3A_902 : i32
      %get3A_969 = arith.constant 6 : i32
      %get3A_970 = arith.index_cast %get3A_969 : i32 to index
      %get3A_971 = arith.index_cast %mul3A_968 : i32 to index
      %get3A_972 = tpu.vector_load %arg9[%get3A_970, %get3A_971] {strides = array<i32>} : memref<16x768xf32, #tpu.memory_space<vmem>>, vector<16xf32>,
      %mul3A_973 = arith.constant 16 : i32
      %mul3A_974 = arith.muli %mul3A_973, %scan3A_902 : i32
      %get3A_975 = arith.constant 7 : i32
      %get3A_976 = arith.index_cast %get3A_975 : i32 to index
      %get3A_977 = arith.index_cast %mul3A_974 : i32 to index
      %get3A_978 = tpu.vector_load %arg9[%get3A_976, %get3A_977] {strides = array<i32>} : memref<16x768xf32, #tpu.memory_space<vmem>>, vector<16xf32>,
      %mul3A_979 = arith.mulf %get3A_972, %gather3A_531 : vector<16xf32>
      %mul3A_980 = arith.mulf %get3A_978, %gather3A_536 : vector<16xf32>
      %add3A_981 = arith.addf %mul3A_979, %mul3A_980 : vector<16xf32>
      %mul3A_982 = arith.constant 16 : i32
      %mul3A_983 = arith.muli %mul3A_982, %scan3A_902 : i32
      %swap3A_984 = arith.constant 3 : i32
      %swap3A_985 = arith.index_cast %swap3A_984 : i32 to index
      %swap3A_986 = arith.index_cast %mul3A_983 : i32 to index
      %swap3A_987 = tpu.vector_load %arg11[%swap3A_985, %swap3A_986] {strides = array<i32>} : memref<8x768xf32, #tpu.memory_space<vmem>>, vector<16xf32>,
      tpu.vector_store %arg11[%swap3A_985, %swap3A_986], %add3A_981 {strides = array<i32>} : memref<8x768xf32, #tpu.memory_space<vmem>>, vector<16xf32>,
      %mul3A_988 = arith.constant 16 : i32
      %mul3A_989 = arith.muli %mul3A_988, %scan3A_902 : i32
      %get3A_990 = arith.constant 8 : i32
      %get3A_991 = arith.index_cast %get3A_990 : i32 to index
      %get3A_992 = arith.index_cast %mul3A_989 : i32 to index
      %get3A_993 = tpu.vector_load %arg9[%get3A_991, %get3A_992] {strides = array<i32>} : memref<16x768xf32, #tpu.memory_space<vmem>>, vector<16xf32>,
      %mul3A_994 = arith.constant 16 : i32
      %mul3A_995 = arith.muli %mul3A_994, %scan3A_902 : i32
      %get3A_996 = arith.constant 9 : i32
      %get3A_997 = arith.index_cast %get3A_996 : i32 to index
      %get3A_998 = arith.index_cast %mul3A_995 : i32 to index
      %get3A_999 = tpu.vector_load %arg9[%get3A_997, %get3A_998] {strides = array<i32>} : memref<16x768xf32, #tpu.memory_space<vmem>>, vector<16xf32>,
      %mul3A_1000 = arith.mulf %get3A_993, %gather3A_541 : vector<16xf32>
      %mul3A_1001 = arith.mulf %get3A_999, %gather3A_546 : vector<16xf32>
      %add3A_1002 = arith.addf %mul3A_1000, %mul3A_1001 : vector<16xf32>
      %mul3A_1003 = arith.constant 16 : i32
      %mul3A_1004 = arith.muli %mul3A_1003, %scan3A_902 : i32
      %swap3A_1005 = arith.constant 4 : i32
      %swap3A_1006 = arith.index_cast %swap3A_1005 : i32 to index
      %swap3A_1007 = arith.index_cast %mul3A_1004 : i32 to index
      %swap3A_1008 = tpu.vector_load %arg11[%swap3A_1006, %swap3A_1007] {strides = array<i32>} : memref<8x768xf32, #tpu.memory_space<vmem>>, vector<16xf32>,
      tpu.vector_store %arg11[%swap3A_1006, %swap3A_1007], %add3A_1002 {strides = array<i32>} : memref<8x768xf32, #tpu.memory_space<vmem>>, vector<16xf32>,
      %mul3A_1009 = arith.constant 16 : i32
      %mul3A_1010 = arith.muli %mul3A_1009, %scan3A_902 : i32
      %get3A_1011 = arith.constant 10 : i32
      %get3A_1012 = arith.index_cast %get3A_1011 : i32 to index
      %get3A_1013 = arith.index_cast %mul3A_1010 : i32 to index
      %get3A_1014 = tpu.vector_load %arg9[%get3A_1012, %get3A_1013] {strides = array<i32>} : memref<16x768xf32, #tpu.memory_space<vmem>>, vector<16xf32>,
      %mul3A_1015 = arith.constant 16 : i32
      %mul3A_1016 = arith.muli %mul3A_1015, %scan3A_902 : i32
      %get3A_1017 = arith.constant 11 : i32
      %get3A_1018 = arith.index_cast %get3A_1017 : i32 to index
      %get3A_1019 = arith.index_cast %mul3A_1016 : i32 to index
      %get3A_1020 = tpu.vector_load %arg9[%get3A_1018, %get3A_1019] {strides = array<i32>} : memref<16x768xf32, #tpu.memory_space<vmem>>, vector<16xf32>,
      %mul3A_1021 = arith.mulf %get3A_1014, %gather3A_551 : vector<16xf32>
      %mul3A_1022 = arith.mulf %get3A_1020, %gather3A_556 : vector<16xf32>
      %add3A_1023 = arith.addf %mul3A_1021, %mul3A_1022 : vector<16xf32>
      %mul3A_1024 = arith.constant 16 : i32
      %mul3A_1025 = arith.muli %mul3A_1024, %scan3A_902 : i32
      %swap3A_1026 = arith.constant 5 : i32
      %swap3A_1027 = arith.index_cast %swap3A_1026 : i32 to index
      %swap3A_1028 = arith.index_cast %mul3A_1025 : i32 to index
      %swap3A_1029 = tpu.vector_load %arg11[%swap3A_1027, %swap3A_1028] {strides = array<i32>} : memref<8x768xf32, #tpu.memory_space<vmem>>, vector<16xf32>,
      tpu.vector_store %arg11[%swap3A_1027, %swap3A_1028], %add3A_1023 {strides = array<i32>} : memref<8x768xf32, #tpu.memory_space<vmem>>, vector<16xf32>,
      %mul3A_1030 = arith.constant 16 : i32
      %mul3A_1031 = arith.muli %mul3A_1030, %scan3A_902 : i32
      %get3A_1032 = arith.constant 12 : i32
      %get3A_1033 = arith.index_cast %get3A_1032 : i32 to index
      %get3A_1034 = arith.index_cast %mul3A_1031 : i32 to index
      %get3A_1035 = tpu.vector_load %arg9[%get3A_1033, %get3A_1034] {strides = array<i32>} : memref<16x768xf32, #tpu.memory_space<vmem>>, vector<16xf32>,
      %mul3A_1036 = arith.constant 16 : i32
      %mul3A_1037 = arith.muli %mul3A_1036, %scan3A_902 : i32
      %get3A_1038 = arith.constant 13 : i32
      %get3A_1039 = arith.index_cast %get3A_1038 : i32 to index
      %get3A_1040 = arith.index_cast %mul3A_1037 : i32 to index
      %get3A_1041 = tpu.vector_load %arg9[%get3A_1039, %get3A_1040] {strides = array<i32>} : memref<16x768xf32, #tpu.memory_space<vmem>>, vector<16xf32>,
      %mul3A_1042 = arith.mulf %get3A_1035, %gather3A_561 : vector<16xf32>
      %mul3A_1043 = arith.mulf %get3A_1041, %gather3A_566 : vector<16xf32>
      %add3A_1044 = arith.addf %mul3A_1042, %mul3A_1043 : vector<16xf32>
      %mul3A_1045 = arith.constant 16 : i32
      %mul3A_1046 = arith.muli %mul3A_1045, %scan3A_902 : i32
      %swap3A_1047 = arith.constant 6 : i32
      %swap3A_1048 = arith.index_cast %swap3A_1047 : i32 to index
      %swap3A_1049 = arith.index_cast %mul3A_1046 : i32 to index
      %swap3A_1050 = tpu.vector_load %arg11[%swap3A_1048, %swap3A_1049] {strides = array<i32>} : memref<8x768xf32, #tpu.memory_space<vmem>>, vector<16xf32>,
      tpu.vector_store %arg11[%swap3A_1048, %swap3A_1049], %add3A_1044 {strides = array<i32>} : memref<8x768xf32, #tpu.memory_space<vmem>>, vector<16xf32>,
      %mul3A_1051 = arith.constant 16 : i32
      %mul3A_1052 = arith.muli %mul3A_1051, %scan3A_902 : i32
      %get3A_1053 = arith.constant 14 : i32
      %get3A_1054 = arith.index_cast %get3A_1053 : i32 to index
      %get3A_1055 = arith.index_cast %mul3A_1052 : i32 to index
      %get3A_1056 = tpu.vector_load %arg9[%get3A_1054, %get3A_1055] {strides = array<i32>} : memref<16x768xf32, #tpu.memory_space<vmem>>, vector<16xf32>,
      %mul3A_1057 = arith.constant 16 : i32
      %mul3A_1058 = arith.muli %mul3A_1057, %scan3A_902 : i32
      %get3A_1059 = arith.constant 15 : i32
      %get3A_1060 = arith.index_cast %get3A_1059 : i32 to index
      %get3A_1061 = arith.index_cast %mul3A_1058 : i32 to index
      %get3A_1062 = tpu.vector_load %arg9[%get3A_1060, %get3A_1061] {strides = array<i32>} : memref<16x768xf32, #tpu.memory_space<vmem>>, vector<16xf32>,
      %mul3A_1063 = arith.mulf %get3A_1056, %gather3A_571 : vector<16xf32>
      %mul3A_1064 = arith.mulf %get3A_1062, %gather3A_576 : vector<16xf32>
      %add3A_1065 = arith.addf %mul3A_1063, %mul3A_1064 : vector<16xf32>
      %mul3A_1066 = arith.constant 16 : i32
      %mul3A_1067 = arith.muli %mul3A_1066, %scan3A_902 : i32
      %swap3A_1068 = arith.constant 7 : i32
      %swap3A_1069 = arith.index_cast %swap3A_1068 : i32 to index
      %swap3A_1070 = arith.index_cast %mul3A_1067 : i32 to index
      %swap3A_1071 = tpu.vector_load %arg11[%swap3A_1069, %swap3A_1070] {strides = array<i32>} : memref<8x768xf32, #tpu.memory_space<vmem>>, vector<16xf32>,
      tpu.vector_store %arg11[%swap3A_1069, %swap3A_1070], %add3A_1065 {strides = array<i32>} : memref<8x768xf32, #tpu.memory_space<vmem>>, vector<16xf32>,
      %scan3A_1072 = arith.constant 0 : i32
      scf.yield %scan3A_1072 : i32
    }
    %scan3A_583 = arith.constant 48 : i32
    %mul3A_584 = arith.constant 64 : i32
    %mul3A_585 = arith.muli %add3A, %mul3A_584 : i32
    %add3A_586 = arith.constant 32 : i32
    %add3A_587 = arith.addi %mul3A_585, %add3A_586 : i32
    "tpu.region"() ({
      %run_scoped3A = tpu.sem_alloc : memref<!tpu.dma_semaphore, #tpu.memory_space<semaphore_mem>>
      %dma_start3A_902 = arith.constant 0 : i32
      %dma_start3A_903 = tpu.memref_slice %arg5[%add3A_587, %dma_start3A_902] : memref<2048x768xf32, #tpu.memory_space<hbm>> -> memref<8x768xf32, #tpu.memory_space<hbm>>
      %dma_start3A_904 = arith.constant 0 : i32
      %dma_start3A_905 = tpu.memref_slice %arg5[%add3A_587, %dma_start3A_904] : memref<2048x768xf32, #tpu.memory_space<hbm>> -> memref<8x768xf32, #tpu.memory_space<hbm>>
      tpu.enqueue_dma source(%arg11 : memref<8x768xf32, #tpu.memory_space<vmem>>) target(%dma_start3A_905 : memref<8x768xf32, #tpu.memory_space<hbm>>) target_semaphore(%run_scoped3A : memref<!tpu.dma_semaphore, #tpu.memory_space<semaphore_mem>>)
      %dma_wait3A_906 = arith.constant 0 : i32
      %dma_wait3A_907 = tpu.memref_slice %arg5[%add3A_587, %dma_wait3A_906] : memref<2048x768xf32, #tpu.memory_space<hbm>> -> memref<8x768xf32, #tpu.memory_space<hbm>>
      %dma_wait3A_908 = arith.constant 0 : i32
      %dma_wait3A_909 = tpu.memref_slice %arg5[%add3A_587, %dma_wait3A_908] : memref<2048x768xf32, #tpu.memory_space<hbm>> -> memref<8x768xf32, #tpu.memory_space<hbm>>
      tpu.wait_dma2 semaphore(%run_scoped3A : memref<!tpu.dma_semaphore, #tpu.memory_space<semaphore_mem>>) src(%arg11 : memref<8x768xf32, #tpu.memory_space<vmem>>) dst(%dma_wait3A_909 : memref<8x768xf32, #tpu.memory_space<hbm>>)
      tpu.yield
    }) : () -> ()
    %dma_start3A_588 = arith.constant 6 : i32
    %dma_start3A_589 = arith.constant 0 : i32
    %dma_start3A_590 = tpu.memref_slice %arg8[%dma_start3A_588, %dma_start3A_589] : memref<8x16xi32, #tpu.memory_space<vmem>> -> memref<1x16xi32, #tpu.memory_space<vmem>>
    %dma_start3A_591 = tpu.memref_squeeze %dma_start3A_590 : memref<1x16xi32, #tpu.memory_space<vmem>> -> memref<16xi32, #tpu.memory_space<vmem>>
    %dma_start3A_592 = arith.constant 0 : i32
    %dma_start3A_593 = arith.constant 0 : i32
    %dma_start3A_594 = tpu.memref_slice %arg2[%dma_start3A_592, %dma_start3A_593] : memref<5888x768xf32, #tpu.memory_space<hbm>> -> memref<5888x768xf32, #tpu.memory_space<hbm>>
    tpu.enqueue_indirect_dma source(%dma_start3A_594 : memref<5888x768xf32, #tpu.memory_space<hbm>>) target(%arg9 : memref<16x768xf32, #tpu.memory_space<vmem>>) offsets(%dma_start3A_591 : memref<16xi32, #tpu.memory_space<vmem>>) semaphore(%arg12 : memref<!tpu.dma_semaphore, #tpu.memory_space<semaphore_mem>>)
    %dma_wait3A_595 = arith.constant 5 : i32
    %dma_wait3A_596 = arith.constant 0 : i32
    %dma_wait3A_597 = tpu.memref_slice %arg8[%dma_wait3A_595, %dma_wait3A_596] : memref<8x16xi32, #tpu.memory_space<vmem>> -> memref<1x16xi32, #tpu.memory_space<vmem>>
    %dma_wait3A_598 = tpu.memref_squeeze %dma_wait3A_597 : memref<1x16xi32, #tpu.memory_space<vmem>> -> memref<16xi32, #tpu.memory_space<vmem>>
    %dma_wait3A_599 = arith.constant 0 : i32
    %dma_wait3A_600 = arith.constant 0 : i32
    %dma_wait3A_601 = tpu.memref_slice %arg2[%dma_wait3A_599, %dma_wait3A_600] : memref<5888x768xf32, #tpu.memory_space<hbm>> -> memref<5888x768xf32, #tpu.memory_space<hbm>>
    tpu.wait_indirect_dma semaphore(%arg13 : memref<!tpu.dma_semaphore, #tpu.memory_space<semaphore_mem>>) src(%dma_wait3A_601 : memref<5888x768xf32, #tpu.memory_space<hbm>>) dst(%arg10 : memref<16x768xf32, #tpu.memory_space<vmem>>)
    %get3A_602 = arith.constant 80 : index
    %get3A_603 = tpu.vector_load %arg7[%get3A_602] {strides = array<i32>} : memref<128xf32, #tpu.memory_space<vmem>>, vector<16xf32>,
    %broadcast_in_dim3A_604 = arith.constant 0 : i32
    %broadcast_in_dim3A_605 = vector.broadcast %broadcast_in_dim3A_604 : i32 to vector<16xi32>
    %broadcast_in_dim3A_606 = vector.shape_cast %broadcast_in_dim3A_605 : vector<16xi32> to vector<16x1xi32>
    %gather3A_607 = vector.shape_cast %broadcast_in_dim3A_606 : vector<16x1xi32> to vector<16xi32>
    %gather3A_608 = tpu.dynamic_gather %get3A_603[%gather3A_607] in [0] : vector<16xf32>, vector<16xi32> -> vector<16xf32>
    %broadcast_in_dim3A_609 = arith.constant 1 : i32
    %broadcast_in_dim3A_610 = vector.broadcast %broadcast_in_dim3A_609 : i32 to vector<16xi32>
    %broadcast_in_dim3A_611 = vector.shape_cast %broadcast_in_dim3A_610 : vector<16xi32> to vector<16x1xi32>
    %gather3A_612 = vector.shape_cast %broadcast_in_dim3A_611 : vector<16x1xi32> to vector<16xi32>
    %gather3A_613 = tpu.dynamic_gather %get3A_603[%gather3A_612] in [0] : vector<16xf32>, vector<16xi32> -> vector<16xf32>
    %broadcast_in_dim3A_614 = arith.constant 2 : i32
    %broadcast_in_dim3A_615 = vector.broadcast %broadcast_in_dim3A_614 : i32 to vector<16xi32>
    %broadcast_in_dim3A_616 = vector.shape_cast %broadcast_in_dim3A_615 : vector<16xi32> to vector<16x1xi32>
    %gather3A_617 = vector.shape_cast %broadcast_in_dim3A_616 : vector<16x1xi32> to vector<16xi32>
    %gather3A_618 = tpu.dynamic_gather %get3A_603[%gather3A_617] in [0] : vector<16xf32>, vector<16xi32> -> vector<16xf32>
    %broadcast_in_dim3A_619 = arith.constant 3 : i32
    %broadcast_in_dim3A_620 = vector.broadcast %broadcast_in_dim3A_619 : i32 to vector<16xi32>
    %broadcast_in_dim3A_621 = vector.shape_cast %broadcast_in_dim3A_620 : vector<16xi32> to vector<16x1xi32>
    %gather3A_622 = vector.shape_cast %broadcast_in_dim3A_621 : vector<16x1xi32> to vector<16xi32>
    %gather3A_623 = tpu.dynamic_gather %get3A_603[%gather3A_622] in [0] : vector<16xf32>, vector<16xi32> -> vector<16xf32>
    %broadcast_in_dim3A_624 = arith.constant 4 : i32
    %broadcast_in_dim3A_625 = vector.broadcast %broadcast_in_dim3A_624 : i32 to vector<16xi32>
    %broadcast_in_dim3A_626 = vector.shape_cast %broadcast_in_dim3A_625 : vector<16xi32> to vector<16x1xi32>
    %gather3A_627 = vector.shape_cast %broadcast_in_dim3A_626 : vector<16x1xi32> to vector<16xi32>
    %gather3A_628 = tpu.dynamic_gather %get3A_603[%gather3A_627] in [0] : vector<16xf32>, vector<16xi32> -> vector<16xf32>
    %broadcast_in_dim3A_629 = arith.constant 5 : i32
    %broadcast_in_dim3A_630 = vector.broadcast %broadcast_in_dim3A_629 : i32 to vector<16xi32>
    %broadcast_in_dim3A_631 = vector.shape_cast %broadcast_in_dim3A_630 : vector<16xi32> to vector<16x1xi32>
    %gather3A_632 = vector.shape_cast %broadcast_in_dim3A_631 : vector<16x1xi32> to vector<16xi32>
    %gather3A_633 = tpu.dynamic_gather %get3A_603[%gather3A_632] in [0] : vector<16xf32>, vector<16xi32> -> vector<16xf32>
    %broadcast_in_dim3A_634 = arith.constant 6 : i32
    %broadcast_in_dim3A_635 = vector.broadcast %broadcast_in_dim3A_634 : i32 to vector<16xi32>
    %broadcast_in_dim3A_636 = vector.shape_cast %broadcast_in_dim3A_635 : vector<16xi32> to vector<16x1xi32>
    %gather3A_637 = vector.shape_cast %broadcast_in_dim3A_636 : vector<16x1xi32> to vector<16xi32>
    %gather3A_638 = tpu.dynamic_gather %get3A_603[%gather3A_637] in [0] : vector<16xf32>, vector<16xi32> -> vector<16xf32>
    %broadcast_in_dim3A_639 = arith.constant 7 : i32
    %broadcast_in_dim3A_640 = vector.broadcast %broadcast_in_dim3A_639 : i32 to vector<16xi32>
    %broadcast_in_dim3A_641 = vector.shape_cast %broadcast_in_dim3A_640 : vector<16xi32> to vector<16x1xi32>
    %gather3A_642 = vector.shape_cast %broadcast_in_dim3A_641 : vector<16x1xi32> to vector<16xi32>
    %gather3A_643 = tpu.dynamic_gather %get3A_603[%gather3A_642] in [0] : vector<16xf32>, vector<16xi32> -> vector<16xf32>
    %broadcast_in_dim3A_644 = arith.constant 8 : i32
    %broadcast_in_dim3A_645 = vector.broadcast %broadcast_in_dim3A_644 : i32 to vector<16xi32>
    %broadcast_in_dim3A_646 = vector.shape_cast %broadcast_in_dim3A_645 : vector<16xi32> to vector<16x1xi32>
    %gather3A_647 = vector.shape_cast %broadcast_in_dim3A_646 : vector<16x1xi32> to vector<16xi32>
    %gather3A_648 = tpu.dynamic_gather %get3A_603[%gather3A_647] in [0] : vector<16xf32>, vector<16xi32> -> vector<16xf32>
    %broadcast_in_dim3A_649 = arith.constant 9 : i32
    %broadcast_in_dim3A_650 = vector.broadcast %broadcast_in_dim3A_649 : i32 to vector<16xi32>
    %broadcast_in_dim3A_651 = vector.shape_cast %broadcast_in_dim3A_650 : vector<16xi32> to vector<16x1xi32>
    %gather3A_652 = vector.shape_cast %broadcast_in_dim3A_651 : vector<16x1xi32> to vector<16xi32>
    %gather3A_653 = tpu.dynamic_gather %get3A_603[%gather3A_652] in [0] : vector<16xf32>, vector<16xi32> -> vector<16xf32>
    %broadcast_in_dim3A_654 = arith.constant 10 : i32
    %broadcast_in_dim3A_655 = vector.broadcast %broadcast_in_dim3A_654 : i32 to vector<16xi32>
    %broadcast_in_dim3A_656 = vector.shape_cast %broadcast_in_dim3A_655 : vector<16xi32> to vector<16x1xi32>
    %gather3A_657 = vector.shape_cast %broadcast_in_dim3A_656 : vector<16x1xi32> to vector<16xi32>
    %gather3A_658 = tpu.dynamic_gather %get3A_603[%gather3A_657] in [0] : vector<16xf32>, vector<16xi32> -> vector<16xf32>
    %broadcast_in_dim3A_659 = arith.constant 11 : i32
    %broadcast_in_dim3A_660 = vector.broadcast %broadcast_in_dim3A_659 : i32 to vector<16xi32>
    %broadcast_in_dim3A_661 = vector.shape_cast %broadcast_in_dim3A_660 : vector<16xi32> to vector<16x1xi32>
    %gather3A_662 = vector.shape_cast %broadcast_in_dim3A_661 : vector<16x1xi32> to vector<16xi32>
    %gather3A_663 = tpu.dynamic_gather %get3A_603[%gather3A_662] in [0] : vector<16xf32>, vector<16xi32> -> vector<16xf32>
    %broadcast_in_dim3A_664 = arith.constant 12 : i32
    %broadcast_in_dim3A_665 = vector.broadcast %broadcast_in_dim3A_664 : i32 to vector<16xi32>
    %broadcast_in_dim3A_666 = vector.shape_cast %broadcast_in_dim3A_665 : vector<16xi32> to vector<16x1xi32>
    %gather3A_667 = vector.shape_cast %broadcast_in_dim3A_666 : vector<16x1xi32> to vector<16xi32>
    %gather3A_668 = tpu.dynamic_gather %get3A_603[%gather3A_667] in [0] : vector<16xf32>, vector<16xi32> -> vector<16xf32>
    %broadcast_in_dim3A_669 = arith.constant 13 : i32
    %broadcast_in_dim3A_670 = vector.broadcast %broadcast_in_dim3A_669 : i32 to vector<16xi32>
    %broadcast_in_dim3A_671 = vector.shape_cast %broadcast_in_dim3A_670 : vector<16xi32> to vector<16x1xi32>
    %gather3A_672 = vector.shape_cast %broadcast_in_dim3A_671 : vector<16x1xi32> to vector<16xi32>
    %gather3A_673 = tpu.dynamic_gather %get3A_603[%gather3A_672] in [0] : vector<16xf32>, vector<16xi32> -> vector<16xf32>
    %broadcast_in_dim3A_674 = arith.constant 14 : i32
    %broadcast_in_dim3A_675 = vector.broadcast %broadcast_in_dim3A_674 : i32 to vector<16xi32>
    %broadcast_in_dim3A_676 = vector.shape_cast %broadcast_in_dim3A_675 : vector<16xi32> to vector<16x1xi32>
    %gather3A_677 = vector.shape_cast %broadcast_in_dim3A_676 : vector<16x1xi32> to vector<16xi32>
    %gather3A_678 = tpu.dynamic_gather %get3A_603[%gather3A_677] in [0] : vector<16xf32>, vector<16xi32> -> vector<16xf32>
    %broadcast_in_dim3A_679 = arith.constant 15 : i32
    %broadcast_in_dim3A_680 = vector.broadcast %broadcast_in_dim3A_679 : i32 to vector<16xi32>
    %broadcast_in_dim3A_681 = vector.shape_cast %broadcast_in_dim3A_680 : vector<16xi32> to vector<16x1xi32>
    %gather3A_682 = vector.shape_cast %broadcast_in_dim3A_681 : vector<16x1xi32> to vector<16xi32>
    %gather3A_683 = tpu.dynamic_gather %get3A_603[%gather3A_682] in [0] : vector<16xf32>, vector<16xi32> -> vector<16xf32>
    %scan3A_684 = arith.constant 0 : i32
    %scan3A_685 = arith.constant 0 : i32
    %scan3A_686 = arith.constant 48 : i32
    %scan3A_687 = arith.addi %scan3A_685, %scan3A_686 : i32
    %scan3A_688 = arith.constant 1 : i32
    %scan3A_689 = scf.for %scan3A_902 = %scan3A_685 to %scan3A_687 step %scan3A_688 iter_args(%scan3A_903 = %scan3A_684) -> (i32)  : i32 {
      %mul3A_904 = arith.constant 16 : i32
      %mul3A_905 = arith.muli %mul3A_904, %scan3A_902 : i32
      %get3A_906 = arith.constant 0 : i32
      %get3A_907 = arith.index_cast %get3A_906 : i32 to index
      %get3A_908 = arith.index_cast %mul3A_905 : i32 to index
      %get3A_909 = tpu.vector_load %arg10[%get3A_907, %get3A_908] {strides = array<i32>} : memref<16x768xf32, #tpu.memory_space<vmem>>, vector<16xf32>,
      %mul3A_910 = arith.constant 16 : i32
      %mul3A_911 = arith.muli %mul3A_910, %scan3A_902 : i32
      %get3A_912 = arith.constant 1 : i32
      %get3A_913 = arith.index_cast %get3A_912 : i32 to index
      %get3A_914 = arith.index_cast %mul3A_911 : i32 to index
      %get3A_915 = tpu.vector_load %arg10[%get3A_913, %get3A_914] {strides = array<i32>} : memref<16x768xf32, #tpu.memory_space<vmem>>, vector<16xf32>,
      %mul3A_916 = arith.mulf %get3A_909, %gather3A_608 : vector<16xf32>
      %mul3A_917 = arith.mulf %get3A_915, %gather3A_613 : vector<16xf32>
      %add3A_918 = arith.addf %mul3A_916, %mul3A_917 : vector<16xf32>
      %mul3A_919 = arith.constant 16 : i32
      %mul3A_920 = arith.muli %mul3A_919, %scan3A_902 : i32
      %swap3A_921 = arith.constant 0 : i32
      %swap3A_922 = arith.index_cast %swap3A_921 : i32 to index
      %swap3A_923 = arith.index_cast %mul3A_920 : i32 to index
      %swap3A_924 = tpu.vector_load %arg11[%swap3A_922, %swap3A_923] {strides = array<i32>} : memref<8x768xf32, #tpu.memory_space<vmem>>, vector<16xf32>,
      tpu.vector_store %arg11[%swap3A_922, %swap3A_923], %add3A_918 {strides = array<i32>} : memref<8x768xf32, #tpu.memory_space<vmem>>, vector<16xf32>,
      %mul3A_925 = arith.constant 16 : i32
      %mul3A_926 = arith.muli %mul3A_925, %scan3A_902 : i32
      %get3A_927 = arith.constant 2 : i32
      %get3A_928 = arith.index_cast %get3A_927 : i32 to index
      %get3A_929 = arith.index_cast %mul3A_926 : i32 to index
      %get3A_930 = tpu.vector_load %arg10[%get3A_928, %get3A_929] {strides = array<i32>} : memref<16x768xf32, #tpu.memory_space<vmem>>, vector<16xf32>,
      %mul3A_931 = arith.constant 16 : i32
      %mul3A_932 = arith.muli %mul3A_931, %scan3A_902 : i32
      %get3A_933 = arith.constant 3 : i32
      %get3A_934 = arith.index_cast %get3A_933 : i32 to index
      %get3A_935 = arith.index_cast %mul3A_932 : i32 to index
      %get3A_936 = tpu.vector_load %arg10[%get3A_934, %get3A_935] {strides = array<i32>} : memref<16x768xf32, #tpu.memory_space<vmem>>, vector<16xf32>,
      %mul3A_937 = arith.mulf %get3A_930, %gather3A_618 : vector<16xf32>
      %mul3A_938 = arith.mulf %get3A_936, %gather3A_623 : vector<16xf32>
      %add3A_939 = arith.addf %mul3A_937, %mul3A_938 : vector<16xf32>
      %mul3A_940 = arith.constant 16 : i32
      %mul3A_941 = arith.muli %mul3A_940, %scan3A_902 : i32
      %swap3A_942 = arith.constant 1 : i32
      %swap3A_943 = arith.index_cast %swap3A_942 : i32 to index
      %swap3A_944 = arith.index_cast %mul3A_941 : i32 to index
      %swap3A_945 = tpu.vector_load %arg11[%swap3A_943, %swap3A_944] {strides = array<i32>} : memref<8x768xf32, #tpu.memory_space<vmem>>, vector<16xf32>,
      tpu.vector_store %arg11[%swap3A_943, %swap3A_944], %add3A_939 {strides = array<i32>} : memref<8x768xf32, #tpu.memory_space<vmem>>, vector<16xf32>,
      %mul3A_946 = arith.constant 16 : i32
      %mul3A_947 = arith.muli %mul3A_946, %scan3A_902 : i32
      %get3A_948 = arith.constant 4 : i32
      %get3A_949 = arith.index_cast %get3A_948 : i32 to index
      %get3A_950 = arith.index_cast %mul3A_947 : i32 to index
      %get3A_951 = tpu.vector_load %arg10[%get3A_949, %get3A_950] {strides = array<i32>} : memref<16x768xf32, #tpu.memory_space<vmem>>, vector<16xf32>,
      %mul3A_952 = arith.constant 16 : i32
      %mul3A_953 = arith.muli %mul3A_952, %scan3A_902 : i32
      %get3A_954 = arith.constant 5 : i32
      %get3A_955 = arith.index_cast %get3A_954 : i32 to index
      %get3A_956 = arith.index_cast %mul3A_953 : i32 to index
      %get3A_957 = tpu.vector_load %arg10[%get3A_955, %get3A_956] {strides = array<i32>} : memref<16x768xf32, #tpu.memory_space<vmem>>, vector<16xf32>,
      %mul3A_958 = arith.mulf %get3A_951, %gather3A_628 : vector<16xf32>
      %mul3A_959 = arith.mulf %get3A_957, %gather3A_633 : vector<16xf32>
      %add3A_960 = arith.addf %mul3A_958, %mul3A_959 : vector<16xf32>
      %mul3A_961 = arith.constant 16 : i32
      %mul3A_962 = arith.muli %mul3A_961, %scan3A_902 : i32
      %swap3A_963 = arith.constant 2 : i32
      %swap3A_964 = arith.index_cast %swap3A_963 : i32 to index
      %swap3A_965 = arith.index_cast %mul3A_962 : i32 to index
      %swap3A_966 = tpu.vector_load %arg11[%swap3A_964, %swap3A_965] {strides = array<i32>} : memref<8x768xf32, #tpu.memory_space<vmem>>, vector<16xf32>,
      tpu.vector_store %arg11[%swap3A_964, %swap3A_965], %add3A_960 {strides = array<i32>} : memref<8x768xf32, #tpu.memory_space<vmem>>, vector<16xf32>,
      %mul3A_967 = arith.constant 16 : i32
      %mul3A_968 = arith.muli %mul3A_967, %scan3A_902 : i32
      %get3A_969 = arith.constant 6 : i32
      %get3A_970 = arith.index_cast %get3A_969 : i32 to index
      %get3A_971 = arith.index_cast %mul3A_968 : i32 to index
      %get3A_972 = tpu.vector_load %arg10[%get3A_970, %get3A_971] {strides = array<i32>} : memref<16x768xf32, #tpu.memory_space<vmem>>, vector<16xf32>,
      %mul3A_973 = arith.constant 16 : i32
      %mul3A_974 = arith.muli %mul3A_973, %scan3A_902 : i32
      %get3A_975 = arith.constant 7 : i32
      %get3A_976 = arith.index_cast %get3A_975 : i32 to index
      %get3A_977 = arith.index_cast %mul3A_974 : i32 to index
      %get3A_978 = tpu.vector_load %arg10[%get3A_976, %get3A_977] {strides = array<i32>} : memref<16x768xf32, #tpu.memory_space<vmem>>, vector<16xf32>,
      %mul3A_979 = arith.mulf %get3A_972, %gather3A_638 : vector<16xf32>
      %mul3A_980 = arith.mulf %get3A_978, %gather3A_643 : vector<16xf32>
      %add3A_981 = arith.addf %mul3A_979, %mul3A_980 : vector<16xf32>
      %mul3A_982 = arith.constant 16 : i32
      %mul3A_983 = arith.muli %mul3A_982, %scan3A_902 : i32
      %swap3A_984 = arith.constant 3 : i32
      %swap3A_985 = arith.index_cast %swap3A_984 : i32 to index
      %swap3A_986 = arith.index_cast %mul3A_983 : i32 to index
      %swap3A_987 = tpu.vector_load %arg11[%swap3A_985, %swap3A_986] {strides = array<i32>} : memref<8x768xf32, #tpu.memory_space<vmem>>, vector<16xf32>,
      tpu.vector_store %arg11[%swap3A_985, %swap3A_986], %add3A_981 {strides = array<i32>} : memref<8x768xf32, #tpu.memory_space<vmem>>, vector<16xf32>,
      %mul3A_988 = arith.constant 16 : i32
      %mul3A_989 = arith.muli %mul3A_988, %scan3A_902 : i32
      %get3A_990 = arith.constant 8 : i32
      %get3A_991 = arith.index_cast %get3A_990 : i32 to index
      %get3A_992 = arith.index_cast %mul3A_989 : i32 to index
      %get3A_993 = tpu.vector_load %arg10[%get3A_991, %get3A_992] {strides = array<i32>} : memref<16x768xf32, #tpu.memory_space<vmem>>, vector<16xf32>,
      %mul3A_994 = arith.constant 16 : i32
      %mul3A_995 = arith.muli %mul3A_994, %scan3A_902 : i32
      %get3A_996 = arith.constant 9 : i32
      %get3A_997 = arith.index_cast %get3A_996 : i32 to index
      %get3A_998 = arith.index_cast %mul3A_995 : i32 to index
      %get3A_999 = tpu.vector_load %arg10[%get3A_997, %get3A_998] {strides = array<i32>} : memref<16x768xf32, #tpu.memory_space<vmem>>, vector<16xf32>,
      %mul3A_1000 = arith.mulf %get3A_993, %gather3A_648 : vector<16xf32>
      %mul3A_1001 = arith.mulf %get3A_999, %gather3A_653 : vector<16xf32>
      %add3A_1002 = arith.addf %mul3A_1000, %mul3A_1001 : vector<16xf32>
      %mul3A_1003 = arith.constant 16 : i32
      %mul3A_1004 = arith.muli %mul3A_1003, %scan3A_902 : i32
      %swap3A_1005 = arith.constant 4 : i32
      %swap3A_1006 = arith.index_cast %swap3A_1005 : i32 to index
      %swap3A_1007 = arith.index_cast %mul3A_1004 : i32 to index
      %swap3A_1008 = tpu.vector_load %arg11[%swap3A_1006, %swap3A_1007] {strides = array<i32>} : memref<8x768xf32, #tpu.memory_space<vmem>>, vector<16xf32>,
      tpu.vector_store %arg11[%swap3A_1006, %swap3A_1007], %add3A_1002 {strides = array<i32>} : memref<8x768xf32, #tpu.memory_space<vmem>>, vector<16xf32>,
      %mul3A_1009 = arith.constant 16 : i32
      %mul3A_1010 = arith.muli %mul3A_1009, %scan3A_902 : i32
      %get3A_1011 = arith.constant 10 : i32
      %get3A_1012 = arith.index_cast %get3A_1011 : i32 to index
      %get3A_1013 = arith.index_cast %mul3A_1010 : i32 to index
      %get3A_1014 = tpu.vector_load %arg10[%get3A_1012, %get3A_1013] {strides = array<i32>} : memref<16x768xf32, #tpu.memory_space<vmem>>, vector<16xf32>,
      %mul3A_1015 = arith.constant 16 : i32
      %mul3A_1016 = arith.muli %mul3A_1015, %scan3A_902 : i32
      %get3A_1017 = arith.constant 11 : i32
      %get3A_1018 = arith.index_cast %get3A_1017 : i32 to index
      %get3A_1019 = arith.index_cast %mul3A_1016 : i32 to index
      %get3A_1020 = tpu.vector_load %arg10[%get3A_1018, %get3A_1019] {strides = array<i32>} : memref<16x768xf32, #tpu.memory_space<vmem>>, vector<16xf32>,
      %mul3A_1021 = arith.mulf %get3A_1014, %gather3A_658 : vector<16xf32>
      %mul3A_1022 = arith.mulf %get3A_1020, %gather3A_663 : vector<16xf32>
      %add3A_1023 = arith.addf %mul3A_1021, %mul3A_1022 : vector<16xf32>
      %mul3A_1024 = arith.constant 16 : i32
      %mul3A_1025 = arith.muli %mul3A_1024, %scan3A_902 : i32
      %swap3A_1026 = arith.constant 5 : i32
      %swap3A_1027 = arith.index_cast %swap3A_1026 : i32 to index
      %swap3A_1028 = arith.index_cast %mul3A_1025 : i32 to index
      %swap3A_1029 = tpu.vector_load %arg11[%swap3A_1027, %swap3A_1028] {strides = array<i32>} : memref<8x768xf32, #tpu.memory_space<vmem>>, vector<16xf32>,
      tpu.vector_store %arg11[%swap3A_1027, %swap3A_1028], %add3A_1023 {strides = array<i32>} : memref<8x768xf32, #tpu.memory_space<vmem>>, vector<16xf32>,
      %mul3A_1030 = arith.constant 16 : i32
      %mul3A_1031 = arith.muli %mul3A_1030, %scan3A_902 : i32
      %get3A_1032 = arith.constant 12 : i32
      %get3A_1033 = arith.index_cast %get3A_1032 : i32 to index
      %get3A_1034 = arith.index_cast %mul3A_1031 : i32 to index
      %get3A_1035 = tpu.vector_load %arg10[%get3A_1033, %get3A_1034] {strides = array<i32>} : memref<16x768xf32, #tpu.memory_space<vmem>>, vector<16xf32>,
      %mul3A_1036 = arith.constant 16 : i32
      %mul3A_1037 = arith.muli %mul3A_1036, %scan3A_902 : i32
      %get3A_1038 = arith.constant 13 : i32
      %get3A_1039 = arith.index_cast %get3A_1038 : i32 to index
      %get3A_1040 = arith.index_cast %mul3A_1037 : i32 to index
      %get3A_1041 = tpu.vector_load %arg10[%get3A_1039, %get3A_1040] {strides = array<i32>} : memref<16x768xf32, #tpu.memory_space<vmem>>, vector<16xf32>,
      %mul3A_1042 = arith.mulf %get3A_1035, %gather3A_668 : vector<16xf32>
      %mul3A_1043 = arith.mulf %get3A_1041, %gather3A_673 : vector<16xf32>
      %add3A_1044 = arith.addf %mul3A_1042, %mul3A_1043 : vector<16xf32>
      %mul3A_1045 = arith.constant 16 : i32
      %mul3A_1046 = arith.muli %mul3A_1045, %scan3A_902 : i32
      %swap3A_1047 = arith.constant 6 : i32
      %swap3A_1048 = arith.index_cast %swap3A_1047 : i32 to index
      %swap3A_1049 = arith.index_cast %mul3A_1046 : i32 to index
      %swap3A_1050 = tpu.vector_load %arg11[%swap3A_1048, %swap3A_1049] {strides = array<i32>} : memref<8x768xf32, #tpu.memory_space<vmem>>, vector<16xf32>,
      tpu.vector_store %arg11[%swap3A_1048, %swap3A_1049], %add3A_1044 {strides = array<i32>} : memref<8x768xf32, #tpu.memory_space<vmem>>, vector<16xf32>,
      %mul3A_1051 = arith.constant 16 : i32
      %mul3A_1052 = arith.muli %mul3A_1051, %scan3A_902 : i32
      %get3A_1053 = arith.constant 14 : i32
      %get3A_1054 = arith.index_cast %get3A_1053 : i32 to index
      %get3A_1055 = arith.index_cast %mul3A_1052 : i32 to index
      %get3A_1056 = tpu.vector_load %arg10[%get3A_1054, %get3A_1055] {strides = array<i32>} : memref<16x768xf32, #tpu.memory_space<vmem>>, vector<16xf32>,
      %mul3A_1057 = arith.constant 16 : i32
      %mul3A_1058 = arith.muli %mul3A_1057, %scan3A_902 : i32
      %get3A_1059 = arith.constant 15 : i32
      %get3A_1060 = arith.index_cast %get3A_1059 : i32 to index
      %get3A_1061 = arith.index_cast %mul3A_1058 : i32 to index
      %get3A_1062 = tpu.vector_load %arg10[%get3A_1060, %get3A_1061] {strides = array<i32>} : memref<16x768xf32, #tpu.memory_space<vmem>>, vector<16xf32>,
      %mul3A_1063 = arith.mulf %get3A_1056, %gather3A_678 : vector<16xf32>
      %mul3A_1064 = arith.mulf %get3A_1062, %gather3A_683 : vector<16xf32>
      %add3A_1065 = arith.addf %mul3A_1063, %mul3A_1064 : vector<16xf32>
      %mul3A_1066 = arith.constant 16 : i32
      %mul3A_1067 = arith.muli %mul3A_1066, %scan3A_902 : i32
      %swap3A_1068 = arith.constant 7 : i32
      %swap3A_1069 = arith.index_cast %swap3A_1068 : i32 to index
      %swap3A_1070 = arith.index_cast %mul3A_1067 : i32 to index
      %swap3A_1071 = tpu.vector_load %arg11[%swap3A_1069, %swap3A_1070] {strides = array<i32>} : memref<8x768xf32, #tpu.memory_space<vmem>>, vector<16xf32>,
      tpu.vector_store %arg11[%swap3A_1069, %swap3A_1070], %add3A_1065 {strides = array<i32>} : memref<8x768xf32, #tpu.memory_space<vmem>>, vector<16xf32>,
      %scan3A_1072 = arith.constant 0 : i32
      scf.yield %scan3A_1072 : i32
    }
    %scan3A_690 = arith.constant 48 : i32
    %mul3A_691 = arith.constant 64 : i32
    %mul3A_692 = arith.muli %add3A, %mul3A_691 : i32
    %add3A_693 = arith.constant 40 : i32
    %add3A_694 = arith.addi %mul3A_692, %add3A_693 : i32
    "tpu.region"() ({
      %run_scoped3A = tpu.sem_alloc : memref<!tpu.dma_semaphore, #tpu.memory_space<semaphore_mem>>
      %dma_start3A_902 = arith.constant 0 : i32
      %dma_start3A_903 = tpu.memref_slice %arg5[%add3A_694, %dma_start3A_902] : memref<2048x768xf32, #tpu.memory_space<hbm>> -> memref<8x768xf32, #tpu.memory_space<hbm>>
      %dma_start3A_904 = arith.constant 0 : i32
      %dma_start3A_905 = tpu.memref_slice %arg5[%add3A_694, %dma_start3A_904] : memref<2048x768xf32, #tpu.memory_space<hbm>> -> memref<8x768xf32, #tpu.memory_space<hbm>>
      tpu.enqueue_dma source(%arg11 : memref<8x768xf32, #tpu.memory_space<vmem>>) target(%dma_start3A_905 : memref<8x768xf32, #tpu.memory_space<hbm>>) target_semaphore(%run_scoped3A : memref<!tpu.dma_semaphore, #tpu.memory_space<semaphore_mem>>)
      %dma_wait3A_906 = arith.constant 0 : i32
      %dma_wait3A_907 = tpu.memref_slice %arg5[%add3A_694, %dma_wait3A_906] : memref<2048x768xf32, #tpu.memory_space<hbm>> -> memref<8x768xf32, #tpu.memory_space<hbm>>
      %dma_wait3A_908 = arith.constant 0 : i32
      %dma_wait3A_909 = tpu.memref_slice %arg5[%add3A_694, %dma_wait3A_908] : memref<2048x768xf32, #tpu.memory_space<hbm>> -> memref<8x768xf32, #tpu.memory_space<hbm>>
      tpu.wait_dma2 semaphore(%run_scoped3A : memref<!tpu.dma_semaphore, #tpu.memory_space<semaphore_mem>>) src(%arg11 : memref<8x768xf32, #tpu.memory_space<vmem>>) dst(%dma_wait3A_909 : memref<8x768xf32, #tpu.memory_space<hbm>>)
      tpu.yield
    }) : () -> ()
    %dma_start3A_695 = arith.constant 7 : i32
    %dma_start3A_696 = arith.constant 0 : i32
    %dma_start3A_697 = tpu.memref_slice %arg8[%dma_start3A_695, %dma_start3A_696] : memref<8x16xi32, #tpu.memory_space<vmem>> -> memref<1x16xi32, #tpu.memory_space<vmem>>
    %dma_start3A_698 = tpu.memref_squeeze %dma_start3A_697 : memref<1x16xi32, #tpu.memory_space<vmem>> -> memref<16xi32, #tpu.memory_space<vmem>>
    %dma_start3A_699 = arith.constant 0 : i32
    %dma_start3A_700 = arith.constant 0 : i32
    %dma_start3A_701 = tpu.memref_slice %arg2[%dma_start3A_699, %dma_start3A_700] : memref<5888x768xf32, #tpu.memory_space<hbm>> -> memref<5888x768xf32, #tpu.memory_space<hbm>>
    tpu.enqueue_indirect_dma source(%dma_start3A_701 : memref<5888x768xf32, #tpu.memory_space<hbm>>) target(%arg10 : memref<16x768xf32, #tpu.memory_space<vmem>>) offsets(%dma_start3A_698 : memref<16xi32, #tpu.memory_space<vmem>>) semaphore(%arg13 : memref<!tpu.dma_semaphore, #tpu.memory_space<semaphore_mem>>)
    %dma_wait3A_702 = arith.constant 6 : i32
    %dma_wait3A_703 = arith.constant 0 : i32
    %dma_wait3A_704 = tpu.memref_slice %arg8[%dma_wait3A_702, %dma_wait3A_703] : memref<8x16xi32, #tpu.memory_space<vmem>> -> memref<1x16xi32, #tpu.memory_space<vmem>>
    %dma_wait3A_705 = tpu.memref_squeeze %dma_wait3A_704 : memref<1x16xi32, #tpu.memory_space<vmem>> -> memref<16xi32, #tpu.memory_space<vmem>>
    %dma_wait3A_706 = arith.constant 0 : i32
    %dma_wait3A_707 = arith.constant 0 : i32
    %dma_wait3A_708 = tpu.memref_slice %arg2[%dma_wait3A_706, %dma_wait3A_707] : memref<5888x768xf32, #tpu.memory_space<hbm>> -> memref<5888x768xf32, #tpu.memory_space<hbm>>
    tpu.wait_indirect_dma semaphore(%arg12 : memref<!tpu.dma_semaphore, #tpu.memory_space<semaphore_mem>>) src(%dma_wait3A_708 : memref<5888x768xf32, #tpu.memory_space<hbm>>) dst(%arg9 : memref<16x768xf32, #tpu.memory_space<vmem>>)
    %get3A_709 = arith.constant 96 : index
    %get3A_710 = tpu.vector_load %arg7[%get3A_709] {strides = array<i32>} : memref<128xf32, #tpu.memory_space<vmem>>, vector<16xf32>,
    %broadcast_in_dim3A_711 = arith.constant 0 : i32
    %broadcast_in_dim3A_712 = vector.broadcast %broadcast_in_dim3A_711 : i32 to vector<16xi32>
    %broadcast_in_dim3A_713 = vector.shape_cast %broadcast_in_dim3A_712 : vector<16xi32> to vector<16x1xi32>
    %gather3A_714 = vector.shape_cast %broadcast_in_dim3A_713 : vector<16x1xi32> to vector<16xi32>
    %gather3A_715 = tpu.dynamic_gather %get3A_710[%gather3A_714] in [0] : vector<16xf32>, vector<16xi32> -> vector<16xf32>
    %broadcast_in_dim3A_716 = arith.constant 1 : i32
    %broadcast_in_dim3A_717 = vector.broadcast %broadcast_in_dim3A_716 : i32 to vector<16xi32>
    %broadcast_in_dim3A_718 = vector.shape_cast %broadcast_in_dim3A_717 : vector<16xi32> to vector<16x1xi32>
    %gather3A_719 = vector.shape_cast %broadcast_in_dim3A_718 : vector<16x1xi32> to vector<16xi32>
    %gather3A_720 = tpu.dynamic_gather %get3A_710[%gather3A_719] in [0] : vector<16xf32>, vector<16xi32> -> vector<16xf32>
    %broadcast_in_dim3A_721 = arith.constant 2 : i32
    %broadcast_in_dim3A_722 = vector.broadcast %broadcast_in_dim3A_721 : i32 to vector<16xi32>
    %broadcast_in_dim3A_723 = vector.shape_cast %broadcast_in_dim3A_722 : vector<16xi32> to vector<16x1xi32>
    %gather3A_724 = vector.shape_cast %broadcast_in_dim3A_723 : vector<16x1xi32> to vector<16xi32>
    %gather3A_725 = tpu.dynamic_gather %get3A_710[%gather3A_724] in [0] : vector<16xf32>, vector<16xi32> -> vector<16xf32>
    %broadcast_in_dim3A_726 = arith.constant 3 : i32
    %broadcast_in_dim3A_727 = vector.broadcast %broadcast_in_dim3A_726 : i32 to vector<16xi32>
    %broadcast_in_dim3A_728 = vector.shape_cast %broadcast_in_dim3A_727 : vector<16xi32> to vector<16x1xi32>
    %gather3A_729 = vector.shape_cast %broadcast_in_dim3A_728 : vector<16x1xi32> to vector<16xi32>
    %gather3A_730 = tpu.dynamic_gather %get3A_710[%gather3A_729] in [0] : vector<16xf32>, vector<16xi32> -> vector<16xf32>
    %broadcast_in_dim3A_731 = arith.constant 4 : i32
    %broadcast_in_dim3A_732 = vector.broadcast %broadcast_in_dim3A_731 : i32 to vector<16xi32>
    %broadcast_in_dim3A_733 = vector.shape_cast %broadcast_in_dim3A_732 : vector<16xi32> to vector<16x1xi32>
    %gather3A_734 = vector.shape_cast %broadcast_in_dim3A_733 : vector<16x1xi32> to vector<16xi32>
    %gather3A_735 = tpu.dynamic_gather %get3A_710[%gather3A_734] in [0] : vector<16xf32>, vector<16xi32> -> vector<16xf32>
    %broadcast_in_dim3A_736 = arith.constant 5 : i32
    %broadcast_in_dim3A_737 = vector.broadcast %broadcast_in_dim3A_736 : i32 to vector<16xi32>
    %broadcast_in_dim3A_738 = vector.shape_cast %broadcast_in_dim3A_737 : vector<16xi32> to vector<16x1xi32>
    %gather3A_739 = vector.shape_cast %broadcast_in_dim3A_738 : vector<16x1xi32> to vector<16xi32>
    %gather3A_740 = tpu.dynamic_gather %get3A_710[%gather3A_739] in [0] : vector<16xf32>, vector<16xi32> -> vector<16xf32>
    %broadcast_in_dim3A_741 = arith.constant 6 : i32
    %broadcast_in_dim3A_742 = vector.broadcast %broadcast_in_dim3A_741 : i32 to vector<16xi32>
    %broadcast_in_dim3A_743 = vector.shape_cast %broadcast_in_dim3A_742 : vector<16xi32> to vector<16x1xi32>
    %gather3A_744 = vector.shape_cast %broadcast_in_dim3A_743 : vector<16x1xi32> to vector<16xi32>
    %gather3A_745 = tpu.dynamic_gather %get3A_710[%gather3A_744] in [0] : vector<16xf32>, vector<16xi32> -> vector<16xf32>
    %broadcast_in_dim3A_746 = arith.constant 7 : i32
    %broadcast_in_dim3A_747 = vector.broadcast %broadcast_in_dim3A_746 : i32 to vector<16xi32>
    %broadcast_in_dim3A_748 = vector.shape_cast %broadcast_in_dim3A_747 : vector<16xi32> to vector<16x1xi32>
    %gather3A_749 = vector.shape_cast %broadcast_in_dim3A_748 : vector<16x1xi32> to vector<16xi32>
    %gather3A_750 = tpu.dynamic_gather %get3A_710[%gather3A_749] in [0] : vector<16xf32>, vector<16xi32> -> vector<16xf32>
    %broadcast_in_dim3A_751 = arith.constant 8 : i32
    %broadcast_in_dim3A_752 = vector.broadcast %broadcast_in_dim3A_751 : i32 to vector<16xi32>
    %broadcast_in_dim3A_753 = vector.shape_cast %broadcast_in_dim3A_752 : vector<16xi32> to vector<16x1xi32>
    %gather3A_754 = vector.shape_cast %broadcast_in_dim3A_753 : vector<16x1xi32> to vector<16xi32>
    %gather3A_755 = tpu.dynamic_gather %get3A_710[%gather3A_754] in [0] : vector<16xf32>, vector<16xi32> -> vector<16xf32>
    %broadcast_in_dim3A_756 = arith.constant 9 : i32
    %broadcast_in_dim3A_757 = vector.broadcast %broadcast_in_dim3A_756 : i32 to vector<16xi32>
    %broadcast_in_dim3A_758 = vector.shape_cast %broadcast_in_dim3A_757 : vector<16xi32> to vector<16x1xi32>
    %gather3A_759 = vector.shape_cast %broadcast_in_dim3A_758 : vector<16x1xi32> to vector<16xi32>
    %gather3A_760 = tpu.dynamic_gather %get3A_710[%gather3A_759] in [0] : vector<16xf32>, vector<16xi32> -> vector<16xf32>
    %broadcast_in_dim3A_761 = arith.constant 10 : i32
    %broadcast_in_dim3A_762 = vector.broadcast %broadcast_in_dim3A_761 : i32 to vector<16xi32>
    %broadcast_in_dim3A_763 = vector.shape_cast %broadcast_in_dim3A_762 : vector<16xi32> to vector<16x1xi32>
    %gather3A_764 = vector.shape_cast %broadcast_in_dim3A_763 : vector<16x1xi32> to vector<16xi32>
    %gather3A_765 = tpu.dynamic_gather %get3A_710[%gather3A_764] in [0] : vector<16xf32>, vector<16xi32> -> vector<16xf32>
    %broadcast_in_dim3A_766 = arith.constant 11 : i32
    %broadcast_in_dim3A_767 = vector.broadcast %broadcast_in_dim3A_766 : i32 to vector<16xi32>
    %broadcast_in_dim3A_768 = vector.shape_cast %broadcast_in_dim3A_767 : vector<16xi32> to vector<16x1xi32>
    %gather3A_769 = vector.shape_cast %broadcast_in_dim3A_768 : vector<16x1xi32> to vector<16xi32>
    %gather3A_770 = tpu.dynamic_gather %get3A_710[%gather3A_769] in [0] : vector<16xf32>, vector<16xi32> -> vector<16xf32>
    %broadcast_in_dim3A_771 = arith.constant 12 : i32
    %broadcast_in_dim3A_772 = vector.broadcast %broadcast_in_dim3A_771 : i32 to vector<16xi32>
    %broadcast_in_dim3A_773 = vector.shape_cast %broadcast_in_dim3A_772 : vector<16xi32> to vector<16x1xi32>
    %gather3A_774 = vector.shape_cast %broadcast_in_dim3A_773 : vector<16x1xi32> to vector<16xi32>
    %gather3A_775 = tpu.dynamic_gather %get3A_710[%gather3A_774] in [0] : vector<16xf32>, vector<16xi32> -> vector<16xf32>
    %broadcast_in_dim3A_776 = arith.constant 13 : i32
    %broadcast_in_dim3A_777 = vector.broadcast %broadcast_in_dim3A_776 : i32 to vector<16xi32>
    %broadcast_in_dim3A_778 = vector.shape_cast %broadcast_in_dim3A_777 : vector<16xi32> to vector<16x1xi32>
    %gather3A_779 = vector.shape_cast %broadcast_in_dim3A_778 : vector<16x1xi32> to vector<16xi32>
    %gather3A_780 = tpu.dynamic_gather %get3A_710[%gather3A_779] in [0] : vector<16xf32>, vector<16xi32> -> vector<16xf32>
    %broadcast_in_dim3A_781 = arith.constant 14 : i32
    %broadcast_in_dim3A_782 = vector.broadcast %broadcast_in_dim3A_781 : i32 to vector<16xi32>
    %broadcast_in_dim3A_783 = vector.shape_cast %broadcast_in_dim3A_782 : vector<16xi32> to vector<16x1xi32>
    %gather3A_784 = vector.shape_cast %broadcast_in_dim3A_783 : vector<16x1xi32> to vector<16xi32>
    %gather3A_785 = tpu.dynamic_gather %get3A_710[%gather3A_784] in [0] : vector<16xf32>, vector<16xi32> -> vector<16xf32>
    %broadcast_in_dim3A_786 = arith.constant 15 : i32
    %broadcast_in_dim3A_787 = vector.broadcast %broadcast_in_dim3A_786 : i32 to vector<16xi32>
    %broadcast_in_dim3A_788 = vector.shape_cast %broadcast_in_dim3A_787 : vector<16xi32> to vector<16x1xi32>
    %gather3A_789 = vector.shape_cast %broadcast_in_dim3A_788 : vector<16x1xi32> to vector<16xi32>
    %gather3A_790 = tpu.dynamic_gather %get3A_710[%gather3A_789] in [0] : vector<16xf32>, vector<16xi32> -> vector<16xf32>
    %scan3A_791 = arith.constant 0 : i32
    %scan3A_792 = arith.constant 0 : i32
    %scan3A_793 = arith.constant 48 : i32
    %scan3A_794 = arith.addi %scan3A_792, %scan3A_793 : i32
    %scan3A_795 = arith.constant 1 : i32
    %scan3A_796 = scf.for %scan3A_902 = %scan3A_792 to %scan3A_794 step %scan3A_795 iter_args(%scan3A_903 = %scan3A_791) -> (i32)  : i32 {
      %mul3A_904 = arith.constant 16 : i32
      %mul3A_905 = arith.muli %mul3A_904, %scan3A_902 : i32
      %get3A_906 = arith.constant 0 : i32
      %get3A_907 = arith.index_cast %get3A_906 : i32 to index
      %get3A_908 = arith.index_cast %mul3A_905 : i32 to index
      %get3A_909 = tpu.vector_load %arg9[%get3A_907, %get3A_908] {strides = array<i32>} : memref<16x768xf32, #tpu.memory_space<vmem>>, vector<16xf32>,
      %mul3A_910 = arith.constant 16 : i32
      %mul3A_911 = arith.muli %mul3A_910, %scan3A_902 : i32
      %get3A_912 = arith.constant 1 : i32
      %get3A_913 = arith.index_cast %get3A_912 : i32 to index
      %get3A_914 = arith.index_cast %mul3A_911 : i32 to index
      %get3A_915 = tpu.vector_load %arg9[%get3A_913, %get3A_914] {strides = array<i32>} : memref<16x768xf32, #tpu.memory_space<vmem>>, vector<16xf32>,
      %mul3A_916 = arith.mulf %get3A_909, %gather3A_715 : vector<16xf32>
      %mul3A_917 = arith.mulf %get3A_915, %gather3A_720 : vector<16xf32>
      %add3A_918 = arith.addf %mul3A_916, %mul3A_917 : vector<16xf32>
      %mul3A_919 = arith.constant 16 : i32
      %mul3A_920 = arith.muli %mul3A_919, %scan3A_902 : i32
      %swap3A_921 = arith.constant 0 : i32
      %swap3A_922 = arith.index_cast %swap3A_921 : i32 to index
      %swap3A_923 = arith.index_cast %mul3A_920 : i32 to index
      %swap3A_924 = tpu.vector_load %arg11[%swap3A_922, %swap3A_923] {strides = array<i32>} : memref<8x768xf32, #tpu.memory_space<vmem>>, vector<16xf32>,
      tpu.vector_store %arg11[%swap3A_922, %swap3A_923], %add3A_918 {strides = array<i32>} : memref<8x768xf32, #tpu.memory_space<vmem>>, vector<16xf32>,
      %mul3A_925 = arith.constant 16 : i32
      %mul3A_926 = arith.muli %mul3A_925, %scan3A_902 : i32
      %get3A_927 = arith.constant 2 : i32
      %get3A_928 = arith.index_cast %get3A_927 : i32 to index
      %get3A_929 = arith.index_cast %mul3A_926 : i32 to index
      %get3A_930 = tpu.vector_load %arg9[%get3A_928, %get3A_929] {strides = array<i32>} : memref<16x768xf32, #tpu.memory_space<vmem>>, vector<16xf32>,
      %mul3A_931 = arith.constant 16 : i32
      %mul3A_932 = arith.muli %mul3A_931, %scan3A_902 : i32
      %get3A_933 = arith.constant 3 : i32
      %get3A_934 = arith.index_cast %get3A_933 : i32 to index
      %get3A_935 = arith.index_cast %mul3A_932 : i32 to index
      %get3A_936 = tpu.vector_load %arg9[%get3A_934, %get3A_935] {strides = array<i32>} : memref<16x768xf32, #tpu.memory_space<vmem>>, vector<16xf32>,
      %mul3A_937 = arith.mulf %get3A_930, %gather3A_725 : vector<16xf32>
      %mul3A_938 = arith.mulf %get3A_936, %gather3A_730 : vector<16xf32>
      %add3A_939 = arith.addf %mul3A_937, %mul3A_938 : vector<16xf32>
      %mul3A_940 = arith.constant 16 : i32
      %mul3A_941 = arith.muli %mul3A_940, %scan3A_902 : i32
      %swap3A_942 = arith.constant 1 : i32
      %swap3A_943 = arith.index_cast %swap3A_942 : i32 to index
      %swap3A_944 = arith.index_cast %mul3A_941 : i32 to index
      %swap3A_945 = tpu.vector_load %arg11[%swap3A_943, %swap3A_944] {strides = array<i32>} : memref<8x768xf32, #tpu.memory_space<vmem>>, vector<16xf32>,
      tpu.vector_store %arg11[%swap3A_943, %swap3A_944], %add3A_939 {strides = array<i32>} : memref<8x768xf32, #tpu.memory_space<vmem>>, vector<16xf32>,
      %mul3A_946 = arith.constant 16 : i32
      %mul3A_947 = arith.muli %mul3A_946, %scan3A_902 : i32
      %get3A_948 = arith.constant 4 : i32
      %get3A_949 = arith.index_cast %get3A_948 : i32 to index
      %get3A_950 = arith.index_cast %mul3A_947 : i32 to index
      %get3A_951 = tpu.vector_load %arg9[%get3A_949, %get3A_950] {strides = array<i32>} : memref<16x768xf32, #tpu.memory_space<vmem>>, vector<16xf32>,
      %mul3A_952 = arith.constant 16 : i32
      %mul3A_953 = arith.muli %mul3A_952, %scan3A_902 : i32
      %get3A_954 = arith.constant 5 : i32
      %get3A_955 = arith.index_cast %get3A_954 : i32 to index
      %get3A_956 = arith.index_cast %mul3A_953 : i32 to index
      %get3A_957 = tpu.vector_load %arg9[%get3A_955, %get3A_956] {strides = array<i32>} : memref<16x768xf32, #tpu.memory_space<vmem>>, vector<16xf32>,
      %mul3A_958 = arith.mulf %get3A_951, %gather3A_735 : vector<16xf32>
      %mul3A_959 = arith.mulf %get3A_957, %gather3A_740 : vector<16xf32>
      %add3A_960 = arith.addf %mul3A_958, %mul3A_959 : vector<16xf32>
      %mul3A_961 = arith.constant 16 : i32
      %mul3A_962 = arith.muli %mul3A_961, %scan3A_902 : i32
      %swap3A_963 = arith.constant 2 : i32
      %swap3A_964 = arith.index_cast %swap3A_963 : i32 to index
      %swap3A_965 = arith.index_cast %mul3A_962 : i32 to index
      %swap3A_966 = tpu.vector_load %arg11[%swap3A_964, %swap3A_965] {strides = array<i32>} : memref<8x768xf32, #tpu.memory_space<vmem>>, vector<16xf32>,
      tpu.vector_store %arg11[%swap3A_964, %swap3A_965], %add3A_960 {strides = array<i32>} : memref<8x768xf32, #tpu.memory_space<vmem>>, vector<16xf32>,
      %mul3A_967 = arith.constant 16 : i32
      %mul3A_968 = arith.muli %mul3A_967, %scan3A_902 : i32
      %get3A_969 = arith.constant 6 : i32
      %get3A_970 = arith.index_cast %get3A_969 : i32 to index
      %get3A_971 = arith.index_cast %mul3A_968 : i32 to index
      %get3A_972 = tpu.vector_load %arg9[%get3A_970, %get3A_971] {strides = array<i32>} : memref<16x768xf32, #tpu.memory_space<vmem>>, vector<16xf32>,
      %mul3A_973 = arith.constant 16 : i32
      %mul3A_974 = arith.muli %mul3A_973, %scan3A_902 : i32
      %get3A_975 = arith.constant 7 : i32
      %get3A_976 = arith.index_cast %get3A_975 : i32 to index
      %get3A_977 = arith.index_cast %mul3A_974 : i32 to index
      %get3A_978 = tpu.vector_load %arg9[%get3A_976, %get3A_977] {strides = array<i32>} : memref<16x768xf32, #tpu.memory_space<vmem>>, vector<16xf32>,
      %mul3A_979 = arith.mulf %get3A_972, %gather3A_745 : vector<16xf32>
      %mul3A_980 = arith.mulf %get3A_978, %gather3A_750 : vector<16xf32>
      %add3A_981 = arith.addf %mul3A_979, %mul3A_980 : vector<16xf32>
      %mul3A_982 = arith.constant 16 : i32
      %mul3A_983 = arith.muli %mul3A_982, %scan3A_902 : i32
      %swap3A_984 = arith.constant 3 : i32
      %swap3A_985 = arith.index_cast %swap3A_984 : i32 to index
      %swap3A_986 = arith.index_cast %mul3A_983 : i32 to index
      %swap3A_987 = tpu.vector_load %arg11[%swap3A_985, %swap3A_986] {strides = array<i32>} : memref<8x768xf32, #tpu.memory_space<vmem>>, vector<16xf32>,
      tpu.vector_store %arg11[%swap3A_985, %swap3A_986], %add3A_981 {strides = array<i32>} : memref<8x768xf32, #tpu.memory_space<vmem>>, vector<16xf32>,
      %mul3A_988 = arith.constant 16 : i32
      %mul3A_989 = arith.muli %mul3A_988, %scan3A_902 : i32
      %get3A_990 = arith.constant 8 : i32
      %get3A_991 = arith.index_cast %get3A_990 : i32 to index
      %get3A_992 = arith.index_cast %mul3A_989 : i32 to index
      %get3A_993 = tpu.vector_load %arg9[%get3A_991, %get3A_992] {strides = array<i32>} : memref<16x768xf32, #tpu.memory_space<vmem>>, vector<16xf32>,
      %mul3A_994 = arith.constant 16 : i32
      %mul3A_995 = arith.muli %mul3A_994, %scan3A_902 : i32
      %get3A_996 = arith.constant 9 : i32
      %get3A_997 = arith.index_cast %get3A_996 : i32 to index
      %get3A_998 = arith.index_cast %mul3A_995 : i32 to index
      %get3A_999 = tpu.vector_load %arg9[%get3A_997, %get3A_998] {strides = array<i32>} : memref<16x768xf32, #tpu.memory_space<vmem>>, vector<16xf32>,
      %mul3A_1000 = arith.mulf %get3A_993, %gather3A_755 : vector<16xf32>
      %mul3A_1001 = arith.mulf %get3A_999, %gather3A_760 : vector<16xf32>
      %add3A_1002 = arith.addf %mul3A_1000, %mul3A_1001 : vector<16xf32>
      %mul3A_1003 = arith.constant 16 : i32
      %mul3A_1004 = arith.muli %mul3A_1003, %scan3A_902 : i32
      %swap3A_1005 = arith.constant 4 : i32
      %swap3A_1006 = arith.index_cast %swap3A_1005 : i32 to index
      %swap3A_1007 = arith.index_cast %mul3A_1004 : i32 to index
      %swap3A_1008 = tpu.vector_load %arg11[%swap3A_1006, %swap3A_1007] {strides = array<i32>} : memref<8x768xf32, #tpu.memory_space<vmem>>, vector<16xf32>,
      tpu.vector_store %arg11[%swap3A_1006, %swap3A_1007], %add3A_1002 {strides = array<i32>} : memref<8x768xf32, #tpu.memory_space<vmem>>, vector<16xf32>,
      %mul3A_1009 = arith.constant 16 : i32
      %mul3A_1010 = arith.muli %mul3A_1009, %scan3A_902 : i32
      %get3A_1011 = arith.constant 10 : i32
      %get3A_1012 = arith.index_cast %get3A_1011 : i32 to index
      %get3A_1013 = arith.index_cast %mul3A_1010 : i32 to index
      %get3A_1014 = tpu.vector_load %arg9[%get3A_1012, %get3A_1013] {strides = array<i32>} : memref<16x768xf32, #tpu.memory_space<vmem>>, vector<16xf32>,
      %mul3A_1015 = arith.constant 16 : i32
      %mul3A_1016 = arith.muli %mul3A_1015, %scan3A_902 : i32
      %get3A_1017 = arith.constant 11 : i32
      %get3A_1018 = arith.index_cast %get3A_1017 : i32 to index
      %get3A_1019 = arith.index_cast %mul3A_1016 : i32 to index
      %get3A_1020 = tpu.vector_load %arg9[%get3A_1018, %get3A_1019] {strides = array<i32>} : memref<16x768xf32, #tpu.memory_space<vmem>>, vector<16xf32>,
      %mul3A_1021 = arith.mulf %get3A_1014, %gather3A_765 : vector<16xf32>
      %mul3A_1022 = arith.mulf %get3A_1020, %gather3A_770 : vector<16xf32>
      %add3A_1023 = arith.addf %mul3A_1021, %mul3A_1022 : vector<16xf32>
      %mul3A_1024 = arith.constant 16 : i32
      %mul3A_1025 = arith.muli %mul3A_1024, %scan3A_902 : i32
      %swap3A_1026 = arith.constant 5 : i32
      %swap3A_1027 = arith.index_cast %swap3A_1026 : i32 to index
      %swap3A_1028 = arith.index_cast %mul3A_1025 : i32 to index
      %swap3A_1029 = tpu.vector_load %arg11[%swap3A_1027, %swap3A_1028] {strides = array<i32>} : memref<8x768xf32, #tpu.memory_space<vmem>>, vector<16xf32>,
      tpu.vector_store %arg11[%swap3A_1027, %swap3A_1028], %add3A_1023 {strides = array<i32>} : memref<8x768xf32, #tpu.memory_space<vmem>>, vector<16xf32>,
      %mul3A_1030 = arith.constant 16 : i32
      %mul3A_1031 = arith.muli %mul3A_1030, %scan3A_902 : i32
      %get3A_1032 = arith.constant 12 : i32
      %get3A_1033 = arith.index_cast %get3A_1032 : i32 to index
      %get3A_1034 = arith.index_cast %mul3A_1031 : i32 to index
      %get3A_1035 = tpu.vector_load %arg9[%get3A_1033, %get3A_1034] {strides = array<i32>} : memref<16x768xf32, #tpu.memory_space<vmem>>, vector<16xf32>,
      %mul3A_1036 = arith.constant 16 : i32
      %mul3A_1037 = arith.muli %mul3A_1036, %scan3A_902 : i32
      %get3A_1038 = arith.constant 13 : i32
      %get3A_1039 = arith.index_cast %get3A_1038 : i32 to index
      %get3A_1040 = arith.index_cast %mul3A_1037 : i32 to index
      %get3A_1041 = tpu.vector_load %arg9[%get3A_1039, %get3A_1040] {strides = array<i32>} : memref<16x768xf32, #tpu.memory_space<vmem>>, vector<16xf32>,
      %mul3A_1042 = arith.mulf %get3A_1035, %gather3A_775 : vector<16xf32>
      %mul3A_1043 = arith.mulf %get3A_1041, %gather3A_780 : vector<16xf32>
      %add3A_1044 = arith.addf %mul3A_1042, %mul3A_1043 : vector<16xf32>
      %mul3A_1045 = arith.constant 16 : i32
      %mul3A_1046 = arith.muli %mul3A_1045, %scan3A_902 : i32
      %swap3A_1047 = arith.constant 6 : i32
      %swap3A_1048 = arith.index_cast %swap3A_1047 : i32 to index
      %swap3A_1049 = arith.index_cast %mul3A_1046 : i32 to index
      %swap3A_1050 = tpu.vector_load %arg11[%swap3A_1048, %swap3A_1049] {strides = array<i32>} : memref<8x768xf32, #tpu.memory_space<vmem>>, vector<16xf32>,
      tpu.vector_store %arg11[%swap3A_1048, %swap3A_1049], %add3A_1044 {strides = array<i32>} : memref<8x768xf32, #tpu.memory_space<vmem>>, vector<16xf32>,
      %mul3A_1051 = arith.constant 16 : i32
      %mul3A_1052 = arith.muli %mul3A_1051, %scan3A_902 : i32
      %get3A_1053 = arith.constant 14 : i32
      %get3A_1054 = arith.index_cast %get3A_1053 : i32 to index
      %get3A_1055 = arith.index_cast %mul3A_1052 : i32 to index
      %get3A_1056 = tpu.vector_load %arg9[%get3A_1054, %get3A_1055] {strides = array<i32>} : memref<16x768xf32, #tpu.memory_space<vmem>>, vector<16xf32>,
      %mul3A_1057 = arith.constant 16 : i32
      %mul3A_1058 = arith.muli %mul3A_1057, %scan3A_902 : i32
      %get3A_1059 = arith.constant 15 : i32
      %get3A_1060 = arith.index_cast %get3A_1059 : i32 to index
      %get3A_1061 = arith.index_cast %mul3A_1058 : i32 to index
      %get3A_1062 = tpu.vector_load %arg9[%get3A_1060, %get3A_1061] {strides = array<i32>} : memref<16x768xf32, #tpu.memory_space<vmem>>, vector<16xf32>,
      %mul3A_1063 = arith.mulf %get3A_1056, %gather3A_785 : vector<16xf32>
      %mul3A_1064 = arith.mulf %get3A_1062, %gather3A_790 : vector<16xf32>
      %add3A_1065 = arith.addf %mul3A_1063, %mul3A_1064 : vector<16xf32>
      %mul3A_1066 = arith.constant 16 : i32
      %mul3A_1067 = arith.muli %mul3A_1066, %scan3A_902 : i32
      %swap3A_1068 = arith.constant 7 : i32
      %swap3A_1069 = arith.index_cast %swap3A_1068 : i32 to index
      %swap3A_1070 = arith.index_cast %mul3A_1067 : i32 to index
      %swap3A_1071 = tpu.vector_load %arg11[%swap3A_1069, %swap3A_1070] {strides = array<i32>} : memref<8x768xf32, #tpu.memory_space<vmem>>, vector<16xf32>,
      tpu.vector_store %arg11[%swap3A_1069, %swap3A_1070], %add3A_1065 {strides = array<i32>} : memref<8x768xf32, #tpu.memory_space<vmem>>, vector<16xf32>,
      %scan3A_1072 = arith.constant 0 : i32
      scf.yield %scan3A_1072 : i32
    }
    %scan3A_797 = arith.constant 48 : i32
    %mul3A_798 = arith.constant 64 : i32
    %mul3A_799 = arith.muli %add3A, %mul3A_798 : i32
    %add3A_800 = arith.constant 48 : i32
    %add3A_801 = arith.addi %mul3A_799, %add3A_800 : i32
    "tpu.region"() ({
      %run_scoped3A = tpu.sem_alloc : memref<!tpu.dma_semaphore, #tpu.memory_space<semaphore_mem>>
      %dma_start3A_902 = arith.constant 0 : i32
      %dma_start3A_903 = tpu.memref_slice %arg5[%add3A_801, %dma_start3A_902] : memref<2048x768xf32, #tpu.memory_space<hbm>> -> memref<8x768xf32, #tpu.memory_space<hbm>>
      %dma_start3A_904 = arith.constant 0 : i32
      %dma_start3A_905 = tpu.memref_slice %arg5[%add3A_801, %dma_start3A_904] : memref<2048x768xf32, #tpu.memory_space<hbm>> -> memref<8x768xf32, #tpu.memory_space<hbm>>
      tpu.enqueue_dma source(%arg11 : memref<8x768xf32, #tpu.memory_space<vmem>>) target(%dma_start3A_905 : memref<8x768xf32, #tpu.memory_space<hbm>>) target_semaphore(%run_scoped3A : memref<!tpu.dma_semaphore, #tpu.memory_space<semaphore_mem>>)
      %dma_wait3A_906 = arith.constant 0 : i32
      %dma_wait3A_907 = tpu.memref_slice %arg5[%add3A_801, %dma_wait3A_906] : memref<2048x768xf32, #tpu.memory_space<hbm>> -> memref<8x768xf32, #tpu.memory_space<hbm>>
      %dma_wait3A_908 = arith.constant 0 : i32
      %dma_wait3A_909 = tpu.memref_slice %arg5[%add3A_801, %dma_wait3A_908] : memref<2048x768xf32, #tpu.memory_space<hbm>> -> memref<8x768xf32, #tpu.memory_space<hbm>>
      tpu.wait_dma2 semaphore(%run_scoped3A : memref<!tpu.dma_semaphore, #tpu.memory_space<semaphore_mem>>) src(%arg11 : memref<8x768xf32, #tpu.memory_space<vmem>>) dst(%dma_wait3A_909 : memref<8x768xf32, #tpu.memory_space<hbm>>)
      tpu.yield
    }) : () -> ()
    %dma_wait3A_802 = arith.constant 7 : i32
    %dma_wait3A_803 = arith.constant 0 : i32
    %dma_wait3A_804 = tpu.memref_slice %arg8[%dma_wait3A_802, %dma_wait3A_803] : memref<8x16xi32, #tpu.memory_space<vmem>> -> memref<1x16xi32, #tpu.memory_space<vmem>>
    %dma_wait3A_805 = tpu.memref_squeeze %dma_wait3A_804 : memref<1x16xi32, #tpu.memory_space<vmem>> -> memref<16xi32, #tpu.memory_space<vmem>>
    %dma_wait3A_806 = arith.constant 0 : i32
    %dma_wait3A_807 = arith.constant 0 : i32
    %dma_wait3A_808 = tpu.memref_slice %arg2[%dma_wait3A_806, %dma_wait3A_807] : memref<5888x768xf32, #tpu.memory_space<hbm>> -> memref<5888x768xf32, #tpu.memory_space<hbm>>
    tpu.wait_indirect_dma semaphore(%arg13 : memref<!tpu.dma_semaphore, #tpu.memory_space<semaphore_mem>>) src(%dma_wait3A_808 : memref<5888x768xf32, #tpu.memory_space<hbm>>) dst(%arg10 : memref<16x768xf32, #tpu.memory_space<vmem>>)
    %get3A_809 = arith.constant 112 : index
    %get3A_810 = tpu.vector_load %arg7[%get3A_809] {strides = array<i32>} : memref<128xf32, #tpu.memory_space<vmem>>, vector<16xf32>,
    %broadcast_in_dim3A_811 = arith.constant 0 : i32
    %broadcast_in_dim3A_812 = vector.broadcast %broadcast_in_dim3A_811 : i32 to vector<16xi32>
    %broadcast_in_dim3A_813 = vector.shape_cast %broadcast_in_dim3A_812 : vector<16xi32> to vector<16x1xi32>
    %gather3A_814 = vector.shape_cast %broadcast_in_dim3A_813 : vector<16x1xi32> to vector<16xi32>
    %gather3A_815 = tpu.dynamic_gather %get3A_810[%gather3A_814] in [0] : vector<16xf32>, vector<16xi32> -> vector<16xf32>
    %broadcast_in_dim3A_816 = arith.constant 1 : i32
    %broadcast_in_dim3A_817 = vector.broadcast %broadcast_in_dim3A_816 : i32 to vector<16xi32>
    %broadcast_in_dim3A_818 = vector.shape_cast %broadcast_in_dim3A_817 : vector<16xi32> to vector<16x1xi32>
    %gather3A_819 = vector.shape_cast %broadcast_in_dim3A_818 : vector<16x1xi32> to vector<16xi32>
    %gather3A_820 = tpu.dynamic_gather %get3A_810[%gather3A_819] in [0] : vector<16xf32>, vector<16xi32> -> vector<16xf32>
    %broadcast_in_dim3A_821 = arith.constant 2 : i32
    %broadcast_in_dim3A_822 = vector.broadcast %broadcast_in_dim3A_821 : i32 to vector<16xi32>
    %broadcast_in_dim3A_823 = vector.shape_cast %broadcast_in_dim3A_822 : vector<16xi32> to vector<16x1xi32>
    %gather3A_824 = vector.shape_cast %broadcast_in_dim3A_823 : vector<16x1xi32> to vector<16xi32>
    %gather3A_825 = tpu.dynamic_gather %get3A_810[%gather3A_824] in [0] : vector<16xf32>, vector<16xi32> -> vector<16xf32>
    %broadcast_in_dim3A_826 = arith.constant 3 : i32
    %broadcast_in_dim3A_827 = vector.broadcast %broadcast_in_dim3A_826 : i32 to vector<16xi32>
    %broadcast_in_dim3A_828 = vector.shape_cast %broadcast_in_dim3A_827 : vector<16xi32> to vector<16x1xi32>
    %gather3A_829 = vector.shape_cast %broadcast_in_dim3A_828 : vector<16x1xi32> to vector<16xi32>
    %gather3A_830 = tpu.dynamic_gather %get3A_810[%gather3A_829] in [0] : vector<16xf32>, vector<16xi32> -> vector<16xf32>
    %broadcast_in_dim3A_831 = arith.constant 4 : i32
    %broadcast_in_dim3A_832 = vector.broadcast %broadcast_in_dim3A_831 : i32 to vector<16xi32>
    %broadcast_in_dim3A_833 = vector.shape_cast %broadcast_in_dim3A_832 : vector<16xi32> to vector<16x1xi32>
    %gather3A_834 = vector.shape_cast %broadcast_in_dim3A_833 : vector<16x1xi32> to vector<16xi32>
    %gather3A_835 = tpu.dynamic_gather %get3A_810[%gather3A_834] in [0] : vector<16xf32>, vector<16xi32> -> vector<16xf32>
    %broadcast_in_dim3A_836 = arith.constant 5 : i32
    %broadcast_in_dim3A_837 = vector.broadcast %broadcast_in_dim3A_836 : i32 to vector<16xi32>
    %broadcast_in_dim3A_838 = vector.shape_cast %broadcast_in_dim3A_837 : vector<16xi32> to vector<16x1xi32>
    %gather3A_839 = vector.shape_cast %broadcast_in_dim3A_838 : vector<16x1xi32> to vector<16xi32>
    %gather3A_840 = tpu.dynamic_gather %get3A_810[%gather3A_839] in [0] : vector<16xf32>, vector<16xi32> -> vector<16xf32>
    %broadcast_in_dim3A_841 = arith.constant 6 : i32
    %broadcast_in_dim3A_842 = vector.broadcast %broadcast_in_dim3A_841 : i32 to vector<16xi32>
    %broadcast_in_dim3A_843 = vector.shape_cast %broadcast_in_dim3A_842 : vector<16xi32> to vector<16x1xi32>
    %gather3A_844 = vector.shape_cast %broadcast_in_dim3A_843 : vector<16x1xi32> to vector<16xi32>
    %gather3A_845 = tpu.dynamic_gather %get3A_810[%gather3A_844] in [0] : vector<16xf32>, vector<16xi32> -> vector<16xf32>
    %broadcast_in_dim3A_846 = arith.constant 7 : i32
    %broadcast_in_dim3A_847 = vector.broadcast %broadcast_in_dim3A_846 : i32 to vector<16xi32>
    %broadcast_in_dim3A_848 = vector.shape_cast %broadcast_in_dim3A_847 : vector<16xi32> to vector<16x1xi32>
    %gather3A_849 = vector.shape_cast %broadcast_in_dim3A_848 : vector<16x1xi32> to vector<16xi32>
    %gather3A_850 = tpu.dynamic_gather %get3A_810[%gather3A_849] in [0] : vector<16xf32>, vector<16xi32> -> vector<16xf32>
    %broadcast_in_dim3A_851 = arith.constant 8 : i32
    %broadcast_in_dim3A_852 = vector.broadcast %broadcast_in_dim3A_851 : i32 to vector<16xi32>
    %broadcast_in_dim3A_853 = vector.shape_cast %broadcast_in_dim3A_852 : vector<16xi32> to vector<16x1xi32>
    %gather3A_854 = vector.shape_cast %broadcast_in_dim3A_853 : vector<16x1xi32> to vector<16xi32>
    %gather3A_855 = tpu.dynamic_gather %get3A_810[%gather3A_854] in [0] : vector<16xf32>, vector<16xi32> -> vector<16xf32>
    %broadcast_in_dim3A_856 = arith.constant 9 : i32
    %broadcast_in_dim3A_857 = vector.broadcast %broadcast_in_dim3A_856 : i32 to vector<16xi32>
    %broadcast_in_dim3A_858 = vector.shape_cast %broadcast_in_dim3A_857 : vector<16xi32> to vector<16x1xi32>
    %gather3A_859 = vector.shape_cast %broadcast_in_dim3A_858 : vector<16x1xi32> to vector<16xi32>
    %gather3A_860 = tpu.dynamic_gather %get3A_810[%gather3A_859] in [0] : vector<16xf32>, vector<16xi32> -> vector<16xf32>
    %broadcast_in_dim3A_861 = arith.constant 10 : i32
    %broadcast_in_dim3A_862 = vector.broadcast %broadcast_in_dim3A_861 : i32 to vector<16xi32>
    %broadcast_in_dim3A_863 = vector.shape_cast %broadcast_in_dim3A_862 : vector<16xi32> to vector<16x1xi32>
    %gather3A_864 = vector.shape_cast %broadcast_in_dim3A_863 : vector<16x1xi32> to vector<16xi32>
    %gather3A_865 = tpu.dynamic_gather %get3A_810[%gather3A_864] in [0] : vector<16xf32>, vector<16xi32> -> vector<16xf32>
    %broadcast_in_dim3A_866 = arith.constant 11 : i32
    %broadcast_in_dim3A_867 = vector.broadcast %broadcast_in_dim3A_866 : i32 to vector<16xi32>
    %broadcast_in_dim3A_868 = vector.shape_cast %broadcast_in_dim3A_867 : vector<16xi32> to vector<16x1xi32>
    %gather3A_869 = vector.shape_cast %broadcast_in_dim3A_868 : vector<16x1xi32> to vector<16xi32>
    %gather3A_870 = tpu.dynamic_gather %get3A_810[%gather3A_869] in [0] : vector<16xf32>, vector<16xi32> -> vector<16xf32>
    %broadcast_in_dim3A_871 = arith.constant 12 : i32
    %broadcast_in_dim3A_872 = vector.broadcast %broadcast_in_dim3A_871 : i32 to vector<16xi32>
    %broadcast_in_dim3A_873 = vector.shape_cast %broadcast_in_dim3A_872 : vector<16xi32> to vector<16x1xi32>
    %gather3A_874 = vector.shape_cast %broadcast_in_dim3A_873 : vector<16x1xi32> to vector<16xi32>
    %gather3A_875 = tpu.dynamic_gather %get3A_810[%gather3A_874] in [0] : vector<16xf32>, vector<16xi32> -> vector<16xf32>
    %broadcast_in_dim3A_876 = arith.constant 13 : i32
    %broadcast_in_dim3A_877 = vector.broadcast %broadcast_in_dim3A_876 : i32 to vector<16xi32>
    %broadcast_in_dim3A_878 = vector.shape_cast %broadcast_in_dim3A_877 : vector<16xi32> to vector<16x1xi32>
    %gather3A_879 = vector.shape_cast %broadcast_in_dim3A_878 : vector<16x1xi32> to vector<16xi32>
    %gather3A_880 = tpu.dynamic_gather %get3A_810[%gather3A_879] in [0] : vector<16xf32>, vector<16xi32> -> vector<16xf32>
    %broadcast_in_dim3A_881 = arith.constant 14 : i32
    %broadcast_in_dim3A_882 = vector.broadcast %broadcast_in_dim3A_881 : i32 to vector<16xi32>
    %broadcast_in_dim3A_883 = vector.shape_cast %broadcast_in_dim3A_882 : vector<16xi32> to vector<16x1xi32>
    %gather3A_884 = vector.shape_cast %broadcast_in_dim3A_883 : vector<16x1xi32> to vector<16xi32>
    %gather3A_885 = tpu.dynamic_gather %get3A_810[%gather3A_884] in [0] : vector<16xf32>, vector<16xi32> -> vector<16xf32>
    %broadcast_in_dim3A_886 = arith.constant 15 : i32
    %broadcast_in_dim3A_887 = vector.broadcast %broadcast_in_dim3A_886 : i32 to vector<16xi32>
    %broadcast_in_dim3A_888 = vector.shape_cast %broadcast_in_dim3A_887 : vector<16xi32> to vector<16x1xi32>
    %gather3A_889 = vector.shape_cast %broadcast_in_dim3A_888 : vector<16x1xi32> to vector<16xi32>
    %gather3A_890 = tpu.dynamic_gather %get3A_810[%gather3A_889] in [0] : vector<16xf32>, vector<16xi32> -> vector<16xf32>
    %scan3A_891 = arith.constant 0 : i32
    %scan3A_892 = arith.constant 0 : i32
    %scan3A_893 = arith.constant 48 : i32
    %scan3A_894 = arith.addi %scan3A_892, %scan3A_893 : i32
    %scan3A_895 = arith.constant 1 : i32
    %scan3A_896 = scf.for %scan3A_902 = %scan3A_892 to %scan3A_894 step %scan3A_895 iter_args(%scan3A_903 = %scan3A_891) -> (i32)  : i32 {
      %mul3A_904 = arith.constant 16 : i32
      %mul3A_905 = arith.muli %mul3A_904, %scan3A_902 : i32
      %get3A_906 = arith.constant 0 : i32
      %get3A_907 = arith.index_cast %get3A_906 : i32 to index
      %get3A_908 = arith.index_cast %mul3A_905 : i32 to index
      %get3A_909 = tpu.vector_load %arg10[%get3A_907, %get3A_908] {strides = array<i32>} : memref<16x768xf32, #tpu.memory_space<vmem>>, vector<16xf32>,
      %mul3A_910 = arith.constant 16 : i32
      %mul3A_911 = arith.muli %mul3A_910, %scan3A_902 : i32
      %get3A_912 = arith.constant 1 : i32
      %get3A_913 = arith.index_cast %get3A_912 : i32 to index
      %get3A_914 = arith.index_cast %mul3A_911 : i32 to index
      %get3A_915 = tpu.vector_load %arg10[%get3A_913, %get3A_914] {strides = array<i32>} : memref<16x768xf32, #tpu.memory_space<vmem>>, vector<16xf32>,
      %mul3A_916 = arith.mulf %get3A_909, %gather3A_815 : vector<16xf32>
      %mul3A_917 = arith.mulf %get3A_915, %gather3A_820 : vector<16xf32>
      %add3A_918 = arith.addf %mul3A_916, %mul3A_917 : vector<16xf32>
      %mul3A_919 = arith.constant 16 : i32
      %mul3A_920 = arith.muli %mul3A_919, %scan3A_902 : i32
      %swap3A_921 = arith.constant 0 : i32
      %swap3A_922 = arith.index_cast %swap3A_921 : i32 to index
      %swap3A_923 = arith.index_cast %mul3A_920 : i32 to index
      %swap3A_924 = tpu.vector_load %arg11[%swap3A_922, %swap3A_923] {strides = array<i32>} : memref<8x768xf32, #tpu.memory_space<vmem>>, vector<16xf32>,
      tpu.vector_store %arg11[%swap3A_922, %swap3A_923], %add3A_918 {strides = array<i32>} : memref<8x768xf32, #tpu.memory_space<vmem>>, vector<16xf32>,
      %mul3A_925 = arith.constant 16 : i32
      %mul3A_926 = arith.muli %mul3A_925, %scan3A_902 : i32
      %get3A_927 = arith.constant 2 : i32
      %get3A_928 = arith.index_cast %get3A_927 : i32 to index
      %get3A_929 = arith.index_cast %mul3A_926 : i32 to index
      %get3A_930 = tpu.vector_load %arg10[%get3A_928, %get3A_929] {strides = array<i32>} : memref<16x768xf32, #tpu.memory_space<vmem>>, vector<16xf32>,
      %mul3A_931 = arith.constant 16 : i32
      %mul3A_932 = arith.muli %mul3A_931, %scan3A_902 : i32
      %get3A_933 = arith.constant 3 : i32
      %get3A_934 = arith.index_cast %get3A_933 : i32 to index
      %get3A_935 = arith.index_cast %mul3A_932 : i32 to index
      %get3A_936 = tpu.vector_load %arg10[%get3A_934, %get3A_935] {strides = array<i32>} : memref<16x768xf32, #tpu.memory_space<vmem>>, vector<16xf32>,
      %mul3A_937 = arith.mulf %get3A_930, %gather3A_825 : vector<16xf32>
      %mul3A_938 = arith.mulf %get3A_936, %gather3A_830 : vector<16xf32>
      %add3A_939 = arith.addf %mul3A_937, %mul3A_938 : vector<16xf32>
      %mul3A_940 = arith.constant 16 : i32
      %mul3A_941 = arith.muli %mul3A_940, %scan3A_902 : i32
      %swap3A_942 = arith.constant 1 : i32
      %swap3A_943 = arith.index_cast %swap3A_942 : i32 to index
      %swap3A_944 = arith.index_cast %mul3A_941 : i32 to index
      %swap3A_945 = tpu.vector_load %arg11[%swap3A_943, %swap3A_944] {strides = array<i32>} : memref<8x768xf32, #tpu.memory_space<vmem>>, vector<16xf32>,
      tpu.vector_store %arg11[%swap3A_943, %swap3A_944], %add3A_939 {strides = array<i32>} : memref<8x768xf32, #tpu.memory_space<vmem>>, vector<16xf32>,
      %mul3A_946 = arith.constant 16 : i32
      %mul3A_947 = arith.muli %mul3A_946, %scan3A_902 : i32
      %get3A_948 = arith.constant 4 : i32
      %get3A_949 = arith.index_cast %get3A_948 : i32 to index
      %get3A_950 = arith.index_cast %mul3A_947 : i32 to index
      %get3A_951 = tpu.vector_load %arg10[%get3A_949, %get3A_950] {strides = array<i32>} : memref<16x768xf32, #tpu.memory_space<vmem>>, vector<16xf32>,
      %mul3A_952 = arith.constant 16 : i32
      %mul3A_953 = arith.muli %mul3A_952, %scan3A_902 : i32
      %get3A_954 = arith.constant 5 : i32
      %get3A_955 = arith.index_cast %get3A_954 : i32 to index
      %get3A_956 = arith.index_cast %mul3A_953 : i32 to index
      %get3A_957 = tpu.vector_load %arg10[%get3A_955, %get3A_956] {strides = array<i32>} : memref<16x768xf32, #tpu.memory_space<vmem>>, vector<16xf32>,
      %mul3A_958 = arith.mulf %get3A_951, %gather3A_835 : vector<16xf32>
      %mul3A_959 = arith.mulf %get3A_957, %gather3A_840 : vector<16xf32>
      %add3A_960 = arith.addf %mul3A_958, %mul3A_959 : vector<16xf32>
      %mul3A_961 = arith.constant 16 : i32
      %mul3A_962 = arith.muli %mul3A_961, %scan3A_902 : i32
      %swap3A_963 = arith.constant 2 : i32
      %swap3A_964 = arith.index_cast %swap3A_963 : i32 to index
      %swap3A_965 = arith.index_cast %mul3A_962 : i32 to index
      %swap3A_966 = tpu.vector_load %arg11[%swap3A_964, %swap3A_965] {strides = array<i32>} : memref<8x768xf32, #tpu.memory_space<vmem>>, vector<16xf32>,
      tpu.vector_store %arg11[%swap3A_964, %swap3A_965], %add3A_960 {strides = array<i32>} : memref<8x768xf32, #tpu.memory_space<vmem>>, vector<16xf32>,
      %mul3A_967 = arith.constant 16 : i32
      %mul3A_968 = arith.muli %mul3A_967, %scan3A_902 : i32
      %get3A_969 = arith.constant 6 : i32
      %get3A_970 = arith.index_cast %get3A_969 : i32 to index
      %get3A_971 = arith.index_cast %mul3A_968 : i32 to index
      %get3A_972 = tpu.vector_load %arg10[%get3A_970, %get3A_971] {strides = array<i32>} : memref<16x768xf32, #tpu.memory_space<vmem>>, vector<16xf32>,
      %mul3A_973 = arith.constant 16 : i32
      %mul3A_974 = arith.muli %mul3A_973, %scan3A_902 : i32
      %get3A_975 = arith.constant 7 : i32
      %get3A_976 = arith.index_cast %get3A_975 : i32 to index
      %get3A_977 = arith.index_cast %mul3A_974 : i32 to index
      %get3A_978 = tpu.vector_load %arg10[%get3A_976, %get3A_977] {strides = array<i32>} : memref<16x768xf32, #tpu.memory_space<vmem>>, vector<16xf32>,
      %mul3A_979 = arith.mulf %get3A_972, %gather3A_845 : vector<16xf32>
      %mul3A_980 = arith.mulf %get3A_978, %gather3A_850 : vector<16xf32>
      %add3A_981 = arith.addf %mul3A_979, %mul3A_980 : vector<16xf32>
      %mul3A_982 = arith.constant 16 : i32
      %mul3A_983 = arith.muli %mul3A_982, %scan3A_902 : i32
      %swap3A_984 = arith.constant 3 : i32
      %swap3A_985 = arith.index_cast %swap3A_984 : i32 to index
      %swap3A_986 = arith.index_cast %mul3A_983 : i32 to index
      %swap3A_987 = tpu.vector_load %arg11[%swap3A_985, %swap3A_986] {strides = array<i32>} : memref<8x768xf32, #tpu.memory_space<vmem>>, vector<16xf32>,
      tpu.vector_store %arg11[%swap3A_985, %swap3A_986], %add3A_981 {strides = array<i32>} : memref<8x768xf32, #tpu.memory_space<vmem>>, vector<16xf32>,
      %mul3A_988 = arith.constant 16 : i32
      %mul3A_989 = arith.muli %mul3A_988, %scan3A_902 : i32
      %get3A_990 = arith.constant 8 : i32
      %get3A_991 = arith.index_cast %get3A_990 : i32 to index
      %get3A_992 = arith.index_cast %mul3A_989 : i32 to index
      %get3A_993 = tpu.vector_load %arg10[%get3A_991, %get3A_992] {strides = array<i32>} : memref<16x768xf32, #tpu.memory_space<vmem>>, vector<16xf32>,
      %mul3A_994 = arith.constant 16 : i32
      %mul3A_995 = arith.muli %mul3A_994, %scan3A_902 : i32
      %get3A_996 = arith.constant 9 : i32
      %get3A_997 = arith.index_cast %get3A_996 : i32 to index
      %get3A_998 = arith.index_cast %mul3A_995 : i32 to index
      %get3A_999 = tpu.vector_load %arg10[%get3A_997, %get3A_998] {strides = array<i32>} : memref<16x768xf32, #tpu.memory_space<vmem>>, vector<16xf32>,
      %mul3A_1000 = arith.mulf %get3A_993, %gather3A_855 : vector<16xf32>
      %mul3A_1001 = arith.mulf %get3A_999, %gather3A_860 : vector<16xf32>
      %add3A_1002 = arith.addf %mul3A_1000, %mul3A_1001 : vector<16xf32>
      %mul3A_1003 = arith.constant 16 : i32
      %mul3A_1004 = arith.muli %mul3A_1003, %scan3A_902 : i32
      %swap3A_1005 = arith.constant 4 : i32
      %swap3A_1006 = arith.index_cast %swap3A_1005 : i32 to index
      %swap3A_1007 = arith.index_cast %mul3A_1004 : i32 to index
      %swap3A_1008 = tpu.vector_load %arg11[%swap3A_1006, %swap3A_1007] {strides = array<i32>} : memref<8x768xf32, #tpu.memory_space<vmem>>, vector<16xf32>,
      tpu.vector_store %arg11[%swap3A_1006, %swap3A_1007], %add3A_1002 {strides = array<i32>} : memref<8x768xf32, #tpu.memory_space<vmem>>, vector<16xf32>,
      %mul3A_1009 = arith.constant 16 : i32
      %mul3A_1010 = arith.muli %mul3A_1009, %scan3A_902 : i32
      %get3A_1011 = arith.constant 10 : i32
      %get3A_1012 = arith.index_cast %get3A_1011 : i32 to index
      %get3A_1013 = arith.index_cast %mul3A_1010 : i32 to index
      %get3A_1014 = tpu.vector_load %arg10[%get3A_1012, %get3A_1013] {strides = array<i32>} : memref<16x768xf32, #tpu.memory_space<vmem>>, vector<16xf32>,
      %mul3A_1015 = arith.constant 16 : i32
      %mul3A_1016 = arith.muli %mul3A_1015, %scan3A_902 : i32
      %get3A_1017 = arith.constant 11 : i32
      %get3A_1018 = arith.index_cast %get3A_1017 : i32 to index
      %get3A_1019 = arith.index_cast %mul3A_1016 : i32 to index
      %get3A_1020 = tpu.vector_load %arg10[%get3A_1018, %get3A_1019] {strides = array<i32>} : memref<16x768xf32, #tpu.memory_space<vmem>>, vector<16xf32>,
      %mul3A_1021 = arith.mulf %get3A_1014, %gather3A_865 : vector<16xf32>
      %mul3A_1022 = arith.mulf %get3A_1020, %gather3A_870 : vector<16xf32>
      %add3A_1023 = arith.addf %mul3A_1021, %mul3A_1022 : vector<16xf32>
      %mul3A_1024 = arith.constant 16 : i32
      %mul3A_1025 = arith.muli %mul3A_1024, %scan3A_902 : i32
      %swap3A_1026 = arith.constant 5 : i32
      %swap3A_1027 = arith.index_cast %swap3A_1026 : i32 to index
      %swap3A_1028 = arith.index_cast %mul3A_1025 : i32 to index
      %swap3A_1029 = tpu.vector_load %arg11[%swap3A_1027, %swap3A_1028] {strides = array<i32>} : memref<8x768xf32, #tpu.memory_space<vmem>>, vector<16xf32>,
      tpu.vector_store %arg11[%swap3A_1027, %swap3A_1028], %add3A_1023 {strides = array<i32>} : memref<8x768xf32, #tpu.memory_space<vmem>>, vector<16xf32>,
      %mul3A_1030 = arith.constant 16 : i32
      %mul3A_1031 = arith.muli %mul3A_1030, %scan3A_902 : i32
      %get3A_1032 = arith.constant 12 : i32
      %get3A_1033 = arith.index_cast %get3A_1032 : i32 to index
      %get3A_1034 = arith.index_cast %mul3A_1031 : i32 to index
      %get3A_1035 = tpu.vector_load %arg10[%get3A_1033, %get3A_1034] {strides = array<i32>} : memref<16x768xf32, #tpu.memory_space<vmem>>, vector<16xf32>,
      %mul3A_1036 = arith.constant 16 : i32
      %mul3A_1037 = arith.muli %mul3A_1036, %scan3A_902 : i32
      %get3A_1038 = arith.constant 13 : i32
      %get3A_1039 = arith.index_cast %get3A_1038 : i32 to index
      %get3A_1040 = arith.index_cast %mul3A_1037 : i32 to index
      %get3A_1041 = tpu.vector_load %arg10[%get3A_1039, %get3A_1040] {strides = array<i32>} : memref<16x768xf32, #tpu.memory_space<vmem>>, vector<16xf32>,
      %mul3A_1042 = arith.mulf %get3A_1035, %gather3A_875 : vector<16xf32>
      %mul3A_1043 = arith.mulf %get3A_1041, %gather3A_880 : vector<16xf32>
      %add3A_1044 = arith.addf %mul3A_1042, %mul3A_1043 : vector<16xf32>
      %mul3A_1045 = arith.constant 16 : i32
      %mul3A_1046 = arith.muli %mul3A_1045, %scan3A_902 : i32
      %swap3A_1047 = arith.constant 6 : i32
      %swap3A_1048 = arith.index_cast %swap3A_1047 : i32 to index
      %swap3A_1049 = arith.index_cast %mul3A_1046 : i32 to index
      %swap3A_1050 = tpu.vector_load %arg11[%swap3A_1048, %swap3A_1049] {strides = array<i32>} : memref<8x768xf32, #tpu.memory_space<vmem>>, vector<16xf32>,
      tpu.vector_store %arg11[%swap3A_1048, %swap3A_1049], %add3A_1044 {strides = array<i32>} : memref<8x768xf32, #tpu.memory_space<vmem>>, vector<16xf32>,
      %mul3A_1051 = arith.constant 16 : i32
      %mul3A_1052 = arith.muli %mul3A_1051, %scan3A_902 : i32
      %get3A_1053 = arith.constant 14 : i32
      %get3A_1054 = arith.index_cast %get3A_1053 : i32 to index
      %get3A_1055 = arith.index_cast %mul3A_1052 : i32 to index
      %get3A_1056 = tpu.vector_load %arg10[%get3A_1054, %get3A_1055] {strides = array<i32>} : memref<16x768xf32, #tpu.memory_space<vmem>>, vector<16xf32>,
      %mul3A_1057 = arith.constant 16 : i32
      %mul3A_1058 = arith.muli %mul3A_1057, %scan3A_902 : i32
      %get3A_1059 = arith.constant 15 : i32
      %get3A_1060 = arith.index_cast %get3A_1059 : i32 to index
      %get3A_1061 = arith.index_cast %mul3A_1058 : i32 to index
      %get3A_1062 = tpu.vector_load %arg10[%get3A_1060, %get3A_1061] {strides = array<i32>} : memref<16x768xf32, #tpu.memory_space<vmem>>, vector<16xf32>,
      %mul3A_1063 = arith.mulf %get3A_1056, %gather3A_885 : vector<16xf32>
      %mul3A_1064 = arith.mulf %get3A_1062, %gather3A_890 : vector<16xf32>
      %add3A_1065 = arith.addf %mul3A_1063, %mul3A_1064 : vector<16xf32>
      %mul3A_1066 = arith.constant 16 : i32
      %mul3A_1067 = arith.muli %mul3A_1066, %scan3A_902 : i32
      %swap3A_1068 = arith.constant 7 : i32
      %swap3A_1069 = arith.index_cast %swap3A_1068 : i32 to index
      %swap3A_1070 = arith.index_cast %mul3A_1067 : i32 to index
      %swap3A_1071 = tpu.vector_load %arg11[%swap3A_1069, %swap3A_1070] {strides = array<i32>} : memref<8x768xf32, #tpu.memory_space<vmem>>, vector<16xf32>,
      tpu.vector_store %arg11[%swap3A_1069, %swap3A_1070], %add3A_1065 {strides = array<i32>} : memref<8x768xf32, #tpu.memory_space<vmem>>, vector<16xf32>,
      %scan3A_1072 = arith.constant 0 : i32
      scf.yield %scan3A_1072 : i32
    }
    %scan3A_897 = arith.constant 48 : i32
    %mul3A_898 = arith.constant 64 : i32
    %mul3A_899 = arith.muli %add3A, %mul3A_898 : i32
    %add3A_900 = arith.constant 56 : i32
    %add3A_901 = arith.addi %mul3A_899, %add3A_900 : i32
    "tpu.region"() ({
      %run_scoped3A = tpu.sem_alloc : memref<!tpu.dma_semaphore, #tpu.memory_space<semaphore_mem>>
      %dma_start3A_902 = arith.constant 0 : i32
      %dma_start3A_903 = tpu.memref_slice %arg5[%add3A_901, %dma_start3A_902] : memref<2048x768xf32, #tpu.memory_space<hbm>> -> memref<8x768xf32, #tpu.memory_space<hbm>>
      %dma_start3A_904 = arith.constant 0 : i32
      %dma_start3A_905 = tpu.memref_slice %arg5[%add3A_901, %dma_start3A_904] : memref<2048x768xf32, #tpu.memory_space<hbm>> -> memref<8x768xf32, #tpu.memory_space<hbm>>
      tpu.enqueue_dma source(%arg11 : memref<8x768xf32, #tpu.memory_space<vmem>>) target(%dma_start3A_905 : memref<8x768xf32, #tpu.memory_space<hbm>>) target_semaphore(%run_scoped3A : memref<!tpu.dma_semaphore, #tpu.memory_space<semaphore_mem>>)
      %dma_wait3A_906 = arith.constant 0 : i32
      %dma_wait3A_907 = tpu.memref_slice %arg5[%add3A_901, %dma_wait3A_906] : memref<2048x768xf32, #tpu.memory_space<hbm>> -> memref<8x768xf32, #tpu.memory_space<hbm>>
      %dma_wait3A_908 = arith.constant 0 : i32
      %dma_wait3A_909 = tpu.memref_slice %arg5[%add3A_901, %dma_wait3A_908] : memref<2048x768xf32, #tpu.memory_space<hbm>> -> memref<8x768xf32, #tpu.memory_space<hbm>>
      tpu.wait_dma2 semaphore(%run_scoped3A : memref<!tpu.dma_semaphore, #tpu.memory_space<semaphore_mem>>) src(%arg11 : memref<8x768xf32, #tpu.memory_space<vmem>>) dst(%dma_wait3A_909 : memref<8x768xf32, #tpu.memory_space<hbm>>)
      tpu.yield
    }) : () -> ()
    return
  }
}

#map = affine_map<(d0, d1) -> (0)>
#map1 = affine_map<(d0, d1) -> (0, 0)>
module attributes {stable_mosaic.version = 14 : i64} {
  func.func @_dispatch_body(%arg0: i32, %arg1: i32, %arg2: memref<4096xi32, #tpu.memory_space<hbm>>, %arg3: memref<2048x768xf32, #tpu.memory_space<hbm>>, %arg4: memref<5888x768xf32, #tpu.memory_space<hbm>>, %arg5: memref<4096xi32, #tpu.memory_space<hbm>>, %arg6: memref<32xi32, #tpu.memory_space<hbm>>, %arg7: memref<256xi32, #tpu.memory_space<vmem>>, %arg8: memref<16xi32, #tpu.memory_space<vmem>>, %arg9: memref<256xi32, #tpu.memory_space<vmem>>, %arg10: memref<128xi32, #tpu.memory_space<vmem>>, %arg11: memref<1x128xi32, #tpu.memory_space<vmem>>, %arg12: memref<128xi32, #tpu.memory_space<vmem>>, %arg13: memref<128x768xf32, #tpu.memory_space<vmem>>, %arg14: memref<32xi32, #tpu.memory_space<vmem>>, %arg15: memref<256xi32, #tpu.memory_space<vmem_shared>>, %arg16: memref<!tpu.dma_semaphore, #tpu.memory_space<semaphore_mem>>, %arg17: memref<!tpu.dma_semaphore, #tpu.memory_space<semaphore_mem>>) attributes {dimension_semantics = [#tpu.dimension_semantics<core_parallel>, #tpu.dimension_semantics<subcore_parallel>], iteration_bounds = array<i64: 2, 16>, scalar_prefetch = 0 : i64, scratch_operands = 11 : i64, tpu.core_type = #tpu.core_type<sc_vector_subcore>, window_params = [{transform_indices = #map}, {transform_indices = #map1}, {transform_indices = #map1}, {transform_indices = #map}, {transform_indices = #map}]} {
    %mul3A = arith.constant 2 : i32
    %mul3A_0 = arith.muli %arg1, %mul3A : i32
    %add3A = arith.addi %mul3A_0, %arg0 : i32
    %iota3A = tpu.iota {dimensions = array<i32: 0>} : vector<16xi32>
    %broadcast_in_dim3A = arith.constant 0 : i32
    %broadcast_in_dim3A_1 = vector.broadcast %broadcast_in_dim3A : i32 to vector<16xi32>
    %mul3A_2 = arith.constant 256 : i32
    %mul3A_3 = arith.muli %arg1, %mul3A_2 : i32
    %mul3A_4 = arith.constant 128 : i32
    %mul3A_5 = arith.muli %arg0, %mul3A_4 : i32
    %add3A_6 = arith.addi %mul3A_3, %mul3A_5 : i32
    %add3A_7 = vector.broadcast %add3A_6 : i32 to vector<16xi32>
    %add3A_8 = arith.addi %iota3A, %add3A_7 : vector<16xi32>
    %add3A_9 = arith.constant 0 : i32
    %add3A_10 = vector.broadcast %add3A_9 : i32 to vector<16xi32>
    %add3A_11 = arith.addi %add3A_8, %add3A_10 : vector<16xi32>
    %shift_right_arithmetic3A = arith.constant 1 : i32
    %shift_right_arithmetic3A_12 = vector.broadcast %shift_right_arithmetic3A : i32 to vector<16xi32>
    %shift_right_arithmetic3A_13 = arith.shrsi %add3A_11, %shift_right_arithmetic3A_12 : vector<16xi32>
    %swap3A = arith.constant 0 : index
    %swap3A_14 = tpu.vector_load %arg12[%swap3A] {strides = array<i32>} : memref<128xi32, #tpu.memory_space<vmem>>, vector<16xi32>,
    tpu.vector_store %arg12[%swap3A], %shift_right_arithmetic3A_13 {strides = array<i32>} : memref<128xi32, #tpu.memory_space<vmem>>, vector<16xi32>,
    %add3A_15 = vector.broadcast %add3A_6 : i32 to vector<16xi32>
    %add3A_16 = arith.addi %iota3A, %add3A_15 : vector<16xi32>
    %add3A_17 = arith.constant 16 : i32
    %add3A_18 = vector.broadcast %add3A_17 : i32 to vector<16xi32>
    %add3A_19 = arith.addi %add3A_16, %add3A_18 : vector<16xi32>
    %shift_right_arithmetic3A_20 = arith.constant 1 : i32
    %shift_right_arithmetic3A_21 = vector.broadcast %shift_right_arithmetic3A_20 : i32 to vector<16xi32>
    %shift_right_arithmetic3A_22 = arith.shrsi %add3A_19, %shift_right_arithmetic3A_21 : vector<16xi32>
    %swap3A_23 = arith.constant 16 : index
    %swap3A_24 = tpu.vector_load %arg12[%swap3A_23] {strides = array<i32>} : memref<128xi32, #tpu.memory_space<vmem>>, vector<16xi32>,
    tpu.vector_store %arg12[%swap3A_23], %shift_right_arithmetic3A_22 {strides = array<i32>} : memref<128xi32, #tpu.memory_space<vmem>>, vector<16xi32>,
    %add3A_25 = vector.broadcast %add3A_6 : i32 to vector<16xi32>
    %add3A_26 = arith.addi %iota3A, %add3A_25 : vector<16xi32>
    %add3A_27 = arith.constant 32 : i32
    %add3A_28 = vector.broadcast %add3A_27 : i32 to vector<16xi32>
    %add3A_29 = arith.addi %add3A_26, %add3A_28 : vector<16xi32>
    %shift_right_arithmetic3A_30 = arith.constant 1 : i32
    %shift_right_arithmetic3A_31 = vector.broadcast %shift_right_arithmetic3A_30 : i32 to vector<16xi32>
    %shift_right_arithmetic3A_32 = arith.shrsi %add3A_29, %shift_right_arithmetic3A_31 : vector<16xi32>
    %swap3A_33 = arith.constant 32 : index
    %swap3A_34 = tpu.vector_load %arg12[%swap3A_33] {strides = array<i32>} : memref<128xi32, #tpu.memory_space<vmem>>, vector<16xi32>,
    tpu.vector_store %arg12[%swap3A_33], %shift_right_arithmetic3A_32 {strides = array<i32>} : memref<128xi32, #tpu.memory_space<vmem>>, vector<16xi32>,
    %add3A_35 = vector.broadcast %add3A_6 : i32 to vector<16xi32>
    %add3A_36 = arith.addi %iota3A, %add3A_35 : vector<16xi32>
    %add3A_37 = arith.constant 48 : i32
    %add3A_38 = vector.broadcast %add3A_37 : i32 to vector<16xi32>
    %add3A_39 = arith.addi %add3A_36, %add3A_38 : vector<16xi32>
    %shift_right_arithmetic3A_40 = arith.constant 1 : i32
    %shift_right_arithmetic3A_41 = vector.broadcast %shift_right_arithmetic3A_40 : i32 to vector<16xi32>
    %shift_right_arithmetic3A_42 = arith.shrsi %add3A_39, %shift_right_arithmetic3A_41 : vector<16xi32>
    %swap3A_43 = arith.constant 48 : index
    %swap3A_44 = tpu.vector_load %arg12[%swap3A_43] {strides = array<i32>} : memref<128xi32, #tpu.memory_space<vmem>>, vector<16xi32>,
    tpu.vector_store %arg12[%swap3A_43], %shift_right_arithmetic3A_42 {strides = array<i32>} : memref<128xi32, #tpu.memory_space<vmem>>, vector<16xi32>,
    %add3A_45 = vector.broadcast %add3A_6 : i32 to vector<16xi32>
    %add3A_46 = arith.addi %iota3A, %add3A_45 : vector<16xi32>
    %add3A_47 = arith.constant 64 : i32
    %add3A_48 = vector.broadcast %add3A_47 : i32 to vector<16xi32>
    %add3A_49 = arith.addi %add3A_46, %add3A_48 : vector<16xi32>
    %shift_right_arithmetic3A_50 = arith.constant 1 : i32
    %shift_right_arithmetic3A_51 = vector.broadcast %shift_right_arithmetic3A_50 : i32 to vector<16xi32>
    %shift_right_arithmetic3A_52 = arith.shrsi %add3A_49, %shift_right_arithmetic3A_51 : vector<16xi32>
    %swap3A_53 = arith.constant 64 : index
    %swap3A_54 = tpu.vector_load %arg12[%swap3A_53] {strides = array<i32>} : memref<128xi32, #tpu.memory_space<vmem>>, vector<16xi32>,
    tpu.vector_store %arg12[%swap3A_53], %shift_right_arithmetic3A_52 {strides = array<i32>} : memref<128xi32, #tpu.memory_space<vmem>>, vector<16xi32>,
    %add3A_55 = vector.broadcast %add3A_6 : i32 to vector<16xi32>
    %add3A_56 = arith.addi %iota3A, %add3A_55 : vector<16xi32>
    %add3A_57 = arith.constant 80 : i32
    %add3A_58 = vector.broadcast %add3A_57 : i32 to vector<16xi32>
    %add3A_59 = arith.addi %add3A_56, %add3A_58 : vector<16xi32>
    %shift_right_arithmetic3A_60 = arith.constant 1 : i32
    %shift_right_arithmetic3A_61 = vector.broadcast %shift_right_arithmetic3A_60 : i32 to vector<16xi32>
    %shift_right_arithmetic3A_62 = arith.shrsi %add3A_59, %shift_right_arithmetic3A_61 : vector<16xi32>
    %swap3A_63 = arith.constant 80 : index
    %swap3A_64 = tpu.vector_load %arg12[%swap3A_63] {strides = array<i32>} : memref<128xi32, #tpu.memory_space<vmem>>, vector<16xi32>,
    tpu.vector_store %arg12[%swap3A_63], %shift_right_arithmetic3A_62 {strides = array<i32>} : memref<128xi32, #tpu.memory_space<vmem>>, vector<16xi32>,
    %add3A_65 = vector.broadcast %add3A_6 : i32 to vector<16xi32>
    %add3A_66 = arith.addi %iota3A, %add3A_65 : vector<16xi32>
    %add3A_67 = arith.constant 96 : i32
    %add3A_68 = vector.broadcast %add3A_67 : i32 to vector<16xi32>
    %add3A_69 = arith.addi %add3A_66, %add3A_68 : vector<16xi32>
    %shift_right_arithmetic3A_70 = arith.constant 1 : i32
    %shift_right_arithmetic3A_71 = vector.broadcast %shift_right_arithmetic3A_70 : i32 to vector<16xi32>
    %shift_right_arithmetic3A_72 = arith.shrsi %add3A_69, %shift_right_arithmetic3A_71 : vector<16xi32>
    %swap3A_73 = arith.constant 96 : index
    %swap3A_74 = tpu.vector_load %arg12[%swap3A_73] {strides = array<i32>} : memref<128xi32, #tpu.memory_space<vmem>>, vector<16xi32>,
    tpu.vector_store %arg12[%swap3A_73], %shift_right_arithmetic3A_72 {strides = array<i32>} : memref<128xi32, #tpu.memory_space<vmem>>, vector<16xi32>,
    %add3A_75 = vector.broadcast %add3A_6 : i32 to vector<16xi32>
    %add3A_76 = arith.addi %iota3A, %add3A_75 : vector<16xi32>
    %add3A_77 = arith.constant 112 : i32
    %add3A_78 = vector.broadcast %add3A_77 : i32 to vector<16xi32>
    %add3A_79 = arith.addi %add3A_76, %add3A_78 : vector<16xi32>
    %shift_right_arithmetic3A_80 = arith.constant 1 : i32
    %shift_right_arithmetic3A_81 = vector.broadcast %shift_right_arithmetic3A_80 : i32 to vector<16xi32>
    %shift_right_arithmetic3A_82 = arith.shrsi %add3A_79, %shift_right_arithmetic3A_81 : vector<16xi32>
    %swap3A_83 = arith.constant 112 : index
    %swap3A_84 = tpu.vector_load %arg12[%swap3A_83] {strides = array<i32>} : memref<128xi32, #tpu.memory_space<vmem>>, vector<16xi32>,
    tpu.vector_store %arg12[%swap3A_83], %shift_right_arithmetic3A_82 {strides = array<i32>} : memref<128xi32, #tpu.memory_space<vmem>>, vector<16xi32>,
    %dma_start3A = arith.constant 0 : i32
    %dma_start3A_85 = arith.constant 0 : i32
    %dma_start3A_86 = tpu.memref_slice %arg3[%dma_start3A, %dma_start3A_85] : memref<2048x768xf32, #tpu.memory_space<hbm>> -> memref<2048x768xf32, #tpu.memory_space<hbm>>
    tpu.enqueue_indirect_dma source(%dma_start3A_86 : memref<2048x768xf32, #tpu.memory_space<hbm>>) target(%arg13 : memref<128x768xf32, #tpu.memory_space<vmem>>) offsets(%arg12 : memref<128xi32, #tpu.memory_space<vmem>>) semaphore(%arg16 : memref<!tpu.dma_semaphore, #tpu.memory_space<semaphore_mem>>)
    %mul3A_87 = arith.constant 256 : i32
    %mul3A_88 = arith.muli %arg1, %mul3A_87 : i32
    "tpu.region"() ({
      %run_scoped3A = tpu.sem_alloc : memref<!tpu.dma_semaphore, #tpu.memory_space<semaphore_mem>>
      %dma_start3A_291 = tpu.memref_slice %arg2[%mul3A_88] : memref<4096xi32, #tpu.memory_space<hbm>> -> memref<256xi32, #tpu.memory_space<hbm>>
      %dma_start3A_292 = tpu.memref_slice %arg2[%mul3A_88] : memref<4096xi32, #tpu.memory_space<hbm>> -> memref<256xi32, #tpu.memory_space<hbm>>
      tpu.enqueue_dma source(%dma_start3A_292 : memref<256xi32, #tpu.memory_space<hbm>>) target(%arg7 : memref<256xi32, #tpu.memory_space<vmem>>) target_semaphore(%run_scoped3A : memref<!tpu.dma_semaphore, #tpu.memory_space<semaphore_mem>>)
      %dma_wait3A_293 = tpu.memref_slice %arg2[%mul3A_88] : memref<4096xi32, #tpu.memory_space<hbm>> -> memref<256xi32, #tpu.memory_space<hbm>>
      %dma_wait3A_294 = tpu.memref_slice %arg2[%mul3A_88] : memref<4096xi32, #tpu.memory_space<hbm>> -> memref<256xi32, #tpu.memory_space<hbm>>
      tpu.wait_dma2 semaphore(%run_scoped3A : memref<!tpu.dma_semaphore, #tpu.memory_space<semaphore_mem>>) src(%dma_wait3A_294 : memref<256xi32, #tpu.memory_space<hbm>>) dst(%arg7 : memref<256xi32, #tpu.memory_space<vmem>>)
      tpu.yield
    }) : () -> ()
    %scan3A = arith.constant 0 : i32
    %scan3A_89 = arith.constant 16 : i32
    %scan3A_90 = arith.addi %scan3A, %scan3A_89 : i32
    %scan3A_91 = arith.constant 1 : i32
    %scan3A_92:2 = scf.for %scan3A_291 = %scan3A to %scan3A_90 step %scan3A_91 iter_args(%scan3A_292 = %broadcast_in_dim3A_1, %scan3A_293 = %broadcast_in_dim3A_1) -> (vector<16xi32>, vector<16xi32>)  : i32 {
      %mul3A_294 = arith.constant 16 : i32
      %mul3A_295 = arith.muli %scan3A_291, %mul3A_294 : i32
      %get3A = arith.index_cast %mul3A_295 : i32 to index
      %get3A_296 = tpu.vector_load %arg7[%get3A] {strides = array<i32>} : memref<256xi32, #tpu.memory_space<vmem>>, vector<16xi32>,
      %scan3A_297 = arith.constant 0 : i32
      %scan3A_298 = arith.constant 8 : i32
      %scan3A_299 = arith.addi %scan3A_297, %scan3A_298 : i32
      %scan3A_300 = arith.constant 1 : i32
      %scan3A_301 = scf.for %scan3A_309 = %scan3A_297 to %scan3A_299 step %scan3A_300 iter_args(%scan3A_310 = %broadcast_in_dim3A_1) -> (vector<16xi32>)  : i32 {
        %eq3A_311 = vector.broadcast %scan3A_309 : i32 to vector<16xi32>
        %eq3A_312 = arith.cmpi eq, %get3A_296, %eq3A_311 : vector<16xi32>
        %convert_element_type3A_313 = arith.extui %eq3A_312 : vector<16xi1> to vector<16xi32>
        %broadcast_in_dim3A_314 = arith.constant true
        %broadcast_in_dim3A_315 = vector.broadcast %broadcast_in_dim3A_314 : i1 to vector<16xi1>
        %masked_cumsum3A_316 = tpu.scan <sum>, %convert_element_type3A_313 masked %broadcast_in_dim3A_315 : vector<16xi32>, vector<16xi1> -> vector<16xi32>
        %broadcast_in_dim3A_317 = arith.constant 15 : i32
        %broadcast_in_dim3A_318 = vector.broadcast %broadcast_in_dim3A_317 : i32 to vector<16xi32>
        %broadcast_in_dim3A_319 = vector.shape_cast %broadcast_in_dim3A_318 : vector<16xi32> to vector<16x1xi32>
        %gather3A_320 = vector.shape_cast %broadcast_in_dim3A_319 : vector<16x1xi32> to vector<16xi32>
        %gather3A_321 = tpu.dynamic_gather %masked_cumsum3A_316[%gather3A_320] in [0] : vector<16xi32>, vector<16xi32> -> vector<16xi32>
        %eq3A_322 = vector.broadcast %scan3A_309 : i32 to vector<16xi32>
        %eq3A_323 = arith.cmpi eq, %iota3A, %eq3A_322 : vector<16xi32>
        %jit3A = arith.constant 0 : i32
        %broadcast_in_dim3A_324 = vector.broadcast %jit3A : i32 to vector<16xi32>
        %select_n3A_325 = arith.select %eq3A_323, %gather3A_321, %broadcast_in_dim3A_324 : vector<16xi1>, vector<16xi32>
        %add3A_326 = arith.addi %scan3A_310, %select_n3A_325 : vector<16xi32>
        scf.yield %add3A_326 : vector<16xi32>
      }
      %scan3A_302 = arith.constant 8 : i32
      %lt3A = arith.constant 8 : i32
      %lt3A_303 = arith.cmpi slt, %scan3A_291, %lt3A : i32
      %convert_element_type3A_304 = arith.extui %lt3A_303 : i1 to i32
      %add3A_305 = arith.addi %scan3A_292, %scan3A_301 : vector<16xi32>
      %mul3A_306 = vector.broadcast %convert_element_type3A_304 : i32 to vector<16xi32>
      %mul3A_307 = arith.muli %scan3A_301, %mul3A_306 : vector<16xi32>
      %add3A_308 = arith.addi %scan3A_293, %mul3A_307 : vector<16xi32>
      scf.yield %add3A_305, %add3A_308 : vector<16xi32>, vector<16xi32>
    }
    %scan3A_93 = arith.constant 16 : i32
    %swap3A_94 = arith.constant 0 : index
    %swap3A_95 = tpu.vector_load %arg8[%swap3A_94] {strides = array<i32>} : memref<16xi32, #tpu.memory_space<vmem>>, vector<16xi32>,
    tpu.vector_store %arg8[%swap3A_94], %scan3A_92#0 {strides = array<i32>} : memref<16xi32, #tpu.memory_space<vmem>>, vector<16xi32>,
    %mul3A_96 = arith.constant 16 : i32
    %mul3A_97 = arith.muli %arg1, %mul3A_96 : i32
    "tpu.region"() ({
      %run_scoped3A = tpu.sem_alloc : memref<!tpu.dma_semaphore, #tpu.memory_space<semaphore_mem>>
      %dma_start3A_291 = tpu.memref_slice %arg15[%mul3A_97] : memref<256xi32, #tpu.memory_space<vmem_shared>> -> memref<16xi32, #tpu.memory_space<vmem_shared>>
      %dma_start3A_292 = tpu.memref_slice %arg15[%mul3A_97] : memref<256xi32, #tpu.memory_space<vmem_shared>> -> memref<16xi32, #tpu.memory_space<vmem_shared>>
      tpu.enqueue_dma source(%arg8 : memref<16xi32, #tpu.memory_space<vmem>>) target(%dma_start3A_292 : memref<16xi32, #tpu.memory_space<vmem_shared>>) target_semaphore(%run_scoped3A : memref<!tpu.dma_semaphore, #tpu.memory_space<semaphore_mem>>)
      %dma_wait3A_293 = tpu.memref_slice %arg15[%mul3A_97] : memref<256xi32, #tpu.memory_space<vmem_shared>> -> memref<16xi32, #tpu.memory_space<vmem_shared>>
      %dma_wait3A_294 = tpu.memref_slice %arg15[%mul3A_97] : memref<256xi32, #tpu.memory_space<vmem_shared>> -> memref<16xi32, #tpu.memory_space<vmem_shared>>
      tpu.wait_dma2 semaphore(%run_scoped3A : memref<!tpu.dma_semaphore, #tpu.memory_space<semaphore_mem>>) src(%arg8 : memref<16xi32, #tpu.memory_space<vmem>>) dst(%dma_wait3A_294 : memref<16xi32, #tpu.memory_space<vmem_shared>>)
      tpu.yield
    }) : () -> ()
    %barrier3A = arith.constant 0 : index
    tpu.barrier barrier_id(%barrier3A)
    "tpu.region"() ({
      %run_scoped3A = tpu.sem_alloc : memref<!tpu.dma_semaphore, #tpu.memory_space<semaphore_mem>>
      tpu.enqueue_dma source(%arg15 : memref<256xi32, #tpu.memory_space<vmem_shared>>) target(%arg9 : memref<256xi32, #tpu.memory_space<vmem>>) target_semaphore(%run_scoped3A : memref<!tpu.dma_semaphore, #tpu.memory_space<semaphore_mem>>)
      tpu.wait_dma2 semaphore(%run_scoped3A : memref<!tpu.dma_semaphore, #tpu.memory_space<semaphore_mem>>) src(%arg15 : memref<256xi32, #tpu.memory_space<vmem_shared>>) dst(%arg9 : memref<256xi32, #tpu.memory_space<vmem>>)
      tpu.yield
    }) : () -> ()
    %scan3A_98 = arith.constant 0 : i32
    %scan3A_99 = arith.constant 16 : i32
    %scan3A_100 = arith.addi %scan3A_98, %scan3A_99 : i32
    %scan3A_101 = arith.constant 1 : i32
    %scan3A_102:2 = scf.for %scan3A_291 = %scan3A_98 to %scan3A_100 step %scan3A_101 iter_args(%scan3A_292 = %broadcast_in_dim3A_1, %scan3A_293 = %broadcast_in_dim3A_1) -> (vector<16xi32>, vector<16xi32>)  : i32 {
      %mul3A_294 = arith.constant 16 : i32
      %mul3A_295 = arith.muli %scan3A_291, %mul3A_294 : i32
      %get3A = arith.index_cast %mul3A_295 : i32 to index
      %get3A_296 = tpu.vector_load %arg9[%get3A] {strides = array<i32>} : memref<256xi32, #tpu.memory_space<vmem>>, vector<16xi32>,
      %add3A_297 = arith.addi %scan3A_292, %get3A_296 : vector<16xi32>
      %lt3A = arith.cmpi slt, %scan3A_291, %arg1 : i32
      %convert_element_type3A_298 = arith.extui %lt3A : i1 to i32
      %mul3A_299 = vector.broadcast %convert_element_type3A_298 : i32 to vector<16xi32>
      %mul3A_300 = arith.muli %get3A_296, %mul3A_299 : vector<16xi32>
      %add3A_301 = arith.addi %scan3A_293, %mul3A_300 : vector<16xi32>
      scf.yield %add3A_297, %add3A_301 : vector<16xi32>, vector<16xi32>
    }
    %scan3A_103 = arith.constant 16 : i32
    %add3A_104 = arith.constant 255 : i32
    %add3A_105 = vector.broadcast %add3A_104 : i32 to vector<16xi32>
    %add3A_106 = arith.addi %scan3A_102#0, %add3A_105 : vector<16xi32>
    %shift_right_arithmetic3A_107 = arith.constant 8 : i32
    %shift_right_arithmetic3A_108 = vector.broadcast %shift_right_arithmetic3A_107 : i32 to vector<16xi32>
    %shift_right_arithmetic3A_109 = arith.shrsi %add3A_106, %shift_right_arithmetic3A_108 : vector<16xi32>
    %broadcast_in_dim3A_110 = arith.constant true
    %broadcast_in_dim3A_111 = vector.broadcast %broadcast_in_dim3A_110 : i1 to vector<16xi1>
    %masked_cumsum3A = tpu.scan <sum>, %shift_right_arithmetic3A_109 masked %broadcast_in_dim3A_111 : vector<16xi32>, vector<16xi1> -> vector<16xi32>
    %sub3A = arith.subi %masked_cumsum3A, %shift_right_arithmetic3A_109 : vector<16xi32>
    %mul3A_112 = arith.constant 256 : i32
    %mul3A_113 = vector.broadcast %mul3A_112 : i32 to vector<16xi32>
    %mul3A_114 = arith.muli %sub3A, %mul3A_113 : vector<16xi32>
    %add3A_115 = arith.addi %mul3A_114, %scan3A_102#1 : vector<16xi32>
    %mul3A_116 = vector.broadcast %arg0 : i32 to vector<16xi32>
    %mul3A_117 = arith.muli %scan3A_92#1, %mul3A_116 : vector<16xi32>
    %add3A_118 = arith.addi %add3A_115, %mul3A_117 : vector<16xi32>
    %broadcast_in_dim3A_119 = arith.constant 7 : i32
    %broadcast_in_dim3A_120 = vector.broadcast %broadcast_in_dim3A_119 : i32 to vector<16xi32>
    %broadcast_in_dim3A_121 = vector.shape_cast %broadcast_in_dim3A_120 : vector<16xi32> to vector<16x1xi32>
    %gather3A = vector.shape_cast %broadcast_in_dim3A_121 : vector<16x1xi32> to vector<16xi32>
    %gather3A_122 = tpu.dynamic_gather %masked_cumsum3A[%gather3A] in [0] : vector<16xi32>, vector<16xi32> -> vector<16xi32>
    %add3A_123 = arith.constant 0 : i32
    %add3A_124 = vector.broadcast %add3A_123 : i32 to vector<16xi32>
    %add3A_125 = arith.addi %iota3A, %add3A_124 : vector<16xi32>
    %broadcast_in_dim3A_126 = arith.constant -1 : i32
    %broadcast_in_dim3A_127 = vector.broadcast %broadcast_in_dim3A_126 : i32 to vector<16xi32>
    %broadcast_in_dim3A_128 = arith.constant 0 : i32
    %broadcast_in_dim3A_129 = vector.broadcast %broadcast_in_dim3A_128 : i32 to vector<16xi32>
    %broadcast_in_dim3A_130 = vector.shape_cast %broadcast_in_dim3A_129 : vector<16xi32> to vector<16x1xi32>
    %gather3A_131 = vector.shape_cast %broadcast_in_dim3A_130 : vector<16x1xi32> to vector<16xi32>
    %gather3A_132 = tpu.dynamic_gather %sub3A[%gather3A_131] in [0] : vector<16xi32>, vector<16xi32> -> vector<16xi32>
    %ge3A = arith.cmpi sge, %add3A_125, %gather3A_132 : vector<16xi32>
    %convert_element_type3A = arith.extui %ge3A : vector<16xi1> to vector<16xi32>
    %add3A_133 = arith.addi %broadcast_in_dim3A_127, %convert_element_type3A : vector<16xi32>
    %broadcast_in_dim3A_134 = arith.constant 1 : i32
    %broadcast_in_dim3A_135 = vector.broadcast %broadcast_in_dim3A_134 : i32 to vector<16xi32>
    %broadcast_in_dim3A_136 = vector.shape_cast %broadcast_in_dim3A_135 : vector<16xi32> to vector<16x1xi32>
    %gather3A_137 = vector.shape_cast %broadcast_in_dim3A_136 : vector<16x1xi32> to vector<16xi32>
    %gather3A_138 = tpu.dynamic_gather %sub3A[%gather3A_137] in [0] : vector<16xi32>, vector<16xi32> -> vector<16xi32>
    %ge3A_139 = arith.cmpi sge, %add3A_125, %gather3A_138 : vector<16xi32>
    %convert_element_type3A_140 = arith.extui %ge3A_139 : vector<16xi1> to vector<16xi32>
    %add3A_141 = arith.addi %add3A_133, %convert_element_type3A_140 : vector<16xi32>
    %broadcast_in_dim3A_142 = arith.constant 2 : i32
    %broadcast_in_dim3A_143 = vector.broadcast %broadcast_in_dim3A_142 : i32 to vector<16xi32>
    %broadcast_in_dim3A_144 = vector.shape_cast %broadcast_in_dim3A_143 : vector<16xi32> to vector<16x1xi32>
    %gather3A_145 = vector.shape_cast %broadcast_in_dim3A_144 : vector<16x1xi32> to vector<16xi32>
    %gather3A_146 = tpu.dynamic_gather %sub3A[%gather3A_145] in [0] : vector<16xi32>, vector<16xi32> -> vector<16xi32>
    %ge3A_147 = arith.cmpi sge, %add3A_125, %gather3A_146 : vector<16xi32>
    %convert_element_type3A_148 = arith.extui %ge3A_147 : vector<16xi1> to vector<16xi32>
    %add3A_149 = arith.addi %add3A_141, %convert_element_type3A_148 : vector<16xi32>
    %broadcast_in_dim3A_150 = arith.constant 3 : i32
    %broadcast_in_dim3A_151 = vector.broadcast %broadcast_in_dim3A_150 : i32 to vector<16xi32>
    %broadcast_in_dim3A_152 = vector.shape_cast %broadcast_in_dim3A_151 : vector<16xi32> to vector<16x1xi32>
    %gather3A_153 = vector.shape_cast %broadcast_in_dim3A_152 : vector<16x1xi32> to vector<16xi32>
    %gather3A_154 = tpu.dynamic_gather %sub3A[%gather3A_153] in [0] : vector<16xi32>, vector<16xi32> -> vector<16xi32>
    %ge3A_155 = arith.cmpi sge, %add3A_125, %gather3A_154 : vector<16xi32>
    %convert_element_type3A_156 = arith.extui %ge3A_155 : vector<16xi1> to vector<16xi32>
    %add3A_157 = arith.addi %add3A_149, %convert_element_type3A_156 : vector<16xi32>
    %broadcast_in_dim3A_158 = arith.constant 4 : i32
    %broadcast_in_dim3A_159 = vector.broadcast %broadcast_in_dim3A_158 : i32 to vector<16xi32>
    %broadcast_in_dim3A_160 = vector.shape_cast %broadcast_in_dim3A_159 : vector<16xi32> to vector<16x1xi32>
    %gather3A_161 = vector.shape_cast %broadcast_in_dim3A_160 : vector<16x1xi32> to vector<16xi32>
    %gather3A_162 = tpu.dynamic_gather %sub3A[%gather3A_161] in [0] : vector<16xi32>, vector<16xi32> -> vector<16xi32>
    %ge3A_163 = arith.cmpi sge, %add3A_125, %gather3A_162 : vector<16xi32>
    %convert_element_type3A_164 = arith.extui %ge3A_163 : vector<16xi1> to vector<16xi32>
    %add3A_165 = arith.addi %add3A_157, %convert_element_type3A_164 : vector<16xi32>
    %broadcast_in_dim3A_166 = arith.constant 5 : i32
    %broadcast_in_dim3A_167 = vector.broadcast %broadcast_in_dim3A_166 : i32 to vector<16xi32>
    %broadcast_in_dim3A_168 = vector.shape_cast %broadcast_in_dim3A_167 : vector<16xi32> to vector<16x1xi32>
    %gather3A_169 = vector.shape_cast %broadcast_in_dim3A_168 : vector<16x1xi32> to vector<16xi32>
    %gather3A_170 = tpu.dynamic_gather %sub3A[%gather3A_169] in [0] : vector<16xi32>, vector<16xi32> -> vector<16xi32>
    %ge3A_171 = arith.cmpi sge, %add3A_125, %gather3A_170 : vector<16xi32>
    %convert_element_type3A_172 = arith.extui %ge3A_171 : vector<16xi1> to vector<16xi32>
    %add3A_173 = arith.addi %add3A_165, %convert_element_type3A_172 : vector<16xi32>
    %broadcast_in_dim3A_174 = arith.constant 6 : i32
    %broadcast_in_dim3A_175 = vector.broadcast %broadcast_in_dim3A_174 : i32 to vector<16xi32>
    %broadcast_in_dim3A_176 = vector.shape_cast %broadcast_in_dim3A_175 : vector<16xi32> to vector<16x1xi32>
    %gather3A_177 = vector.shape_cast %broadcast_in_dim3A_176 : vector<16x1xi32> to vector<16xi32>
    %gather3A_178 = tpu.dynamic_gather %sub3A[%gather3A_177] in [0] : vector<16xi32>, vector<16xi32> -> vector<16xi32>
    %ge3A_179 = arith.cmpi sge, %add3A_125, %gather3A_178 : vector<16xi32>
    %convert_element_type3A_180 = arith.extui %ge3A_179 : vector<16xi1> to vector<16xi32>
    %add3A_181 = arith.addi %add3A_173, %convert_element_type3A_180 : vector<16xi32>
    %broadcast_in_dim3A_182 = arith.constant 7 : i32
    %broadcast_in_dim3A_183 = vector.broadcast %broadcast_in_dim3A_182 : i32 to vector<16xi32>
    %broadcast_in_dim3A_184 = vector.shape_cast %broadcast_in_dim3A_183 : vector<16xi32> to vector<16x1xi32>
    %gather3A_185 = vector.shape_cast %broadcast_in_dim3A_184 : vector<16x1xi32> to vector<16xi32>
    %gather3A_186 = tpu.dynamic_gather %sub3A[%gather3A_185] in [0] : vector<16xi32>, vector<16xi32> -> vector<16xi32>
    %ge3A_187 = arith.cmpi sge, %add3A_125, %gather3A_186 : vector<16xi32>
    %convert_element_type3A_188 = arith.extui %ge3A_187 : vector<16xi1> to vector<16xi32>
    %add3A_189 = arith.addi %add3A_181, %convert_element_type3A_188 : vector<16xi32>
    %swap3A_190 = arith.constant 0 : index
    %swap3A_191 = tpu.vector_load %arg14[%swap3A_190] {strides = array<i32>} : memref<32xi32, #tpu.memory_space<vmem>>, vector<16xi32>,
    tpu.vector_store %arg14[%swap3A_190], %add3A_189 {strides = array<i32>} : memref<32xi32, #tpu.memory_space<vmem>>, vector<16xi32>,
    %add3A_192 = arith.constant 16 : i32
    %add3A_193 = vector.broadcast %add3A_192 : i32 to vector<16xi32>
    %add3A_194 = arith.addi %iota3A, %add3A_193 : vector<16xi32>
    %broadcast_in_dim3A_195 = arith.constant -1 : i32
    %broadcast_in_dim3A_196 = vector.broadcast %broadcast_in_dim3A_195 : i32 to vector<16xi32>
    %broadcast_in_dim3A_197 = arith.constant 0 : i32
    %broadcast_in_dim3A_198 = vector.broadcast %broadcast_in_dim3A_197 : i32 to vector<16xi32>
    %broadcast_in_dim3A_199 = vector.shape_cast %broadcast_in_dim3A_198 : vector<16xi32> to vector<16x1xi32>
    %gather3A_200 = vector.shape_cast %broadcast_in_dim3A_199 : vector<16x1xi32> to vector<16xi32>
    %gather3A_201 = tpu.dynamic_gather %sub3A[%gather3A_200] in [0] : vector<16xi32>, vector<16xi32> -> vector<16xi32>
    %ge3A_202 = arith.cmpi sge, %add3A_194, %gather3A_201 : vector<16xi32>
    %convert_element_type3A_203 = arith.extui %ge3A_202 : vector<16xi1> to vector<16xi32>
    %add3A_204 = arith.addi %broadcast_in_dim3A_196, %convert_element_type3A_203 : vector<16xi32>
    %broadcast_in_dim3A_205 = arith.constant 1 : i32
    %broadcast_in_dim3A_206 = vector.broadcast %broadcast_in_dim3A_205 : i32 to vector<16xi32>
    %broadcast_in_dim3A_207 = vector.shape_cast %broadcast_in_dim3A_206 : vector<16xi32> to vector<16x1xi32>
    %gather3A_208 = vector.shape_cast %broadcast_in_dim3A_207 : vector<16x1xi32> to vector<16xi32>
    %gather3A_209 = tpu.dynamic_gather %sub3A[%gather3A_208] in [0] : vector<16xi32>, vector<16xi32> -> vector<16xi32>
    %ge3A_210 = arith.cmpi sge, %add3A_194, %gather3A_209 : vector<16xi32>
    %convert_element_type3A_211 = arith.extui %ge3A_210 : vector<16xi1> to vector<16xi32>
    %add3A_212 = arith.addi %add3A_204, %convert_element_type3A_211 : vector<16xi32>
    %broadcast_in_dim3A_213 = arith.constant 2 : i32
    %broadcast_in_dim3A_214 = vector.broadcast %broadcast_in_dim3A_213 : i32 to vector<16xi32>
    %broadcast_in_dim3A_215 = vector.shape_cast %broadcast_in_dim3A_214 : vector<16xi32> to vector<16x1xi32>
    %gather3A_216 = vector.shape_cast %broadcast_in_dim3A_215 : vector<16x1xi32> to vector<16xi32>
    %gather3A_217 = tpu.dynamic_gather %sub3A[%gather3A_216] in [0] : vector<16xi32>, vector<16xi32> -> vector<16xi32>
    %ge3A_218 = arith.cmpi sge, %add3A_194, %gather3A_217 : vector<16xi32>
    %convert_element_type3A_219 = arith.extui %ge3A_218 : vector<16xi1> to vector<16xi32>
    %add3A_220 = arith.addi %add3A_212, %convert_element_type3A_219 : vector<16xi32>
    %broadcast_in_dim3A_221 = arith.constant 3 : i32
    %broadcast_in_dim3A_222 = vector.broadcast %broadcast_in_dim3A_221 : i32 to vector<16xi32>
    %broadcast_in_dim3A_223 = vector.shape_cast %broadcast_in_dim3A_222 : vector<16xi32> to vector<16x1xi32>
    %gather3A_224 = vector.shape_cast %broadcast_in_dim3A_223 : vector<16x1xi32> to vector<16xi32>
    %gather3A_225 = tpu.dynamic_gather %sub3A[%gather3A_224] in [0] : vector<16xi32>, vector<16xi32> -> vector<16xi32>
    %ge3A_226 = arith.cmpi sge, %add3A_194, %gather3A_225 : vector<16xi32>
    %convert_element_type3A_227 = arith.extui %ge3A_226 : vector<16xi1> to vector<16xi32>
    %add3A_228 = arith.addi %add3A_220, %convert_element_type3A_227 : vector<16xi32>
    %broadcast_in_dim3A_229 = arith.constant 4 : i32
    %broadcast_in_dim3A_230 = vector.broadcast %broadcast_in_dim3A_229 : i32 to vector<16xi32>
    %broadcast_in_dim3A_231 = vector.shape_cast %broadcast_in_dim3A_230 : vector<16xi32> to vector<16x1xi32>
    %gather3A_232 = vector.shape_cast %broadcast_in_dim3A_231 : vector<16x1xi32> to vector<16xi32>
    %gather3A_233 = tpu.dynamic_gather %sub3A[%gather3A_232] in [0] : vector<16xi32>, vector<16xi32> -> vector<16xi32>
    %ge3A_234 = arith.cmpi sge, %add3A_194, %gather3A_233 : vector<16xi32>
    %convert_element_type3A_235 = arith.extui %ge3A_234 : vector<16xi1> to vector<16xi32>
    %add3A_236 = arith.addi %add3A_228, %convert_element_type3A_235 : vector<16xi32>
    %broadcast_in_dim3A_237 = arith.constant 5 : i32
    %broadcast_in_dim3A_238 = vector.broadcast %broadcast_in_dim3A_237 : i32 to vector<16xi32>
    %broadcast_in_dim3A_239 = vector.shape_cast %broadcast_in_dim3A_238 : vector<16xi32> to vector<16x1xi32>
    %gather3A_240 = vector.shape_cast %broadcast_in_dim3A_239 : vector<16x1xi32> to vector<16xi32>
    %gather3A_241 = tpu.dynamic_gather %sub3A[%gather3A_240] in [0] : vector<16xi32>, vector<16xi32> -> vector<16xi32>
    %ge3A_242 = arith.cmpi sge, %add3A_194, %gather3A_241 : vector<16xi32>
    %convert_element_type3A_243 = arith.extui %ge3A_242 : vector<16xi1> to vector<16xi32>
    %add3A_244 = arith.addi %add3A_236, %convert_element_type3A_243 : vector<16xi32>
    %broadcast_in_dim3A_245 = arith.constant 6 : i32
    %broadcast_in_dim3A_246 = vector.broadcast %broadcast_in_dim3A_245 : i32 to vector<16xi32>
    %broadcast_in_dim3A_247 = vector.shape_cast %broadcast_in_dim3A_246 : vector<16xi32> to vector<16x1xi32>
    %gather3A_248 = vector.shape_cast %broadcast_in_dim3A_247 : vector<16x1xi32> to vector<16xi32>
    %gather3A_249 = tpu.dynamic_gather %sub3A[%gather3A_248] in [0] : vector<16xi32>, vector<16xi32> -> vector<16xi32>
    %ge3A_250 = arith.cmpi sge, %add3A_194, %gather3A_249 : vector<16xi32>
    %convert_element_type3A_251 = arith.extui %ge3A_250 : vector<16xi1> to vector<16xi32>
    %add3A_252 = arith.addi %add3A_244, %convert_element_type3A_251 : vector<16xi32>
    %broadcast_in_dim3A_253 = arith.constant 7 : i32
    %broadcast_in_dim3A_254 = vector.broadcast %broadcast_in_dim3A_253 : i32 to vector<16xi32>
    %broadcast_in_dim3A_255 = vector.shape_cast %broadcast_in_dim3A_254 : vector<16xi32> to vector<16x1xi32>
    %gather3A_256 = vector.shape_cast %broadcast_in_dim3A_255 : vector<16x1xi32> to vector<16xi32>
    %gather3A_257 = tpu.dynamic_gather %sub3A[%gather3A_256] in [0] : vector<16xi32>, vector<16xi32> -> vector<16xi32>
    %ge3A_258 = arith.cmpi sge, %add3A_194, %gather3A_257 : vector<16xi32>
    %convert_element_type3A_259 = arith.extui %ge3A_258 : vector<16xi1> to vector<16xi32>
    %add3A_260 = arith.addi %add3A_252, %convert_element_type3A_259 : vector<16xi32>
    %eq3A = arith.constant 15 : i32
    %eq3A_261 = vector.broadcast %eq3A : i32 to vector<16xi32>
    %eq3A_262 = arith.cmpi eq, %iota3A, %eq3A_261 : vector<16xi32>
    %select_n3A = arith.select %eq3A_262, %gather3A_122, %add3A_260 : vector<16xi1>, vector<16xi32>
    %swap3A_263 = arith.constant 16 : index
    %swap3A_264 = tpu.vector_load %arg14[%swap3A_263] {strides = array<i32>} : memref<32xi32, #tpu.memory_space<vmem>>, vector<16xi32>,
    tpu.vector_store %arg14[%swap3A_263], %select_n3A {strides = array<i32>} : memref<32xi32, #tpu.memory_space<vmem>>, vector<16xi32>,
    %eq3A_265 = arith.constant 0 : i32
    %eq3A_266 = arith.cmpi eq, %add3A, %eq3A_265 : i32
    %convert_element_type3A_267 = arith.extui %eq3A_266 : i1 to i32
    %cond3A = arith.constant 0 : i32
    %cond3A_268 = arith.cmpi ne, %convert_element_type3A_267, %cond3A : i32
    scf.if %cond3A_268 {
      "tpu.region"() ({
        %run_scoped3A = tpu.sem_alloc : memref<!tpu.dma_semaphore, #tpu.memory_space<semaphore_mem>>
        tpu.enqueue_dma source(%arg14 : memref<32xi32, #tpu.memory_space<vmem>>) target(%arg6 : memref<32xi32, #tpu.memory_space<hbm>>) target_semaphore(%run_scoped3A : memref<!tpu.dma_semaphore, #tpu.memory_space<semaphore_mem>>)
        tpu.wait_dma2 semaphore(%run_scoped3A : memref<!tpu.dma_semaphore, #tpu.memory_space<semaphore_mem>>) src(%arg14 : memref<32xi32, #tpu.memory_space<vmem>>) dst(%arg6 : memref<32xi32, #tpu.memory_space<hbm>>)
        tpu.yield
      }) : () -> ()
    } else {
    }
    %scan3A_269 = arith.constant 0 : i32
    %scan3A_270 = arith.constant 8 : i32
    %scan3A_271 = arith.addi %scan3A_269, %scan3A_270 : i32
    %scan3A_272 = arith.constant 1 : i32
    %scan3A_273 = scf.for %scan3A_291 = %scan3A_269 to %scan3A_271 step %scan3A_272 iter_args(%scan3A_292 = %broadcast_in_dim3A_1) -> (vector<16xi32>)  : i32 {
      %mul3A_293 = arith.constant 128 : i32
      %mul3A_294 = arith.muli %arg0, %mul3A_293 : i32
      %mul3A_295 = arith.constant 16 : i32
      %mul3A_296 = arith.muli %mul3A_295, %scan3A_291 : i32
      %add3A_297 = arith.addi %mul3A_294, %mul3A_296 : i32
      %get3A = arith.index_cast %add3A_297 : i32 to index
      %get3A_298 = tpu.vector_load %arg7[%get3A] {strides = array<i32>} : memref<256xi32, #tpu.memory_space<vmem>>, vector<16xi32>,
      %eq3A_299 = arith.constant 0 : i32
      %eq3A_300 = vector.broadcast %eq3A_299 : i32 to vector<16xi32>
      %eq3A_301 = arith.cmpi eq, %get3A_298, %eq3A_300 : vector<16xi32>
      %convert_element_type3A_302 = arith.extui %eq3A_301 : vector<16xi1> to vector<16xi32>
      %broadcast_in_dim3A_303 = arith.constant true
      %broadcast_in_dim3A_304 = vector.broadcast %broadcast_in_dim3A_303 : i1 to vector<16xi1>
      %masked_cumsum3A_305 = tpu.scan <sum>, %convert_element_type3A_302 masked %broadcast_in_dim3A_304 : vector<16xi32>, vector<16xi1> -> vector<16xi32>
      %select_n3A_306 = arith.select %eq3A_301, %masked_cumsum3A_305, %broadcast_in_dim3A_1 : vector<16xi1>, vector<16xi32>
      %eq3A_307 = arith.constant 0 : i32
      %eq3A_308 = vector.broadcast %eq3A_307 : i32 to vector<16xi32>
      %eq3A_309 = arith.cmpi eq, %iota3A, %eq3A_308 : vector<16xi32>
      %broadcast_in_dim3A_310 = arith.constant 15 : i32
      %broadcast_in_dim3A_311 = vector.broadcast %broadcast_in_dim3A_310 : i32 to vector<16xi32>
      %broadcast_in_dim3A_312 = vector.shape_cast %broadcast_in_dim3A_311 : vector<16xi32> to vector<16x1xi32>
      %gather3A_313 = vector.shape_cast %broadcast_in_dim3A_312 : vector<16x1xi32> to vector<16xi32>
      %gather3A_314 = tpu.dynamic_gather %masked_cumsum3A_305[%gather3A_313] in [0] : vector<16xi32>, vector<16xi32> -> vector<16xi32>
      %jit3A = arith.constant 0 : i32
      %broadcast_in_dim3A_315 = vector.broadcast %jit3A : i32 to vector<16xi32>
      %select_n3A_316 = arith.select %eq3A_309, %gather3A_314, %broadcast_in_dim3A_315 : vector<16xi1>, vector<16xi32>
      %add3A_317 = arith.addi %broadcast_in_dim3A_1, %select_n3A_316 : vector<16xi32>
      %eq3A_318 = arith.constant 1 : i32
      %eq3A_319 = vector.broadcast %eq3A_318 : i32 to vector<16xi32>
      %eq3A_320 = arith.cmpi eq, %get3A_298, %eq3A_319 : vector<16xi32>
      %convert_element_type3A_321 = arith.extui %eq3A_320 : vector<16xi1> to vector<16xi32>
      %broadcast_in_dim3A_322 = arith.constant true
      %broadcast_in_dim3A_323 = vector.broadcast %broadcast_in_dim3A_322 : i1 to vector<16xi1>
      %masked_cumsum3A_324 = tpu.scan <sum>, %convert_element_type3A_321 masked %broadcast_in_dim3A_323 : vector<16xi32>, vector<16xi1> -> vector<16xi32>
      %select_n3A_325 = arith.select %eq3A_320, %masked_cumsum3A_324, %select_n3A_306 : vector<16xi1>, vector<16xi32>
      %eq3A_326 = arith.constant 1 : i32
      %eq3A_327 = vector.broadcast %eq3A_326 : i32 to vector<16xi32>
      %eq3A_328 = arith.cmpi eq, %iota3A, %eq3A_327 : vector<16xi32>
      %broadcast_in_dim3A_329 = arith.constant 15 : i32
      %broadcast_in_dim3A_330 = vector.broadcast %broadcast_in_dim3A_329 : i32 to vector<16xi32>
      %broadcast_in_dim3A_331 = vector.shape_cast %broadcast_in_dim3A_330 : vector<16xi32> to vector<16x1xi32>
      %gather3A_332 = vector.shape_cast %broadcast_in_dim3A_331 : vector<16x1xi32> to vector<16xi32>
      %gather3A_333 = tpu.dynamic_gather %masked_cumsum3A_324[%gather3A_332] in [0] : vector<16xi32>, vector<16xi32> -> vector<16xi32>
      %jit3A_334 = arith.constant 0 : i32
      %broadcast_in_dim3A_335 = vector.broadcast %jit3A_334 : i32 to vector<16xi32>
      %select_n3A_336 = arith.select %eq3A_328, %gather3A_333, %broadcast_in_dim3A_335 : vector<16xi1>, vector<16xi32>
      %add3A_337 = arith.addi %add3A_317, %select_n3A_336 : vector<16xi32>
      %eq3A_338 = arith.constant 2 : i32
      %eq3A_339 = vector.broadcast %eq3A_338 : i32 to vector<16xi32>
      %eq3A_340 = arith.cmpi eq, %get3A_298, %eq3A_339 : vector<16xi32>
      %convert_element_type3A_341 = arith.extui %eq3A_340 : vector<16xi1> to vector<16xi32>
      %broadcast_in_dim3A_342 = arith.constant true
      %broadcast_in_dim3A_343 = vector.broadcast %broadcast_in_dim3A_342 : i1 to vector<16xi1>
      %masked_cumsum3A_344 = tpu.scan <sum>, %convert_element_type3A_341 masked %broadcast_in_dim3A_343 : vector<16xi32>, vector<16xi1> -> vector<16xi32>
      %select_n3A_345 = arith.select %eq3A_340, %masked_cumsum3A_344, %select_n3A_325 : vector<16xi1>, vector<16xi32>
      %eq3A_346 = arith.constant 2 : i32
      %eq3A_347 = vector.broadcast %eq3A_346 : i32 to vector<16xi32>
      %eq3A_348 = arith.cmpi eq, %iota3A, %eq3A_347 : vector<16xi32>
      %broadcast_in_dim3A_349 = arith.constant 15 : i32
      %broadcast_in_dim3A_350 = vector.broadcast %broadcast_in_dim3A_349 : i32 to vector<16xi32>
      %broadcast_in_dim3A_351 = vector.shape_cast %broadcast_in_dim3A_350 : vector<16xi32> to vector<16x1xi32>
      %gather3A_352 = vector.shape_cast %broadcast_in_dim3A_351 : vector<16x1xi32> to vector<16xi32>
      %gather3A_353 = tpu.dynamic_gather %masked_cumsum3A_344[%gather3A_352] in [0] : vector<16xi32>, vector<16xi32> -> vector<16xi32>
      %jit3A_354 = arith.constant 0 : i32
      %broadcast_in_dim3A_355 = vector.broadcast %jit3A_354 : i32 to vector<16xi32>
      %select_n3A_356 = arith.select %eq3A_348, %gather3A_353, %broadcast_in_dim3A_355 : vector<16xi1>, vector<16xi32>
      %add3A_357 = arith.addi %add3A_337, %select_n3A_356 : vector<16xi32>
      %eq3A_358 = arith.constant 3 : i32
      %eq3A_359 = vector.broadcast %eq3A_358 : i32 to vector<16xi32>
      %eq3A_360 = arith.cmpi eq, %get3A_298, %eq3A_359 : vector<16xi32>
      %convert_element_type3A_361 = arith.extui %eq3A_360 : vector<16xi1> to vector<16xi32>
      %broadcast_in_dim3A_362 = arith.constant true
      %broadcast_in_dim3A_363 = vector.broadcast %broadcast_in_dim3A_362 : i1 to vector<16xi1>
      %masked_cumsum3A_364 = tpu.scan <sum>, %convert_element_type3A_361 masked %broadcast_in_dim3A_363 : vector<16xi32>, vector<16xi1> -> vector<16xi32>
      %select_n3A_365 = arith.select %eq3A_360, %masked_cumsum3A_364, %select_n3A_345 : vector<16xi1>, vector<16xi32>
      %eq3A_366 = arith.constant 3 : i32
      %eq3A_367 = vector.broadcast %eq3A_366 : i32 to vector<16xi32>
      %eq3A_368 = arith.cmpi eq, %iota3A, %eq3A_367 : vector<16xi32>
      %broadcast_in_dim3A_369 = arith.constant 15 : i32
      %broadcast_in_dim3A_370 = vector.broadcast %broadcast_in_dim3A_369 : i32 to vector<16xi32>
      %broadcast_in_dim3A_371 = vector.shape_cast %broadcast_in_dim3A_370 : vector<16xi32> to vector<16x1xi32>
      %gather3A_372 = vector.shape_cast %broadcast_in_dim3A_371 : vector<16x1xi32> to vector<16xi32>
      %gather3A_373 = tpu.dynamic_gather %masked_cumsum3A_364[%gather3A_372] in [0] : vector<16xi32>, vector<16xi32> -> vector<16xi32>
      %jit3A_374 = arith.constant 0 : i32
      %broadcast_in_dim3A_375 = vector.broadcast %jit3A_374 : i32 to vector<16xi32>
      %select_n3A_376 = arith.select %eq3A_368, %gather3A_373, %broadcast_in_dim3A_375 : vector<16xi1>, vector<16xi32>
      %add3A_377 = arith.addi %add3A_357, %select_n3A_376 : vector<16xi32>
      %eq3A_378 = arith.constant 4 : i32
      %eq3A_379 = vector.broadcast %eq3A_378 : i32 to vector<16xi32>
      %eq3A_380 = arith.cmpi eq, %get3A_298, %eq3A_379 : vector<16xi32>
      %convert_element_type3A_381 = arith.extui %eq3A_380 : vector<16xi1> to vector<16xi32>
      %broadcast_in_dim3A_382 = arith.constant true
      %broadcast_in_dim3A_383 = vector.broadcast %broadcast_in_dim3A_382 : i1 to vector<16xi1>
      %masked_cumsum3A_384 = tpu.scan <sum>, %convert_element_type3A_381 masked %broadcast_in_dim3A_383 : vector<16xi32>, vector<16xi1> -> vector<16xi32>
      %select_n3A_385 = arith.select %eq3A_380, %masked_cumsum3A_384, %select_n3A_365 : vector<16xi1>, vector<16xi32>
      %eq3A_386 = arith.constant 4 : i32
      %eq3A_387 = vector.broadcast %eq3A_386 : i32 to vector<16xi32>
      %eq3A_388 = arith.cmpi eq, %iota3A, %eq3A_387 : vector<16xi32>
      %broadcast_in_dim3A_389 = arith.constant 15 : i32
      %broadcast_in_dim3A_390 = vector.broadcast %broadcast_in_dim3A_389 : i32 to vector<16xi32>
      %broadcast_in_dim3A_391 = vector.shape_cast %broadcast_in_dim3A_390 : vector<16xi32> to vector<16x1xi32>
      %gather3A_392 = vector.shape_cast %broadcast_in_dim3A_391 : vector<16x1xi32> to vector<16xi32>
      %gather3A_393 = tpu.dynamic_gather %masked_cumsum3A_384[%gather3A_392] in [0] : vector<16xi32>, vector<16xi32> -> vector<16xi32>
      %jit3A_394 = arith.constant 0 : i32
      %broadcast_in_dim3A_395 = vector.broadcast %jit3A_394 : i32 to vector<16xi32>
      %select_n3A_396 = arith.select %eq3A_388, %gather3A_393, %broadcast_in_dim3A_395 : vector<16xi1>, vector<16xi32>
      %add3A_397 = arith.addi %add3A_377, %select_n3A_396 : vector<16xi32>
      %eq3A_398 = arith.constant 5 : i32
      %eq3A_399 = vector.broadcast %eq3A_398 : i32 to vector<16xi32>
      %eq3A_400 = arith.cmpi eq, %get3A_298, %eq3A_399 : vector<16xi32>
      %convert_element_type3A_401 = arith.extui %eq3A_400 : vector<16xi1> to vector<16xi32>
      %broadcast_in_dim3A_402 = arith.constant true
      %broadcast_in_dim3A_403 = vector.broadcast %broadcast_in_dim3A_402 : i1 to vector<16xi1>
      %masked_cumsum3A_404 = tpu.scan <sum>, %convert_element_type3A_401 masked %broadcast_in_dim3A_403 : vector<16xi32>, vector<16xi1> -> vector<16xi32>
      %select_n3A_405 = arith.select %eq3A_400, %masked_cumsum3A_404, %select_n3A_385 : vector<16xi1>, vector<16xi32>
      %eq3A_406 = arith.constant 5 : i32
      %eq3A_407 = vector.broadcast %eq3A_406 : i32 to vector<16xi32>
      %eq3A_408 = arith.cmpi eq, %iota3A, %eq3A_407 : vector<16xi32>
      %broadcast_in_dim3A_409 = arith.constant 15 : i32
      %broadcast_in_dim3A_410 = vector.broadcast %broadcast_in_dim3A_409 : i32 to vector<16xi32>
      %broadcast_in_dim3A_411 = vector.shape_cast %broadcast_in_dim3A_410 : vector<16xi32> to vector<16x1xi32>
      %gather3A_412 = vector.shape_cast %broadcast_in_dim3A_411 : vector<16x1xi32> to vector<16xi32>
      %gather3A_413 = tpu.dynamic_gather %masked_cumsum3A_404[%gather3A_412] in [0] : vector<16xi32>, vector<16xi32> -> vector<16xi32>
      %jit3A_414 = arith.constant 0 : i32
      %broadcast_in_dim3A_415 = vector.broadcast %jit3A_414 : i32 to vector<16xi32>
      %select_n3A_416 = arith.select %eq3A_408, %gather3A_413, %broadcast_in_dim3A_415 : vector<16xi1>, vector<16xi32>
      %add3A_417 = arith.addi %add3A_397, %select_n3A_416 : vector<16xi32>
      %eq3A_418 = arith.constant 6 : i32
      %eq3A_419 = vector.broadcast %eq3A_418 : i32 to vector<16xi32>
      %eq3A_420 = arith.cmpi eq, %get3A_298, %eq3A_419 : vector<16xi32>
      %convert_element_type3A_421 = arith.extui %eq3A_420 : vector<16xi1> to vector<16xi32>
      %broadcast_in_dim3A_422 = arith.constant true
      %broadcast_in_dim3A_423 = vector.broadcast %broadcast_in_dim3A_422 : i1 to vector<16xi1>
      %masked_cumsum3A_424 = tpu.scan <sum>, %convert_element_type3A_421 masked %broadcast_in_dim3A_423 : vector<16xi32>, vector<16xi1> -> vector<16xi32>
      %select_n3A_425 = arith.select %eq3A_420, %masked_cumsum3A_424, %select_n3A_405 : vector<16xi1>, vector<16xi32>
      %eq3A_426 = arith.constant 6 : i32
      %eq3A_427 = vector.broadcast %eq3A_426 : i32 to vector<16xi32>
      %eq3A_428 = arith.cmpi eq, %iota3A, %eq3A_427 : vector<16xi32>
      %broadcast_in_dim3A_429 = arith.constant 15 : i32
      %broadcast_in_dim3A_430 = vector.broadcast %broadcast_in_dim3A_429 : i32 to vector<16xi32>
      %broadcast_in_dim3A_431 = vector.shape_cast %broadcast_in_dim3A_430 : vector<16xi32> to vector<16x1xi32>
      %gather3A_432 = vector.shape_cast %broadcast_in_dim3A_431 : vector<16x1xi32> to vector<16xi32>
      %gather3A_433 = tpu.dynamic_gather %masked_cumsum3A_424[%gather3A_432] in [0] : vector<16xi32>, vector<16xi32> -> vector<16xi32>
      %jit3A_434 = arith.constant 0 : i32
      %broadcast_in_dim3A_435 = vector.broadcast %jit3A_434 : i32 to vector<16xi32>
      %select_n3A_436 = arith.select %eq3A_428, %gather3A_433, %broadcast_in_dim3A_435 : vector<16xi1>, vector<16xi32>
      %add3A_437 = arith.addi %add3A_417, %select_n3A_436 : vector<16xi32>
      %eq3A_438 = arith.constant 7 : i32
      %eq3A_439 = vector.broadcast %eq3A_438 : i32 to vector<16xi32>
      %eq3A_440 = arith.cmpi eq, %get3A_298, %eq3A_439 : vector<16xi32>
      %convert_element_type3A_441 = arith.extui %eq3A_440 : vector<16xi1> to vector<16xi32>
      %broadcast_in_dim3A_442 = arith.constant true
      %broadcast_in_dim3A_443 = vector.broadcast %broadcast_in_dim3A_442 : i1 to vector<16xi1>
      %masked_cumsum3A_444 = tpu.scan <sum>, %convert_element_type3A_441 masked %broadcast_in_dim3A_443 : vector<16xi32>, vector<16xi1> -> vector<16xi32>
      %select_n3A_445 = arith.select %eq3A_440, %masked_cumsum3A_444, %select_n3A_425 : vector<16xi1>, vector<16xi32>
      %eq3A_446 = arith.constant 7 : i32
      %eq3A_447 = vector.broadcast %eq3A_446 : i32 to vector<16xi32>
      %eq3A_448 = arith.cmpi eq, %iota3A, %eq3A_447 : vector<16xi32>
      %broadcast_in_dim3A_449 = arith.constant 15 : i32
      %broadcast_in_dim3A_450 = vector.broadcast %broadcast_in_dim3A_449 : i32 to vector<16xi32>
      %broadcast_in_dim3A_451 = vector.shape_cast %broadcast_in_dim3A_450 : vector<16xi32> to vector<16x1xi32>
      %gather3A_452 = vector.shape_cast %broadcast_in_dim3A_451 : vector<16x1xi32> to vector<16xi32>
      %gather3A_453 = tpu.dynamic_gather %masked_cumsum3A_444[%gather3A_452] in [0] : vector<16xi32>, vector<16xi32> -> vector<16xi32>
      %jit3A_454 = arith.constant 0 : i32
      %broadcast_in_dim3A_455 = vector.broadcast %jit3A_454 : i32 to vector<16xi32>
      %select_n3A_456 = arith.select %eq3A_448, %gather3A_453, %broadcast_in_dim3A_455 : vector<16xi1>, vector<16xi32>
      %add3A_457 = arith.addi %add3A_437, %select_n3A_456 : vector<16xi32>
      %add3A_458 = arith.addi %add3A_118, %scan3A_292 : vector<16xi32>
      %broadcast_in_dim3A_459 = vector.shape_cast %get3A_298 : vector<16xi32> to vector<16x1xi32>
      %gather3A_460 = vector.shape_cast %broadcast_in_dim3A_459 : vector<16x1xi32> to vector<16xi32>
      %gather3A_461 = tpu.dynamic_gather %add3A_458[%gather3A_460] in [0] : vector<16xi32>, vector<16xi32> -> vector<16xi32>
      %add3A_462 = arith.addi %gather3A_461, %select_n3A_445 : vector<16xi32>
      %sub3A_463 = arith.constant 1 : i32
      %sub3A_464 = vector.broadcast %sub3A_463 : i32 to vector<16xi32>
      %sub3A_465 = arith.subi %add3A_462, %sub3A_464 : vector<16xi32>
      %mul3A_466 = arith.constant 16 : i32
      %mul3A_467 = arith.muli %mul3A_466, %scan3A_291 : i32
      %swap3A_468 = arith.index_cast %mul3A_467 : i32 to index
      %swap3A_469 = tpu.vector_load %arg10[%swap3A_468] {strides = array<i32>} : memref<128xi32, #tpu.memory_space<vmem>>, vector<16xi32>,
      tpu.vector_store %arg10[%swap3A_468], %sub3A_465 {strides = array<i32>} : memref<128xi32, #tpu.memory_space<vmem>>, vector<16xi32>,
      %mul3A_470 = arith.constant 16 : i32
      %mul3A_471 = arith.muli %mul3A_470, %scan3A_291 : i32
      %swap3A_472 = arith.constant 0 : i32
      %swap3A_473 = arith.index_cast %swap3A_472 : i32 to index
      %swap3A_474 = arith.index_cast %mul3A_471 : i32 to index
      %swap3A_475 = tpu.vector_load %arg11[%swap3A_473, %swap3A_474] {strides = array<i32>} : memref<1x128xi32, #tpu.memory_space<vmem>>, vector<16xi32>,
      tpu.vector_store %arg11[%swap3A_473, %swap3A_474], %sub3A_465 {strides = array<i32>} : memref<1x128xi32, #tpu.memory_space<vmem>>, vector<16xi32>,
      %add3A_476 = arith.addi %scan3A_292, %add3A_457 : vector<16xi32>
      scf.yield %add3A_476 : vector<16xi32>
    }
    %scan3A_274 = arith.constant 8 : i32
    %dma_wait3A = arith.constant 0 : i32
    %dma_wait3A_275 = arith.constant 0 : i32
    %dma_wait3A_276 = tpu.memref_slice %arg3[%dma_wait3A, %dma_wait3A_275] : memref<2048x768xf32, #tpu.memory_space<hbm>> -> memref<2048x768xf32, #tpu.memory_space<hbm>>
    tpu.wait_indirect_dma semaphore(%arg16 : memref<!tpu.dma_semaphore, #tpu.memory_space<semaphore_mem>>) src(%dma_wait3A_276 : memref<2048x768xf32, #tpu.memory_space<hbm>>) dst(%arg13 : memref<128x768xf32, #tpu.memory_space<vmem>>)
    %dma_start3A_277 = arith.constant 0 : i32
    %dma_start3A_278 = arith.constant 0 : i32
    %dma_start3A_279 = tpu.memref_slice %arg11[%dma_start3A_277, %dma_start3A_278] : memref<1x128xi32, #tpu.memory_space<vmem>> -> memref<1x128xi32, #tpu.memory_space<vmem>>
    %dma_start3A_280 = tpu.memref_squeeze %dma_start3A_279 : memref<1x128xi32, #tpu.memory_space<vmem>> -> memref<128xi32, #tpu.memory_space<vmem>>
    %dma_start3A_281 = arith.constant 0 : i32
    %dma_start3A_282 = arith.constant 0 : i32
    %dma_start3A_283 = tpu.memref_slice %arg4[%dma_start3A_281, %dma_start3A_282] : memref<5888x768xf32, #tpu.memory_space<hbm>> -> memref<5888x768xf32, #tpu.memory_space<hbm>>
    tpu.enqueue_indirect_dma source(%arg13 : memref<128x768xf32, #tpu.memory_space<vmem>>) target(%dma_start3A_283 : memref<5888x768xf32, #tpu.memory_space<hbm>>) offsets(%dma_start3A_280 : memref<128xi32, #tpu.memory_space<vmem>>) semaphore(%arg17 : memref<!tpu.dma_semaphore, #tpu.memory_space<semaphore_mem>>)
    %dma_wait3A_284 = arith.constant 0 : i32
    %dma_wait3A_285 = arith.constant 0 : i32
    %dma_wait3A_286 = tpu.memref_slice %arg11[%dma_wait3A_284, %dma_wait3A_285] : memref<1x128xi32, #tpu.memory_space<vmem>> -> memref<1x128xi32, #tpu.memory_space<vmem>>
    %dma_wait3A_287 = tpu.memref_squeeze %dma_wait3A_286 : memref<1x128xi32, #tpu.memory_space<vmem>> -> memref<128xi32, #tpu.memory_space<vmem>>
    %dma_wait3A_288 = arith.constant 0 : i32
    %dma_wait3A_289 = arith.constant 0 : i32
    %dma_wait3A_290 = tpu.memref_slice %arg4[%dma_wait3A_288, %dma_wait3A_289] : memref<5888x768xf32, #tpu.memory_space<hbm>> -> memref<5888x768xf32, #tpu.memory_space<hbm>>
    tpu.wait_indirect_dma semaphore(%arg17 : memref<!tpu.dma_semaphore, #tpu.memory_space<semaphore_mem>>) src(%arg13 : memref<128x768xf32, #tpu.memory_space<vmem>>) dst(%dma_wait3A_290 : memref<5888x768xf32, #tpu.memory_space<hbm>>)
    "tpu.region"() ({
      %run_scoped3A = tpu.sem_alloc : memref<!tpu.dma_semaphore, #tpu.memory_space<semaphore_mem>>
      %dma_start3A_291 = tpu.memref_slice %arg5[%add3A_6] : memref<4096xi32, #tpu.memory_space<hbm>> -> memref<128xi32, #tpu.memory_space<hbm>>
      %dma_start3A_292 = tpu.memref_slice %arg5[%add3A_6] : memref<4096xi32, #tpu.memory_space<hbm>> -> memref<128xi32, #tpu.memory_space<hbm>>
      tpu.enqueue_dma source(%arg10 : memref<128xi32, #tpu.memory_space<vmem>>) target(%dma_start3A_292 : memref<128xi32, #tpu.memory_space<hbm>>) target_semaphore(%run_scoped3A : memref<!tpu.dma_semaphore, #tpu.memory_space<semaphore_mem>>)
      %dma_wait3A_293 = tpu.memref_slice %arg5[%add3A_6] : memref<4096xi32, #tpu.memory_space<hbm>> -> memref<128xi32, #tpu.memory_space<hbm>>
      %dma_wait3A_294 = tpu.memref_slice %arg5[%add3A_6] : memref<4096xi32, #tpu.memory_space<hbm>> -> memref<128xi32, #tpu.memory_space<hbm>>
      tpu.wait_dma2 semaphore(%run_scoped3A : memref<!tpu.dma_semaphore, #tpu.memory_space<semaphore_mem>>) src(%arg10 : memref<128xi32, #tpu.memory_space<vmem>>) dst(%dma_wait3A_294 : memref<128xi32, #tpu.memory_space<hbm>>)
      tpu.yield
    }) : () -> ()
    return
  }
}

module attributes {stable_mosaic.version = 14 : i64} {
  func.func @_router_body(%arg0: i32, %arg1: memref<256x768xf32, #tpu.memory_space<vmem>>, %arg2: memref<768x8xf32, #tpu.memory_space<vmem>>, %arg3: memref<256x2xi32, #tpu.memory_space<vmem>>, %arg4: memref<256x2xf32, #tpu.memory_space<vmem>>) attributes {dimension_semantics = [#tpu.dimension_semantics<arbitrary>], iteration_bounds = array<i64: 8>, scalar_prefetch = 0 : i64, scratch_operands = 0 : i64, tpu.core_type = #tpu.core_type<tc>, window_params = [{transform_indices = @transform_0, window_bounds = array<i64: 256, 768>}, {pipeline_mode = #tpu.pipeline_mode<synchronous>, transform_indices = @transform_1, window_bounds = array<i64: 768, 8>}, {transform_indices = @transform_2, window_bounds = array<i64: 256, 2>}, {transform_indices = @transform_3, window_bounds = array<i64: 256, 2>}]} {
    %get3A = arith.constant 0 : index
    %get3A_0 = arith.constant 0 : index
    %get3A_1 = vector.load %arg1[%get3A, %get3A_0] : memref<256x768xf32, #tpu.memory_space<vmem>>, vector<256x768xf32>
    %get3A_2 = arith.constant 0 : index
    %get3A_3 = arith.constant 0 : index
    %get3A_4 = vector.load %arg2[%get3A_2, %get3A_3] : memref<768x8xf32, #tpu.memory_space<vmem>>, vector<768x8xf32>
    %dot_general3A = arith.constant dense<0.000000e+00> : vector<256x8xf32>
    %dot_general3A_5 = tpu.matmul %get3A_1, %get3A_4, %dot_general3A {dimension_numbers = #tpu.dot_dimension_numbers<[1], [0], [0], [1], [0, 0, 1, 1], [], []>, transpose_lhs_hint = false} : vector<256x768xf32>, vector<768x8xf32>, vector<256x8xf32> -> vector<256x8xf32>
    %logistic3A = arith.negf %dot_general3A_5 : vector<256x8xf32>
    %logistic3A_6 = math.exp %logistic3A : vector<256x8xf32>
    %logistic3A_7 = arith.constant 1.000000e+00 : f32
    %logistic3A_8 = vector.broadcast %logistic3A_7 : f32 to vector<256x8xf32>
    %logistic3A_9 = arith.addf %logistic3A_8, %logistic3A_6 : vector<256x8xf32>
    %logistic3A_10 = arith.divf %logistic3A_8, %logistic3A_9 : vector<256x8xf32>
    %iota3A = tpu.iota {dimensions = array<i32: 1>} : vector<256x8xi32>
    %reduce_max3A = arith.constant dense<0xFF800000> : vector<256xf32>
    %reduce_max3A_11 = vector.multi_reduction <maximumf>, %logistic3A_10, %reduce_max3A [1] : vector<256x8xf32> to vector<256xf32>
    %broadcast_in_dim3A = vector.shape_cast %reduce_max3A_11 : vector<256xf32> to vector<256x1xf32>
    %eq3A = vector.broadcast %broadcast_in_dim3A : vector<256x1xf32> to vector<256x8xf32>
    %eq3A_12 = arith.cmpf oeq, %logistic3A_10, %eq3A : vector<256x8xf32>
    %jit3A = arith.constant 8 : i32
    %broadcast_in_dim3A_13 = vector.broadcast %jit3A : i32 to vector<256x8xi32>
    %select_n3A = arith.select %eq3A_12, %iota3A, %broadcast_in_dim3A_13 : vector<256x8xi1>, vector<256x8xi32>
    %reduce_min3A = arith.constant dense<2147483647> : vector<256xi32>
    %reduce_min3A_14 = vector.multi_reduction <minsi>, %select_n3A, %reduce_min3A [1] : vector<256x8xi32> to vector<256xi32>
    %broadcast_in_dim3A_15 = vector.shape_cast %reduce_min3A_14 : vector<256xi32> to vector<256x1xi32>
    %eq3A_16 = vector.broadcast %broadcast_in_dim3A_15 : vector<256x1xi32> to vector<256x8xi32>
    %eq3A_17 = arith.cmpi eq, %iota3A, %eq3A_16 : vector<256x8xi32>
    %jit3A_18 = arith.constant 0xFF800000 : f32
    %broadcast_in_dim3A_19 = vector.broadcast %jit3A_18 : f32 to vector<256x8xf32>
    %select_n3A_20 = arith.select %eq3A_17, %broadcast_in_dim3A_19, %logistic3A_10 : vector<256x8xi1>, vector<256x8xf32>
    %reduce_max3A_21 = arith.constant dense<0xFF800000> : vector<256xf32>
    %reduce_max3A_22 = vector.multi_reduction <maximumf>, %select_n3A_20, %reduce_max3A_21 [1] : vector<256x8xf32> to vector<256xf32>
    %broadcast_in_dim3A_23 = vector.shape_cast %reduce_max3A_22 : vector<256xf32> to vector<256x1xf32>
    %eq3A_24 = vector.broadcast %broadcast_in_dim3A_23 : vector<256x1xf32> to vector<256x8xf32>
    %eq3A_25 = arith.cmpf oeq, %select_n3A_20, %eq3A_24 : vector<256x8xf32>
    %jit3A_26 = arith.constant 8 : i32
    %broadcast_in_dim3A_27 = vector.broadcast %jit3A_26 : i32 to vector<256x8xi32>
    %select_n3A_28 = arith.select %eq3A_25, %iota3A, %broadcast_in_dim3A_27 : vector<256x8xi1>, vector<256x8xi32>
    %reduce_min3A_29 = arith.constant dense<2147483647> : vector<256xi32>
    %reduce_min3A_30 = vector.multi_reduction <minsi>, %select_n3A_28, %reduce_min3A_29 [1] : vector<256x8xi32> to vector<256xi32>
    %broadcast_in_dim3A_31 = vector.shape_cast %reduce_min3A_30 : vector<256xi32> to vector<256x1xi32>
    %add3A = arith.addf %broadcast_in_dim3A, %broadcast_in_dim3A_23 : vector<256x1xf32>
    %concatenate3A = tpu.concatenate %broadcast_in_dim3A_15, %broadcast_in_dim3A_31 in 1 : vector<256x1xi32>, vector<256x1xi32> -> vector<256x2xi32>
    %swap3A = arith.constant 0 : index
    %swap3A_32 = arith.constant 0 : index
    %swap3A_33 = vector.load %arg3[%swap3A, %swap3A_32] : memref<256x2xi32, #tpu.memory_space<vmem>>, vector<256x2xi32>
    tpu.vector_store %arg3[%swap3A, %swap3A_32], %concatenate3A {strides = array<i32>} : memref<256x2xi32, #tpu.memory_space<vmem>>, vector<256x2xi32>,
    %div3A = arith.divf %broadcast_in_dim3A, %add3A : vector<256x1xf32>
    %div3A_34 = arith.divf %broadcast_in_dim3A_23, %add3A : vector<256x1xf32>
    %concatenate3A_35 = tpu.concatenate %div3A, %div3A_34 in 1 : vector<256x1xf32>, vector<256x1xf32> -> vector<256x2xf32>
    %swap3A_36 = arith.constant 0 : index
    %swap3A_37 = arith.constant 0 : index
    %swap3A_38 = vector.load %arg4[%swap3A_36, %swap3A_37] : memref<256x2xf32, #tpu.memory_space<vmem>>, vector<256x2xf32>
    tpu.vector_store %arg4[%swap3A_36, %swap3A_37], %concatenate3A_35 {strides = array<i32>} : memref<256x2xf32, #tpu.memory_space<vmem>>, vector<256x2xf32>,
    return
  }
  func.func @transform_0(%arg0: i32) -> (i32, i32) {
    %c0_i32 = arith.constant 0 : i32
    %c0_i32_0 = arith.constant 0 : i32
    return %arg0, %c0_i32 : i32, i32
  }
  func.func @transform_1(%arg0: i32) -> (i32, i32) {
    %c0_i32 = arith.constant 0 : i32
    %c0_i32_0 = arith.constant 0 : i32
    %c0_i32_1 = arith.constant 0 : i32
    return %c0_i32, %c0_i32_0 : i32, i32
  }
  func.func @transform_2(%arg0: i32) -> (i32, i32) {
    %c0_i32 = arith.constant 0 : i32
    %c0_i32_0 = arith.constant 0 : i32
    return %arg0, %c0_i32 : i32, i32
  }
  func.func @transform_3(%arg0: i32) -> (i32, i32) {
    %c0_i32 = arith.constant 0 : i32
    %c0_i32_0 = arith.constant 0 : i32
    return %arg0, %c0_i32 : i32, i32
  }
}

module attributes {stable_mosaic.version = 14 : i64} {
  func.func @_group_body(%arg0: i32, %arg1: memref<32xi32, #tpu.memory_space<smem>>, %arg2: memref<256x768xf32, #tpu.memory_space<vmem>>, %arg3: memref<1x768x1536xf32, #tpu.memory_space<vmem>>, %arg4: memref<1x768x768xf32, #tpu.memory_space<vmem>>, %arg5: memref<256x768xf32, #tpu.memory_space<vmem>>) attributes {dimension_semantics = [#tpu.dimension_semantics<arbitrary>], iteration_bounds = array<i64: 23>, scalar_prefetch = 1 : i64, scratch_operands = 0 : i64, tpu.core_type = #tpu.core_type<tc>, window_params = [{transform_indices = @transform_0, window_bounds = array<i64: 256, 768>}, {transform_indices = @transform_1, window_bounds = array<i64: 1, 768, 1536>}, {transform_indices = @transform_2, window_bounds = array<i64: 1, 768, 768>}, {transform_indices = @transform_3, window_bounds = array<i64: 256, 768>}]} {
    %get3A = arith.constant 31 : index
    %get3A_0 = memref.load %arg1[%get3A] : memref<32xi32, #tpu.memory_space<smem>>
    %lt3A = arith.cmpi slt, %arg0, %get3A_0 : i32
    %convert_element_type3A = arith.extui %lt3A : i1 to i32
    %cond3A = arith.constant 0 : i32
    %cond3A_1 = arith.cmpi ne, %convert_element_type3A, %cond3A : i32
    scf.if %cond3A_1 {
      %get3A_2 = arith.constant 0 : index
      %get3A_3 = arith.constant 0 : index
      %get3A_4 = vector.load %arg2[%get3A_2, %get3A_3] : memref<256x768xf32, #tpu.memory_space<vmem>>, vector<256x768xf32>
      %convert_element_type3A_5 = arith.truncf %get3A_4 : vector<256x768xf32> to vector<256x768xbf16>
      %get3A_6 = arith.constant 0 : index
      %get3A_7 = arith.constant 0 : index
      %get3A_8 = arith.constant 0 : index
      %get3A_9 = vector.load %arg3[%get3A_6, %get3A_7, %get3A_8] : memref<1x768x1536xf32, #tpu.memory_space<vmem>>, vector<1x768x1536xf32>
      %get3A_10 = vector.shape_cast %get3A_9 : vector<1x768x1536xf32> to vector<768x1536xf32>
      %convert_element_type3A_11 = arith.truncf %get3A_10 : vector<768x1536xf32> to vector<768x1536xbf16>
      %dot_general3A = arith.constant dense<0.000000e+00> : vector<256x1536xf32>
      %dot_general3A_12 = tpu.matmul %convert_element_type3A_5, %convert_element_type3A_11, %dot_general3A {dimension_numbers = #tpu.dot_dimension_numbers<[1], [0], [0], [1], [0, 0, 1, 1], [], []>, transpose_lhs_hint = false} : vector<256x768xbf16>, vector<768x1536xbf16>, vector<256x1536xf32> -> vector<256x1536xf32>
      %slice3A = vector.extract_strided_slice %dot_general3A_12 {offsets = [0, 0], sizes = [256, 768], strides = [1, 1]} : vector<256x1536xf32> to vector<256x768xf32>
      %logistic3A = arith.negf %slice3A : vector<256x768xf32>
      %logistic3A_13 = math.exp %logistic3A : vector<256x768xf32>
      %logistic3A_14 = arith.constant 1.000000e+00 : f32
      %logistic3A_15 = vector.broadcast %logistic3A_14 : f32 to vector<256x768xf32>
      %logistic3A_16 = arith.addf %logistic3A_15, %logistic3A_13 : vector<256x768xf32>
      %logistic3A_17 = arith.divf %logistic3A_15, %logistic3A_16 : vector<256x768xf32>
      %mul3A = arith.mulf %slice3A, %logistic3A_17 : vector<256x768xf32>
      %slice3A_18 = vector.extract_strided_slice %dot_general3A_12 {offsets = [0, 768], sizes = [256, 768], strides = [1, 1]} : vector<256x1536xf32> to vector<256x768xf32>
      %mul3A_19 = arith.mulf %mul3A, %slice3A_18 : vector<256x768xf32>
      %convert_element_type3A_20 = arith.truncf %mul3A_19 : vector<256x768xf32> to vector<256x768xbf16>
      %get3A_21 = arith.constant 0 : index
      %get3A_22 = arith.constant 0 : index
      %get3A_23 = arith.constant 0 : index
      %get3A_24 = vector.load %arg4[%get3A_21, %get3A_22, %get3A_23] : memref<1x768x768xf32, #tpu.memory_space<vmem>>, vector<1x768x768xf32>
      %get3A_25 = vector.shape_cast %get3A_24 : vector<1x768x768xf32> to vector<768x768xf32>
      %convert_element_type3A_26 = arith.truncf %get3A_25 : vector<768x768xf32> to vector<768x768xbf16>
      %dot_general3A_27 = arith.constant dense<0.000000e+00> : vector<256x768xf32>
      %dot_general3A_28 = tpu.matmul %convert_element_type3A_20, %convert_element_type3A_26, %dot_general3A_27 {dimension_numbers = #tpu.dot_dimension_numbers<[1], [0], [0], [1], [0, 0, 1, 1], [], []>, transpose_lhs_hint = false} : vector<256x768xbf16>, vector<768x768xbf16>, vector<256x768xf32> -> vector<256x768xf32>
      %swap3A = arith.constant 0 : index
      %swap3A_29 = arith.constant 0 : index
      %swap3A_30 = vector.load %arg5[%swap3A, %swap3A_29] : memref<256x768xf32, #tpu.memory_space<vmem>>, vector<256x768xf32>
      tpu.vector_store %arg5[%swap3A, %swap3A_29], %dot_general3A_28 {strides = array<i32>} : memref<256x768xf32, #tpu.memory_space<vmem>>, vector<256x768xf32>,
    } else {
    }
    return
  }
  func.func @transform_0(%arg0: i32, %arg1: memref<32xi32, #tpu.memory_space<smem>>) -> (i32, i32) {
    %c0_i32 = arith.constant 0 : i32
    %c0_i32_0 = arith.constant 0 : i32
    return %arg0, %c0_i32 : i32, i32
  }
  func.func @transform_1(%arg0: i32, %arg1: memref<32xi32, #tpu.memory_space<smem>>) -> (i32, i32, i32) {
    %get3A = arith.index_cast %arg0 : i32 to index
    %get3A_0 = memref.load %arg1[%get3A] : memref<32xi32, #tpu.memory_space<smem>>
    %c0_i32 = arith.constant 0 : i32
    %c0_i32_1 = arith.constant 0 : i32
    %c0_i32_2 = arith.constant 0 : i32
    return %get3A_0, %c0_i32, %c0_i32_1 : i32, i32, i32
  }
  func.func @transform_2(%arg0: i32, %arg1: memref<32xi32, #tpu.memory_space<smem>>) -> (i32, i32, i32) {
    %get3A = arith.index_cast %arg0 : i32 to index
    %get3A_0 = memref.load %arg1[%get3A] : memref<32xi32, #tpu.memory_space<smem>>
    %c0_i32 = arith.constant 0 : i32
    %c0_i32_1 = arith.constant 0 : i32
    %c0_i32_2 = arith.constant 0 : i32
    return %get3A_0, %c0_i32, %c0_i32_1 : i32, i32, i32
  }
  func.func @transform_3(%arg0: i32, %arg1: memref<32xi32, #tpu.memory_space<smem>>) -> (i32, i32) {
    %c0_i32 = arith.constant 0 : i32
    %c0_i32_0 = arith.constant 0 : i32
    return %arg0, %c0_i32 : i32, i32
  }
}

module attributes {stable_mosaic.version = 14 : i64} {
  func.func @_shared_body(%arg0: i32, %arg1: memref<256x768xf32, #tpu.memory_space<vmem>>, %arg2: memref<768x1536xf32, #tpu.memory_space<vmem>>, %arg3: memref<768x768xf32, #tpu.memory_space<vmem>>, %arg4: memref<256x768xf32, #tpu.memory_space<vmem>>) attributes {dimension_semantics = [#tpu.dimension_semantics<arbitrary>], iteration_bounds = array<i64: 8>, scalar_prefetch = 0 : i64, scratch_operands = 0 : i64, tpu.core_type = #tpu.core_type<tc>, window_params = [{transform_indices = @transform_0, window_bounds = array<i64: 256, 768>}, {pipeline_mode = #tpu.pipeline_mode<synchronous>, transform_indices = @transform_1, window_bounds = array<i64: 768, 1536>}, {pipeline_mode = #tpu.pipeline_mode<synchronous>, transform_indices = @transform_2, window_bounds = array<i64: 768, 768>}, {transform_indices = @transform_3, window_bounds = array<i64: 256, 768>}]} {
    %get3A = arith.constant 0 : index
    %get3A_0 = arith.constant 0 : index
    %get3A_1 = vector.load %arg1[%get3A, %get3A_0] : memref<256x768xf32, #tpu.memory_space<vmem>>, vector<256x768xf32>
    %convert_element_type3A = arith.truncf %get3A_1 : vector<256x768xf32> to vector<256x768xbf16>
    %get3A_2 = arith.constant 0 : index
    %get3A_3 = arith.constant 0 : index
    %get3A_4 = vector.load %arg2[%get3A_2, %get3A_3] : memref<768x1536xf32, #tpu.memory_space<vmem>>, vector<768x1536xf32>
    %convert_element_type3A_5 = arith.truncf %get3A_4 : vector<768x1536xf32> to vector<768x1536xbf16>
    %dot_general3A = arith.constant dense<0.000000e+00> : vector<256x1536xf32>
    %dot_general3A_6 = tpu.matmul %convert_element_type3A, %convert_element_type3A_5, %dot_general3A {dimension_numbers = #tpu.dot_dimension_numbers<[1], [0], [0], [1], [0, 0, 1, 1], [], []>, transpose_lhs_hint = false} : vector<256x768xbf16>, vector<768x1536xbf16>, vector<256x1536xf32> -> vector<256x1536xf32>
    %slice3A = vector.extract_strided_slice %dot_general3A_6 {offsets = [0, 0], sizes = [256, 768], strides = [1, 1]} : vector<256x1536xf32> to vector<256x768xf32>
    %logistic3A = arith.negf %slice3A : vector<256x768xf32>
    %logistic3A_7 = math.exp %logistic3A : vector<256x768xf32>
    %logistic3A_8 = arith.constant 1.000000e+00 : f32
    %logistic3A_9 = vector.broadcast %logistic3A_8 : f32 to vector<256x768xf32>
    %logistic3A_10 = arith.addf %logistic3A_9, %logistic3A_7 : vector<256x768xf32>
    %logistic3A_11 = arith.divf %logistic3A_9, %logistic3A_10 : vector<256x768xf32>
    %mul3A = arith.mulf %slice3A, %logistic3A_11 : vector<256x768xf32>
    %slice3A_12 = vector.extract_strided_slice %dot_general3A_6 {offsets = [0, 768], sizes = [256, 768], strides = [1, 1]} : vector<256x1536xf32> to vector<256x768xf32>
    %mul3A_13 = arith.mulf %mul3A, %slice3A_12 : vector<256x768xf32>
    %convert_element_type3A_14 = arith.truncf %mul3A_13 : vector<256x768xf32> to vector<256x768xbf16>
    %get3A_15 = arith.constant 0 : index
    %get3A_16 = arith.constant 0 : index
    %get3A_17 = vector.load %arg3[%get3A_15, %get3A_16] : memref<768x768xf32, #tpu.memory_space<vmem>>, vector<768x768xf32>
    %convert_element_type3A_18 = arith.truncf %get3A_17 : vector<768x768xf32> to vector<768x768xbf16>
    %dot_general3A_19 = arith.constant dense<0.000000e+00> : vector<256x768xf32>
    %dot_general3A_20 = tpu.matmul %convert_element_type3A_14, %convert_element_type3A_18, %dot_general3A_19 {dimension_numbers = #tpu.dot_dimension_numbers<[1], [0], [0], [1], [0, 0, 1, 1], [], []>, transpose_lhs_hint = false} : vector<256x768xbf16>, vector<768x768xbf16>, vector<256x768xf32> -> vector<256x768xf32>
    %swap3A = arith.constant 0 : index
    %swap3A_21 = arith.constant 0 : index
    %swap3A_22 = vector.load %arg4[%swap3A, %swap3A_21] : memref<256x768xf32, #tpu.memory_space<vmem>>, vector<256x768xf32>
    tpu.vector_store %arg4[%swap3A, %swap3A_21], %dot_general3A_20 {strides = array<i32>} : memref<256x768xf32, #tpu.memory_space<vmem>>, vector<256x768xf32>,
    return
  }
  func.func @transform_0(%arg0: i32) -> (i32, i32) {
    %c0_i32 = arith.constant 0 : i32
    %c0_i32_0 = arith.constant 0 : i32
    return %arg0, %c0_i32 : i32, i32
  }
  func.func @transform_1(%arg0: i32) -> (i32, i32) {
    %c0_i32 = arith.constant 0 : i32
    %c0_i32_0 = arith.constant 0 : i32
    %c0_i32_1 = arith.constant 0 : i32
    return %c0_i32, %c0_i32_0 : i32, i32
  }
  func.func @transform_2(%arg0: i32) -> (i32, i32) {
    %c0_i32 = arith.constant 0 : i32
    %c0_i32_0 = arith.constant 0 : i32
    %c0_i32_1 = arith.constant 0 : i32
    return %c0_i32, %c0_i32_0 : i32, i32
  }
  func.func @transform_3(%arg0: i32) -> (i32, i32) {
    %c0_i32 = arith.constant 0 : i32
    %c0_i32_0 = arith.constant 0 : i32
    return %arg0, %c0_i32 : i32, i32
  }
}

</mosaic_0001>

<sc_bundles>
// kernel: kernel.10.cloned.1.call-start
scs
__scs_entry_jumppad:
0x0: {  	(pc) =	sbr.rel $0x88, $3  }
0x1: {  	(tag) =	ssettag $0x0;
	lr =	simm.s32 $0x1  }
0x2: {  	[smem:$0x3F9B] =	sst lr;
	_ =	strace $0xD0000000  }
0x3: {  	_ = 	snop  }
0x4: {  	_ = 	snop  }
0x5: {  	_ = 	snop  }
0x6: {  	_ = 	snop  }
0x7: {  	_ = 	snop  }
__scs_overlays_trampoline_lowered:
0x8: {  	[smem:$0x3FAA] =	sst s0  }
0x9: {  	[smem:$0x3FAB] =	sst s1  }
0xa: {  	[smem:$0x3FAC] =	sst s2  }
0xb: {  	[smem:$0x3FAD] =	sst s3  }
0xc: {  	[smem:$0x3FAE] =	sst s4  }
0xd: {  	[smem:$0x3FAF] =	sst s5  }
0xe: {  	[smem:$0x3FB0] =	sst s6  }
0xf: {  	[smem:$0x3FB1] =	sst s7  }
0x10: {  	[smem:$0x3FB2] =	sst s8  }
0x11: {  	[smem:$0x3FB3] =	sst s9;
	s0 =	simm.s32 @!p0 $0x0  }
0x12: {  	s1 =	sld [smem:$0x3F99];
	s0 =	simm.s32 @p0 $0x1  }
0x13: {  	[smem:$0x3FB4] =	sst s0;
	s0 =	simm.s32 @!p1 $0x0  }
0x14: {  	s2 =	sld [smem:$0x3F98];
	s0 =	simm.s32 @p1 $0x1  }
0x15: {  	[smem:$0x3FB5] =	sst s0;
	s0 =	simm.s32 @!p2 $0x0  }
0x16: {  	s3 =	sld [smem:$0x3FDB];
	s0 =	simm.s32 @p2 $0x1  }
0x17: {  	s4 =	simm.s32 $0x1BF5;
	[smem:$0x3FB7] =	sst s0  }
0x18: {  	s0 =	sld [smem:$0x3F9A];
	_ =	swait.ge [sflag:s4], $0x0  }
0x19: {  	s7 =	sld [smem:$0x3F9B]  }
0x1a: {  	s8 =	sadd.s32 $0xFFFFE003, lr  }
0x1b: {  	s9 =	sadd.s32 $0xFFFFFEF7, lr;
	s5 =	simm.s32 $0xFFFFFFFF;
	p2 =	slt.u32 s8, $0xFFFFF086  }
0x1c: {  	p1 =	slt.u32 s9, $0xF7A;
	s5 =	simm.s32 @!p2 $0x0  }
0x1d: {  	s5 =	simm.s32 @p1 $0x1;
	p0 =	seq.s32 s7, s2  }
0x1e: {  	s7 =	smul.u32 @!p0 $0xF7A, s2;
	p2 =	seq.s32 @!p0 s5, $0x0  }
0x1f: {  	s9 =	smul.u32 $0xF7A, s1;
	s8 =	simm.s32 @!p0 $0x1BF5;
	p2 =	por !p2, p0  }
0x20: {  	[sflag:s8] =	ssyncset.s32 @!p0 $0xFFFFF086;
	s6 =	sadd.s32 @!p0 s3, s7;
	s7 =	simm.s32 @!p0 $0x108  }
0x21: {  	s3 =	sadd.s32 s3, s9;
	s6 =	sadd.s32 @!p0 $0x88, s6;
	s7 =	simm.s32 @p2 $0x1082  }
0x22: {  	[simem:s7], [sflag:s8] =	dma.local @!p0 [hbm:s6], $0xF7A  }
0x23: {  	s9 =	sor.u32 $0xD0000000, s2;
	s6 =	simm.s32 $0x108;
	_ =	swait.ge @!p0 [sflag:s8], $0x0  }
0x24: {  	s3 =	sadd.s32 $0x88, s3;
	s6 =	simm.s32 @!p1 $0x1082;
	[sflag:s4] =	ssyncset.s32 $0xFFFFF086  }
0x25: {  	[simem:s6], [sflag:s4] =	dma.local [hbm:s3], $0xF7A  }
0x26: {  	[smem:$0x3F9B] =	sst s1;
	(tag) =	ssettag s2;
	_ =	strace s9  }
0x27: {  	s1 =	sld [smem:$0x3FAB]  }
0x28: {  	s2 =	sld [smem:$0x3FAC]  }
0x29: {  	s4 =	sld [smem:$0x3FAE]  }
0x2a: {  	p0 =	seq.s32 s5, $0x0;
	s5 =	sld [smem:$0x3FAF]  }
0x2b: {  	s6 =	sld [smem:$0x3FB0]  }
0x2c: {  	s7 =	sld [smem:$0x3FB1]  }
0x2d: {  	s3 =	simm.s32 $0x108;
	s8 =	sld [smem:$0x3FB2]  }
0x2e: {  	s3 =	simm.s32 @!p0 $0x1082;
	s9 =	sld [smem:$0x3FB3]  }
0x2f: {  	lr =	sadd.s32 s0, s3;
	s0 =	sld [smem:$0x3FAA]  }
0x30: {  	s3 =	sld [smem:$0x3FAD]  }
0x31: {  	[smem:$0x3FB6] =	sst s10  }
0x32: {  	s10 =	sld [smem:$0x3FB4];
	_ =	sdelay $0x3  }
0x33: {  	p0 =	seq.s32 s10, $0x1;
	s10 =	sld [smem:$0x3FB6];
	_ =	sdelay $0x3  }
0x34: {  	[smem:$0x3FB6] =	sst s10  }
0x35: {  	s10 =	sld [smem:$0x3FB5];
	_ =	sdelay $0x3  }
0x36: {  	p1 =	seq.s32 s10, $0x1;
	s10 =	sld [smem:$0x3FB6];
	_ =	sdelay $0x3  }
0x37: {  	[smem:$0x3FB6] =	sst s10  }
0x38: {  	s10 =	sld [smem:$0x3FB7]  }
0x39: {  	_ = 	snop;
	(pc) =	sbr.ind lr, $3  }
0x3a: {  	_ = 	snop  }
0x3b: {  	_ = 	snop  }
0x3c: {  	p2 =	seq.s32 s10, $0x1;
	s10 =	sld [smem:$0x3FB6]  }
0x3d: {  	_ =	shalt  }
0x3e: {  	_ =	shalt  }
0x3f: {  	_ =	shalt  }
0x40: {  	_ =	shalt  }
0x41: {  	_ =	shalt  }
0x42: {  	_ =	shalt  }
0x43: {  	_ =	shalt  }
0x44: {  	_ =	shalt  }
0x45: {  	_ =	shalt  }
0x46: {  	_ =	shalt  }
0x47: {  	_ =	shalt  }
0x48: {  	_ =	shalt  }
0x49: {  	_ =	shalt  }
0x4a: {  	_ =	shalt  }
0x4b: {  	_ =	shalt  }
0x4c: {  	_ =	shalt  }
0x4d: {  	_ =	shalt  }
0x4e: {  	_ =	shalt  }
0x4f: {  	_ =	shalt  }
0x50: {  	_ =	shalt  }
0x51: {  	_ =	shalt  }
0x52: {  	_ =	shalt  }
0x53: {  	_ =	shalt  }
0x54: {  	_ =	shalt  }
0x55: {  	_ =	shalt  }
0x56: {  	_ =	shalt  }
0x57: {  	_ =	shalt  }
0x58: {  	_ =	shalt  }
0x59: {  	_ =	shalt  }
0x5a: {  	_ =	shalt  }
0x5b: {  	_ =	shalt  }
0x5c: {  	_ =	shalt  }
0x5d: {  	_ =	shalt  }
0x5e: {  	_ =	shalt  }
0x5f: {  	_ =	shalt  }
0x60: {  	_ =	shalt  }
0x61: {  	_ =	shalt  }
0x62: {  	_ =	shalt  }
0x63: {  	_ =	shalt  }
0x64: {  	_ =	shalt  }
0x65: {  	_ =	shalt  }
0x66: {  	_ =	shalt  }
0x67: {  	_ =	shalt  }
0x68: {  	_ =	shalt  }
0x69: {  	_ =	shalt  }
0x6a: {  	_ =	shalt  }
0x6b: {  	_ =	shalt  }
0x6c: {  	_ =	shalt  }
0x6d: {  	_ =	shalt  }
0x6e: {  	_ =	shalt  }
0x6f: {  	_ =	shalt  }
0x70: {  	_ =	shalt  }
0x71: {  	_ =	shalt  }
0x72: {  	_ =	shalt  }
0x73: {  	_ =	shalt  }
0x74: {  	_ =	shalt  }
0x75: {  	_ =	shalt  }
0x76: {  	_ =	shalt  }
0x77: {  	_ =	shalt  }
0x78: {  	_ =	shalt  }
0x79: {  	_ =	shalt  }
0x7a: {  	_ =	shalt  }
0x7b: {  	_ =	shalt  }
0x7c: {  	_ =	shalt  }
0x7d: {  	_ =	shalt  }
0x7e: {  	_ =	shalt  }
0x7f: {  	_ =	shalt  }
0x80: {  	_ =	shalt  }
0x81: {  	_ =	shalt  }
0x82: {  	_ =	shalt  }
0x83: {  	_ =	shalt  }
0x84: {  	_ =	shalt  }
0x85: {  	_ =	shalt  }
0x86: {  	_ =	shalt  }
0x87: {  	_ =	shalt  }
.Lfunc_end0:
.L_simem_size_0:
called_computation.1_lowered:
.L_overlay_start_0:
0x88: {  	s2 =	sld [smem:$0x3FD9]  }
0x89: {  	s3 =	sld [smem:$0x3FFE];
	_ =	sdelay $0x1  }
0x8a: {  	s1 =	srdreg.scid  }
0x8b: {  	s0 =	sand.u32 $0x1, s1  }
0x8c: {  	s14 =	sshll.u32 s0, $0xA;
	s2 =	sadd.s32 s3, s2  }
0x8d: {  	s2 =	sadd.s32 s2, s14  }
0x8e: {  	[smem:$0x3FC2] =	sst s2  }
0x8f: {  	_ = 	snop  }
0x90: {  	s2 =	sld [smem:$0x3FD0];
	_ =	sdelay $0x2  }
0x91: {  	s15 =	simm.s32 $0xA;
	s4 =	simm.s32 $0x10  }
0x92: {  	[smem:s4], [sflag:s15] =	dma.local [hbm:s2], $0x1  }
0x93: {  	_ =	swait.eq [sflag:s15], $0x1  }
0x94: {  	[sflag:s15] =	ssyncset.done $0x0  }
0x95: {  	[sflag:s15] =	ssyncadd.s32 $0xFFFFFFFF  }
0x96: {  	s16 =	sld [smem:$0x11];
	(tm) =	ssettm $0x1  }
0x97: {  	s17 =	sld [smem:$0x3FFB];
	_ =	sdelay $0x3  }
0x98: {  	_ =	strace s17  }
0x99: {  	s3 =	sld [smem:$0x3FFC];
	_ =	sdelay $0x3  }
0x9a: {  	_ =	strace s3  }
0x9b: {  	s3 =	sld [smem:$0x3FFD];
	_ =	sdelay $0x3  }
0x9c: {  	_ =	strace s3  }
0x9d: {  	_ =	strace $0x8FFFFFFF  }
0x9e: {  	s18 =	sld [smem:$0x3FDB];
	_ =	sdelay $0x1  }
0x9f: {  	s19 =	simm.s32 $_scs_section_size  }
0xa0: {  	s5 =	simm.s32 $_size__tile_overlayer_lowered;
	s6 =	simm.s32 $_tile_overlayer_lowered  }
0xa1: {  	s22 =	simm.s32 $0x1BFF;
	s21 =	sshll.u32 s6, $0x1;
	s3 =	sadd.s32 s19, s18  }
0xa2: {  	s7 =	simm.s32 $0x0;
	s20 =	sshll.u32 s5, $0x1;
	s5 =	sadd.s32 s21, s3  }
0xa3: {  	[timem:s7], [sflag:s22] =	dma.local [hbm:s5], s20  }
0xa4: {  	_ =	swait.ge [sflag:s22], s20  }
0xa5: {  	s4 =	ssub.s32 $0x0, s20;
	[sflag:s22] =	ssyncset.done $0x0  }
0xa6: {  	[sflag:s22] =	ssyncadd.s32 s4;
	_ =	sdelay $0x1  }
0xa7: {  	s23 =	simm.s32 $0x1B8B  }
0xa8: {  	_ =	swait.ge [sflag:s23], $0x1  }
0xa9: {  	[sflag:s23] =	ssyncset.done $0x0  }
0xaa: {  	s25 =	simm.s32 $0x1B8E;
	s24 =	sld [smem:$0x3FFE];
	[sflag:s23] =	ssyncadd.s32 $0xFFFFFFFF  }
0xab: {  	s26 =	simm.s32 $execute0_lowered;
	[smem:$0x3FD2] =	sst s25  }
0xac: {  	s5 =	sshll.u32 s26, $0x1;
	_ =	strace $0x80000049;
	[dreg:$0x1] =	wrdreg $0xFFFFFFFF  }
0xad: {  	s28 =	simm.s32 $_size_execute0_lowered;
	s3 =	sadd.s32 s3, s5;
	[dreg:$0x0] =	wrdreg $0x0  }
0xae: {  	s5 =	sshll.u32 s28, $0x1;
	[dreg:$0x2] =	wrdreg s3  }
0xaf: {  	[dreg:$0x3] =	wrdreg s5  }
0xb0: {  	[dreg:$0x4] =	wrdreg $0xC0  }
0xb1: {  	_ =	task [dreg:s7], $0x5FFFF  }
0xb2: {  	[dreg:$0x1] =	wrdreg $0xFFFFFFFF  }
0xb3: {  	[dreg:$0x0] =	wrdreg $0x60  }
0xb4: {  	[dreg:$0x2] =	wrdreg s24  }
0xb5: {  	[dreg:$0x3] =	wrdreg s16  }
0xb6: {  	[dreg:$0x4] =	wrdreg $0x9  }
0xb7: {  	_ =	task.clear_ibuf [dreg:s7], $0x5FFFF;
	_ =	strace $0x90000049  }
0xb8: {  	s29 =	simm.s32 $0x9;
	_ =	strace $0x8000004B  }
0xb9: {  	_ =	swait.ge [sflag:s29], $0x1  }
0xba: {  	[sflag:s29] =	ssyncadd.s32 $0xFFFFFFFF  }
0xbb: {  	_ =	strace $0x9000004B  }
0xbc: {  	_ =	sfence  }
0xbd: {  	s30 =	sld [smem:$0x0];
	_ =	sdelay $0x2  }
0xbe: {  	s31 =	sshll.u32 s1, $0xD;
	s1 =	sshrl.u32 s1, $0x2  }
0xbf: {  	s3 =	sand.u32 $0x4000, s31;
	s1 =	sadd.s32 s1, s30  }
0xc0: {  	s0 =	sor.u32 s3, s0;
	s1 =	sshll.u32 s1, $0x11  }
0xc1: {  	s0 =	sor.u32 s1, s0  }
0xc2: {  	s0 =	sadd.s32 $0x8F2B, s0  }
0xc3: {  	[sflag:s0] =	ssyncadd.remote.s32 $0x1  }
0xc4: {  	_ =	sfence.sel $0xFFFF  }
0xc5: {  	[dreg:$0x0] =	wrdreg $0xFFFFFFFF;
	(pc) =	sbr.abs _section_cstart, $3  }
0xc6: {  	[dreg:$0x1] =	wrdreg $0xFFFFFFFF  }
0xc7: {  	_ =	task.clear_ibuf [dreg:s7], $0x2FFFF;
	_ =	strace $0x9FFFFFFF  }
0xc8: {  	(tm) =	ssettm $0x7FFFFFFF  }
0xc9: {  	_ =	shalt  }
tec
execute0_lowered:
.L_overlay_start_1:
0x0: {  	(tag) =	ssettag $0x1  }
0x1: {  	s0 =	rddreg [dreg:$0x0]  }
0x2: {  	s1 =	rddreg [dreg:$0x1];
	s2 =	simm.s32 $0x0  }
0x3: {  	s3 =	srdreg.scid;
	s5 =	stileid.u32;
	s17 =	simm.s32 $0x3  }
0x4: {  	s28 =	simm.s32 $0x4500;
	s29 =	simm.s32 $0x4D00;
	s30 =	simm.s32 $0x5500  }
0x5: {  	s31 =	simm.s32 $0x5D00;
	s4 =	sand.u32 $0x1, s3;
	s5 =	sshll.u32 s5, $0x1  }
0x6: {  	s18 =	simm.s32 $0x2;
	[smem:$0x7FF] =	sst s2;
	s5 =	sor.u32 s4, s5  }
0x7: {  	s3 =	sadd.s32 $0x2600, s0;
	_ =	strace $0x8000004A;
	s6 =	sshll.u32 s5, $0x4  }
0x8: {  	s4 =	ssub.s32 $0x2, s4;
	s8 =	smul.u32 $0x1800, s5;
	s6 =	sadd.s32 s6, s0  }
0x9: {  	s7 =	sshrl.u32 s4, $0x1;
	s5 =	smul.u32 $0xC000, s5;
	s19 =	sadd.s32 $0x8C600, s6  }
0xa: {  	s4 =	ssub.s32 s4, s7;
	s6 =	sadd.s32 $0x8C800, s6;
	[dreg:$0x3] =	wrdreg s19  }
0xb: {  	s7 =	sadd.s32 $0x2800, s0;
	s8 =	sadd.s32 s1, s8;
	[dreg:$0x4] =	wrdreg s6  }
0xc: {  	s20 =	sshrl.u32 s5, $0x3;
	s26 =	smax.u32 s4, $0x1;
	[dreg:$0x5] =	wrdreg s8  }
0xd: {  	s6 =	sadd.s32 $0x2700, s0;
	s21 =	sadd.s32 $0x300, s8;
	[dreg:$0xd] =	wrdreg s26  }
0xe: {  	v4 =	vlaneseq.u32;
	s22 =	sadd.s32 $0x600, s8;
	s0 =	sadd.s32 s1, s20;
	[dreg:$0x6] =	wrdreg s21  }
0xf: {  	v1 =	vimm.s32 $0x7;
	v3 =	vimm.s32 $0x3;
	vm0 =	vmmov $0xffff;
	s4 =	simm.s32 $0x0;
	[dreg:$0x7] =	wrdreg s22;
	s1 =	sadd.s32 $0x900, s0  }
0x10: {  	v5 =	vimm.s32 $0x0;
	v6 =	vimm.s32 $0x1;
	v7 =	vimm.s32 $0x2;
	s20 =	simm.s32 $0xD00;
	s23 =	sadd.s32 $0xC00, s0;
	[dreg:$0x8] =	wrdreg s1  }
0x11: {  	v8 =	vimm.s32 $0x4;
	v9 =	vimm.s32 $0x5;
	v10 =	vimm.s32 $0x6;
	s26 =	simm.s32 $0x3D00;
	s24 =	sadd.s32 $0xF00, s0;
	[dreg:$0x9] =	wrdreg s23  }
0x12: {  	v11 =	vimm.s32 $0x8;
	v12 =	vimm.s32 $0x9;
	v13 =	vimm.s32 $0xA;
	s25 =	sadd.s32 $0x1200, s0;
	s0 =	sadd.s32 $0x1500, s0;
	[dreg:$0xa] =	wrdreg s24  }
0x13: {  	v14 =	vimm.s32 $0xB;
	v15 =	vimm.s32 $0xC;
	v16 =	vimm.s32 $0xD;
	s21 =	simm.s32 $0x1500;
	s22 =	simm.s32 $0x1D00;
	[dreg:$0xb] =	wrdreg s25  }
0x14: {  	v17 =	vimm.s32 $0xE;
	v18 =	vimm.s32 $0xF;
	v2 =	vshrl.u32 v4, $0x3;
	[dreg:$0xc] =	wrdreg s0;
	s23 =	simm.s32 $0x2500;
	s24 =	simm.s32 $0x2D00  }
0x15: {  	v0 =	vand.u32 $0x7, v4;
	v4 =	vor.u32 $0x8, v4;
	v2 =	vmul.u32 $0x8, v2;
	s25 =	simm.s32 $0x3500;
	s0 =	simm.s32 $0x1;
	s1 =	simm.s32 $0x6500  }
.LBB2_1:
0x16: {  	s5 =	rddreg [dreg:$0x3]  }
0x17: {  	[tilespmem:s2], [sflag:$0x3] =	stream.linear.gather [hbm4b:s5+s2], $0x80, $0x38;
	[tilespmem:$0x7D00] =	vst v63  }
0x18: {  	_ =	swait.ge [sflag:s17], $0x80  }
0x19: {  	[sflag:s17] =	ssyncset.done $0x0  }
0x1a: {  	s8 =	simm.s32 $0x80;
	s14 =	rddreg [dreg:$0x4];
	[sflag:s17] =	ssyncadd.s32 $0xFFFFFF80  }
0x1b: {  	[tilespmem:s8], [sflag:$0x3] =	stream.linear.gather [hbm4b:s14+s2], $0x80, $0x38;
	[tilespmem:$0x7D00] =	vst v63  }
0x1c: {  	_ =	swait.ge [sflag:s17], $0x80  }
0x1d: {  	[sflag:s17] =	ssyncset.done $0x0  }
0x1e: {  	[sflag:s17] =	ssyncadd.s32 $0xFFFFFF80  }
0x1f: {  	v19 =	vld [tilespmem:$0x0];
	_ =	sdelay $0x3  }
0x20: {  	v20 =	vld [tilespmem:$0x10]  }
0x21: {  	v21 =	vld [tilespmem:$0x20];
	v22 =	vshrl.u32 v19, $0x3  }
0x22: {  	v23 =	vld [tilespmem:$0x30];
	v22 =	vmul.u32 $0x30, v22  }
0x23: {  	v24 =	vld [tilespmem:$0x40];
	v25 =	vand.u32 $0x7, v19  }
0x24: {  	[tilespmem:$0x100] =	vst v19;
	v19 =	vld [tilespmem:$0x50];
	v22 =	vor.u32 v25, v22  }
0x25: {  	[tilespmem:$0x180] =	vst v20;
	v20 =	vld [tilespmem:$0x60];
	v25 =	vperm.xlane v22, v0  }
0x26: {  	[tilespmem:$0x200] =	vst v21;
	v21 =	vld [tilespmem:$0x70]  }
0x27: {  	[tilespmem:$0x280] =	vst v23;
	v23 =	vadd.s32 v2, v25  }
0x28: {  	[tilespmem:$0x300] =	vst v24  }
0x29: {  	[tilespmem:$0x380] =	vst v19  }
0x2a: {  	[tilespmem:$0x400] =	vst v20  }
0x2b: {  	s15 =	simm.s32 $0x500;
	[tilespmem:$0x480] =	vst v21;
	v19 =	vperm.xlane v22, v4  }
0x2c: {  	[tilespmem:s15], [sflag:$0x1] =	stream.indirect_vreg.gather [hbm4b:s3+s2], $0x80, v23, vm0, $0xb8;
	[tilespmem:$0x7D00] =	vst v63  }
0x2d: {  	v19 =	vadd.s32 v2, v19  }
0x2e: {  	[tilespmem:s20], [sflag:$0x1] =	stream.indirect_vreg.gather [hbm4b:s6+s2], $0x80, v23, vm0, $0xb8;
	[tilespmem:$0x7D00] =	vst v63  }
0x2f: {  	_ = 	snop  }
0x30: {  	[tilespmem:s21], [sflag:$0x1] =	stream.indirect_vreg.gather [hbm4b:s7+s2], $0x80, v23, vm0, $0xb8;
	[tilespmem:$0x7D00] =	vst v63  }
0x31: {  	_ = 	snop  }
0x32: {  	[tilespmem:s22], [sflag:$0x1] =	stream.indirect_vreg.gather [hbm4b:s3+s2], $0x80, v19, vm0, $0xb8;
	[tilespmem:$0x7D00] =	vst v63  }
0x33: {  	_ = 	snop  }
0x34: {  	[tilespmem:s23], [sflag:$0x1] =	stream.indirect_vreg.gather [hbm4b:s6+s2], $0x80, v19, vm0, $0xb8;
	[tilespmem:$0x7D00] =	vst v63  }
0x35: {  	_ = 	snop  }
0x36: {  	[tilespmem:s24], [sflag:$0x1] =	stream.indirect_vreg.gather [hbm4b:s7+s2], $0x80, v19, vm0, $0xb8;
	[tilespmem:$0x7D00] =	vst v63  }
0x37: {  	v19 =	vld [tilespmem:$0x180];
	_ =	sdelay $0x4  }
0x38: {  	v20 =	vshrl.u32 v19, $0x3  }
0x39: {  	v20 =	vmul.u32 $0x30, v20  }
0x3a: {  	v19 =	vand.u32 $0x7, v19  }
0x3b: {  	v19 =	vor.u32 v19, v20  }
0x3c: {  	v20 =	vperm.xlane v19, v0;
	_ =	sdelay $0x1  }
0x3d: {  	v20 =	vadd.s32 v2, v20;
	_ =	sdelay $0x3  }
0x3e: {  	v19 =	vperm.xlane v19, v4  }
0x3f: {  	[tilespmem:s25], [sflag:$0x2] =	stream.indirect_vreg.gather [hbm4b:s3+s2], $0x80, v20, vm0, $0xb8;
	[tilespmem:$0x7D00] =	vst v63  }
0x40: {  	v19 =	vadd.s32 v2, v19  }
0x41: {  	[tilespmem:s26], [sflag:$0x2] =	stream.indirect_vreg.gather [hbm4b:s6+s2], $0x80, v20, vm0, $0xb8;
	[tilespmem:$0x7D00] =	vst v63  }
0x42: {  	_ = 	snop  }
0x43: {  	[tilespmem:s28], [sflag:$0x2] =	stream.indirect_vreg.gather [hbm4b:s7+s2], $0x80, v20, vm0, $0xb8;
	[tilespmem:$0x7D00] =	vst v63  }
0x44: {  	_ = 	snop  }
0x45: {  	[tilespmem:s29], [sflag:$0x2] =	stream.indirect_vreg.gather [hbm4b:s3+s2], $0x80, v19, vm0, $0xb8;
	[tilespmem:$0x7D00] =	vst v63  }
0x46: {  	_ = 	snop  }
0x47: {  	[tilespmem:s30], [sflag:$0x2] =	stream.indirect_vreg.gather [hbm4b:s6+s2], $0x80, v19, vm0, $0xb8;
	[tilespmem:$0x7D00] =	vst v63  }
0x48: {  	_ = 	snop  }
0x49: {  	[tilespmem:s31], [sflag:$0x2] =	stream.indirect_vreg.gather [hbm4b:s7+s2], $0x80, v19, vm0, $0xb8;
	[tilespmem:$0x7D00] =	vst v63  }
0x4a: {  	_ =	swait.ge [sflag:s0], $0x3000  }
0x4b: {  	[sflag:s0] =	ssyncset.done $0x0  }
0x4c: {  	s16 =	sand.u32 $0x70, s2;
	s9 =	sand.u32 $0x1C00, s2;
	[sflag:s0] =	ssyncadd.s32 $0xFFFFD000  }
0x4d: {  	s11 =	sor.u32 s16, s9;
	v33 =	vld [tilespmem:$0x80]  }
0x4e: {  	v19 =	vld [tilespmem:s11+$0x780]  }
0x4f: {  	v20 =	vld [tilespmem:s11+$0x700]  }
0x50: {  	v21 =	vld [tilespmem:s11+$0x580]  }
0x51: {  	v24 =	vld [tilespmem:s11+$0x600]  }
0x52: {  	v29 =	vld [tilespmem:s11+$0x680]  }
0x53: {  	v30 =	vld [tilespmem:s11+$0x500];
	v26 =	vperm.xlane v33, v8;
	v27 =	vperm.xlane v33, v9  }
0x54: {  	v22 =	vperm.xlane v33, v7;
	v23 =	vperm.xlane v33, v3  }
0x55: {  	v25 =	vperm.xlane v33, v5;
	v28 =	vperm.xlane v33, v6  }
0x56: {  	v38 =	vld [tilespmem:s11+$0x1D00];
	v20 =	vmul.f32 v20, v26;
	v19 =	vmul.f32 v19, v27  }
0x57: {  	v40 =	vld [tilespmem:s11+$0x1F00];
	v24 =	vmul.f32 v24, v22;
	v29 =	vmul.f32 v29, v23  }
0x58: {  	v34 =	vld [tilespmem:s11+$0x1F80];
	v32 =	vmul.f32 v21, v28;
	v39 =	vmul.f32 v30, v25  }
0x59: {  	v35 =	vld [tilespmem:s11+$0x2080];
	v21 =	vperm.xlane v33, v12;
	v30 =	vperm.xlane v33, v15;
	v31 =	vadd.f32 v19, v20  }
0x5a: {  	v44 =	vld [tilespmem:s11+$0x2000];
	v19 =	vperm.xlane v33, v10;
	v20 =	vperm.xlane v33, v1  }
0x5b: {  	s19 =	simm.s32 $0x10;
	s10 =	simm.s32 $0x80;
	s16 =	simm.s32 $0x20;
	v36 =	vld [tilespmem:s11+$0x1D80];
	v29 =	vadd.f32 v29, v24;
	v24 =	vperm.xlane v33, v11;
	[tilespmem:s11+$0x6600] =	vst v31;
	v31 =	vperm.xlane v33, v16  }
0x5c: {  	s13 =	sand.u32 $0x70, s19;
	s12 =	sor.u32 s10, s19;
	s14 =	sand.u32 $0x1C00, s10;
	v37 =	vld [tilespmem:s11+$0x1E80];
	v41 =	vadd.f32 v32, v39;
	v32 =	vperm.xlane v33, v13;
	v40 =	vmul.f32 v40, v30  }
0x5d: {  	s8 =	sor.u32 s2, s2;
	s10 =	sor.u32 s13, s14;
	s13 =	simm.s32 $0x100;
	v39 =	vld [tilespmem:s11+$0x1E00];
	[tilespmem:s11+$0x6580] =	vst v29;
	v29 =	vperm.xlane v33, v17;
	v43 =	vmul.f32 v34, v31  }
0x5e: {  	s14 =	sand.u32 $0x70, s16;
	s19 =	sand.u32 $0x1C00, s13;
	s15 =	sor.u32 $0x380, s8;
	[tilespmem:s11+$0x6500] =	vst v41;
	v41 =	vld [tilespmem:s11+$0x800];
	v38 =	vmul.f32 v38, v24;
	v34 =	vperm.xlane v33, v14  }
0x5f: {  	s9 =	sor.u32 s13, s16;
	s5 =	sor.u32 s14, s19;
	s14 =	simm.s32 $0x30;
	v42 =	vld [tilespmem:s15+$0x500];
	v33 =	vperm.xlane v33, v18;
	v43 =	vadd.f32 v43, v40;
	v40 =	vmul.f32 v44, v29  }
.LBB2_2:
0x60: {  	p0 =	sne.s32 s14, $0x2F0  }
0x61: {  	s13 =	sadd.s32 $0x80, s13;
	s8 =	smov.u32 s14;
	s14 =	sadd.s32 $0x10, s14  }
0x62: {  	s16 =	sor.u32 s13, s8;
	[tilespmem:s11+$0x6800] =	vst v43  }
0x63: {  	v37 =	vmul.f32 v37, v34;
	v39 =	vmul.f32 v39, v32  }
0x64: {  	v36 =	vmul.f32 v36, v21;
	v41 =	vmul.f32 v41, v19  }
0x65: {  	v35 =	vmul.f32 v35, v33;
	s8 =	sand.u32 $0x70, s8;
	s19 =	sand.u32 $0x1C00, s13;
	v42 =	vmul.f32 v42, v20;
	v37 =	vadd.f32 v37, v39  }
0x66: {  	s8 =	sor.u32 s8, s19;
	v36 =	vadd.f32 v36, v38  }
0x67: {  	v35 =	vadd.f32 v35, v40;
	v38 =	vadd.f32 v42, v41;
	[tilespmem:s11+$0x6780] =	vst v37  }
0x68: {  	[tilespmem:s11+$0x6700] =	vst v36  }
0x69: {  	[tilespmem:s11+$0x6680] =	vst v38;
	s11 =	smov.u32 s10;
	s10 =	smov.u32 s5;
	s5 =	smov.u32 s8  }
0x6a: {  	[tilespmem:s15+$0x6500] =	vst v35  }
0x6b: {  	v35 =	vld [tilespmem:s11+$0x780]  }
0x6c: {  	v36 =	vld [tilespmem:s11+$0x700]  }
0x6d: {  	v37 =	vld [tilespmem:s11+$0x580]  }
0x6e: {  	v38 =	vld [tilespmem:s11+$0x600]  }
0x6f: {  	v39 =	vld [tilespmem:s11+$0x680]  }
0x70: {  	v40 =	vld [tilespmem:s11+$0x500]  }
0x71: {  	v35 =	vmul.f32 v35, v27;
	v36 =	vmul.f32 v36, v26;
	v41 =	vld [tilespmem:s11+$0x1D00]  }
0x72: {  	v42 =	vld [tilespmem:s11+$0x1F80]  }
0x73: {  	v37 =	vmul.f32 v37, v28;
	v43 =	vadd.f32 v35, v36;
	v44 =	vld [tilespmem:s11+$0x1F00]  }
0x74: {  	v36 =	vmul.f32 v38, v22;
	v38 =	vmul.f32 v39, v23;
	v35 =	vld [tilespmem:s11+$0x2080]  }
0x75: {  	v39 =	vmul.f32 v40, v25;
	v40 =	vld [tilespmem:s11+$0x2000]  }
.Ltmp0:
0x76: {  	v45 =	vadd.f32 v38, v36;
	v36 =	vld [tilespmem:s11+$0x1D80];
	v38 =	vmul.f32 v41, v24;
	(pc) =	sbr.rel @p0 .LBB2_2-.Ltmp0, $4  }
0x77: {  	v41 =	vadd.f32 v37, v39;
	[tilespmem:s11+$0x6600] =	vst v43;
	v37 =	vld [tilespmem:s11+$0x1E80]  }
0x78: {  	s15 =	sor.u32 $0x380, s12;
	s12 =	smov.u32 s9;
	s9 =	smov.u32 s16;
	[tilespmem:s11+$0x6580] =	vst v45;
	v39 =	vld [tilespmem:s11+$0x1E00];
	v43 =	vmul.f32 v44, v30;
	v44 =	vmul.f32 v42, v31  }
0x79: {  	[tilespmem:s11+$0x6500] =	vst v41;
	v41 =	vld [tilespmem:s11+$0x800]  }
0x7a: {  	v42 =	vld [tilespmem:s15+$0x500];
	v43 =	vadd.f32 v44, v43;
	v40 =	vmul.f32 v40, v29  }
0x7b: {  	_ =	sdelay $0x1  }
0x7c: {  	v36 =	vmul.f32 v36, v21  }
0x7d: {  	v37 =	vmul.f32 v37, v34;
	v39 =	vmul.f32 v39, v32  }
0x7e: {  	v36 =	vadd.f32 v36, v38;
	v41 =	vmul.f32 v41, v19;
	v42 =	vmul.f32 v42, v20  }
0x7f: {  	v35 =	vmul.f32 v35, v33;
	[tilespmem:s11+$0x6800] =	vst v43;
	v37 =	vadd.f32 v37, v39  }
0x80: {  	[tilespmem:s11+$0x6700] =	vst v36;
	v48 =	vadd.f32 v42, v41  }
0x81: {  	v35 =	vadd.f32 v35, v40;
	[tilespmem:s11+$0x6780] =	vst v37  }
0x82: {  	[tilespmem:s11+$0x6680] =	vst v48  }
0x83: {  	[tilespmem:s15+$0x6500] =	vst v35  }
0x84: {  	v35 =	vld [tilespmem:s10+$0x780]  }
0x85: {  	v36 =	vld [tilespmem:s10+$0x700]  }
0x86: {  	v37 =	vld [tilespmem:s10+$0x580]  }
0x87: {  	v38 =	vld [tilespmem:s10+$0x600]  }
0x88: {  	v49 =	vld [tilespmem:s10+$0x680]  }
0x89: {  	v50 =	vld [tilespmem:s10+$0x500];
	_ =	sdelay $0x1  }
0x8a: {  	v51 =	vld [tilespmem:s10+$0x1D00]  }
0x8b: {  	v52 =	vld [tilespmem:s10+$0x1F80];
	v36 =	vmul.f32 v36, v26;
	v35 =	vmul.f32 v35, v27  }
0x8c: {  	v43 =	vld [tilespmem:s10+$0x1F00];
	v53 =	vmul.f32 v38, v22;
	v54 =	vmul.f32 v49, v23  }
0x8d: {  	v44 =	vld [tilespmem:s10+$0x2080];
	v37 =	vmul.f32 v37, v28;
	v56 =	vmul.f32 v50, v25;
	v35 =	vadd.f32 v35, v36  }
0x8e: {  	v45 =	vld [tilespmem:s10+$0x1D80];
	v36 =	vadd.f32 v54, v53  }
0x8f: {  	v57 =	vld [tilespmem:s10+$0x1E80];
	v37 =	vadd.f32 v37, v56;
	[tilespmem:s10+$0x6600] =	vst v35  }
0x90: {  	v58 =	vld [tilespmem:s10+$0x1E00];
	[tilespmem:s10+$0x6580] =	vst v36  }
0x91: {  	s8 =	sor.u32 $0x380, s12;
	v59 =	vld [tilespmem:s10+$0x800];
	[tilespmem:s10+$0x6500] =	vst v37  }
0x92: {  	v60 =	vld [tilespmem:s8+$0x500]  }
0x93: {  	v55 =	vld [tilespmem:s10+$0x2000]  }
0x94: {  	v61 =	vmul.f32 v43, v30;
	v42 =	vmul.f32 v52, v31  }
0x95: {  	v41 =	vmul.f32 v51, v24;
	v62 =	vmul.f32 v45, v21  }
0x96: {  	v40 =	vadd.f32 v42, v61;
	v36 =	vmul.f32 v58, v32;
	v35 =	vmul.f32 v57, v34  }
0x97: {  	v45 =	vadd.f32 v62, v41;
	v37 =	vmul.f32 v59, v19;
	v38 =	vmul.f32 v60, v20  }
0x98: {  	v63 =	vmul.f32 v55, v29;
	v44 =	vmul.f32 v44, v33;
	[tilespmem:s10+$0x6800] =	vst v40;
	v35 =	vadd.f32 v35, v36  }
0x99: {  	[tilespmem:s10+$0x6700] =	vst v45;
	v37 =	vadd.f32 v38, v37  }
0x9a: {  	v46 =	vadd.f32 v44, v63;
	[tilespmem:s10+$0x6780] =	vst v35  }
0x9b: {  	[tilespmem:s10+$0x6680] =	vst v37  }
0x9c: {  	[tilespmem:s8+$0x6500] =	vst v46  }
0x9d: {  	v35 =	vld [tilespmem:s5+$0x780]  }
0x9e: {  	v47 =	vld [tilespmem:s5+$0x700]  }
0x9f: {  	v37 =	vld [tilespmem:s5+$0x580]  }
0xa0: {  	v48 =	vld [tilespmem:s5+$0x600]  }
0xa1: {  	v49 =	vld [tilespmem:s5+$0x680]  }
0xa2: {  	v40 =	vld [tilespmem:s5+$0x500];
	_ =	sdelay $0x1  }
0xa3: {  	v50 =	vld [tilespmem:s5+$0x1D00]  }
0xa4: {  	v51 =	vld [tilespmem:s5+$0x1F80];
	v26 =	vmul.f32 v47, v26;
	v27 =	vmul.f32 v35, v27  }
0xa5: {  	v52 =	vld [tilespmem:s5+$0x1F00];
	v22 =	vmul.f32 v48, v22;
	v23 =	vmul.f32 v49, v23  }
0xa6: {  	v53 =	vld [tilespmem:s5+$0x2080];
	v28 =	vmul.f32 v37, v28;
	v25 =	vmul.f32 v40, v25;
	v26 =	vadd.f32 v27, v26  }
0xa7: {  	v54 =	vld [tilespmem:s5+$0x1D80];
	v22 =	vadd.f32 v23, v22  }
0xa8: {  	v23 =	vld [tilespmem:s5+$0x1E80];
	v25 =	vadd.f32 v28, v25;
	[tilespmem:s5+$0x6600] =	vst v26  }
0xa9: {  	[tilespmem:s5+$0x6580] =	vst v22;
	v22 =	vld [tilespmem:s5+$0x1E00]  }
0xaa: {  	s16 =	sor.u32 $0x380, s9;
	[tilespmem:s5+$0x6500] =	vst v25;
	v25 =	vld [tilespmem:s5+$0x800]  }
0xab: {  	v26 =	vld [tilespmem:s16+$0x500]  }
0xac: {  	v27 =	vld [tilespmem:s5+$0x2000]  }
0xad: {  	v24 =	vmul.f32 v50, v24;
	v21 =	vmul.f32 v54, v21  }
0xae: {  	v28 =	vmul.f32 v52, v30;
	v30 =	vmul.f32 v51, v31  }
0xaf: {  	v21 =	vadd.f32 v21, v24;
	v23 =	vmul.f32 v23, v34;
	v22 =	vmul.f32 v22, v32  }
0xb0: {  	v28 =	vadd.f32 v30, v28;
	v19 =	vmul.f32 v25, v19;
	v20 =	vmul.f32 v26, v20  }
0xb1: {  	[tilespmem:s5+$0x6700] =	vst v21;
	v25 =	vmul.f32 v53, v33;
	v22 =	vadd.f32 v23, v22;
	v23 =	vmul.f32 v27, v29  }
0xb2: {  	[tilespmem:s5+$0x6800] =	vst v28;
	v19 =	vadd.f32 v20, v19  }
0xb3: {  	[tilespmem:s5+$0x6780] =	vst v22;
	v20 =	vadd.f32 v25, v23  }
0xb4: {  	[tilespmem:s5+$0x6680] =	vst v19  }
0xb5: {  	s19 =	simm.s32 $0x0;
	s10 =	rddreg [dreg:$0x5];
	[tilespmem:s16+$0x6500] =	vst v20  }
0xb6: {  	[hbm4b:s10+s19] =	stream.linear.scatter [tilespmem:s1], [sflag:$0x3], $0x1800, $0x38;
	[tilespmem:$0x7D00] =	vst v63  }
0xb7: {  	_ =	swait.ge [sflag:s17], $0x1800  }
0xb8: {  	[sflag:s17] =	ssyncset.done $0x0  }
0xb9: {  	[sflag:s17] =	ssyncadd.s32 $0xFFFFE800  }
0xba: {  	v19 =	vld [tilespmem:$0x200];
	_ =	sdelay $0x4  }
0xbb: {  	v20 =	vshrl.u32 v19, $0x3  }
0xbc: {  	v20 =	vmul.u32 $0x30, v20  }
0xbd: {  	v19 =	vand.u32 $0x7, v19  }
0xbe: {  	v19 =	vor.u32 v19, v20  }
0xbf: {  	v20 =	vperm.xlane v19, v0;
	_ =	sdelay $0x1  }
0xc0: {  	v20 =	vadd.s32 v2, v20;
	_ =	sdelay $0x3  }
0xc1: {  	s11 =	simm.s32 $0x500;
	v19 =	vperm.xlane v19, v4  }
0xc2: {  	[tilespmem:s11], [sflag:$0x1] =	stream.indirect_vreg.gather [hbm4b:s3+s19], $0x80, v20, vm0, $0xb8;
	[tilespmem:$0x7D00] =	vst v63  }
0xc3: {  	v19 =	vadd.s32 v2, v19  }
0xc4: {  	[tilespmem:s20], [sflag:$0x1] =	stream.indirect_vreg.gather [hbm4b:s6+s19], $0x80, v20, vm0, $0xb8;
	[tilespmem:$0x7D00] =	vst v63  }
0xc5: {  	_ = 	snop  }
0xc6: {  	[tilespmem:s21], [sflag:$0x1] =	stream.indirect_vreg.gather [hbm4b:s7+s19], $0x80, v20, vm0, $0xb8;
	[tilespmem:$0x7D00] =	vst v63  }
0xc7: {  	_ = 	snop  }
0xc8: {  	[tilespmem:s22], [sflag:$0x1] =	stream.indirect_vreg.gather [hbm4b:s3+s19], $0x80, v19, vm0, $0xb8;
	[tilespmem:$0x7D00] =	vst v63  }
0xc9: {  	_ = 	snop  }
0xca: {  	[tilespmem:s23], [sflag:$0x1] =	stream.indirect_vreg.gather [hbm4b:s6+s19], $0x80, v19, vm0, $0xb8;
	[tilespmem:$0x7D00] =	vst v63  }
0xcb: {  	_ = 	snop  }
0xcc: {  	[tilespmem:s24], [sflag:$0x1] =	stream.indirect_vreg.gather [hbm4b:s7+s19], $0x80, v19, vm0, $0xb8;
	[tilespmem:$0x7D00] =	vst v63  }
0xcd: {  	_ =	swait.ge [sflag:s18], $0x3000  }
0xce: {  	[sflag:s18] =	ssyncset.done $0x0  }
0xcf: {  	[sflag:s18] =	ssyncadd.s32 $0xFFFFD000  }
0xd0: {  	s12 =	sand.u32 $0x70, s19;
	s13 =	sand.u32 $0x1C00, s19;
	v55 =	vld [tilespmem:$0x90]  }
0xd1: {  	s11 =	sor.u32 s12, s13  }
0xd2: {  	v19 =	vld [tilespmem:s11+$0x3780]  }
0xd3: {  	v20 =	vld [tilespmem:s11+$0x3700]  }
0xd4: {  	v21 =	vld [tilespmem:s11+$0x3580]  }
0xd5: {  	v24 =	vld [tilespmem:s11+$0x3600];
	v26 =	vperm.xlane v55, v8;
	v27 =	vperm.xlane v55, v9  }
0xd6: {  	v29 =	vld [tilespmem:s11+$0x3680];
	v22 =	vperm.xlane v55, v7;
	v23 =	vperm.xlane v55, v3  }
0xd7: {  	v30 =	vld [tilespmem:s11+$0x3500];
	v25 =	vperm.xlane v55, v5;
	v28 =	vperm.xlane v55, v6  }
0xd8: {  	v56 =	vld [tilespmem:s11+$0x4D00];
	v32 =	vperm.xlane v55, v13;
	v34 =	vperm.xlane v55, v14  }
0xd9: {  	v58 =	vld [tilespmem:s11+$0x4F00];
	v20 =	vmul.f32 v20, v26;
	v19 =	vmul.f32 v19, v27  }
0xda: {  	v57 =	vld [tilespmem:s11+$0x4F80];
	v33 =	vperm.xlane v55, v18;
	v24 =	vmul.f32 v24, v22  }
0xdb: {  	v35 =	vld [tilespmem:s11+$0x5080];
	v29 =	vmul.f32 v29, v23;
	v60 =	vmul.f32 v21, v28;
	v31 =	vadd.f32 v19, v20  }
0xdc: {  	v59 =	vld [tilespmem:s11+$0x5000];
	v61 =	vmul.f32 v30, v25;
	v30 =	vperm.xlane v55, v15  }
0xdd: {  	s14 =	simm.s32 $0x10;
	s15 =	simm.s32 $0x80;
	s5 =	sor.u32 s19, s19;
	v36 =	vld [tilespmem:s11+$0x4D80];
	v21 =	vperm.xlane v55, v12;
	v29 =	vadd.f32 v29, v24;
	[tilespmem:s11+$0x6600] =	vst v31;
	v31 =	vperm.xlane v55, v16  }
0xde: {  	s16 =	simm.s32 $0x20;
	s13 =	sand.u32 $0x1C00, s15;
	s19 =	sand.u32 $0x70, s14;
	v37 =	vld [tilespmem:s11+$0x4E80];
	v24 =	vperm.xlane v55, v11;
	v62 =	vadd.f32 v60, v61;
	v40 =	vmul.f32 v58, v30  }
0xdf: {  	s8 =	sand.u32 $0x70, s16;
	s10 =	sor.u32 s19, s13;
	s13 =	simm.s32 $0x100;
	v39 =	vld [tilespmem:s11+$0x4E00];
	[tilespmem:s11+$0x6580] =	vst v29;
	v29 =	vperm.xlane v55, v17;
	v63 =	vmul.f32 v57, v31  }
0xe0: {  	s12 =	sor.u32 s15, s14;
	s15 =	sor.u32 $0x380, s5;
	s19 =	sand.u32 $0x1C00, s13;
	v41 =	vld [tilespmem:s11+$0x3800];
	v19 =	vperm.xlane v55, v10;
	v20 =	vperm.xlane v55, v1;
	[tilespmem:s11+$0x6500] =	vst v62  }
0xe1: {  	s14 =	simm.s32 $0x30;
	s9 =	sor.u32 s13, s16;
	s5 =	sor.u32 s8, s19;
	v38 =	vmul.f32 v56, v24;
	v42 =	vld [tilespmem:s15+$0x3500];
	v43 =	vadd.f32 v63, v40;
	v40 =	vmul.f32 v59, v29  }
.LBB2_4:
0xe2: {  	p0 =	sne.s32 s14, $0x2F0  }
0xe3: {  	s13 =	sadd.s32 $0x80, s13;
	s8 =	smov.u32 s14;
	s14 =	sadd.s32 $0x10, s14  }
0xe4: {  	s16 =	sor.u32 s13, s8;
	[tilespmem:s11+$0x6800] =	vst v43  }
0xe5: {  	v37 =	vmul.f32 v37, v34;
	v39 =	vmul.f32 v39, v32  }
0xe6: {  	v36 =	vmul.f32 v36, v21;
	v41 =	vmul.f32 v41, v19  }
0xe7: {  	v35 =	vmul.f32 v35, v33;
	s8 =	sand.u32 $0x70, s8;
	s19 =	sand.u32 $0x1C00, s13;
	v42 =	vmul.f32 v42, v20;
	v37 =	vadd.f32 v37, v39  }
0xe8: {  	s8 =	sor.u32 s8, s19;
	v36 =	vadd.f32 v36, v38  }
0xe9: {  	v35 =	vadd.f32 v35, v40;
	v38 =	vadd.f32 v42, v41;
	[tilespmem:s11+$0x6780] =	vst v37  }
0xea: {  	[tilespmem:s11+$0x6700] =	vst v36  }
0xeb: {  	[tilespmem:s11+$0x6680] =	vst v38;
	s11 =	smov.u32 s10;
	s10 =	smov.u32 s5;
	s5 =	smov.u32 s8  }
0xec: {  	[tilespmem:s15+$0x6500] =	vst v35  }
0xed: {  	v35 =	vld [tilespmem:s11+$0x3780]  }
0xee: {  	v36 =	vld [tilespmem:s11+$0x3700]  }
0xef: {  	v37 =	vld [tilespmem:s11+$0x3580]  }
0xf0: {  	v38 =	vld [tilespmem:s11+$0x3600]  }
0xf1: {  	v39 =	vld [tilespmem:s11+$0x3680]  }
0xf2: {  	v40 =	vld [tilespmem:s11+$0x3500]  }
0xf3: {  	v35 =	vmul.f32 v35, v27;
	v36 =	vmul.f32 v36, v26;
	v41 =	vld [tilespmem:s11+$0x4D00]  }
0xf4: {  	v42 =	vld [tilespmem:s11+$0x4F80]  }
0xf5: {  	v37 =	vmul.f32 v37, v28;
	v43 =	vadd.f32 v35, v36;
	v44 =	vld [tilespmem:s11+$0x4F00]  }
0xf6: {  	v36 =	vmul.f32 v38, v22;
	v38 =	vmul.f32 v39, v23;
	v35 =	vld [tilespmem:s11+$0x5080]  }
0xf7: {  	v39 =	vmul.f32 v40, v25;
	v40 =	vld [tilespmem:s11+$0x5000]  }
.Ltmp1:
0xf8: {  	v45 =	vadd.f32 v38, v36;
	v36 =	vld [tilespmem:s11+$0x4D80];
	v38 =	vmul.f32 v41, v24;
	(pc) =	sbr.rel @p0 .LBB2_4-.Ltmp1, $4  }
0xf9: {  	v41 =	vadd.f32 v37, v39;
	[tilespmem:s11+$0x6600] =	vst v43;
	v37 =	vld [tilespmem:s11+$0x4E80]  }
0xfa: {  	s15 =	sor.u32 $0x380, s12;
	s12 =	smov.u32 s9;
	s9 =	smov.u32 s16;
	[tilespmem:s11+$0x6580] =	vst v45;
	v39 =	vld [tilespmem:s11+$0x4E00];
	v43 =	vmul.f32 v44, v30;
	v44 =	vmul.f32 v42, v31  }
0xfb: {  	[tilespmem:s11+$0x6500] =	vst v41;
	v41 =	vld [tilespmem:s11+$0x3800]  }
0xfc: {  	v42 =	vld [tilespmem:s15+$0x3500];
	v43 =	vadd.f32 v44, v43;
	v40 =	vmul.f32 v40, v29  }
0xfd: {  	_ =	sdelay $0x1  }
0xfe: {  	v36 =	vmul.f32 v36, v21  }
0xff: {  	v37 =	vmul.f32 v37, v34;
	v39 =	vmul.f32 v39, v32  }
0x100: {  	v36 =	vadd.f32 v36, v38;
	v41 =	vmul.f32 v41, v19;
	v42 =	vmul.f32 v42, v20  }
0x101: {  	v35 =	vmul.f32 v35, v33;
	[tilespmem:s11+$0x6800] =	vst v43;
	v37 =	vadd.f32 v37, v39  }
0x102: {  	[tilespmem:s11+$0x6700] =	vst v36;
	v48 =	vadd.f32 v42, v41  }
0x103: {  	v35 =	vadd.f32 v35, v40;
	[tilespmem:s11+$0x6780] =	vst v37  }
0x104: {  	[tilespmem:s11+$0x6680] =	vst v48  }
0x105: {  	[tilespmem:s15+$0x6500] =	vst v35  }
0x106: {  	v35 =	vld [tilespmem:s10+$0x3780]  }
0x107: {  	v36 =	vld [tilespmem:s10+$0x3700]  }
0x108: {  	v37 =	vld [tilespmem:s10+$0x3580]  }
0x109: {  	v38 =	vld [tilespmem:s10+$0x3600]  }
0x10a: {  	v49 =	vld [tilespmem:s10+$0x3680]  }
0x10b: {  	v50 =	vld [tilespmem:s10+$0x3500];
	_ =	sdelay $0x1  }
0x10c: {  	v51 =	vld [tilespmem:s10+$0x4D00]  }
0x10d: {  	v52 =	vld [tilespmem:s10+$0x4F80];
	v36 =	vmul.f32 v36, v26;
	v35 =	vmul.f32 v35, v27  }
0x10e: {  	v43 =	vld [tilespmem:s10+$0x4F00];
	v53 =	vmul.f32 v38, v22;
	v54 =	vmul.f32 v49, v23  }
0x10f: {  	v44 =	vld [tilespmem:s10+$0x5080];
	v37 =	vmul.f32 v37, v28;
	v56 =	vmul.f32 v50, v25;
	v35 =	vadd.f32 v35, v36  }
0x110: {  	v45 =	vld [tilespmem:s10+$0x4D80];
	v36 =	vadd.f32 v54, v53  }
0x111: {  	v57 =	vld [tilespmem:s10+$0x4E80];
	v37 =	vadd.f32 v37, v56;
	[tilespmem:s10+$0x6600] =	vst v35  }
0x112: {  	v58 =	vld [tilespmem:s10+$0x4E00];
	[tilespmem:s10+$0x6580] =	vst v36  }
0x113: {  	s8 =	sor.u32 $0x380, s12;
	v59 =	vld [tilespmem:s10+$0x3800];
	[tilespmem:s10+$0x6500] =	vst v37  }
0x114: {  	v60 =	vld [tilespmem:s8+$0x3500]  }
0x115: {  	v55 =	vld [tilespmem:s10+$0x5000]  }
0x116: {  	v61 =	vmul.f32 v43, v30;
	v42 =	vmul.f32 v52, v31  }
0x117: {  	v41 =	vmul.f32 v51, v24;
	v62 =	vmul.f32 v45, v21  }
0x118: {  	v40 =	vadd.f32 v42, v61;
	v36 =	vmul.f32 v58, v32;
	v35 =	vmul.f32 v57, v34  }
0x119: {  	v45 =	vadd.f32 v62, v41;
	v37 =	vmul.f32 v59, v19;
	v38 =	vmul.f32 v60, v20  }
0x11a: {  	v63 =	vmul.f32 v55, v29;
	v44 =	vmul.f32 v44, v33;
	[tilespmem:s10+$0x6800] =	vst v40;
	v35 =	vadd.f32 v35, v36  }
0x11b: {  	[tilespmem:s10+$0x6700] =	vst v45;
	v37 =	vadd.f32 v38, v37  }
0x11c: {  	v46 =	vadd.f32 v44, v63;
	[tilespmem:s10+$0x6780] =	vst v35  }
0x11d: {  	[tilespmem:s10+$0x6680] =	vst v37  }
0x11e: {  	[tilespmem:s8+$0x6500] =	vst v46  }
0x11f: {  	v35 =	vld [tilespmem:s5+$0x3780]  }
0x120: {  	v47 =	vld [tilespmem:s5+$0x3700]  }
0x121: {  	v37 =	vld [tilespmem:s5+$0x3580]  }
0x122: {  	v48 =	vld [tilespmem:s5+$0x3600]  }
0x123: {  	v49 =	vld [tilespmem:s5+$0x3680]  }
0x124: {  	v40 =	vld [tilespmem:s5+$0x3500];
	_ =	sdelay $0x1  }
0x125: {  	v50 =	vld [tilespmem:s5+$0x4D00]  }
0x126: {  	v51 =	vld [tilespmem:s5+$0x4F80];
	v26 =	vmul.f32 v47, v26;
	v27 =	vmul.f32 v35, v27  }
0x127: {  	v52 =	vld [tilespmem:s5+$0x4F00];
	v22 =	vmul.f32 v48, v22;
	v23 =	vmul.f32 v49, v23  }
0x128: {  	v53 =	vld [tilespmem:s5+$0x5080];
	v28 =	vmul.f32 v37, v28;
	v25 =	vmul.f32 v40, v25;
	v26 =	vadd.f32 v27, v26  }
0x129: {  	v54 =	vld [tilespmem:s5+$0x4D80];
	v22 =	vadd.f32 v23, v22  }
0x12a: {  	v23 =	vld [tilespmem:s5+$0x4E80];
	v25 =	vadd.f32 v28, v25;
	[tilespmem:s5+$0x6600] =	vst v26  }
0x12b: {  	[tilespmem:s5+$0x6580] =	vst v22;
	v22 =	vld [tilespmem:s5+$0x4E00]  }
0x12c: {  	s9 =	sor.u32 $0x380, s9;
	[tilespmem:s5+$0x6500] =	vst v25;
	v25 =	vld [tilespmem:s5+$0x3800]  }
0x12d: {  	v26 =	vld [tilespmem:s9+$0x3500]  }
0x12e: {  	v27 =	vld [tilespmem:s5+$0x5000]  }
0x12f: {  	v24 =	vmul.f32 v50, v24;
	v21 =	vmul.f32 v54, v21  }
0x130: {  	v28 =	vmul.f32 v52, v30;
	v30 =	vmul.f32 v51, v31  }
0x131: {  	v21 =	vadd.f32 v21, v24;
	v23 =	vmul.f32 v23, v34;
	v22 =	vmul.f32 v22, v32  }
0x132: {  	v28 =	vadd.f32 v30, v28;
	v19 =	vmul.f32 v25, v19;
	v20 =	vmul.f32 v26, v20  }
0x133: {  	[tilespmem:s5+$0x6700] =	vst v21;
	v25 =	vmul.f32 v53, v33;
	v22 =	vadd.f32 v23, v22;
	v23 =	vmul.f32 v27, v29  }
0x134: {  	[tilespmem:s5+$0x6800] =	vst v28;
	v19 =	vadd.f32 v20, v19  }
0x135: {  	[tilespmem:s5+$0x6780] =	vst v22;
	v20 =	vadd.f32 v25, v23  }
0x136: {  	[tilespmem:s5+$0x6680] =	vst v19  }
0x137: {  	s11 =	rddreg [dreg:$0x6];
	s10 =	simm.s32 $0x0;
	[tilespmem:s9+$0x6500] =	vst v20  }
0x138: {  	[hbm4b:s11+s10] =	stream.linear.scatter [tilespmem:s1], [sflag:$0x3], $0x1800, $0x38;
	[tilespmem:$0x7D00] =	vst v63  }
0x139: {  	_ =	swait.ge [sflag:s17], $0x1800  }
0x13a: {  	[sflag:s17] =	ssyncset.done $0x0  }
0x13b: {  	[sflag:s17] =	ssyncadd.s32 $0xFFFFE800  }
0x13c: {  	v19 =	vld [tilespmem:$0x280];
	_ =	sdelay $0x4  }
0x13d: {  	v20 =	vshrl.u32 v19, $0x3  }
0x13e: {  	v20 =	vmul.u32 $0x30, v20  }
0x13f: {  	v19 =	vand.u32 $0x7, v19  }
0x140: {  	v19 =	vor.u32 v19, v20  }
0x141: {  	v20 =	vperm.xlane v19, v0;
	_ =	sdelay $0x1  }
0x142: {  	v20 =	vadd.s32 v2, v20;
	_ =	sdelay $0x3  }
0x143: {  	v19 =	vperm.xlane v19, v4  }
0x144: {  	[tilespmem:s25], [sflag:$0x2] =	stream.indirect_vreg.gather [hbm4b:s3+s10], $0x80, v20, vm0, $0xb8;
	[tilespmem:$0x7D00] =	vst v63  }
0x145: {  	v19 =	vadd.s32 v2, v19  }
0x146: {  	[tilespmem:s26], [sflag:$0x2] =	stream.indirect_vreg.gather [hbm4b:s6+s10], $0x80, v20, vm0, $0xb8;
	[tilespmem:$0x7D00] =	vst v63  }
0x147: {  	_ = 	snop  }
0x148: {  	[tilespmem:s28], [sflag:$0x2] =	stream.indirect_vreg.gather [hbm4b:s7+s10], $0x80, v20, vm0, $0xb8;
	[tilespmem:$0x7D00] =	vst v63  }
0x149: {  	_ = 	snop  }
0x14a: {  	[tilespmem:s29], [sflag:$0x2] =	stream.indirect_vreg.gather [hbm4b:s3+s10], $0x80, v19, vm0, $0xb8;
	[tilespmem:$0x7D00] =	vst v63  }
0x14b: {  	_ = 	snop  }
0x14c: {  	[tilespmem:s30], [sflag:$0x2] =	stream.indirect_vreg.gather [hbm4b:s6+s10], $0x80, v19, vm0, $0xb8;
	[tilespmem:$0x7D00] =	vst v63  }
0x14d: {  	_ = 	snop  }
0x14e: {  	[tilespmem:s31], [sflag:$0x2] =	stream.indirect_vreg.gather [hbm4b:s7+s10], $0x80, v19, vm0, $0xb8;
	[tilespmem:$0x7D00] =	vst v63  }
0x14f: {  	_ =	swait.ge [sflag:s0], $0x3000  }
0x150: {  	[sflag:s0] =	ssyncset.done $0x0  }
0x151: {  	[sflag:s0] =	ssyncadd.s32 $0xFFFFD000  }
0x152: {  	s12 =	sand.u32 $0x70, s10;
	s13 =	sand.u32 $0x1C00, s10;
	v55 =	vld [tilespmem:$0xA0]  }
0x153: {  	s11 =	sor.u32 s12, s13  }
0x154: {  	v19 =	vld [tilespmem:s11+$0x780]  }
0x155: {  	v20 =	vld [tilespmem:s11+$0x700]  }
0x156: {  	v21 =	vld [tilespmem:s11+$0x580]  }
0x157: {  	v24 =	vld [tilespmem:s11+$0x600];
	v26 =	vperm.xlane v55, v8;
	v27 =	vperm.xlane v55, v9  }
0x158: {  	v29 =	vld [tilespmem:s11+$0x680];
	v22 =	vperm.xlane v55, v7;
	v23 =	vperm.xlane v55, v3  }
0x159: {  	v30 =	vld [tilespmem:s11+$0x500];
	v25 =	vperm.xlane v55, v5;
	v28 =	vperm.xlane v55, v6  }
0x15a: {  	v56 =	vld [tilespmem:s11+$0x1D00];
	v32 =	vperm.xlane v55, v13;
	v34 =	vperm.xlane v55, v14  }
0x15b: {  	v58 =	vld [tilespmem:s11+$0x1F00];
	v20 =	vmul.f32 v20, v26;
	v19 =	vmul.f32 v19, v27  }
0x15c: {  	v57 =	vld [tilespmem:s11+$0x1F80];
	v33 =	vperm.xlane v55, v18;
	v24 =	vmul.f32 v24, v22  }
0x15d: {  	v35 =	vld [tilespmem:s11+$0x2080];
	v29 =	vmul.f32 v29, v23;
	v60 =	vmul.f32 v21, v28;
	v31 =	vadd.f32 v19, v20  }
0x15e: {  	v59 =	vld [tilespmem:s11+$0x2000];
	v61 =	vmul.f32 v30, v25;
	v30 =	vperm.xlane v55, v15  }
0x15f: {  	s14 =	simm.s32 $0x10;
	s16 =	simm.s32 $0x20;
	s15 =	simm.s32 $0x80;
	v36 =	vld [tilespmem:s11+$0x1D80];
	v21 =	vperm.xlane v55, v12;
	v29 =	vadd.f32 v29, v24;
	[tilespmem:s11+$0x6600] =	vst v31;
	v31 =	vperm.xlane v55, v16  }
0x160: {  	s19 =	sand.u32 $0x70, s14;
	s8 =	sand.u32 $0x70, s16;
	s13 =	sand.u32 $0x1C00, s15;
	v37 =	vld [tilespmem:s11+$0x1E80];
	v24 =	vperm.xlane v55, v11;
	v62 =	vadd.f32 v60, v61;
	v40 =	vmul.f32 v58, v30  }
0x161: {  	s5 =	sor.u32 s10, s10;
	s10 =	sor.u32 s19, s13;
	s13 =	simm.s32 $0x100;
	v39 =	vld [tilespmem:s11+$0x1E00];
	[tilespmem:s11+$0x6580] =	vst v29;
	v29 =	vperm.xlane v55, v17;
	v63 =	vmul.f32 v57, v31  }
0x162: {  	s12 =	sor.u32 s15, s14;
	s15 =	sor.u32 $0x380, s5;
	s19 =	sand.u32 $0x1C00, s13;
	v41 =	vld [tilespmem:s11+$0x800];
	v19 =	vperm.xlane v55, v10;
	v20 =	vperm.xlane v55, v1;
	[tilespmem:s11+$0x6500] =	vst v62  }
0x163: {  	s14 =	simm.s32 $0x30;
	s9 =	sor.u32 s13, s16;
	s5 =	sor.u32 s8, s19;
	v38 =	vmul.f32 v56, v24;
	v42 =	vld [tilespmem:s15+$0x500];
	v43 =	vadd.f32 v63, v40;
	v40 =	vmul.f32 v59, v29  }
.LBB2_6:
0x164: {  	p0 =	sne.s32 s14, $0x2F0  }
0x165: {  	s13 =	sadd.s32 $0x80, s13;
	s8 =	smov.u32 s14;
	s14 =	sadd.s32 $0x10, s14  }
0x166: {  	s16 =	sor.u32 s13, s8;
	[tilespmem:s11+$0x6800] =	vst v43  }
0x167: {  	v37 =	vmul.f32 v37, v34;
	v39 =	vmul.f32 v39, v32  }
0x168: {  	v36 =	vmul.f32 v36, v21;
	v41 =	vmul.f32 v41, v19  }
0x169: {  	v35 =	vmul.f32 v35, v33;
	s8 =	sand.u32 $0x70, s8;
	s19 =	sand.u32 $0x1C00, s13;
	v42 =	vmul.f32 v42, v20;
	v37 =	vadd.f32 v37, v39  }
0x16a: {  	s8 =	sor.u32 s8, s19;
	v36 =	vadd.f32 v36, v38  }
0x16b: {  	v35 =	vadd.f32 v35, v40;
	v38 =	vadd.f32 v42, v41;
	[tilespmem:s11+$0x6780] =	vst v37  }
0x16c: {  	[tilespmem:s11+$0x6700] =	vst v36  }
0x16d: {  	[tilespmem:s11+$0x6680] =	vst v38;
	s11 =	smov.u32 s10;
	s10 =	smov.u32 s5;
	s5 =	smov.u32 s8  }
0x16e: {  	[tilespmem:s15+$0x6500] =	vst v35  }
0x16f: {  	v35 =	vld [tilespmem:s11+$0x780]  }
0x170: {  	v36 =	vld [tilespmem:s11+$0x700]  }
0x171: {  	v37 =	vld [tilespmem:s11+$0x580]  }
0x172: {  	v38 =	vld [tilespmem:s11+$0x600]  }
0x173: {  	v39 =	vld [tilespmem:s11+$0x680]  }
0x174: {  	v40 =	vld [tilespmem:s11+$0x500]  }
0x175: {  	v35 =	vmul.f32 v35, v27;
	v36 =	vmul.f32 v36, v26;
	v41 =	vld [tilespmem:s11+$0x1D00]  }
0x176: {  	v42 =	vld [tilespmem:s11+$0x1F80]  }
0x177: {  	v37 =	vmul.f32 v37, v28;
	v43 =	vadd.f32 v35, v36;
	v44 =	vld [tilespmem:s11+$0x1F00]  }
0x178: {  	v36 =	vmul.f32 v38, v22;
	v38 =	vmul.f32 v39, v23;
	v35 =	vld [tilespmem:s11+$0x2080]  }
0x179: {  	v39 =	vmul.f32 v40, v25;
	v40 =	vld [tilespmem:s11+$0x2000]  }
.Ltmp2:
0x17a: {  	v45 =	vadd.f32 v38, v36;
	v36 =	vld [tilespmem:s11+$0x1D80];
	v38 =	vmul.f32 v41, v24;
	(pc) =	sbr.rel @p0 .LBB2_6-.Ltmp2, $4  }
0x17b: {  	v41 =	vadd.f32 v37, v39;
	[tilespmem:s11+$0x6600] =	vst v43;
	v37 =	vld [tilespmem:s11+$0x1E80]  }
0x17c: {  	s15 =	sor.u32 $0x380, s12;
	s12 =	smov.u32 s9;
	s9 =	smov.u32 s16;
	[tilespmem:s11+$0x6580] =	vst v45;
	v39 =	vld [tilespmem:s11+$0x1E00];
	v43 =	vmul.f32 v44, v30;
	v44 =	vmul.f32 v42, v31  }
0x17d: {  	[tilespmem:s11+$0x6500] =	vst v41;
	v41 =	vld [tilespmem:s11+$0x800]  }
0x17e: {  	v42 =	vld [tilespmem:s15+$0x500];
	v43 =	vadd.f32 v44, v43;
	v40 =	vmul.f32 v40, v29  }
0x17f: {  	_ =	sdelay $0x1  }
0x180: {  	v36 =	vmul.f32 v36, v21  }
0x181: {  	v37 =	vmul.f32 v37, v34;
	v39 =	vmul.f32 v39, v32  }
0x182: {  	v36 =	vadd.f32 v36, v38;
	v41 =	vmul.f32 v41, v19;
	v42 =	vmul.f32 v42, v20  }
0x183: {  	v35 =	vmul.f32 v35, v33;
	[tilespmem:s11+$0x6800] =	vst v43;
	v37 =	vadd.f32 v37, v39  }
0x184: {  	[tilespmem:s11+$0x6700] =	vst v36;
	v48 =	vadd.f32 v42, v41  }
0x185: {  	v35 =	vadd.f32 v35, v40;
	[tilespmem:s11+$0x6780] =	vst v37  }
0x186: {  	[tilespmem:s11+$0x6680] =	vst v48  }
0x187: {  	[tilespmem:s15+$0x6500] =	vst v35  }
0x188: {  	v35 =	vld [tilespmem:s10+$0x780]  }
0x189: {  	v36 =	vld [tilespmem:s10+$0x700]  }
0x18a: {  	v37 =	vld [tilespmem:s10+$0x580]  }
0x18b: {  	v38 =	vld [tilespmem:s10+$0x600]  }
0x18c: {  	v49 =	vld [tilespmem:s10+$0x680]  }
0x18d: {  	v50 =	vld [tilespmem:s10+$0x500];
	_ =	sdelay $0x1  }
0x18e: {  	v51 =	vld [tilespmem:s10+$0x1D00]  }
0x18f: {  	v52 =	vld [tilespmem:s10+$0x1F80];
	v36 =	vmul.f32 v36, v26;
	v35 =	vmul.f32 v35, v27  }
0x190: {  	v43 =	vld [tilespmem:s10+$0x1F00];
	v53 =	vmul.f32 v38, v22;
	v54 =	vmul.f32 v49, v23  }
0x191: {  	v44 =	vld [tilespmem:s10+$0x2080];
	v37 =	vmul.f32 v37, v28;
	v56 =	vmul.f32 v50, v25;
	v35 =	vadd.f32 v35, v36  }
0x192: {  	v45 =	vld [tilespmem:s10+$0x1D80];
	v36 =	vadd.f32 v54, v53  }
0x193: {  	v57 =	vld [tilespmem:s10+$0x1E80];
	v37 =	vadd.f32 v37, v56;
	[tilespmem:s10+$0x6600] =	vst v35  }
0x194: {  	v58 =	vld [tilespmem:s10+$0x1E00];
	[tilespmem:s10+$0x6580] =	vst v36  }
0x195: {  	s8 =	sor.u32 $0x380, s12;
	v59 =	vld [tilespmem:s10+$0x800];
	[tilespmem:s10+$0x6500] =	vst v37  }
0x196: {  	v60 =	vld [tilespmem:s8+$0x500]  }
0x197: {  	v55 =	vld [tilespmem:s10+$0x2000]  }
0x198: {  	v61 =	vmul.f32 v43, v30;
	v42 =	vmul.f32 v52, v31  }
0x199: {  	v41 =	vmul.f32 v51, v24;
	v62 =	vmul.f32 v45, v21  }
0x19a: {  	v40 =	vadd.f32 v42, v61;
	v36 =	vmul.f32 v58, v32;
	v35 =	vmul.f32 v57, v34  }
0x19b: {  	v45 =	vadd.f32 v62, v41;
	v37 =	vmul.f32 v59, v19;
	v38 =	vmul.f32 v60, v20  }
0x19c: {  	v63 =	vmul.f32 v55, v29;
	v44 =	vmul.f32 v44, v33;
	[tilespmem:s10+$0x6800] =	vst v40;
	v35 =	vadd.f32 v35, v36  }
0x19d: {  	[tilespmem:s10+$0x6700] =	vst v45;
	v37 =	vadd.f32 v38, v37  }
0x19e: {  	v46 =	vadd.f32 v44, v63;
	[tilespmem:s10+$0x6780] =	vst v35  }
0x19f: {  	[tilespmem:s10+$0x6680] =	vst v37  }
0x1a0: {  	[tilespmem:s8+$0x6500] =	vst v46  }
0x1a1: {  	v35 =	vld [tilespmem:s5+$0x780]  }
0x1a2: {  	v47 =	vld [tilespmem:s5+$0x700]  }
0x1a3: {  	v37 =	vld [tilespmem:s5+$0x580]  }
0x1a4: {  	v48 =	vld [tilespmem:s5+$0x600]  }
0x1a5: {  	v49 =	vld [tilespmem:s5+$0x680]  }
0x1a6: {  	v40 =	vld [tilespmem:s5+$0x500];
	_ =	sdelay $0x1  }
0x1a7: {  	v50 =	vld [tilespmem:s5+$0x1D00]  }
0x1a8: {  	v51 =	vld [tilespmem:s5+$0x1F80];
	v26 =	vmul.f32 v47, v26;
	v27 =	vmul.f32 v35, v27  }
0x1a9: {  	v52 =	vld [tilespmem:s5+$0x1F00];
	v22 =	vmul.f32 v48, v22;
	v23 =	vmul.f32 v49, v23  }
0x1aa: {  	v53 =	vld [tilespmem:s5+$0x2080];
	v28 =	vmul.f32 v37, v28;
	v25 =	vmul.f32 v40, v25;
	v26 =	vadd.f32 v27, v26  }
0x1ab: {  	v54 =	vld [tilespmem:s5+$0x1D80];
	v22 =	vadd.f32 v23, v22  }
0x1ac: {  	v23 =	vld [tilespmem:s5+$0x1E80];
	v25 =	vadd.f32 v28, v25;
	[tilespmem:s5+$0x6600] =	vst v26  }
0x1ad: {  	[tilespmem:s5+$0x6580] =	vst v22;
	v22 =	vld [tilespmem:s5+$0x1E00]  }
0x1ae: {  	s16 =	sor.u32 $0x380, s9;
	[tilespmem:s5+$0x6500] =	vst v25;
	v25 =	vld [tilespmem:s5+$0x800]  }
0x1af: {  	v26 =	vld [tilespmem:s16+$0x500]  }
0x1b0: {  	v27 =	vld [tilespmem:s5+$0x2000]  }
0x1b1: {  	v24 =	vmul.f32 v50, v24;
	v21 =	vmul.f32 v54, v21  }
0x1b2: {  	v28 =	vmul.f32 v52, v30;
	v30 =	vmul.f32 v51, v31  }
0x1b3: {  	v21 =	vadd.f32 v21, v24;
	v23 =	vmul.f32 v23, v34;
	v22 =	vmul.f32 v22, v32  }
0x1b4: {  	v28 =	vadd.f32 v30, v28;
	v19 =	vmul.f32 v25, v19;
	v20 =	vmul.f32 v26, v20  }
0x1b5: {  	[tilespmem:s5+$0x6700] =	vst v21;
	v25 =	vmul.f32 v53, v33;
	v22 =	vadd.f32 v23, v22;
	v23 =	vmul.f32 v27, v29  }
0x1b6: {  	[tilespmem:s5+$0x6800] =	vst v28;
	v19 =	vadd.f32 v20, v19  }
0x1b7: {  	[tilespmem:s5+$0x6780] =	vst v22;
	v20 =	vadd.f32 v25, v23  }
0x1b8: {  	[tilespmem:s5+$0x6680] =	vst v19  }
0x1b9: {  	s19 =	simm.s32 $0x0;
	s10 =	rddreg [dreg:$0x7];
	[tilespmem:s16+$0x6500] =	vst v20  }
0x1ba: {  	[hbm4b:s10+s19] =	stream.linear.scatter [tilespmem:s1], [sflag:$0x3], $0x1800, $0x38;
	[tilespmem:$0x7D00] =	vst v63  }
0x1bb: {  	_ =	swait.ge [sflag:s17], $0x1800  }
0x1bc: {  	[sflag:s17] =	ssyncset.done $0x0  }
0x1bd: {  	[sflag:s17] =	ssyncadd.s32 $0xFFFFE800  }
0x1be: {  	v19 =	vld [tilespmem:$0x300];
	_ =	sdelay $0x4  }
0x1bf: {  	v20 =	vshrl.u32 v19, $0x3  }
0x1c0: {  	v20 =	vmul.u32 $0x30, v20  }
0x1c1: {  	v19 =	vand.u32 $0x7, v19  }
0x1c2: {  	v19 =	vor.u32 v19, v20  }
0x1c3: {  	v20 =	vperm.xlane v19, v0;
	_ =	sdelay $0x1  }
0x1c4: {  	v20 =	vadd.s32 v2, v20;
	_ =	sdelay $0x3  }
0x1c5: {  	s11 =	simm.s32 $0x500;
	v19 =	vperm.xlane v19, v4  }
0x1c6: {  	[tilespmem:s11], [sflag:$0x1] =	stream.indirect_vreg.gather [hbm4b:s3+s19], $0x80, v20, vm0, $0xb8;
	[tilespmem:$0x7D00] =	vst v63  }
0x1c7: {  	v19 =	vadd.s32 v2, v19  }
0x1c8: {  	[tilespmem:s20], [sflag:$0x1] =	stream.indirect_vreg.gather [hbm4b:s6+s19], $0x80, v20, vm0, $0xb8;
	[tilespmem:$0x7D00] =	vst v63  }
0x1c9: {  	_ = 	snop  }
0x1ca: {  	[tilespmem:s21], [sflag:$0x1] =	stream.indirect_vreg.gather [hbm4b:s7+s19], $0x80, v20, vm0, $0xb8;
	[tilespmem:$0x7D00] =	vst v63  }
0x1cb: {  	_ = 	snop  }
0x1cc: {  	[tilespmem:s22], [sflag:$0x1] =	stream.indirect_vreg.gather [hbm4b:s3+s19], $0x80, v19, vm0, $0xb8;
	[tilespmem:$0x7D00] =	vst v63  }
0x1cd: {  	_ = 	snop  }
0x1ce: {  	[tilespmem:s23], [sflag:$0x1] =	stream.indirect_vreg.gather [hbm4b:s6+s19], $0x80, v19, vm0, $0xb8;
	[tilespmem:$0x7D00] =	vst v63  }
0x1cf: {  	_ = 	snop  }
0x1d0: {  	[tilespmem:s24], [sflag:$0x1] =	stream.indirect_vreg.gather [hbm4b:s7+s19], $0x80, v19, vm0, $0xb8;
	[tilespmem:$0x7D00] =	vst v63  }
0x1d1: {  	_ =	swait.ge [sflag:s18], $0x3000  }
0x1d2: {  	[sflag:s18] =	ssyncset.done $0x0  }
0x1d3: {  	[sflag:s18] =	ssyncadd.s32 $0xFFFFD000  }
0x1d4: {  	s12 =	sand.u32 $0x70, s19;
	s13 =	sand.u32 $0x1C00, s19;
	v55 =	vld [tilespmem:$0xB0]  }
0x1d5: {  	s11 =	sor.u32 s12, s13  }
0x1d6: {  	v19 =	vld [tilespmem:s11+$0x3780]  }
0x1d7: {  	v20 =	vld [tilespmem:s11+$0x3700]  }
0x1d8: {  	v21 =	vld [tilespmem:s11+$0x3580]  }
0x1d9: {  	v24 =	vld [tilespmem:s11+$0x3600];
	v26 =	vperm.xlane v55, v8;
	v27 =	vperm.xlane v55, v9  }
0x1da: {  	v29 =	vld [tilespmem:s11+$0x3680];
	v22 =	vperm.xlane v55, v7;
	v23 =	vperm.xlane v55, v3  }
0x1db: {  	v30 =	vld [tilespmem:s11+$0x3500];
	v25 =	vperm.xlane v55, v5;
	v28 =	vperm.xlane v55, v6  }
0x1dc: {  	v56 =	vld [tilespmem:s11+$0x4D00];
	v32 =	vperm.xlane v55, v13;
	v34 =	vperm.xlane v55, v14  }
0x1dd: {  	v58 =	vld [tilespmem:s11+$0x4F00];
	v20 =	vmul.f32 v20, v26;
	v19 =	vmul.f32 v19, v27  }
0x1de: {  	v57 =	vld [tilespmem:s11+$0x4F80];
	v33 =	vperm.xlane v55, v18;
	v24 =	vmul.f32 v24, v22  }
0x1df: {  	v35 =	vld [tilespmem:s11+$0x5080];
	v29 =	vmul.f32 v29, v23;
	v60 =	vmul.f32 v21, v28;
	v31 =	vadd.f32 v19, v20  }
0x1e0: {  	v59 =	vld [tilespmem:s11+$0x5000];
	v61 =	vmul.f32 v30, v25;
	v30 =	vperm.xlane v55, v15  }
0x1e1: {  	s14 =	simm.s32 $0x10;
	s15 =	simm.s32 $0x80;
	s5 =	sor.u32 s19, s19;
	v36 =	vld [tilespmem:s11+$0x4D80];
	v21 =	vperm.xlane v55, v12;
	v29 =	vadd.f32 v29, v24;
	[tilespmem:s11+$0x6600] =	vst v31;
	v31 =	vperm.xlane v55, v16  }
0x1e2: {  	s16 =	simm.s32 $0x20;
	s13 =	sand.u32 $0x1C00, s15;
	s19 =	sand.u32 $0x70, s14;
	v37 =	vld [tilespmem:s11+$0x4E80];
	v24 =	vperm.xlane v55, v11;
	v62 =	vadd.f32 v60, v61;
	v40 =	vmul.f32 v58, v30  }
0x1e3: {  	s8 =	sand.u32 $0x70, s16;
	s10 =	sor.u32 s19, s13;
	s13 =	simm.s32 $0x100;
	v39 =	vld [tilespmem:s11+$0x4E00];
	[tilespmem:s11+$0x6580] =	vst v29;
	v29 =	vperm.xlane v55, v17;
	v63 =	vmul.f32 v57, v31  }
0x1e4: {  	s12 =	sor.u32 s15, s14;
	s15 =	sor.u32 $0x380, s5;
	s19 =	sand.u32 $0x1C00, s13;
	v41 =	vld [tilespmem:s11+$0x3800];
	v19 =	vperm.xlane v55, v10;
	v20 =	vperm.xlane v55, v1;
	[tilespmem:s11+$0x6500] =	vst v62  }
0x1e5: {  	s14 =	simm.s32 $0x30;
	s9 =	sor.u32 s13, s16;
	s5 =	sor.u32 s8, s19;
	v38 =	vmul.f32 v56, v24;
	v42 =	vld [tilespmem:s15+$0x3500];
	v43 =	vadd.f32 v63, v40;
	v40 =	vmul.f32 v59, v29  }
.LBB2_8:
0x1e6: {  	p0 =	sne.s32 s14, $0x2F0  }
0x1e7: {  	s13 =	sadd.s32 $0x80, s13;
	s8 =	smov.u32 s14;
	s14 =	sadd.s32 $0x10, s14  }
0x1e8: {  	s16 =	sor.u32 s13, s8;
	[tilespmem:s11+$0x6800] =	vst v43  }
0x1e9: {  	v37 =	vmul.f32 v37, v34;
	v39 =	vmul.f32 v39, v32  }
0x1ea: {  	v36 =	vmul.f32 v36, v21;
	v41 =	vmul.f32 v41, v19  }
0x1eb: {  	v35 =	vmul.f32 v35, v33;
	s8 =	sand.u32 $0x70, s8;
	s19 =	sand.u32 $0x1C00, s13;
	v42 =	vmul.f32 v42, v20;
	v37 =	vadd.f32 v37, v39  }
0x1ec: {  	s8 =	sor.u32 s8, s19;
	v36 =	vadd.f32 v36, v38  }
0x1ed: {  	v35 =	vadd.f32 v35, v40;
	v38 =	vadd.f32 v42, v41;
	[tilespmem:s11+$0x6780] =	vst v37  }
0x1ee: {  	[tilespmem:s11+$0x6700] =	vst v36  }
0x1ef: {  	[tilespmem:s11+$0x6680] =	vst v38;
	s11 =	smov.u32 s10;
	s10 =	smov.u32 s5;
	s5 =	smov.u32 s8  }
0x1f0: {  	[tilespmem:s15+$0x6500] =	vst v35  }
0x1f1: {  	v35 =	vld [tilespmem:s11+$0x3780]  }
0x1f2: {  	v36 =	vld [tilespmem:s11+$0x3700]  }
0x1f3: {  	v37 =	vld [tilespmem:s11+$0x3580]  }
0x1f4: {  	v38 =	vld [tilespmem:s11+$0x3600]  }
0x1f5: {  	v39 =	vld [tilespmem:s11+$0x3680]  }
0x1f6: {  	v40 =	vld [tilespmem:s11+$0x3500]  }
0x1f7: {  	v35 =	vmul.f32 v35, v27;
	v36 =	vmul.f32 v36, v26;
	v41 =	vld [tilespmem:s11+$0x4D00]  }
0x1f8: {  	v42 =	vld [tilespmem:s11+$0x4F80]  }
0x1f9: {  	v37 =	vmul.f32 v37, v28;
	v43 =	vadd.f32 v35, v36;
	v44 =	vld [tilespmem:s11+$0x4F00]  }
0x1fa: {  	v36 =	vmul.f32 v38, v22;
	v38 =	vmul.f32 v39, v23;
	v35 =	vld [tilespmem:s11+$0x5080]  }
0x1fb: {  	v39 =	vmul.f32 v40, v25;
	v40 =	vld [tilespmem:s11+$0x5000]  }
.Ltmp3:
0x1fc: {  	v45 =	vadd.f32 v38, v36;
	v36 =	vld [tilespmem:s11+$0x4D80];
	v38 =	vmul.f32 v41, v24;
	(pc) =	sbr.rel @p0 .LBB2_8-.Ltmp3, $4  }
0x1fd: {  	v41 =	vadd.f32 v37, v39;
	[tilespmem:s11+$0x6600] =	vst v43;
	v37 =	vld [tilespmem:s11+$0x4E80]  }
0x1fe: {  	s15 =	sor.u32 $0x380, s12;
	s12 =	smov.u32 s9;
	s9 =	smov.u32 s16;
	[tilespmem:s11+$0x6580] =	vst v45;
	v39 =	vld [tilespmem:s11+$0x4E00];
	v43 =	vmul.f32 v44, v30;
	v44 =	vmul.f32 v42, v31  }
0x1ff: {  	[tilespmem:s11+$0x6500] =	vst v41;
	v41 =	vld [tilespmem:s11+$0x3800]  }
0x200: {  	v42 =	vld [tilespmem:s15+$0x3500];
	v43 =	vadd.f32 v44, v43;
	v40 =	vmul.f32 v40, v29  }
0x201: {  	_ =	sdelay $0x1  }
0x202: {  	v36 =	vmul.f32 v36, v21  }
0x203: {  	v37 =	vmul.f32 v37, v34;
	v39 =	vmul.f32 v39, v32  }
0x204: {  	v36 =	vadd.f32 v36, v38;
	v41 =	vmul.f32 v41, v19;
	v42 =	vmul.f32 v42, v20  }
0x205: {  	v35 =	vmul.f32 v35, v33;
	[tilespmem:s11+$0x6800] =	vst v43;
	v37 =	vadd.f32 v37, v39  }
0x206: {  	[tilespmem:s11+$0x6700] =	vst v36;
	v48 =	vadd.f32 v42, v41  }
0x207: {  	v35 =	vadd.f32 v35, v40;
	[tilespmem:s11+$0x6780] =	vst v37  }
0x208: {  	[tilespmem:s11+$0x6680] =	vst v48  }
0x209: {  	[tilespmem:s15+$0x6500] =	vst v35  }
0x20a: {  	v35 =	vld [tilespmem:s10+$0x3780]  }
0x20b: {  	v36 =	vld [tilespmem:s10+$0x3700]  }
0x20c: {  	v37 =	vld [tilespmem:s10+$0x3580]  }
0x20d: {  	v38 =	vld [tilespmem:s10+$0x3600]  }
0x20e: {  	v49 =	vld [tilespmem:s10+$0x3680]  }
0x20f: {  	v50 =	vld [tilespmem:s10+$0x3500];
	_ =	sdelay $0x1  }
0x210: {  	v51 =	vld [tilespmem:s10+$0x4D00]  }
0x211: {  	v52 =	vld [tilespmem:s10+$0x4F80];
	v36 =	vmul.f32 v36, v26;
	v35 =	vmul.f32 v35, v27  }
0x212: {  	v43 =	vld [tilespmem:s10+$0x4F00];
	v53 =	vmul.f32 v38, v22;
	v54 =	vmul.f32 v49, v23  }
0x213: {  	v44 =	vld [tilespmem:s10+$0x5080];
	v37 =	vmul.f32 v37, v28;
	v56 =	vmul.f32 v50, v25;
	v35 =	vadd.f32 v35, v36  }
0x214: {  	v45 =	vld [tilespmem:s10+$0x4D80];
	v36 =	vadd.f32 v54, v53  }
0x215: {  	v57 =	vld [tilespmem:s10+$0x4E80];
	v37 =	vadd.f32 v37, v56;
	[tilespmem:s10+$0x6600] =	vst v35  }
0x216: {  	v58 =	vld [tilespmem:s10+$0x4E00];
	[tilespmem:s10+$0x6580] =	vst v36  }
0x217: {  	s8 =	sor.u32 $0x380, s12;
	v59 =	vld [tilespmem:s10+$0x3800];
	[tilespmem:s10+$0x6500] =	vst v37  }
0x218: {  	v60 =	vld [tilespmem:s8+$0x3500]  }
0x219: {  	v55 =	vld [tilespmem:s10+$0x5000]  }
0x21a: {  	v61 =	vmul.f32 v43, v30;
	v42 =	vmul.f32 v52, v31  }
0x21b: {  	v41 =	vmul.f32 v51, v24;
	v62 =	vmul.f32 v45, v21  }
0x21c: {  	v40 =	vadd.f32 v42, v61;
	v36 =	vmul.f32 v58, v32;
	v35 =	vmul.f32 v57, v34  }
0x21d: {  	v45 =	vadd.f32 v62, v41;
	v37 =	vmul.f32 v59, v19;
	v38 =	vmul.f32 v60, v20  }
0x21e: {  	v63 =	vmul.f32 v55, v29;
	v44 =	vmul.f32 v44, v33;
	[tilespmem:s10+$0x6800] =	vst v40;
	v35 =	vadd.f32 v35, v36  }
0x21f: {  	[tilespmem:s10+$0x6700] =	vst v45;
	v37 =	vadd.f32 v38, v37  }
0x220: {  	v46 =	vadd.f32 v44, v63;
	[tilespmem:s10+$0x6780] =	vst v35  }
0x221: {  	[tilespmem:s10+$0x6680] =	vst v37  }
0x222: {  	[tilespmem:s8+$0x6500] =	vst v46  }
0x223: {  	v35 =	vld [tilespmem:s5+$0x3780]  }
0x224: {  	v47 =	vld [tilespmem:s5+$0x3700]  }
0x225: {  	v37 =	vld [tilespmem:s5+$0x3580]  }
0x226: {  	v48 =	vld [tilespmem:s5+$0x3600]  }
0x227: {  	v49 =	vld [tilespmem:s5+$0x3680]  }
0x228: {  	v40 =	vld [tilespmem:s5+$0x3500];
	_ =	sdelay $0x1  }
0x229: {  	v50 =	vld [tilespmem:s5+$0x4D00]  }
0x22a: {  	v51 =	vld [tilespmem:s5+$0x4F80];
	v26 =	vmul.f32 v47, v26;
	v27 =	vmul.f32 v35, v27  }
0x22b: {  	v52 =	vld [tilespmem:s5+$0x4F00];
	v22 =	vmul.f32 v48, v22;
	v23 =	vmul.f32 v49, v23  }
0x22c: {  	v53 =	vld [tilespmem:s5+$0x5080];
	v28 =	vmul.f32 v37, v28;
	v25 =	vmul.f32 v40, v25;
	v26 =	vadd.f32 v27, v26  }
0x22d: {  	v54 =	vld [tilespmem:s5+$0x4D80];
	v22 =	vadd.f32 v23, v22  }
0x22e: {  	v23 =	vld [tilespmem:s5+$0x4E80];
	v25 =	vadd.f32 v28, v25;
	[tilespmem:s5+$0x6600] =	vst v26  }
0x22f: {  	[tilespmem:s5+$0x6580] =	vst v22;
	v22 =	vld [tilespmem:s5+$0x4E00]  }
0x230: {  	s9 =	sor.u32 $0x380, s9;
	[tilespmem:s5+$0x6500] =	vst v25;
	v25 =	vld [tilespmem:s5+$0x3800]  }
0x231: {  	v26 =	vld [tilespmem:s9+$0x3500]  }
0x232: {  	v27 =	vld [tilespmem:s5+$0x5000]  }
0x233: {  	v24 =	vmul.f32 v50, v24;
	v21 =	vmul.f32 v54, v21  }
0x234: {  	v28 =	vmul.f32 v52, v30;
	v30 =	vmul.f32 v51, v31  }
0x235: {  	v21 =	vadd.f32 v21, v24;
	v23 =	vmul.f32 v23, v34;
	v22 =	vmul.f32 v22, v32  }
0x236: {  	v28 =	vadd.f32 v30, v28;
	v19 =	vmul.f32 v25, v19;
	v20 =	vmul.f32 v26, v20  }
0x237: {  	[tilespmem:s5+$0x6700] =	vst v21;
	v25 =	vmul.f32 v53, v33;
	v22 =	vadd.f32 v23, v22;
	v23 =	vmul.f32 v27, v29  }
0x238: {  	[tilespmem:s5+$0x6800] =	vst v28;
	v19 =	vadd.f32 v20, v19  }
0x239: {  	[tilespmem:s5+$0x6780] =	vst v22;
	v20 =	vadd.f32 v25, v23  }
0x23a: {  	[tilespmem:s5+$0x6680] =	vst v19  }
0x23b: {  	s11 =	rddreg [dreg:$0x8];
	s10 =	simm.s32 $0x0;
	[tilespmem:s9+$0x6500] =	vst v20  }
0x23c: {  	[hbm4b:s11+s10] =	stream.linear.scatter [tilespmem:s1], [sflag:$0x3], $0x1800, $0x38;
	[tilespmem:$0x7D00] =	vst v63  }
0x23d: {  	_ =	swait.ge [sflag:s17], $0x1800  }
0x23e: {  	[sflag:s17] =	ssyncset.done $0x0  }
0x23f: {  	[sflag:s17] =	ssyncadd.s32 $0xFFFFE800  }
0x240: {  	v19 =	vld [tilespmem:$0x380];
	_ =	sdelay $0x4  }
0x241: {  	v20 =	vshrl.u32 v19, $0x3  }
0x242: {  	v20 =	vmul.u32 $0x30, v20  }
0x243: {  	v19 =	vand.u32 $0x7, v19  }
0x244: {  	v19 =	vor.u32 v19, v20  }
0x245: {  	v20 =	vperm.xlane v19, v0;
	_ =	sdelay $0x1  }
0x246: {  	v20 =	vadd.s32 v2, v20;
	_ =	sdelay $0x3  }
0x247: {  	v19 =	vperm.xlane v19, v4  }
0x248: {  	[tilespmem:s25], [sflag:$0x2] =	stream.indirect_vreg.gather [hbm4b:s3+s10], $0x80, v20, vm0, $0xb8;
	[tilespmem:$0x7D00] =	vst v63  }
0x249: {  	v19 =	vadd.s32 v2, v19  }
0x24a: {  	[tilespmem:s26], [sflag:$0x2] =	stream.indirect_vreg.gather [hbm4b:s6+s10], $0x80, v20, vm0, $0xb8;
	[tilespmem:$0x7D00] =	vst v63  }
0x24b: {  	_ = 	snop  }
0x24c: {  	[tilespmem:s28], [sflag:$0x2] =	stream.indirect_vreg.gather [hbm4b:s7+s10], $0x80, v20, vm0, $0xb8;
	[tilespmem:$0x7D00] =	vst v63  }
0x24d: {  	_ = 	snop  }
0x24e: {  	[tilespmem:s29], [sflag:$0x2] =	stream.indirect_vreg.gather [hbm4b:s3+s10], $0x80, v19, vm0, $0xb8;
	[tilespmem:$0x7D00] =	vst v63  }
0x24f: {  	_ = 	snop  }
0x250: {  	[tilespmem:s30], [sflag:$0x2] =	stream.indirect_vreg.gather [hbm4b:s6+s10], $0x80, v19, vm0, $0xb8;
	[tilespmem:$0x7D00] =	vst v63  }
0x251: {  	_ = 	snop  }
0x252: {  	[tilespmem:s31], [sflag:$0x2] =	stream.indirect_vreg.gather [hbm4b:s7+s10], $0x80, v19, vm0, $0xb8;
	[tilespmem:$0x7D00] =	vst v63  }
0x253: {  	_ =	swait.ge [sflag:s0], $0x3000  }
0x254: {  	[sflag:s0] =	ssyncset.done $0x0  }
0x255: {  	[sflag:s0] =	ssyncadd.s32 $0xFFFFD000  }
0x256: {  	s12 =	sand.u32 $0x70, s10;
	s13 =	sand.u32 $0x1C00, s10;
	v55 =	vld [tilespmem:$0xC0]  }
0x257: {  	s11 =	sor.u32 s12, s13  }
0x258: {  	v19 =	vld [tilespmem:s11+$0x780]  }
0x259: {  	v20 =	vld [tilespmem:s11+$0x700]  }
0x25a: {  	v21 =	vld [tilespmem:s11+$0x580]  }
0x25b: {  	v24 =	vld [tilespmem:s11+$0x600];
	v26 =	vperm.xlane v55, v8;
	v27 =	vperm.xlane v55, v9  }
0x25c: {  	v29 =	vld [tilespmem:s11+$0x680];
	v22 =	vperm.xlane v55, v7;
	v23 =	vperm.xlane v55, v3  }
0x25d: {  	v30 =	vld [tilespmem:s11+$0x500];
	v25 =	vperm.xlane v55, v5;
	v28 =	vperm.xlane v55, v6  }
0x25e: {  	v56 =	vld [tilespmem:s11+$0x1D00];
	v32 =	vperm.xlane v55, v13;
	v34 =	vperm.xlane v55, v14  }
0x25f: {  	v58 =	vld [tilespmem:s11+$0x1F00];
	v20 =	vmul.f32 v20, v26;
	v19 =	vmul.f32 v19, v27  }
0x260: {  	v57 =	vld [tilespmem:s11+$0x1F80];
	v33 =	vperm.xlane v55, v18;
	v24 =	vmul.f32 v24, v22  }
0x261: {  	v35 =	vld [tilespmem:s11+$0x2080];
	v29 =	vmul.f32 v29, v23;
	v60 =	vmul.f32 v21, v28;
	v31 =	vadd.f32 v19, v20  }
0x262: {  	v59 =	vld [tilespmem:s11+$0x2000];
	v61 =	vmul.f32 v30, v25;
	v30 =	vperm.xlane v55, v15  }
0x263: {  	s14 =	simm.s32 $0x10;
	s16 =	simm.s32 $0x20;
	s15 =	simm.s32 $0x80;
	v36 =	vld [tilespmem:s11+$0x1D80];
	v21 =	vperm.xlane v55, v12;
	v29 =	vadd.f32 v29, v24;
	[tilespmem:s11+$0x6600] =	vst v31;
	v31 =	vperm.xlane v55, v16  }
0x264: {  	s19 =	sand.u32 $0x70, s14;
	s8 =	sand.u32 $0x70, s16;
	s13 =	sand.u32 $0x1C00, s15;
	v37 =	vld [tilespmem:s11+$0x1E80];
	v24 =	vperm.xlane v55, v11;
	v62 =	vadd.f32 v60, v61;
	v40 =	vmul.f32 v58, v30  }
0x265: {  	s5 =	sor.u32 s10, s10;
	s10 =	sor.u32 s19, s13;
	s13 =	simm.s32 $0x100;
	v39 =	vld [tilespmem:s11+$0x1E00];
	[tilespmem:s11+$0x6580] =	vst v29;
	v29 =	vperm.xlane v55, v17;
	v63 =	vmul.f32 v57, v31  }
0x266: {  	s12 =	sor.u32 s15, s14;
	s15 =	sor.u32 $0x380, s5;
	s19 =	sand.u32 $0x1C00, s13;
	v41 =	vld [tilespmem:s11+$0x800];
	v19 =	vperm.xlane v55, v10;
	v20 =	vperm.xlane v55, v1;
	[tilespmem:s11+$0x6500] =	vst v62  }
0x267: {  	s14 =	simm.s32 $0x30;
	s9 =	sor.u32 s13, s16;
	s5 =	sor.u32 s8, s19;
	v38 =	vmul.f32 v56, v24;
	v42 =	vld [tilespmem:s15+$0x500];
	v43 =	vadd.f32 v63, v40;
	v40 =	vmul.f32 v59, v29  }
.LBB2_10:
0x268: {  	p0 =	sne.s32 s14, $0x2F0  }
0x269: {  	s13 =	sadd.s32 $0x80, s13;
	s8 =	smov.u32 s14;
	s14 =	sadd.s32 $0x10, s14  }
0x26a: {  	s16 =	sor.u32 s13, s8;
	[tilespmem:s11+$0x6800] =	vst v43  }
0x26b: {  	v37 =	vmul.f32 v37, v34;
	v39 =	vmul.f32 v39, v32  }
0x26c: {  	v36 =	vmul.f32 v36, v21;
	v41 =	vmul.f32 v41, v19  }
0x26d: {  	v35 =	vmul.f32 v35, v33;
	s8 =	sand.u32 $0x70, s8;
	s19 =	sand.u32 $0x1C00, s13;
	v42 =	vmul.f32 v42, v20;
	v37 =	vadd.f32 v37, v39  }
0x26e: {  	s8 =	sor.u32 s8, s19;
	v36 =	vadd.f32 v36, v38  }
0x26f: {  	v35 =	vadd.f32 v35, v40;
	v38 =	vadd.f32 v42, v41;
	[tilespmem:s11+$0x6780] =	vst v37  }
0x270: {  	[tilespmem:s11+$0x6700] =	vst v36  }
0x271: {  	[tilespmem:s11+$0x6680] =	vst v38;
	s11 =	smov.u32 s10;
	s10 =	smov.u32 s5;
	s5 =	smov.u32 s8  }
0x272: {  	[tilespmem:s15+$0x6500] =	vst v35  }
0x273: {  	v35 =	vld [tilespmem:s11+$0x780]  }
0x274: {  	v36 =	vld [tilespmem:s11+$0x700]  }
0x275: {  	v37 =	vld [tilespmem:s11+$0x580]  }
0x276: {  	v38 =	vld [tilespmem:s11+$0x600]  }
0x277: {  	v39 =	vld [tilespmem:s11+$0x680]  }
0x278: {  	v40 =	vld [tilespmem:s11+$0x500]  }
0x279: {  	v35 =	vmul.f32 v35, v27;
	v36 =	vmul.f32 v36, v26;
	v41 =	vld [tilespmem:s11+$0x1D00]  }
0x27a: {  	v42 =	vld [tilespmem:s11+$0x1F80]  }
0x27b: {  	v37 =	vmul.f32 v37, v28;
	v43 =	vadd.f32 v35, v36;
	v44 =	vld [tilespmem:s11+$0x1F00]  }
0x27c: {  	v36 =	vmul.f32 v38, v22;
	v38 =	vmul.f32 v39, v23;
	v35 =	vld [tilespmem:s11+$0x2080]  }
0x27d: {  	v39 =	vmul.f32 v40, v25;
	v40 =	vld [tilespmem:s11+$0x2000]  }
.Ltmp4:
0x27e: {  	v45 =	vadd.f32 v38, v36;
	v36 =	vld [tilespmem:s11+$0x1D80];
	v38 =	vmul.f32 v41, v24;
	(pc) =	sbr.rel @p0 .LBB2_10-.Ltmp4, $4  }
0x27f: {  	v41 =	vadd.f32 v37, v39;
	[tilespmem:s11+$0x6600] =	vst v43;
	v37 =	vld [tilespmem:s11+$0x1E80]  }
0x280: {  	s15 =	sor.u32 $0x380, s12;
	s12 =	smov.u32 s9;
	s9 =	smov.u32 s16;
	[tilespmem:s11+$0x6580] =	vst v45;
	v39 =	vld [tilespmem:s11+$0x1E00];
	v43 =	vmul.f32 v44, v30;
	v44 =	vmul.f32 v42, v31  }
0x281: {  	[tilespmem:s11+$0x6500] =	vst v41;
	v41 =	vld [tilespmem:s11+$0x800]  }
0x282: {  	v42 =	vld [tilespmem:s15+$0x500];
	v43 =	vadd.f32 v44, v43;
	v40 =	vmul.f32 v40, v29  }
0x283: {  	_ =	sdelay $0x1  }
0x284: {  	v36 =	vmul.f32 v36, v21  }
0x285: {  	v37 =	vmul.f32 v37, v34;
	v39 =	vmul.f32 v39, v32  }
0x286: {  	v36 =	vadd.f32 v36, v38;
	v41 =	vmul.f32 v41, v19;
	v42 =	vmul.f32 v42, v20  }
0x287: {  	v35 =	vmul.f32 v35, v33;
	[tilespmem:s11+$0x6800] =	vst v43;
	v37 =	vadd.f32 v37, v39  }
0x288: {  	[tilespmem:s11+$0x6700] =	vst v36;
	v48 =	vadd.f32 v42, v41  }
0x289: {  	v35 =	vadd.f32 v35, v40;
	[tilespmem:s11+$0x6780] =	vst v37  }
0x28a: {  	[tilespmem:s11+$0x6680] =	vst v48  }
0x28b: {  	[tilespmem:s15+$0x6500] =	vst v35  }
0x28c: {  	v35 =	vld [tilespmem:s10+$0x780]  }
0x28d: {  	v36 =	vld [tilespmem:s10+$0x700]  }
0x28e: {  	v37 =	vld [tilespmem:s10+$0x580]  }
0x28f: {  	v38 =	vld [tilespmem:s10+$0x600]  }
0x290: {  	v49 =	vld [tilespmem:s10+$0x680]  }
0x291: {  	v50 =	vld [tilespmem:s10+$0x500];
	_ =	sdelay $0x1  }
0x292: {  	v51 =	vld [tilespmem:s10+$0x1D00]  }
0x293: {  	v52 =	vld [tilespmem:s10+$0x1F80];
	v36 =	vmul.f32 v36, v26;
	v35 =	vmul.f32 v35, v27  }
0x294: {  	v43 =	vld [tilespmem:s10+$0x1F00];
	v53 =	vmul.f32 v38, v22;
	v54 =	vmul.f32 v49, v23  }
0x295: {  	v44 =	vld [tilespmem:s10+$0x2080];
	v37 =	vmul.f32 v37, v28;
	v56 =	vmul.f32 v50, v25;
	v35 =	vadd.f32 v35, v36  }
0x296: {  	v45 =	vld [tilespmem:s10+$0x1D80];
	v36 =	vadd.f32 v54, v53  }
0x297: {  	v57 =	vld [tilespmem:s10+$0x1E80];
	v37 =	vadd.f32 v37, v56;
	[tilespmem:s10+$0x6600] =	vst v35  }
0x298: {  	v58 =	vld [tilespmem:s10+$0x1E00];
	[tilespmem:s10+$0x6580] =	vst v36  }
0x299: {  	s8 =	sor.u32 $0x380, s12;
	v59 =	vld [tilespmem:s10+$0x800];
	[tilespmem:s10+$0x6500] =	vst v37  }
0x29a: {  	v60 =	vld [tilespmem:s8+$0x500]  }
0x29b: {  	v55 =	vld [tilespmem:s10+$0x2000]  }
0x29c: {  	v61 =	vmul.f32 v43, v30;
	v42 =	vmul.f32 v52, v31  }
0x29d: {  	v41 =	vmul.f32 v51, v24;
	v62 =	vmul.f32 v45, v21  }
0x29e: {  	v40 =	vadd.f32 v42, v61;
	v36 =	vmul.f32 v58, v32;
	v35 =	vmul.f32 v57, v34  }
0x29f: {  	v45 =	vadd.f32 v62, v41;
	v37 =	vmul.f32 v59, v19;
	v38 =	vmul.f32 v60, v20  }
0x2a0: {  	v63 =	vmul.f32 v55, v29;
	v44 =	vmul.f32 v44, v33;
	[tilespmem:s10+$0x6800] =	vst v40;
	v35 =	vadd.f32 v35, v36  }
0x2a1: {  	[tilespmem:s10+$0x6700] =	vst v45;
	v37 =	vadd.f32 v38, v37  }
0x2a2: {  	v46 =	vadd.f32 v44, v63;
	[tilespmem:s10+$0x6780] =	vst v35  }
0x2a3: {  	[tilespmem:s10+$0x6680] =	vst v37  }
0x2a4: {  	[tilespmem:s8+$0x6500] =	vst v46  }
0x2a5: {  	v35 =	vld [tilespmem:s5+$0x780]  }
0x2a6: {  	v47 =	vld [tilespmem:s5+$0x700]  }
0x2a7: {  	v37 =	vld [tilespmem:s5+$0x580]  }
0x2a8: {  	v48 =	vld [tilespmem:s5+$0x600]  }
0x2a9: {  	v49 =	vld [tilespmem:s5+$0x680]  }
0x2aa: {  	v40 =	vld [tilespmem:s5+$0x500];
	_ =	sdelay $0x1  }
0x2ab: {  	v50 =	vld [tilespmem:s5+$0x1D00]  }
0x2ac: {  	v51 =	vld [tilespmem:s5+$0x1F80];
	v26 =	vmul.f32 v47, v26;
	v27 =	vmul.f32 v35, v27  }
0x2ad: {  	v52 =	vld [tilespmem:s5+$0x1F00];
	v22 =	vmul.f32 v48, v22;
	v23 =	vmul.f32 v49, v23  }
0x2ae: {  	v53 =	vld [tilespmem:s5+$0x2080];
	v28 =	vmul.f32 v37, v28;
	v25 =	vmul.f32 v40, v25;
	v26 =	vadd.f32 v27, v26  }
0x2af: {  	v54 =	vld [tilespmem:s5+$0x1D80];
	v22 =	vadd.f32 v23, v22  }
0x2b0: {  	v23 =	vld [tilespmem:s5+$0x1E80];
	v25 =	vadd.f32 v28, v25;
	[tilespmem:s5+$0x6600] =	vst v26  }
0x2b1: {  	[tilespmem:s5+$0x6580] =	vst v22;
	v22 =	vld [tilespmem:s5+$0x1E00]  }
0x2b2: {  	s16 =	sor.u32 $0x380, s9;
	[tilespmem:s5+$0x6500] =	vst v25;
	v25 =	vld [tilespmem:s5+$0x800]  }
0x2b3: {  	v26 =	vld [tilespmem:s16+$0x500]  }
0x2b4: {  	v27 =	vld [tilespmem:s5+$0x2000]  }
0x2b5: {  	v24 =	vmul.f32 v50, v24;
	v21 =	vmul.f32 v54, v21  }
0x2b6: {  	v28 =	vmul.f32 v52, v30;
	v30 =	vmul.f32 v51, v31  }
0x2b7: {  	v21 =	vadd.f32 v21, v24;
	v23 =	vmul.f32 v23, v34;
	v22 =	vmul.f32 v22, v32  }
0x2b8: {  	v28 =	vadd.f32 v30, v28;
	v19 =	vmul.f32 v25, v19;
	v20 =	vmul.f32 v26, v20  }
0x2b9: {  	[tilespmem:s5+$0x6700] =	vst v21;
	v25 =	vmul.f32 v53, v33;
	v22 =	vadd.f32 v23, v22;
	v23 =	vmul.f32 v27, v29  }
0x2ba: {  	[tilespmem:s5+$0x6800] =	vst v28;
	v19 =	vadd.f32 v20, v19  }
0x2bb: {  	[tilespmem:s5+$0x6780] =	vst v22;
	v20 =	vadd.f32 v25, v23  }
0x2bc: {  	[tilespmem:s5+$0x6680] =	vst v19  }
0x2bd: {  	s19 =	simm.s32 $0x0;
	s10 =	rddreg [dreg:$0x9];
	[tilespmem:s16+$0x6500] =	vst v20  }
0x2be: {  	[hbm4b:s10+s19] =	stream.linear.scatter [tilespmem:s1], [sflag:$0x3], $0x1800, $0x38;
	[tilespmem:$0x7D00] =	vst v63  }
0x2bf: {  	_ =	swait.ge [sflag:s17], $0x1800  }
0x2c0: {  	[sflag:s17] =	ssyncset.done $0x0  }
0x2c1: {  	[sflag:s17] =	ssyncadd.s32 $0xFFFFE800  }
0x2c2: {  	v19 =	vld [tilespmem:$0x400];
	_ =	sdelay $0x4  }
0x2c3: {  	v20 =	vshrl.u32 v19, $0x3  }
0x2c4: {  	v20 =	vmul.u32 $0x30, v20  }
0x2c5: {  	v19 =	vand.u32 $0x7, v19  }
0x2c6: {  	v19 =	vor.u32 v19, v20  }
0x2c7: {  	v20 =	vperm.xlane v19, v0;
	_ =	sdelay $0x1  }
0x2c8: {  	v20 =	vadd.s32 v2, v20;
	_ =	sdelay $0x3  }
0x2c9: {  	s11 =	simm.s32 $0x500;
	v19 =	vperm.xlane v19, v4  }
0x2ca: {  	[tilespmem:s11], [sflag:$0x1] =	stream.indirect_vreg.gather [hbm4b:s3+s19], $0x80, v20, vm0, $0xb8;
	[tilespmem:$0x7D00] =	vst v63  }
0x2cb: {  	v19 =	vadd.s32 v2, v19  }
0x2cc: {  	[tilespmem:s20], [sflag:$0x1] =	stream.indirect_vreg.gather [hbm4b:s6+s19], $0x80, v20, vm0, $0xb8;
	[tilespmem:$0x7D00] =	vst v63  }
0x2cd: {  	_ = 	snop  }
0x2ce: {  	[tilespmem:s21], [sflag:$0x1] =	stream.indirect_vreg.gather [hbm4b:s7+s19], $0x80, v20, vm0, $0xb8;
	[tilespmem:$0x7D00] =	vst v63  }
0x2cf: {  	_ = 	snop  }
0x2d0: {  	[tilespmem:s22], [sflag:$0x1] =	stream.indirect_vreg.gather [hbm4b:s3+s19], $0x80, v19, vm0, $0xb8;
	[tilespmem:$0x7D00] =	vst v63  }
0x2d1: {  	_ = 	snop  }
0x2d2: {  	[tilespmem:s23], [sflag:$0x1] =	stream.indirect_vreg.gather [hbm4b:s6+s19], $0x80, v19, vm0, $0xb8;
	[tilespmem:$0x7D00] =	vst v63  }
0x2d3: {  	_ = 	snop  }
0x2d4: {  	[tilespmem:s24], [sflag:$0x1] =	stream.indirect_vreg.gather [hbm4b:s7+s19], $0x80, v19, vm0, $0xb8;
	[tilespmem:$0x7D00] =	vst v63  }
0x2d5: {  	_ =	swait.ge [sflag:s18], $0x3000  }
0x2d6: {  	[sflag:s18] =	ssyncset.done $0x0  }
0x2d7: {  	[sflag:s18] =	ssyncadd.s32 $0xFFFFD000  }
0x2d8: {  	s12 =	sand.u32 $0x70, s19;
	s13 =	sand.u32 $0x1C00, s19;
	v55 =	vld [tilespmem:$0xD0]  }
0x2d9: {  	s11 =	sor.u32 s12, s13  }
0x2da: {  	v19 =	vld [tilespmem:s11+$0x3780]  }
0x2db: {  	v20 =	vld [tilespmem:s11+$0x3700]  }
0x2dc: {  	v21 =	vld [tilespmem:s11+$0x3580]  }
0x2dd: {  	v24 =	vld [tilespmem:s11+$0x3600];
	v26 =	vperm.xlane v55, v8;
	v27 =	vperm.xlane v55, v9  }
0x2de: {  	v29 =	vld [tilespmem:s11+$0x3680];
	v22 =	vperm.xlane v55, v7;
	v23 =	vperm.xlane v55, v3  }
0x2df: {  	v30 =	vld [tilespmem:s11+$0x3500];
	v25 =	vperm.xlane v55, v5;
	v28 =	vperm.xlane v55, v6  }
0x2e0: {  	v56 =	vld [tilespmem:s11+$0x4D00];
	v32 =	vperm.xlane v55, v13;
	v34 =	vperm.xlane v55, v14  }
0x2e1: {  	v58 =	vld [tilespmem:s11+$0x4F00];
	v20 =	vmul.f32 v20, v26;
	v19 =	vmul.f32 v19, v27  }
0x2e2: {  	v57 =	vld [tilespmem:s11+$0x4F80];
	v33 =	vperm.xlane v55, v18;
	v24 =	vmul.f32 v24, v22  }
0x2e3: {  	v35 =	vld [tilespmem:s11+$0x5080];
	v29 =	vmul.f32 v29, v23;
	v60 =	vmul.f32 v21, v28;
	v31 =	vadd.f32 v19, v20  }
0x2e4: {  	v59 =	vld [tilespmem:s11+$0x5000];
	v61 =	vmul.f32 v30, v25;
	v30 =	vperm.xlane v55, v15  }
0x2e5: {  	s14 =	simm.s32 $0x10;
	s15 =	simm.s32 $0x80;
	s5 =	sor.u32 s19, s19;
	v36 =	vld [tilespmem:s11+$0x4D80];
	v21 =	vperm.xlane v55, v12;
	v29 =	vadd.f32 v29, v24;
	[tilespmem:s11+$0x6600] =	vst v31;
	v31 =	vperm.xlane v55, v16  }
0x2e6: {  	s16 =	simm.s32 $0x20;
	s13 =	sand.u32 $0x1C00, s15;
	s19 =	sand.u32 $0x70, s14;
	v37 =	vld [tilespmem:s11+$0x4E80];
	v24 =	vperm.xlane v55, v11;
	v62 =	vadd.f32 v60, v61;
	v40 =	vmul.f32 v58, v30  }
0x2e7: {  	s8 =	sand.u32 $0x70, s16;
	s10 =	sor.u32 s19, s13;
	s13 =	simm.s32 $0x100;
	v39 =	vld [tilespmem:s11+$0x4E00];
	[tilespmem:s11+$0x6580] =	vst v29;
	v29 =	vperm.xlane v55, v17;
	v63 =	vmul.f32 v57, v31  }
0x2e8: {  	s12 =	sor.u32 s15, s14;
	s15 =	sor.u32 $0x380, s5;
	s19 =	sand.u32 $0x1C00, s13;
	v41 =	vld [tilespmem:s11+$0x3800];
	v19 =	vperm.xlane v55, v10;
	v20 =	vperm.xlane v55, v1;
	[tilespmem:s11+$0x6500] =	vst v62  }
0x2e9: {  	s14 =	simm.s32 $0x30;
	s9 =	sor.u32 s13, s16;
	s5 =	sor.u32 s8, s19;
	v38 =	vmul.f32 v56, v24;
	v42 =	vld [tilespmem:s15+$0x3500];
	v43 =	vadd.f32 v63, v40;
	v40 =	vmul.f32 v59, v29  }
.LBB2_12:
0x2ea: {  	p0 =	sne.s32 s14, $0x2F0  }
0x2eb: {  	s13 =	sadd.s32 $0x80, s13;
	s8 =	smov.u32 s14;
	s14 =	sadd.s32 $0x10, s14  }
0x2ec: {  	s16 =	sor.u32 s13, s8;
	[tilespmem:s11+$0x6800] =	vst v43  }
0x2ed: {  	v37 =	vmul.f32 v37, v34;
	v39 =	vmul.f32 v39, v32  }
0x2ee: {  	v36 =	vmul.f32 v36, v21;
	v41 =	vmul.f32 v41, v19  }
0x2ef: {  	v35 =	vmul.f32 v35, v33;
	s8 =	sand.u32 $0x70, s8;
	s19 =	sand.u32 $0x1C00, s13;
	v42 =	vmul.f32 v42, v20;
	v37 =	vadd.f32 v37, v39  }
0x2f0: {  	s8 =	sor.u32 s8, s19;
	v36 =	vadd.f32 v36, v38  }
0x2f1: {  	v35 =	vadd.f32 v35, v40;
	v38 =	vadd.f32 v42, v41;
	[tilespmem:s11+$0x6780] =	vst v37  }
0x2f2: {  	[tilespmem:s11+$0x6700] =	vst v36  }
0x2f3: {  	[tilespmem:s11+$0x6680] =	vst v38;
	s11 =	smov.u32 s10;
	s10 =	smov.u32 s5;
	s5 =	smov.u32 s8  }
0x2f4: {  	[tilespmem:s15+$0x6500] =	vst v35  }
0x2f5: {  	v35 =	vld [tilespmem:s11+$0x3780]  }
0x2f6: {  	v36 =	vld [tilespmem:s11+$0x3700]  }
0x2f7: {  	v37 =	vld [tilespmem:s11+$0x3580]  }
0x2f8: {  	v38 =	vld [tilespmem:s11+$0x3600]  }
0x2f9: {  	v39 =	vld [tilespmem:s11+$0x3680]  }
0x2fa: {  	v40 =	vld [tilespmem:s11+$0x3500]  }
0x2fb: {  	v35 =	vmul.f32 v35, v27;
	v36 =	vmul.f32 v36, v26;
	v41 =	vld [tilespmem:s11+$0x4D00]  }
0x2fc: {  	v42 =	vld [tilespmem:s11+$0x4F80]  }
0x2fd: {  	v37 =	vmul.f32 v37, v28;
	v43 =	vadd.f32 v35, v36;
	v44 =	vld [tilespmem:s11+$0x4F00]  }
0x2fe: {  	v36 =	vmul.f32 v38, v22;
	v38 =	vmul.f32 v39, v23;
	v35 =	vld [tilespmem:s11+$0x5080]  }
0x2ff: {  	v39 =	vmul.f32 v40, v25;
	v40 =	vld [tilespmem:s11+$0x5000]  }
.Ltmp5:
0x300: {  	v45 =	vadd.f32 v38, v36;
	v36 =	vld [tilespmem:s11+$0x4D80];
	v38 =	vmul.f32 v41, v24;
	(pc) =	sbr.rel @p0 .LBB2_12-.Ltmp5, $4  }
0x301: {  	v41 =	vadd.f32 v37, v39;
	[tilespmem:s11+$0x6600] =	vst v43;
	v37 =	vld [tilespmem:s11+$0x4E80]  }
0x302: {  	s15 =	sor.u32 $0x380, s12;
	s12 =	smov.u32 s9;
	s9 =	smov.u32 s16;
	[tilespmem:s11+$0x6580] =	vst v45;
	v39 =	vld [tilespmem:s11+$0x4E00];
	v43 =	vmul.f32 v44, v30;
	v44 =	vmul.f32 v42, v31  }
0x303: {  	[tilespmem:s11+$0x6500] =	vst v41;
	v41 =	vld [tilespmem:s11+$0x3800]  }
0x304: {  	v42 =	vld [tilespmem:s15+$0x3500];
	v43 =	vadd.f32 v44, v43;
	v40 =	vmul.f32 v40, v29  }
0x305: {  	_ =	sdelay $0x1  }
0x306: {  	v36 =	vmul.f32 v36, v21  }
0x307: {  	v37 =	vmul.f32 v37, v34;
	v39 =	vmul.f32 v39, v32  }
0x308: {  	v36 =	vadd.f32 v36, v38;
	v41 =	vmul.f32 v41, v19;
	v42 =	vmul.f32 v42, v20  }
0x309: {  	v35 =	vmul.f32 v35, v33;
	[tilespmem:s11+$0x6800] =	vst v43;
	v37 =	vadd.f32 v37, v39  }
0x30a: {  	[tilespmem:s11+$0x6700] =	vst v36;
	v48 =	vadd.f32 v42, v41  }
0x30b: {  	v35 =	vadd.f32 v35, v40;
	[tilespmem:s11+$0x6780] =	vst v37  }
0x30c: {  	[tilespmem:s11+$0x6680] =	vst v48  }
0x30d: {  	[tilespmem:s15+$0x6500] =	vst v35  }
0x30e: {  	v35 =	vld [tilespmem:s10+$0x3780]  }
0x30f: {  	v36 =	vld [tilespmem:s10+$0x3700]  }
0x310: {  	v37 =	vld [tilespmem:s10+$0x3580]  }
0x311: {  	v38 =	vld [tilespmem:s10+$0x3600]  }
0x312: {  	v49 =	vld [tilespmem:s10+$0x3680]  }
0x313: {  	v50 =	vld [tilespmem:s10+$0x3500];
	_ =	sdelay $0x1  }
0x314: {  	v51 =	vld [tilespmem:s10+$0x4D00]  }
0x315: {  	v52 =	vld [tilespmem:s10+$0x4F80];
	v36 =	vmul.f32 v36, v26;
	v35 =	vmul.f32 v35, v27  }
0x316: {  	v43 =	vld [tilespmem:s10+$0x4F00];
	v53 =	vmul.f32 v38, v22;
	v54 =	vmul.f32 v49, v23  }
0x317: {  	v44 =	vld [tilespmem:s10+$0x5080];
	v37 =	vmul.f32 v37, v28;
	v56 =	vmul.f32 v50, v25;
	v35 =	vadd.f32 v35, v36  }
0x318: {  	v45 =	vld [tilespmem:s10+$0x4D80];
	v36 =	vadd.f32 v54, v53  }
0x319: {  	v57 =	vld [tilespmem:s10+$0x4E80];
	v37 =	vadd.f32 v37, v56;
	[tilespmem:s10+$0x6600] =	vst v35  }
0x31a: {  	v58 =	vld [tilespmem:s10+$0x4E00];
	[tilespmem:s10+$0x6580] =	vst v36  }
0x31b: {  	s8 =	sor.u32 $0x380, s12;
	v59 =	vld [tilespmem:s10+$0x3800];
	[tilespmem:s10+$0x6500] =	vst v37  }
0x31c: {  	v60 =	vld [tilespmem:s8+$0x3500]  }
0x31d: {  	v55 =	vld [tilespmem:s10+$0x5000]  }
0x31e: {  	v61 =	vmul.f32 v43, v30;
	v42 =	vmul.f32 v52, v31  }
0x31f: {  	v41 =	vmul.f32 v51, v24;
	v62 =	vmul.f32 v45, v21  }
0x320: {  	v40 =	vadd.f32 v42, v61;
	v36 =	vmul.f32 v58, v32;
	v35 =	vmul.f32 v57, v34  }
0x321: {  	v45 =	vadd.f32 v62, v41;
	v37 =	vmul.f32 v59, v19;
	v38 =	vmul.f32 v60, v20  }
0x322: {  	v63 =	vmul.f32 v55, v29;
	v44 =	vmul.f32 v44, v33;
	[tilespmem:s10+$0x6800] =	vst v40;
	v35 =	vadd.f32 v35, v36  }
0x323: {  	[tilespmem:s10+$0x6700] =	vst v45;
	v37 =	vadd.f32 v38, v37  }
0x324: {  	v46 =	vadd.f32 v44, v63;
	[tilespmem:s10+$0x6780] =	vst v35  }
0x325: {  	[tilespmem:s10+$0x6680] =	vst v37  }
0x326: {  	[tilespmem:s8+$0x6500] =	vst v46  }
0x327: {  	v35 =	vld [tilespmem:s5+$0x3780]  }
0x328: {  	v47 =	vld [tilespmem:s5+$0x3700]  }
0x329: {  	v37 =	vld [tilespmem:s5+$0x3580]  }
0x32a: {  	v48 =	vld [tilespmem:s5+$0x3600]  }
0x32b: {  	v49 =	vld [tilespmem:s5+$0x3680]  }
0x32c: {  	v40 =	vld [tilespmem:s5+$0x3500];
	_ =	sdelay $0x1  }
0x32d: {  	v50 =	vld [tilespmem:s5+$0x4D00]  }
0x32e: {  	v51 =	vld [tilespmem:s5+$0x4F80];
	v26 =	vmul.f32 v47, v26;
	v27 =	vmul.f32 v35, v27  }
0x32f: {  	v52 =	vld [tilespmem:s5+$0x4F00];
	v22 =	vmul.f32 v48, v22;
	v23 =	vmul.f32 v49, v23  }
0x330: {  	v53 =	vld [tilespmem:s5+$0x5080];
	v28 =	vmul.f32 v37, v28;
	v25 =	vmul.f32 v40, v25;
	v26 =	vadd.f32 v27, v26  }
0x331: {  	v54 =	vld [tilespmem:s5+$0x4D80];
	v22 =	vadd.f32 v23, v22  }
0x332: {  	v23 =	vld [tilespmem:s5+$0x4E80];
	v25 =	vadd.f32 v28, v25;
	[tilespmem:s5+$0x6600] =	vst v26  }
0x333: {  	[tilespmem:s5+$0x6580] =	vst v22;
	v22 =	vld [tilespmem:s5+$0x4E00]  }
0x334: {  	s9 =	sor.u32 $0x380, s9;
	[tilespmem:s5+$0x6500] =	vst v25;
	v25 =	vld [tilespmem:s5+$0x3800]  }
0x335: {  	v26 =	vld [tilespmem:s9+$0x3500]  }
0x336: {  	v27 =	vld [tilespmem:s5+$0x5000]  }
0x337: {  	v24 =	vmul.f32 v50, v24;
	v21 =	vmul.f32 v54, v21  }
0x338: {  	v28 =	vmul.f32 v52, v30;
	v30 =	vmul.f32 v51, v31  }
0x339: {  	v21 =	vadd.f32 v21, v24;
	v23 =	vmul.f32 v23, v34;
	v22 =	vmul.f32 v22, v32  }
0x33a: {  	v28 =	vadd.f32 v30, v28;
	v19 =	vmul.f32 v25, v19;
	v20 =	vmul.f32 v26, v20  }
0x33b: {  	[tilespmem:s5+$0x6700] =	vst v21;
	v25 =	vmul.f32 v53, v33;
	v22 =	vadd.f32 v23, v22;
	v23 =	vmul.f32 v27, v29  }
0x33c: {  	[tilespmem:s5+$0x6800] =	vst v28;
	v19 =	vadd.f32 v20, v19  }
0x33d: {  	[tilespmem:s5+$0x6780] =	vst v22;
	v20 =	vadd.f32 v25, v23  }
0x33e: {  	[tilespmem:s5+$0x6680] =	vst v19  }
0x33f: {  	s11 =	rddreg [dreg:$0xa];
	s10 =	simm.s32 $0x0;
	[tilespmem:s9+$0x6500] =	vst v20  }
0x340: {  	[hbm4b:s11+s10] =	stream.linear.scatter [tilespmem:s1], [sflag:$0x3], $0x1800, $0x38;
	[tilespmem:$0x7D00] =	vst v63  }
0x341: {  	_ =	swait.ge [sflag:s17], $0x1800  }
0x342: {  	[sflag:s17] =	ssyncset.done $0x0  }
0x343: {  	[sflag:s17] =	ssyncadd.s32 $0xFFFFE800  }
0x344: {  	v19 =	vld [tilespmem:$0x480];
	_ =	sdelay $0x4  }
0x345: {  	v20 =	vshrl.u32 v19, $0x3  }
0x346: {  	v20 =	vmul.u32 $0x30, v20  }
0x347: {  	v19 =	vand.u32 $0x7, v19  }
0x348: {  	v19 =	vor.u32 v19, v20  }
0x349: {  	v20 =	vperm.xlane v19, v0;
	_ =	sdelay $0x1  }
0x34a: {  	v20 =	vadd.s32 v2, v20;
	_ =	sdelay $0x3  }
0x34b: {  	v19 =	vperm.xlane v19, v4  }
0x34c: {  	[tilespmem:s25], [sflag:$0x2] =	stream.indirect_vreg.gather [hbm4b:s3+s10], $0x80, v20, vm0, $0xb8;
	[tilespmem:$0x7D00] =	vst v63  }
0x34d: {  	v19 =	vadd.s32 v2, v19  }
0x34e: {  	[tilespmem:s26], [sflag:$0x2] =	stream.indirect_vreg.gather [hbm4b:s6+s10], $0x80, v20, vm0, $0xb8;
	[tilespmem:$0x7D00] =	vst v63  }
0x34f: {  	_ = 	snop  }
0x350: {  	[tilespmem:s28], [sflag:$0x2] =	stream.indirect_vreg.gather [hbm4b:s7+s10], $0x80, v20, vm0, $0xb8;
	[tilespmem:$0x7D00] =	vst v63  }
0x351: {  	_ = 	snop  }
0x352: {  	[tilespmem:s29], [sflag:$0x2] =	stream.indirect_vreg.gather [hbm4b:s3+s10], $0x80, v19, vm0, $0xb8;
	[tilespmem:$0x7D00] =	vst v63  }
0x353: {  	_ = 	snop  }
0x354: {  	[tilespmem:s30], [sflag:$0x2] =	stream.indirect_vreg.gather [hbm4b:s6+s10], $0x80, v19, vm0, $0xb8;
	[tilespmem:$0x7D00] =	vst v63  }
0x355: {  	_ = 	snop  }
0x356: {  	[tilespmem:s31], [sflag:$0x2] =	stream.indirect_vreg.gather [hbm4b:s7+s10], $0x80, v19, vm0, $0xb8;
	[tilespmem:$0x7D00] =	vst v63  }
0x357: {  	_ =	swait.ge [sflag:s0], $0x3000  }
0x358: {  	[sflag:s0] =	ssyncset.done $0x0  }
0x359: {  	[sflag:s0] =	ssyncadd.s32 $0xFFFFD000  }
0x35a: {  	s12 =	sand.u32 $0x70, s10;
	s13 =	sand.u32 $0x1C00, s10;
	v55 =	vld [tilespmem:$0xE0]  }
0x35b: {  	s11 =	sor.u32 s12, s13  }
0x35c: {  	v19 =	vld [tilespmem:s11+$0x780]  }
0x35d: {  	v20 =	vld [tilespmem:s11+$0x700]  }
0x35e: {  	v21 =	vld [tilespmem:s11+$0x580]  }
0x35f: {  	v24 =	vld [tilespmem:s11+$0x600];
	v26 =	vperm.xlane v55, v8;
	v27 =	vperm.xlane v55, v9  }
0x360: {  	v29 =	vld [tilespmem:s11+$0x680];
	v22 =	vperm.xlane v55, v7;
	v23 =	vperm.xlane v55, v3  }
0x361: {  	v30 =	vld [tilespmem:s11+$0x500];
	v25 =	vperm.xlane v55, v5;
	v28 =	vperm.xlane v55, v6  }
0x362: {  	v56 =	vld [tilespmem:s11+$0x1D00];
	v32 =	vperm.xlane v55, v13;
	v34 =	vperm.xlane v55, v14  }
0x363: {  	v58 =	vld [tilespmem:s11+$0x1F00];
	v20 =	vmul.f32 v20, v26;
	v19 =	vmul.f32 v19, v27  }
0x364: {  	v57 =	vld [tilespmem:s11+$0x1F80];
	v33 =	vperm.xlane v55, v18;
	v24 =	vmul.f32 v24, v22  }
0x365: {  	v35 =	vld [tilespmem:s11+$0x2080];
	v29 =	vmul.f32 v29, v23;
	v60 =	vmul.f32 v21, v28;
	v31 =	vadd.f32 v19, v20  }
0x366: {  	v59 =	vld [tilespmem:s11+$0x2000];
	v61 =	vmul.f32 v30, v25;
	v30 =	vperm.xlane v55, v15  }
0x367: {  	s14 =	simm.s32 $0x10;
	s16 =	simm.s32 $0x20;
	s15 =	simm.s32 $0x80;
	v36 =	vld [tilespmem:s11+$0x1D80];
	v21 =	vperm.xlane v55, v12;
	v29 =	vadd.f32 v29, v24;
	[tilespmem:s11+$0x6600] =	vst v31;
	v31 =	vperm.xlane v55, v16  }
0x368: {  	s19 =	sand.u32 $0x70, s14;
	s8 =	sand.u32 $0x70, s16;
	s13 =	sand.u32 $0x1C00, s15;
	v37 =	vld [tilespmem:s11+$0x1E80];
	v24 =	vperm.xlane v55, v11;
	v62 =	vadd.f32 v60, v61;
	v40 =	vmul.f32 v58, v30  }
0x369: {  	s5 =	sor.u32 s10, s10;
	s10 =	sor.u32 s19, s13;
	s13 =	simm.s32 $0x100;
	v39 =	vld [tilespmem:s11+$0x1E00];
	[tilespmem:s11+$0x6580] =	vst v29;
	v29 =	vperm.xlane v55, v17;
	v63 =	vmul.f32 v57, v31  }
0x36a: {  	s12 =	sor.u32 s15, s14;
	s15 =	sor.u32 $0x380, s5;
	s19 =	sand.u32 $0x1C00, s13;
	v41 =	vld [tilespmem:s11+$0x800];
	v19 =	vperm.xlane v55, v10;
	v20 =	vperm.xlane v55, v1;
	[tilespmem:s11+$0x6500] =	vst v62  }
0x36b: {  	s14 =	simm.s32 $0x30;
	s9 =	sor.u32 s13, s16;
	s5 =	sor.u32 s8, s19;
	v38 =	vmul.f32 v56, v24;
	v42 =	vld [tilespmem:s15+$0x500];
	v43 =	vadd.f32 v63, v40;
	v40 =	vmul.f32 v59, v29  }
.LBB2_14:
0x36c: {  	p0 =	sne.s32 s14, $0x2F0  }
0x36d: {  	s13 =	sadd.s32 $0x80, s13;
	s8 =	smov.u32 s14;
	s14 =	sadd.s32 $0x10, s14  }
0x36e: {  	s16 =	sor.u32 s13, s8;
	[tilespmem:s11+$0x6800] =	vst v43  }
0x36f: {  	v37 =	vmul.f32 v37, v34;
	v39 =	vmul.f32 v39, v32  }
0x370: {  	v36 =	vmul.f32 v36, v21;
	v41 =	vmul.f32 v41, v19  }
0x371: {  	v35 =	vmul.f32 v35, v33;
	s8 =	sand.u32 $0x70, s8;
	s19 =	sand.u32 $0x1C00, s13;
	v42 =	vmul.f32 v42, v20;
	v37 =	vadd.f32 v37, v39  }
0x372: {  	s8 =	sor.u32 s8, s19;
	v36 =	vadd.f32 v36, v38  }
0x373: {  	v35 =	vadd.f32 v35, v40;
	v38 =	vadd.f32 v42, v41;
	[tilespmem:s11+$0x6780] =	vst v37  }
0x374: {  	[tilespmem:s11+$0x6700] =	vst v36  }
0x375: {  	[tilespmem:s11+$0x6680] =	vst v38;
	s11 =	smov.u32 s10;
	s10 =	smov.u32 s5;
	s5 =	smov.u32 s8  }
0x376: {  	[tilespmem:s15+$0x6500] =	vst v35  }
0x377: {  	v35 =	vld [tilespmem:s11+$0x780]  }
0x378: {  	v36 =	vld [tilespmem:s11+$0x700]  }
0x379: {  	v37 =	vld [tilespmem:s11+$0x580]  }
0x37a: {  	v38 =	vld [tilespmem:s11+$0x600]  }
0x37b: {  	v39 =	vld [tilespmem:s11+$0x680]  }
0x37c: {  	v40 =	vld [tilespmem:s11+$0x500]  }
0x37d: {  	v35 =	vmul.f32 v35, v27;
	v36 =	vmul.f32 v36, v26;
	v41 =	vld [tilespmem:s11+$0x1D00]  }
0x37e: {  	v42 =	vld [tilespmem:s11+$0x1F80]  }
0x37f: {  	v37 =	vmul.f32 v37, v28;
	v43 =	vadd.f32 v35, v36;
	v44 =	vld [tilespmem:s11+$0x1F00]  }
0x380: {  	v36 =	vmul.f32 v38, v22;
	v38 =	vmul.f32 v39, v23;
	v35 =	vld [tilespmem:s11+$0x2080]  }
0x381: {  	v39 =	vmul.f32 v40, v25;
	v40 =	vld [tilespmem:s11+$0x2000]  }
.Ltmp6:
0x382: {  	v45 =	vadd.f32 v38, v36;
	v36 =	vld [tilespmem:s11+$0x1D80];
	v38 =	vmul.f32 v41, v24;
	(pc) =	sbr.rel @p0 .LBB2_14-.Ltmp6, $4  }
0x383: {  	v41 =	vadd.f32 v37, v39;
	[tilespmem:s11+$0x6600] =	vst v43;
	v37 =	vld [tilespmem:s11+$0x1E80]  }
0x384: {  	s15 =	sor.u32 $0x380, s12;
	s12 =	smov.u32 s9;
	s9 =	smov.u32 s16;
	[tilespmem:s11+$0x6580] =	vst v45;
	v39 =	vld [tilespmem:s11+$0x1E00];
	v43 =	vmul.f32 v44, v30;
	v44 =	vmul.f32 v42, v31  }
0x385: {  	[tilespmem:s11+$0x6500] =	vst v41;
	v41 =	vld [tilespmem:s11+$0x800]  }
0x386: {  	v42 =	vld [tilespmem:s15+$0x500];
	v43 =	vadd.f32 v44, v43;
	v40 =	vmul.f32 v40, v29  }
0x387: {  	_ =	sdelay $0x1  }
0x388: {  	v36 =	vmul.f32 v36, v21  }
0x389: {  	v37 =	vmul.f32 v37, v34;
	v39 =	vmul.f32 v39, v32  }
0x38a: {  	v36 =	vadd.f32 v36, v38;
	v41 =	vmul.f32 v41, v19;
	v42 =	vmul.f32 v42, v20  }
0x38b: {  	v35 =	vmul.f32 v35, v33;
	[tilespmem:s11+$0x6800] =	vst v43;
	v37 =	vadd.f32 v37, v39  }
0x38c: {  	[tilespmem:s11+$0x6700] =	vst v36;
	v48 =	vadd.f32 v42, v41  }
0x38d: {  	v35 =	vadd.f32 v35, v40;
	[tilespmem:s11+$0x6780] =	vst v37  }
0x38e: {  	[tilespmem:s11+$0x6680] =	vst v48  }
0x38f: {  	[tilespmem:s15+$0x6500] =	vst v35  }
0x390: {  	v35 =	vld [tilespmem:s10+$0x780]  }
0x391: {  	v36 =	vld [tilespmem:s10+$0x700]  }
0x392: {  	v37 =	vld [tilespmem:s10+$0x580]  }
0x393: {  	v38 =	vld [tilespmem:s10+$0x600]  }
0x394: {  	v49 =	vld [tilespmem:s10+$0x680]  }
0x395: {  	v50 =	vld [tilespmem:s10+$0x500];
	_ =	sdelay $0x1  }
0x396: {  	v51 =	vld [tilespmem:s10+$0x1D00]  }
0x397: {  	v52 =	vld [tilespmem:s10+$0x1F80];
	v36 =	vmul.f32 v36, v26;
	v35 =	vmul.f32 v35, v27  }
0x398: {  	v43 =	vld [tilespmem:s10+$0x1F00];
	v53 =	vmul.f32 v38, v22;
	v54 =	vmul.f32 v49, v23  }
0x399: {  	v44 =	vld [tilespmem:s10+$0x2080];
	v37 =	vmul.f32 v37, v28;
	v56 =	vmul.f32 v50, v25;
	v35 =	vadd.f32 v35, v36  }
0x39a: {  	v45 =	vld [tilespmem:s10+$0x1D80];
	v36 =	vadd.f32 v54, v53  }
0x39b: {  	v57 =	vld [tilespmem:s10+$0x1E80];
	v37 =	vadd.f32 v37, v56;
	[tilespmem:s10+$0x6600] =	vst v35  }
0x39c: {  	v58 =	vld [tilespmem:s10+$0x1E00];
	[tilespmem:s10+$0x6580] =	vst v36  }
0x39d: {  	s8 =	sor.u32 $0x380, s12;
	v59 =	vld [tilespmem:s10+$0x800];
	[tilespmem:s10+$0x6500] =	vst v37  }
0x39e: {  	v60 =	vld [tilespmem:s8+$0x500]  }
0x39f: {  	v55 =	vld [tilespmem:s10+$0x2000]  }
0x3a0: {  	v61 =	vmul.f32 v43, v30;
	v42 =	vmul.f32 v52, v31  }
0x3a1: {  	v41 =	vmul.f32 v51, v24;
	v62 =	vmul.f32 v45, v21  }
0x3a2: {  	v40 =	vadd.f32 v42, v61;
	v36 =	vmul.f32 v58, v32;
	v35 =	vmul.f32 v57, v34  }
0x3a3: {  	v45 =	vadd.f32 v62, v41;
	v37 =	vmul.f32 v59, v19;
	v38 =	vmul.f32 v60, v20  }
0x3a4: {  	v63 =	vmul.f32 v55, v29;
	v44 =	vmul.f32 v44, v33;
	[tilespmem:s10+$0x6800] =	vst v40;
	v35 =	vadd.f32 v35, v36  }
0x3a5: {  	[tilespmem:s10+$0x6700] =	vst v45;
	v37 =	vadd.f32 v38, v37  }
0x3a6: {  	v46 =	vadd.f32 v44, v63;
	[tilespmem:s10+$0x6780] =	vst v35  }
0x3a7: {  	[tilespmem:s10+$0x6680] =	vst v37  }
0x3a8: {  	[tilespmem:s8+$0x6500] =	vst v46  }
0x3a9: {  	v35 =	vld [tilespmem:s5+$0x780]  }
0x3aa: {  	v47 =	vld [tilespmem:s5+$0x700]  }
0x3ab: {  	v37 =	vld [tilespmem:s5+$0x580]  }
0x3ac: {  	v48 =	vld [tilespmem:s5+$0x600]  }
0x3ad: {  	v49 =	vld [tilespmem:s5+$0x680]  }
0x3ae: {  	v40 =	vld [tilespmem:s5+$0x500];
	_ =	sdelay $0x1  }
0x3af: {  	v50 =	vld [tilespmem:s5+$0x1D00]  }
0x3b0: {  	v51 =	vld [tilespmem:s5+$0x1F80];
	v26 =	vmul.f32 v47, v26;
	v27 =	vmul.f32 v35, v27  }
0x3b1: {  	v52 =	vld [tilespmem:s5+$0x1F00];
	v22 =	vmul.f32 v48, v22;
	v23 =	vmul.f32 v49, v23  }
0x3b2: {  	v53 =	vld [tilespmem:s5+$0x2080];
	v28 =	vmul.f32 v37, v28;
	v25 =	vmul.f32 v40, v25;
	v26 =	vadd.f32 v27, v26  }
0x3b3: {  	v54 =	vld [tilespmem:s5+$0x1D80];
	v22 =	vadd.f32 v23, v22  }
0x3b4: {  	v23 =	vld [tilespmem:s5+$0x1E80];
	v25 =	vadd.f32 v28, v25;
	[tilespmem:s5+$0x6600] =	vst v26  }
0x3b5: {  	[tilespmem:s5+$0x6580] =	vst v22;
	v22 =	vld [tilespmem:s5+$0x1E00]  }
0x3b6: {  	s9 =	sor.u32 $0x380, s9;
	[tilespmem:s5+$0x6500] =	vst v25;
	v25 =	vld [tilespmem:s5+$0x800]  }
0x3b7: {  	v26 =	vld [tilespmem:s9+$0x500]  }
0x3b8: {  	v27 =	vld [tilespmem:s5+$0x2000]  }
0x3b9: {  	v24 =	vmul.f32 v50, v24;
	v21 =	vmul.f32 v54, v21  }
0x3ba: {  	v28 =	vmul.f32 v52, v30;
	v30 =	vmul.f32 v51, v31  }
0x3bb: {  	v21 =	vadd.f32 v21, v24;
	v23 =	vmul.f32 v23, v34;
	v22 =	vmul.f32 v22, v32  }
0x3bc: {  	v28 =	vadd.f32 v30, v28;
	v19 =	vmul.f32 v25, v19;
	v20 =	vmul.f32 v26, v20  }
0x3bd: {  	[tilespmem:s5+$0x6700] =	vst v21;
	v25 =	vmul.f32 v53, v33;
	v22 =	vadd.f32 v23, v22;
	v23 =	vmul.f32 v27, v29  }
0x3be: {  	[tilespmem:s5+$0x6800] =	vst v28;
	v19 =	vadd.f32 v20, v19  }
0x3bf: {  	[tilespmem:s5+$0x6780] =	vst v22;
	v20 =	vadd.f32 v25, v23  }
0x3c0: {  	[tilespmem:s5+$0x6680] =	vst v19  }
0x3c1: {  	s11 =	rddreg [dreg:$0xb];
	s10 =	simm.s32 $0x0;
	[tilespmem:s9+$0x6500] =	vst v20  }
0x3c2: {  	[hbm4b:s11+s10] =	stream.linear.scatter [tilespmem:s1], [sflag:$0x3], $0x1800, $0x38;
	[tilespmem:$0x7D00] =	vst v63  }
0x3c3: {  	_ =	swait.ge [sflag:s17], $0x1800  }
0x3c4: {  	[sflag:s17] =	ssyncset.done $0x0  }
0x3c5: {  	[sflag:s17] =	ssyncadd.s32 $0xFFFFE800  }
0x3c6: {  	_ =	swait.ge [sflag:s18], $0x3000  }
0x3c7: {  	[sflag:s18] =	ssyncset.done $0x0  }
0x3c8: {  	[sflag:s18] =	ssyncadd.s32 $0xFFFFD000  }
0x3c9: {  	s12 =	sand.u32 $0x70, s10;
	s13 =	sand.u32 $0x1C00, s10;
	v55 =	vld [tilespmem:$0xF0]  }
0x3ca: {  	s11 =	sor.u32 s12, s13  }
0x3cb: {  	v19 =	vld [tilespmem:s11+$0x3780]  }
0x3cc: {  	v20 =	vld [tilespmem:s11+$0x3700]  }
0x3cd: {  	v21 =	vld [tilespmem:s11+$0x3580]  }
0x3ce: {  	v24 =	vld [tilespmem:s11+$0x3600];
	v26 =	vperm.xlane v55, v8;
	v27 =	vperm.xlane v55, v9  }
0x3cf: {  	v29 =	vld [tilespmem:s11+$0x3680];
	v22 =	vperm.xlane v55, v7;
	v23 =	vperm.xlane v55, v3  }
0x3d0: {  	v30 =	vld [tilespmem:s11+$0x3500];
	v25 =	vperm.xlane v55, v5;
	v28 =	vperm.xlane v55, v6  }
0x3d1: {  	v56 =	vld [tilespmem:s11+$0x4D00];
	v32 =	vperm.xlane v55, v13;
	v34 =	vperm.xlane v55, v14  }
0x3d2: {  	v58 =	vld [tilespmem:s11+$0x4F00];
	v20 =	vmul.f32 v20, v26;
	v19 =	vmul.f32 v19, v27  }
0x3d3: {  	v57 =	vld [tilespmem:s11+$0x4F80];
	v33 =	vperm.xlane v55, v18;
	v24 =	vmul.f32 v24, v22  }
0x3d4: {  	v35 =	vld [tilespmem:s11+$0x5080];
	v29 =	vmul.f32 v29, v23;
	v60 =	vmul.f32 v21, v28;
	v31 =	vadd.f32 v19, v20  }
0x3d5: {  	v59 =	vld [tilespmem:s11+$0x5000];
	v61 =	vmul.f32 v30, v25;
	v30 =	vperm.xlane v55, v15  }
0x3d6: {  	s14 =	simm.s32 $0x10;
	s16 =	simm.s32 $0x20;
	s15 =	simm.s32 $0x80;
	v36 =	vld [tilespmem:s11+$0x4D80];
	v21 =	vperm.xlane v55, v12;
	v29 =	vadd.f32 v29, v24;
	[tilespmem:s11+$0x6600] =	vst v31;
	v31 =	vperm.xlane v55, v16  }
0x3d7: {  	s19 =	sand.u32 $0x70, s14;
	s8 =	sand.u32 $0x70, s16;
	s13 =	sand.u32 $0x1C00, s15;
	v37 =	vld [tilespmem:s11+$0x4E80];
	v24 =	vperm.xlane v55, v11;
	v62 =	vadd.f32 v60, v61;
	v40 =	vmul.f32 v58, v30  }
0x3d8: {  	s5 =	sor.u32 s10, s10;
	s10 =	sor.u32 s19, s13;
	s13 =	simm.s32 $0x100;
	v39 =	vld [tilespmem:s11+$0x4E00];
	[tilespmem:s11+$0x6580] =	vst v29;
	v29 =	vperm.xlane v55, v17;
	v63 =	vmul.f32 v57, v31  }
0x3d9: {  	s12 =	sor.u32 s15, s14;
	s15 =	sor.u32 $0x380, s5;
	s19 =	sand.u32 $0x1C00, s13;
	v41 =	vld [tilespmem:s11+$0x3800];
	v19 =	vperm.xlane v55, v10;
	v20 =	vperm.xlane v55, v1;
	[tilespmem:s11+$0x6500] =	vst v62  }
0x3da: {  	s14 =	simm.s32 $0x30;
	s9 =	sor.u32 s13, s16;
	s5 =	sor.u32 s8, s19;
	v38 =	vmul.f32 v56, v24;
	v42 =	vld [tilespmem:s15+$0x3500];
	v43 =	vadd.f32 v63, v40;
	v40 =	vmul.f32 v59, v29  }
.LBB2_16:
0x3db: {  	p0 =	sne.s32 s14, $0x2F0  }
0x3dc: {  	s13 =	sadd.s32 $0x80, s13;
	s8 =	smov.u32 s14;
	s14 =	sadd.s32 $0x10, s14  }
0x3dd: {  	s16 =	sor.u32 s13, s8;
	[tilespmem:s11+$0x6800] =	vst v43  }
0x3de: {  	v37 =	vmul.f32 v37, v34;
	v39 =	vmul.f32 v39, v32  }
0x3df: {  	v36 =	vmul.f32 v36, v21;
	v41 =	vmul.f32 v41, v19  }
0x3e0: {  	v35 =	vmul.f32 v35, v33;
	s8 =	sand.u32 $0x70, s8;
	s19 =	sand.u32 $0x1C00, s13;
	v42 =	vmul.f32 v42, v20;
	v37 =	vadd.f32 v37, v39  }
0x3e1: {  	s8 =	sor.u32 s8, s19;
	v36 =	vadd.f32 v36, v38  }
0x3e2: {  	v35 =	vadd.f32 v35, v40;
	v38 =	vadd.f32 v42, v41;
	[tilespmem:s11+$0x6780] =	vst v37  }
0x3e3: {  	[tilespmem:s11+$0x6700] =	vst v36  }
0x3e4: {  	[tilespmem:s11+$0x6680] =	vst v38;
	s11 =	smov.u32 s10;
	s10 =	smov.u32 s5;
	s5 =	smov.u32 s8  }
0x3e5: {  	[tilespmem:s15+$0x6500] =	vst v35  }
0x3e6: {  	v35 =	vld [tilespmem:s11+$0x3780]  }
0x3e7: {  	v36 =	vld [tilespmem:s11+$0x3700]  }
0x3e8: {  	v37 =	vld [tilespmem:s11+$0x3580]  }
0x3e9: {  	v38 =	vld [tilespmem:s11+$0x3600]  }
0x3ea: {  	v39 =	vld [tilespmem:s11+$0x3680]  }
0x3eb: {  	v40 =	vld [tilespmem:s11+$0x3500]  }
0x3ec: {  	v35 =	vmul.f32 v35, v27;
	v36 =	vmul.f32 v36, v26;
	v41 =	vld [tilespmem:s11+$0x4D00]  }
0x3ed: {  	v42 =	vld [tilespmem:s11+$0x4F80]  }
0x3ee: {  	v37 =	vmul.f32 v37, v28;
	v43 =	vadd.f32 v35, v36;
	v44 =	vld [tilespmem:s11+$0x4F00]  }
0x3ef: {  	v36 =	vmul.f32 v38, v22;
	v38 =	vmul.f32 v39, v23;
	v35 =	vld [tilespmem:s11+$0x5080]  }
0x3f0: {  	v39 =	vmul.f32 v40, v25;
	v40 =	vld [tilespmem:s11+$0x5000]  }
.Ltmp7:
0x3f1: {  	v45 =	vadd.f32 v38, v36;
	v36 =	vld [tilespmem:s11+$0x4D80];
	v38 =	vmul.f32 v41, v24;
	(pc) =	sbr.rel @p0 .LBB2_16-.Ltmp7, $4  }
0x3f2: {  	v41 =	vadd.f32 v37, v39;
	[tilespmem:s11+$0x6600] =	vst v43;
	v37 =	vld [tilespmem:s11+$0x4E80]  }
0x3f3: {  	s15 =	sor.u32 $0x380, s12;
	s12 =	smov.u32 s9;
	s9 =	smov.u32 s16;
	[tilespmem:s11+$0x6580] =	vst v45;
	v39 =	vld [tilespmem:s11+$0x4E00];
	v43 =	vmul.f32 v44, v30;
	v44 =	vmul.f32 v42, v31  }
0x3f4: {  	[tilespmem:s11+$0x6500] =	vst v41;
	v41 =	vld [tilespmem:s11+$0x3800]  }
0x3f5: {  	v42 =	vld [tilespmem:s15+$0x3500];
	v43 =	vadd.f32 v44, v43;
	v40 =	vmul.f32 v40, v29  }
0x3f6: {  	_ =	sdelay $0x1  }
0x3f7: {  	v36 =	vmul.f32 v36, v21  }
0x3f8: {  	v37 =	vmul.f32 v37, v34;
	v39 =	vmul.f32 v39, v32  }
0x3f9: {  	v36 =	vadd.f32 v36, v38;
	v41 =	vmul.f32 v41, v19;
	v42 =	vmul.f32 v42, v20  }
0x3fa: {  	v35 =	vmul.f32 v35, v33;
	[tilespmem:s11+$0x6800] =	vst v43;
	v37 =	vadd.f32 v37, v39  }
0x3fb: {  	[tilespmem:s11+$0x6700] =	vst v36;
	v56 =	vadd.f32 v42, v41  }
0x3fc: {  	v35 =	vadd.f32 v35, v40;
	[tilespmem:s11+$0x6780] =	vst v37  }
0x3fd: {  	[tilespmem:s11+$0x6680] =	vst v56  }
0x3fe: {  	[tilespmem:s15+$0x6500] =	vst v35  }
0x3ff: {  	v35 =	vld [tilespmem:s10+$0x3780]  }
0x400: {  	v36 =	vld [tilespmem:s10+$0x3700]  }
0x401: {  	v37 =	vld [tilespmem:s10+$0x3580]  }
0x402: {  	v38 =	vld [tilespmem:s10+$0x3600]  }
0x403: {  	v57 =	vld [tilespmem:s10+$0x3680]  }
0x404: {  	v58 =	vld [tilespmem:s10+$0x3500];
	_ =	sdelay $0x1  }
0x405: {  	v59 =	vld [tilespmem:s10+$0x4D00]  }
0x406: {  	v60 =	vld [tilespmem:s10+$0x4F80];
	v36 =	vmul.f32 v36, v26;
	v35 =	vmul.f32 v35, v27  }
0x407: {  	v43 =	vld [tilespmem:s10+$0x4F00];
	v61 =	vmul.f32 v38, v22;
	v62 =	vmul.f32 v57, v23  }
0x408: {  	v44 =	vld [tilespmem:s10+$0x5080];
	v37 =	vmul.f32 v37, v28;
	v48 =	vmul.f32 v58, v25;
	v35 =	vadd.f32 v35, v36  }
0x409: {  	v45 =	vld [tilespmem:s10+$0x4D80];
	v36 =	vadd.f32 v62, v61  }
0x40a: {  	v49 =	vld [tilespmem:s10+$0x4E80];
	v37 =	vadd.f32 v37, v48;
	[tilespmem:s10+$0x6600] =	vst v35  }
0x40b: {  	v50 =	vld [tilespmem:s10+$0x4E00];
	[tilespmem:s10+$0x6580] =	vst v36  }
0x40c: {  	s8 =	sor.u32 $0x380, s12;
	v51 =	vld [tilespmem:s10+$0x3800];
	[tilespmem:s10+$0x6500] =	vst v37  }
0x40d: {  	v52 =	vld [tilespmem:s8+$0x3500]  }
0x40e: {  	v63 =	vld [tilespmem:s10+$0x5000]  }
0x40f: {  	v53 =	vmul.f32 v43, v30;
	v42 =	vmul.f32 v60, v31  }
0x410: {  	v41 =	vmul.f32 v59, v24;
	v54 =	vmul.f32 v45, v21  }
0x411: {  	v40 =	vadd.f32 v42, v53;
	v36 =	vmul.f32 v50, v32;
	v35 =	vmul.f32 v49, v34  }
0x412: {  	v57 =	vadd.f32 v54, v41;
	v37 =	vmul.f32 v51, v19;
	v38 =	vmul.f32 v52, v20  }
0x413: {  	v55 =	vmul.f32 v63, v29;
	v56 =	vmul.f32 v44, v33;
	[tilespmem:s10+$0x6800] =	vst v40;
	v35 =	vadd.f32 v35, v36  }
0x414: {  	[tilespmem:s10+$0x6700] =	vst v57;
	v37 =	vadd.f32 v38, v37  }
0x415: {  	v58 =	vadd.f32 v56, v55;
	[tilespmem:s10+$0x6780] =	vst v35  }
0x416: {  	[tilespmem:s10+$0x6680] =	vst v37  }
0x417: {  	[tilespmem:s8+$0x6500] =	vst v58  }
0x418: {  	v35 =	vld [tilespmem:s5+$0x3780]  }
0x419: {  	v59 =	vld [tilespmem:s5+$0x3700]  }
0x41a: {  	v37 =	vld [tilespmem:s5+$0x3580]  }
0x41b: {  	v60 =	vld [tilespmem:s5+$0x3600]  }
0x41c: {  	v61 =	vld [tilespmem:s5+$0x3680]  }
0x41d: {  	v40 =	vld [tilespmem:s5+$0x3500];
	_ =	sdelay $0x1  }
0x41e: {  	v62 =	vld [tilespmem:s5+$0x4D00]  }
0x41f: {  	v63 =	vld [tilespmem:s5+$0x4F80];
	v45 =	vmul.f32 v59, v26;
	v46 =	vmul.f32 v35, v27  }
0x420: {  	v47 =	vld [tilespmem:s5+$0x4F00];
	v49 =	vmul.f32 v60, v22;
	v50 =	vmul.f32 v61, v23  }
0x421: {  	v48 =	vld [tilespmem:s5+$0x5080];
	v53 =	vmul.f32 v37, v28;
	v54 =	vmul.f32 v40, v25;
	v26 =	vadd.f32 v46, v45  }
0x422: {  	v52 =	vld [tilespmem:s5+$0x4D80];
	v22 =	vadd.f32 v50, v49  }
0x423: {  	v55 =	vld [tilespmem:s5+$0x4E80];
	v25 =	vadd.f32 v53, v54;
	[tilespmem:s5+$0x6600] =	vst v26  }
0x424: {  	v56 =	vld [tilespmem:s5+$0x4E00];
	[tilespmem:s5+$0x6580] =	vst v22  }
0x425: {  	s15 =	sor.u32 $0x380, s9;
	v57 =	vld [tilespmem:s5+$0x3800];
	[tilespmem:s5+$0x6500] =	vst v25  }
0x426: {  	v26 =	vld [tilespmem:s15+$0x3500]  }
0x427: {  	v51 =	vld [tilespmem:s5+$0x5000]  }
0x428: {  	v58 =	vmul.f32 v47, v30;
	v59 =	vmul.f32 v63, v31  }
0x429: {  	v60 =	vmul.f32 v62, v24;
	v61 =	vmul.f32 v52, v21  }
0x42a: {  	v23 =	vmul.f32 v55, v34;
	v28 =	vadd.f32 v59, v58;
	v22 =	vmul.f32 v56, v32  }
0x42b: {  	v19 =	vmul.f32 v57, v19;
	v21 =	vadd.f32 v61, v60;
	v20 =	vmul.f32 v26, v20  }
0x42c: {  	v62 =	vmul.f32 v51, v29;
	v63 =	vmul.f32 v48, v33;
	[tilespmem:s5+$0x6800] =	vst v28;
	v22 =	vadd.f32 v23, v22  }
0x42d: {  	[tilespmem:s5+$0x6700] =	vst v21;
	v19 =	vadd.f32 v20, v19  }
0x42e: {  	[tilespmem:s5+$0x6780] =	vst v22;
	v20 =	vadd.f32 v63, v62  }
0x42f: {  	[tilespmem:s5+$0x6680] =	vst v19  }
0x430: {  	s16 =	rddreg [dreg:$0xc];
	[tilespmem:s15+$0x6500] =	vst v20  }
0x431: {  	[hbm4b:s16+s2] =	stream.linear.scatter [tilespmem:s1], [sflag:$0x3], $0x1800, $0x38;
	[tilespmem:$0x7D00] =	vst v63  }
0x432: {  	_ =	swait.ge [sflag:s17], $0x1800  }
0x433: {  	s4 =	sadd.s32 $0x1, s4;
	s19 =	rddreg [dreg:$0xd]  }
0x434: {  	p0 =	sne.s32 s4, s19  }
.Ltmp8:
0x435: {  	_ = 	snop;
	(pc) =	sbr.rel @p0 .LBB2_1-.Ltmp8, $3  }
0x436: {  	_ =	sdelay $0x1  }
0x437: {  	[sflag:s17] =	ssyncset.done $0x0  }
0x438: {  	[sflag:s17] =	ssyncadd.s32 $0xFFFFE800  }
0x439: {  	_ =	sfence.sel $0x180000  }
0x43a: {  	[bflag:$0x0] =	sbarrier.arrive $0xFFFF  }
0x43b: {  	_ =	strace $0x9000004A  }
0x43c: {  	s0 =	stileid.u32;
	[bflag:$0x2] =	sbarrier.arrive $0xFFFF  }
0x43d: {  	p0 =	sne.s32 s0, $0x0;
	s0 =	rddreg [dreg:$0x2]  }
0x43e: {  	s0 =	sadd.s32 @!p0 $0x100000, s0  }
0x43f: {  	[sflag:s0] =	ssyncadd.tile.s32 @!p0 $0x1;
	_ =	shalt  }
.Lfunc_end2:
_tile_overlayer_lowered:
.L_overlay_start_2:
0x440: {  	(tag) =	ssettag $0x2  }
0x441: {  	s0 =	rddreg [dreg:$0x0];
	s2 =	stileid.u32  }
0x442: {  	s1 =	rddreg [dreg:$0x1];
	p0 =	sne.s32 s2, $0x0  }
0x443: {  	s3 =	rddreg [dreg:$0x2];
	[bflag:$0x3] =	sbarrier.arrive $0xFFFF;
	s2 =	simm.s32 @!p0 $0x1C03  }
0x444: {  	[timem:s3], [sflag:s2] =	dma.local @!p0 [hbm:s0], s1  }
0x445: {  	s0 =	simm.s32 @!p0 $0x3  }
0x446: {  	_ =	swait.ge @!p0 [sflag:s0], s1  }
0x447: {  	s1 =	ssub.s32 @!p0 $0x0, s1;
	[sflag:s0] =	ssyncset.done @!p0 $0x0  }
0x448: {  	[sflag:s0] =	ssyncadd.s32 @!p0 s1  }
0x449: {  	[bflag:$0x3] =	sbarrier.arrive $0xFFFF  }
0x44a: {  	_ =	shalt  }

// kernel: kernel.7.cloned.1.call-start
scs
__scs_entry_jumppad:
0x0: {  	(pc) =	sbr.rel $0x88, $3  }
0x1: {  	(tag) =	ssettag $0x0;
	lr =	simm.s32 $0x1  }
0x2: {  	[smem:$0x3F9B] =	sst lr;
	_ =	strace $0xD0000000  }
0x3: {  	_ = 	snop  }
0x4: {  	_ = 	snop  }
0x5: {  	_ = 	snop  }
0x6: {  	_ = 	snop  }
0x7: {  	_ = 	snop  }
__scs_overlays_trampoline_lowered:
0x8: {  	[smem:$0x3FAA] =	sst s0  }
0x9: {  	[smem:$0x3FAB] =	sst s1  }
0xa: {  	[smem:$0x3FAC] =	sst s2  }
0xb: {  	[smem:$0x3FAD] =	sst s3  }
0xc: {  	[smem:$0x3FAE] =	sst s4  }
0xd: {  	[smem:$0x3FAF] =	sst s5  }
0xe: {  	[smem:$0x3FB0] =	sst s6  }
0xf: {  	[smem:$0x3FB1] =	sst s7  }
0x10: {  	[smem:$0x3FB2] =	sst s8  }
0x11: {  	[smem:$0x3FB3] =	sst s9;
	s0 =	simm.s32 @!p0 $0x0  }
0x12: {  	s1 =	sld [smem:$0x3F99];
	s0 =	simm.s32 @p0 $0x1  }
0x13: {  	[smem:$0x3FB4] =	sst s0;
	s0 =	simm.s32 @!p1 $0x0  }
0x14: {  	s2 =	sld [smem:$0x3F98];
	s0 =	simm.s32 @p1 $0x1  }
0x15: {  	[smem:$0x3FB5] =	sst s0;
	s0 =	simm.s32 @!p2 $0x0  }
0x16: {  	s3 =	sld [smem:$0x3FDB];
	s0 =	simm.s32 @p2 $0x1  }
0x17: {  	s4 =	simm.s32 $0x1BF5;
	[smem:$0x3FB7] =	sst s0  }
0x18: {  	s0 =	sld [smem:$0x3F9A];
	_ =	swait.ge [sflag:s4], $0x0  }
0x19: {  	s7 =	sld [smem:$0x3F9B]  }
0x1a: {  	s8 =	sadd.s32 $0xFFFFE003, lr  }
0x1b: {  	s9 =	sadd.s32 $0xFFFFFEF7, lr;
	s5 =	simm.s32 $0xFFFFFFFF;
	p2 =	slt.u32 s8, $0xFFFFF086  }
0x1c: {  	p1 =	slt.u32 s9, $0xF7A;
	s5 =	simm.s32 @!p2 $0x0  }
0x1d: {  	s5 =	simm.s32 @p1 $0x1;
	p0 =	seq.s32 s7, s2  }
0x1e: {  	s7 =	smul.u32 @!p0 $0xF7A, s2;
	p2 =	seq.s32 @!p0 s5, $0x0  }
0x1f: {  	s9 =	smul.u32 $0xF7A, s1;
	s8 =	simm.s32 @!p0 $0x1BF5;
	p2 =	por !p2, p0  }
0x20: {  	[sflag:s8] =	ssyncset.s32 @!p0 $0xFFFFF086;
	s6 =	sadd.s32 @!p0 s3, s7;
	s7 =	simm.s32 @!p0 $0x108  }
0x21: {  	s3 =	sadd.s32 s3, s9;
	s6 =	sadd.s32 @!p0 $0x88, s6;
	s7 =	simm.s32 @p2 $0x1082  }
0x22: {  	[simem:s7], [sflag:s8] =	dma.local @!p0 [hbm:s6], $0xF7A  }
0x23: {  	s9 =	sor.u32 $0xD0000000, s2;
	s6 =	simm.s32 $0x108;
	_ =	swait.ge @!p0 [sflag:s8], $0x0  }
0x24: {  	s3 =	sadd.s32 $0x88, s3;
	s6 =	simm.s32 @!p1 $0x1082;
	[sflag:s4] =	ssyncset.s32 $0xFFFFF086  }
0x25: {  	[simem:s6], [sflag:s4] =	dma.local [hbm:s3], $0xF7A  }
0x26: {  	[smem:$0x3F9B] =	sst s1;
	(tag) =	ssettag s2;
	_ =	strace s9  }
0x27: {  	s1 =	sld [smem:$0x3FAB]  }
0x28: {  	s2 =	sld [smem:$0x3FAC]  }
0x29: {  	s4 =	sld [smem:$0x3FAE]  }
0x2a: {  	p0 =	seq.s32 s5, $0x0;
	s5 =	sld [smem:$0x3FAF]  }
0x2b: {  	s6 =	sld [smem:$0x3FB0]  }
0x2c: {  	s7 =	sld [smem:$0x3FB1]  }
0x2d: {  	s3 =	simm.s32 $0x108;
	s8 =	sld [smem:$0x3FB2]  }
0x2e: {  	s3 =	simm.s32 @!p0 $0x1082;
	s9 =	sld [smem:$0x3FB3]  }
0x2f: {  	lr =	sadd.s32 s0, s3;
	s0 =	sld [smem:$0x3FAA]  }
0x30: {  	s3 =	sld [smem:$0x3FAD]  }
0x31: {  	[smem:$0x3FB6] =	sst s10  }
0x32: {  	s10 =	sld [smem:$0x3FB4];
	_ =	sdelay $0x3  }
0x33: {  	p0 =	seq.s32 s10, $0x1;
	s10 =	sld [smem:$0x3FB6];
	_ =	sdelay $0x3  }
0x34: {  	[smem:$0x3FB6] =	sst s10  }
0x35: {  	s10 =	sld [smem:$0x3FB5];
	_ =	sdelay $0x3  }
0x36: {  	p1 =	seq.s32 s10, $0x1;
	s10 =	sld [smem:$0x3FB6];
	_ =	sdelay $0x3  }
0x37: {  	[smem:$0x3FB6] =	sst s10  }
0x38: {  	s10 =	sld [smem:$0x3FB7]  }
0x39: {  	_ = 	snop;
	(pc) =	sbr.ind lr, $3  }
0x3a: {  	_ = 	snop  }
0x3b: {  	_ = 	snop  }
0x3c: {  	p2 =	seq.s32 s10, $0x1;
	s10 =	sld [smem:$0x3FB6]  }
0x3d: {  	_ =	shalt  }
0x3e: {  	_ =	shalt  }
0x3f: {  	_ =	shalt  }
0x40: {  	_ =	shalt  }
0x41: {  	_ =	shalt  }
0x42: {  	_ =	shalt  }
0x43: {  	_ =	shalt  }
0x44: {  	_ =	shalt  }
0x45: {  	_ =	shalt  }
0x46: {  	_ =	shalt  }
0x47: {  	_ =	shalt  }
0x48: {  	_ =	shalt  }
0x49: {  	_ =	shalt  }
0x4a: {  	_ =	shalt  }
0x4b: {  	_ =	shalt  }
0x4c: {  	_ =	shalt  }
0x4d: {  	_ =	shalt  }
0x4e: {  	_ =	shalt  }
0x4f: {  	_ =	shalt  }
0x50: {  	_ =	shalt  }
0x51: {  	_ =	shalt  }
0x52: {  	_ =	shalt  }
0x53: {  	_ =	shalt  }
0x54: {  	_ =	shalt  }
0x55: {  	_ =	shalt  }
0x56: {  	_ =	shalt  }
0x57: {  	_ =	shalt  }
0x58: {  	_ =	shalt  }
0x59: {  	_ =	shalt  }
0x5a: {  	_ =	shalt  }
0x5b: {  	_ =	shalt  }
0x5c: {  	_ =	shalt  }
0x5d: {  	_ =	shalt  }
0x5e: {  	_ =	shalt  }
0x5f: {  	_ =	shalt  }
0x60: {  	_ =	shalt  }
0x61: {  	_ =	shalt  }
0x62: {  	_ =	shalt  }
0x63: {  	_ =	shalt  }
0x64: {  	_ =	shalt  }
0x65: {  	_ =	shalt  }
0x66: {  	_ =	shalt  }
0x67: {  	_ =	shalt  }
0x68: {  	_ =	shalt  }
0x69: {  	_ =	shalt  }
0x6a: {  	_ =	shalt  }
0x6b: {  	_ =	shalt  }
0x6c: {  	_ =	shalt  }
0x6d: {  	_ =	shalt  }
0x6e: {  	_ =	shalt  }
0x6f: {  	_ =	shalt  }
0x70: {  	_ =	shalt  }
0x71: {  	_ =	shalt  }
0x72: {  	_ =	shalt  }
0x73: {  	_ =	shalt  }
0x74: {  	_ =	shalt  }
0x75: {  	_ =	shalt  }
0x76: {  	_ =	shalt  }
0x77: {  	_ =	shalt  }
0x78: {  	_ =	shalt  }
0x79: {  	_ =	shalt  }
0x7a: {  	_ =	shalt  }
0x7b: {  	_ =	shalt  }
0x7c: {  	_ =	shalt  }
0x7d: {  	_ =	shalt  }
0x7e: {  	_ =	shalt  }
0x7f: {  	_ =	shalt  }
0x80: {  	_ =	shalt  }
0x81: {  	_ =	shalt  }
0x82: {  	_ =	shalt  }
0x83: {  	_ =	shalt  }
0x84: {  	_ =	shalt  }
0x85: {  	_ =	shalt  }
0x86: {  	_ =	shalt  }
0x87: {  	_ =	shalt  }
.Lfunc_end0:
.L_simem_size_0:
called_computation_lowered:
.L_overlay_start_0:
0x88: {  	s2 =	sld [smem:$0x3FD9]  }
0x89: {  	s3 =	sld [smem:$0x3FFE];
	_ =	sdelay $0x1  }
0x8a: {  	s1 =	srdreg.scid  }
0x8b: {  	s0 =	sand.u32 $0x1, s1  }
0x8c: {  	s14 =	sshll.u32 s0, $0xA;
	s2 =	sadd.s32 s3, s2  }
0x8d: {  	s2 =	sadd.s32 s2, s14  }
0x8e: {  	[smem:$0x3FC2] =	sst s2  }
0x8f: {  	_ = 	snop  }
0x90: {  	s2 =	sld [smem:$0x3FD0];
	_ =	sdelay $0x2  }
0x91: {  	s4 =	simm.s32 $0xA;
	s5 =	simm.s32 $0x10;
	s15 =	sld [smem:$0x3FC9]  }
0x92: {  	[smem:s5], [sflag:s4] =	dma.local [hbm:s2], $0x1  }
0x93: {  	_ =	swait.eq [sflag:s4], $0x1  }
0x94: {  	[sflag:s4] =	ssyncset.done $0x0  }
0x95: {  	s16 =	sld [smem:$0x10];
	[sflag:s4] =	ssyncadd.s32 $0xFFFFFFFF  }
0x96: {  	s17 =	sld [smem:$0x11];
	(tm) =	ssettm $0x1  }
0x97: {  	s18 =	sld [smem:$0x3FFB];
	_ =	sdelay $0x3  }
0x98: {  	_ =	strace s18  }
0x99: {  	s5 =	sld [smem:$0x3FFC];
	_ =	sdelay $0x3  }
0x9a: {  	_ =	strace s5  }
0x9b: {  	s5 =	sld [smem:$0x3FFD];
	_ =	sdelay $0x3  }
0x9c: {  	_ =	strace s5  }
0x9d: {  	_ =	strace $0x8FFFFFFF  }
0x9e: {  	s19 =	sld [smem:$0x3FDB];
	_ =	sdelay $0x1  }
0x9f: {  	s6 =	simm.s32 $_scs_section_size  }
0xa0: {  	s7 =	simm.s32 $_size__tile_overlayer_lowered;
	s8 =	simm.s32 $_tile_overlayer_lowered  }
0xa1: {  	s22 =	simm.s32 $0x1BFF;
	s21 =	sshll.u32 s8, $0x1;
	s5 =	sadd.s32 s6, s19  }
0xa2: {  	s9 =	simm.s32 $0x0;
	s20 =	sshll.u32 s7, $0x1;
	s7 =	sadd.s32 s21, s5  }
0xa3: {  	[timem:s9], [sflag:s22] =	dma.local [hbm:s7], s20  }
0xa4: {  	_ =	swait.ge [sflag:s22], s20  }
0xa5: {  	s6 =	ssub.s32 $0x0, s20;
	[sflag:s22] =	ssyncset.done $0x0  }
0xa6: {  	[sflag:s22] =	ssyncadd.s32 s6;
	_ =	sdelay $0x1  }
0xa7: {  	s23 =	simm.s32 $0x1B8B  }
0xa8: {  	_ =	swait.ge [sflag:s23], $0x1  }
0xa9: {  	[sflag:s23] =	ssyncset.done $0x0  }
0xaa: {  	s25 =	simm.s32 $0x1B8E;
	s24 =	sld [smem:$0x3FFE];
	[sflag:s23] =	ssyncadd.s32 $0xFFFFFFFF  }
0xab: {  	s26 =	simm.s32 $execute0_lowered;
	[smem:$0x3FD2] =	sst s25  }
0xac: {  	s7 =	sshll.u32 s26, $0x1;
	_ =	strace $0x80000046;
	[dreg:$0x1] =	wrdreg $0xFFFFFFFF  }
0xad: {  	s28 =	simm.s32 $_size_execute0_lowered;
	s5 =	sadd.s32 s5, s7;
	[dreg:$0x0] =	wrdreg $0x0  }
0xae: {  	s7 =	sshll.u32 s28, $0x1;
	[dreg:$0x2] =	wrdreg s5  }
0xaf: {  	[dreg:$0x3] =	wrdreg s7  }
0xb0: {  	[dreg:$0x4] =	wrdreg $0xC0  }
0xb1: {  	_ =	task [dreg:s9], $0x5FFFF  }
0xb2: {  	[dreg:$0x1] =	wrdreg $0xFFFFFFFF  }
0xb3: {  	[dreg:$0x0] =	wrdreg $0x60  }
0xb4: {  	[dreg:$0x2] =	wrdreg s17  }
0xb5: {  	[dreg:$0x3] =	wrdreg s15  }
0xb6: {  	[dreg:$0x4] =	wrdreg s24  }
0xb7: {  	[dreg:$0x5] =	wrdreg s16  }
0xb8: {  	[dreg:$0x6] =	wrdreg $0x184800  }
0xb9: {  	[dreg:$0x7] =	wrdreg $0x9  }
0xba: {  	_ =	task.clear_ibuf [dreg:s9], $0x8FFFF;
	_ =	strace $0x90000046  }
0xbb: {  	s29 =	simm.s32 $0x9;
	_ =	strace $0x80000048  }
0xbc: {  	_ =	swait.ge [sflag:s29], $0x1  }
0xbd: {  	[sflag:s29] =	ssyncadd.s32 $0xFFFFFFFF  }
0xbe: {  	_ =	strace $0x90000048  }
0xbf: {  	_ =	sfence  }
0xc0: {  	s30 =	sld [smem:$0x0];
	_ =	sdelay $0x2  }
0xc1: {  	s31 =	sshll.u32 s1, $0xD;
	s1 =	sshrl.u32 s1, $0x2  }
0xc2: {  	s3 =	sand.u32 $0x4000, s31;
	s1 =	sadd.s32 s1, s30  }
0xc3: {  	s0 =	sor.u32 s3, s0;
	s1 =	sshll.u32 s1, $0x11  }
0xc4: {  	s0 =	sor.u32 s1, s0  }
0xc5: {  	s0 =	sadd.s32 $0x8F2B, s0  }
0xc6: {  	[sflag:s0] =	ssyncadd.remote.s32 $0x1  }
0xc7: {  	_ =	sfence.sel $0xFFFF  }
0xc8: {  	[dreg:$0x0] =	wrdreg $0xFFFFFFFF;
	(pc) =	sbr.abs _section_cstart, $3  }
0xc9: {  	[dreg:$0x1] =	wrdreg $0xFFFFFFFF  }
0xca: {  	_ =	task.clear_ibuf [dreg:s9], $0x2FFFF;
	_ =	strace $0x9FFFFFFF  }
0xcb: {  	(tm) =	ssettm $0x7FFFFFFF  }
tec
execute0_lowered:
.L_overlay_start_1:
0x0: {  	(tag) =	ssettag $0x1  }
0x1: {  	s0 =	rddreg [dreg:$0x0]  }
0x2: {  	s1 =	rddreg [dreg:$0x1];
	v0 =	vlaneseq.u32  }
0x3: {  	s2 =	rddreg [dreg:$0x2];
	vm0 =	vmmov $0xffff;
	v18 =	vimm.s32 $0xF;
	v19 =	vimm.s32 $0x7  }
0x4: {  	s16 =	rddreg [dreg:$0x4];
	v20 =	vimm.s32 $0x1;
	v22 =	vimm.s32 $0x2;
	v23 =	vimm.s32 $0x3  }
0x5: {  	s4 =	srdreg.scid;
	s5 =	simm.s32 $0x0;
	s3 =	stileid.u32;
	v24 =	vimm.s32 $0x4;
	v25 =	vimm.s32 $0x5;
	v26 =	vimm.s32 $0x6  }
0x6: {  	s21 =	simm.s32 $0x1C00;
	s28 =	simm.s32 $0x3400;
	s29 =	simm.s32 $0x3C00;
	vm1 =	vmmov $0x7fff;
	v28 =	vimm.s32 $0x0;
	vm2 =	vmmov $0x1  }
0x7: {  	s30 =	simm.s32 $0x4400;
	s31 =	simm.s32 $0x4C00;
	s9 =	simm.s32 $0x6C00;
	vm3 =	vcmask $0x308;
	vm4 =	vcmask $0x70C;
	vm5 =	vcmask $0xB10  }
0x8: {  	s18 =	simm.s32 $0x9400;
	s19 =	simm.s32 $0x9C00;
	vm6 =	vcmask $0xF14;
	vm7 =	vcmask $0x1318;
	vm8 =	vcmask $0x171C;
	s20 =	simm.s32 $0x0  }
0x9: {  	vm9 =	vcmask $0x1B20;
	s4 =	sand.u32 $0x1, s4;
	[smem:$0x7FF] =	sst s5;
	s6 =	sshll.u32 s3, $0x8;
	v1 =	vor.u32 $0x10, v0;
	v28 =	vsel vm1, $0xFFFFFFFF, v28  }
0xa: {  	s15 =	sshll.u32 s3, $0x1;
	v4 =	vor.u32 $0x20, v0;
	v7 =	vor.u32 $0x40, v0;
	s17 =	sshll.u32 s4, $0x7;
	_ =	strace $0x80000047;
	[tilespmem:$0x1FFE0] =	vst v28;
	v28 =	vimm.s32 $0x0  }
0xb: {  	s22 =	sshll.u32 s3, $0x5;
	s12 =	sshll.u32 s3, $0x4;
	v21 =	vadd.s32 $0x1, v0;
	v27 =	vadd.s32 $0x11, v0;
	s10 =	sor.u32 s17, s6;
	v28 =	vsel vm0, $0xFFFFFFFF, v28  }
0xc: {  	s7 =	ssub.s32 $0x2, s4;
	s0 =	sadd.s32 s0, s22;
	s23 =	sadd.s32 s12, s16;
	v2 =	vmov s10;
	v3 =	vor.u32 s10, v0;
	v5 =	vor.u32 s10, v1  }
0xd: {  	s24 =	ssub.s32 $0x0, s4;
	s12 =	sadd.s32 $0x2800, s2;
	[dreg:$0xa] =	wrdreg s20;
	v6 =	vor.u32 s10, v4;
	v4 =	vor.u32 $0x30, v0;
	v11 =	vor.u32 s10, v7  }
0xe: {  	s22 =	simm.s32 $0x400;
	s16 =	simm.s32 $0x8400;
	[dreg:$0x6] =	wrdreg s0;
	v7 =	vor.u32 $0x70, v0;
	v8 =	vor.u32 s10, v4;
	v4 =	vor.u32 $0x50, v0  }
0xf: {  	s6 =	sadd.s32 $0x2600, s2;
	s11 =	sshrl.u32 s7, $0x1;
	[dreg:$0x7] =	wrdreg s23;
	v14 =	vor.u32 s10, v7;
	v3 =	vshrl.u32 v3, $0x1;
	v5 =	vshrl.u32 v5, $0x1  }
0x10: {  	s23 =	simm.s32 $0xC00;
	p0 =	sne.s32 s15, s24;
	s0 =	simm.s32 $0x5400;
	v6 =	vshrl.u32 v6, $0x1;
	v12 =	vor.u32 s10, v4;
	v4 =	vor.u32 $0x60, v0  }
0x11: {  	s15 =	simm.s32 $0x7400;
	s24 =	simm.s32 $0xAC00;
	s8 =	sshrl.u32 s10, $0x3;
	v11 =	vshrl.u32 v11, $0x1;
	v13 =	vor.u32 s10, v4;
	v4 =	vshrl.u32 v2, $0x4  }
0x12: {  	s14 =	ssub.s32 s7, s11;
	s7 =	sadd.s32 $0x100, s1;
	s11 =	sadd.s32 $0x2700, s2;
	v10 =	vand.u32 $0x7, v3;
	v7 =	vshrl.u32 v8, $0x1;
	v9 =	vmul.u32 $0x30, v4  }
0x13: {  	s13 =	sadd.s32 s8, s2;
	s8 =	sadd.s32 $0x200, s1;
	s26 =	smax.u32 s14, $0x1;
	v8 =	vand.u32 $0x7, v0;
	v14 =	vshrl.u32 v14, $0x1;
	v4 =	vmov s17  }
0x14: {  	s2 =	simm.s32 $0x5C00;
	s14 =	simm.s32 $0xA400;
	s1 =	simm.s32 $0xBC00;
	v15 =	vor.u32 v9, v10;
	v10 =	vshrl.u32 v0, $0x3;
	v9 =	vor.u32 $0x8, v0  }
0x15: {  	s25 =	sadd.s32 $0x8C600, s13;
	[dreg:$0x9] =	wrdreg s26;
	s26 =	simm.s32 $0x2C00;
	v16 =	vperm.xlane v15, v8;
	v10 =	vmul.u32 $0x8, v10;
	v17 =	vperm.xlane v15, v9  }
0x16: {  	s13 =	simm.s32 $0xB400;
	[dreg:$0x8] =	wrdreg s25;
	s25 =	simm.s32 $0x2400;
	v2 =	vmov s4;
	v12 =	vshrl.u32 v12, $0x1;
	v13 =	vshrl.u32 v13, $0x1  }
0x17: {  	[tilespmem:$0x1FFF0] =	vst v28;
	s4 =	simm.s32 $0x6400;
	s10 =	simm.s32 $0x7C00;
	s17 =	simm.s32 $0x8C00;
	v15 =	vadd.s32 v10, v16;
	v16 =	vadd.s32 v10, v17;
	v17 =	vimm.s32 $0x0  }
.LBB2_1:
0x18: {  	[tilespmem:$0x380] =	vst v3  }
0x19: {  	[tilespmem:$0x390] =	vst v5  }
0x1a: {  	[tilespmem:$0x3A0] =	vst v6  }
0x1b: {  	[tilespmem:$0x3B0] =	vst v7  }
0x1c: {  	[tilespmem:$0x3C0] =	vst v11  }
0x1d: {  	[tilespmem:$0x3D0] =	vst v12  }
0x1e: {  	[tilespmem:$0x3E0] =	vst v13  }
0x1f: {  	[tilespmem:$0x3F0] =	vst v14;
	s20 =	rddreg [dreg:$0x1]  }
0x20: {  	[tilespmem:s22], [sflag:$0x1] =	stream.indirect_vreg.gather [hbm4b:s20+s5], $0x80, v15, vm0, $0xb8;
	[tilespmem:$0x18490] =	vst v63  }
0x21: {  	_ = 	snop  }
0x22: {  	[tilespmem:s23], [sflag:$0x1] =	stream.indirect_vreg.gather [hbm4b:s7+s5], $0x80, v15, vm0, $0xb8;
	[tilespmem:$0x18490] =	vst v63  }
0x23: {  	s23 =	simm.s32 $0x1400  }
0x24: {  	[tilespmem:s23], [sflag:$0x1] =	stream.indirect_vreg.gather [hbm4b:s8+s5], $0x80, v15, vm0, $0xb8;
	[tilespmem:$0x18490] =	vst v63  }
0x25: {  	_ = 	snop  }
0x26: {  	[tilespmem:s21], [sflag:$0x1] =	stream.indirect_vreg.gather [hbm4b:s20+s5], $0x80, v16, vm0, $0xb8;
	[tilespmem:$0x18490] =	vst v63  }
0x27: {  	_ = 	snop  }
0x28: {  	[tilespmem:s25], [sflag:$0x1] =	stream.indirect_vreg.gather [hbm4b:s7+s5], $0x80, v16, vm0, $0xb8;
	[tilespmem:$0x18490] =	vst v63  }
0x29: {  	_ = 	snop  }
0x2a: {  	[tilespmem:s26], [sflag:$0x1] =	stream.indirect_vreg.gather [hbm4b:s8+s5], $0x80, v16, vm0, $0xb8;
	[tilespmem:$0x18490] =	vst v63  }
0x2b: {  	v28 =	vld [tilespmem:$0x390];
	_ =	sdelay $0x4  }
0x2c: {  	v29 =	vshrl.u32 v28, $0x3  }
0x2d: {  	v29 =	vmul.u32 $0x30, v29  }
0x2e: {  	v28 =	vand.u32 $0x7, v28  }
0x2f: {  	v28 =	vor.u32 v28, v29  }
0x30: {  	v29 =	vperm.xlane v28, v8;
	_ =	sdelay $0x1  }
0x31: {  	v29 =	vadd.s32 v10, v29;
	_ =	sdelay $0x3  }
0x32: {  	v28 =	vperm.xlane v28, v9  }
0x33: {  	[tilespmem:s28], [sflag:$0x1] =	stream.indirect_vreg.gather [hbm4b:s20+s5], $0x80, v29, vm0, $0xb8;
	[tilespmem:$0x18490] =	vst v63  }
0x34: {  	v28 =	vadd.s32 v10, v28  }
0x35: {  	[tilespmem:s29], [sflag:$0x1] =	stream.indirect_vreg.gather [hbm4b:s7+s5], $0x80, v29, vm0, $0xb8;
	[tilespmem:$0x18490] =	vst v63  }
0x36: {  	_ = 	snop  }
0x37: {  	[tilespmem:s30], [sflag:$0x1] =	stream.indirect_vreg.gather [hbm4b:s8+s5], $0x80, v29, vm0, $0xb8;
	[tilespmem:$0x18490] =	vst v63  }
0x38: {  	_ = 	snop  }
0x39: {  	[tilespmem:s31], [sflag:$0x1] =	stream.indirect_vreg.gather [hbm4b:s20+s5], $0x80, v28, vm0, $0xb8;
	[tilespmem:$0x18490] =	vst v63  }
0x3a: {  	_ = 	snop  }
0x3b: {  	[tilespmem:s0], [sflag:$0x1] =	stream.indirect_vreg.gather [hbm4b:s7+s5], $0x80, v28, vm0, $0xb8;
	[tilespmem:$0x18490] =	vst v63  }
0x3c: {  	_ = 	snop  }
0x3d: {  	[tilespmem:s2], [sflag:$0x1] =	stream.indirect_vreg.gather [hbm4b:s8+s5], $0x80, v28, vm0, $0xb8;
	[tilespmem:$0x18490] =	vst v63  }
0x3e: {  	v28 =	vld [tilespmem:$0x3A0];
	_ =	sdelay $0x4  }
0x3f: {  	v29 =	vshrl.u32 v28, $0x3  }
0x40: {  	v29 =	vmul.u32 $0x30, v29  }
0x41: {  	v28 =	vand.u32 $0x7, v28  }
0x42: {  	v28 =	vor.u32 v28, v29  }
0x43: {  	v29 =	vperm.xlane v28, v8;
	_ =	sdelay $0x1  }
0x44: {  	v29 =	vadd.s32 v10, v29;
	_ =	sdelay $0x3  }
0x45: {  	v28 =	vperm.xlane v28, v9  }
0x46: {  	[tilespmem:s4], [sflag:$0x1] =	stream.indirect_vreg.gather [hbm4b:s20+s5], $0x80, v29, vm0, $0xb8;
	[tilespmem:$0x18490] =	vst v63  }
0x47: {  	v28 =	vadd.s32 v10, v28  }
0x48: {  	[tilespmem:s9], [sflag:$0x1] =	stream.indirect_vreg.gather [hbm4b:s7+s5], $0x80, v29, vm0, $0xb8;
	[tilespmem:$0x18490] =	vst v63  }
0x49: {  	_ = 	snop  }
0x4a: {  	[tilespmem:s15], [sflag:$0x1] =	stream.indirect_vreg.gather [hbm4b:s8+s5], $0x80, v29, vm0, $0xb8;
	[tilespmem:$0x18490] =	vst v63  }
0x4b: {  	_ = 	snop  }
0x4c: {  	[tilespmem:s10], [sflag:$0x1] =	stream.indirect_vreg.gather [hbm4b:s20+s5], $0x80, v28, vm0, $0xb8;
	[tilespmem:$0x18490] =	vst v63  }
0x4d: {  	_ = 	snop  }
0x4e: {  	[tilespmem:s16], [sflag:$0x1] =	stream.indirect_vreg.gather [hbm4b:s7+s5], $0x80, v28, vm0, $0xb8;
	[tilespmem:$0x18490] =	vst v63  }
0x4f: {  	_ = 	snop  }
0x50: {  	[tilespmem:s17], [sflag:$0x1] =	stream.indirect_vreg.gather [hbm4b:s8+s5], $0x80, v28, vm0, $0xb8;
	[tilespmem:$0x18490] =	vst v63  }
0x51: {  	v28 =	vld [tilespmem:$0x3B0];
	_ =	sdelay $0x4  }
0x52: {  	v29 =	vshrl.u32 v28, $0x3  }
0x53: {  	v29 =	vmul.u32 $0x30, v29  }
0x54: {  	v28 =	vand.u32 $0x7, v28  }
0x55: {  	v28 =	vor.u32 v28, v29  }
0x56: {  	v29 =	vperm.xlane v28, v8;
	_ =	sdelay $0x1  }
0x57: {  	v29 =	vadd.s32 v10, v29;
	_ =	sdelay $0x3  }
0x58: {  	v28 =	vperm.xlane v28, v9  }
0x59: {  	[tilespmem:s18], [sflag:$0x1] =	stream.indirect_vreg.gather [hbm4b:s20+s5], $0x80, v29, vm0, $0xb8;
	[tilespmem:$0x18490] =	vst v63  }
0x5a: {  	v28 =	vadd.s32 v10, v28  }
0x5b: {  	[tilespmem:s19], [sflag:$0x1] =	stream.indirect_vreg.gather [hbm4b:s7+s5], $0x80, v29, vm0, $0xb8;
	[tilespmem:$0x18490] =	vst v63  }
0x5c: {  	_ = 	snop  }
0x5d: {  	[tilespmem:s14], [sflag:$0x1] =	stream.indirect_vreg.gather [hbm4b:s8+s5], $0x80, v29, vm0, $0xb8;
	[tilespmem:$0x18490] =	vst v63  }
0x5e: {  	_ = 	snop  }
0x5f: {  	[tilespmem:s24], [sflag:$0x1] =	stream.indirect_vreg.gather [hbm4b:s20+s5], $0x80, v28, vm0, $0xb8;
	[tilespmem:$0x18490] =	vst v63  }
0x60: {  	_ = 	snop  }
0x61: {  	[tilespmem:s13], [sflag:$0x1] =	stream.indirect_vreg.gather [hbm4b:s7+s5], $0x80, v28, vm0, $0xb8;
	[tilespmem:$0x18490] =	vst v63  }
0x62: {  	_ = 	snop  }
0x63: {  	[tilespmem:s1], [sflag:$0x1] =	stream.indirect_vreg.gather [hbm4b:s8+s5], $0x80, v28, vm0, $0xb8;
	[tilespmem:$0x18490] =	vst v63  }
0x64: {  	v28 =	vld [tilespmem:$0x3C0];
	_ =	sdelay $0x4  }
0x65: {  	v29 =	vshrl.u32 v28, $0x3  }
0x66: {  	v29 =	vmul.u32 $0x30, v29  }
0x67: {  	v28 =	vand.u32 $0x7, v28  }
0x68: {  	v28 =	vor.u32 v28, v29  }
0x69: {  	v29 =	vperm.xlane v28, v8;
	_ =	sdelay $0x1  }
0x6a: {  	v29 =	vadd.s32 v10, v29;
	_ =	sdelay $0x3  }
0x6b: {  	s29 =	simm.s32 $0xC400;
	v28 =	vperm.xlane v28, v9  }
0x6c: {  	[tilespmem:s29], [sflag:$0x1] =	stream.indirect_vreg.gather [hbm4b:s20+s5], $0x80, v29, vm0, $0xb8;
	[tilespmem:$0x18490] =	vst v63  }
0x6d: {  	s30 =	simm.s32 $0xCC00;
	v28 =	vadd.s32 v10, v28  }
0x6e: {  	[tilespmem:s30], [sflag:$0x1] =	stream.indirect_vreg.gather [hbm4b:s7+s5], $0x80, v29, vm0, $0xb8;
	[tilespmem:$0x18490] =	vst v63  }
0x6f: {  	s31 =	simm.s32 $0xD400  }
0x70: {  	[tilespmem:s31], [sflag:$0x1] =	stream.indirect_vreg.gather [hbm4b:s8+s5], $0x80, v29, vm0, $0xb8;
	[tilespmem:$0x18490] =	vst v63  }
0x71: {  	s1 =	simm.s32 $0xDC00  }
0x72: {  	[tilespmem:s1], [sflag:$0x1] =	stream.indirect_vreg.gather [hbm4b:s20+s5], $0x80, v28, vm0, $0xb8;
	[tilespmem:$0x18490] =	vst v63  }
0x73: {  	s2 =	simm.s32 $0xE400  }
0x74: {  	[tilespmem:s2], [sflag:$0x1] =	stream.indirect_vreg.gather [hbm4b:s7+s5], $0x80, v28, vm0, $0xb8;
	[tilespmem:$0x18490] =	vst v63  }
0x75: {  	s4 =	simm.s32 $0xEC00  }
0x76: {  	[tilespmem:s4], [sflag:$0x1] =	stream.indirect_vreg.gather [hbm4b:s8+s5], $0x80, v28, vm0, $0xb8;
	[tilespmem:$0x18490] =	vst v63  }
0x77: {  	v28 =	vld [tilespmem:$0x3D0];
	_ =	sdelay $0x4  }
0x78: {  	v29 =	vshrl.u32 v28, $0x3  }
0x79: {  	v29 =	vmul.u32 $0x30, v29  }
0x7a: {  	v28 =	vand.u32 $0x7, v28  }
0x7b: {  	v28 =	vor.u32 v28, v29  }
0x7c: {  	v29 =	vperm.xlane v28, v8;
	_ =	sdelay $0x1  }
0x7d: {  	v29 =	vadd.s32 v10, v29;
	_ =	sdelay $0x3  }
0x7e: {  	s9 =	simm.s32 $0xF400;
	v28 =	vperm.xlane v28, v9  }
0x7f: {  	[tilespmem:s9], [sflag:$0x1] =	stream.indirect_vreg.gather [hbm4b:s20+s5], $0x80, v29, vm0, $0xb8;
	[tilespmem:$0x18490] =	vst v63  }
0x80: {  	s10 =	simm.s32 $0xFC00;
	v28 =	vadd.s32 v10, v28  }
0x81: {  	[tilespmem:s10], [sflag:$0x1] =	stream.indirect_vreg.gather [hbm4b:s7+s5], $0x80, v29, vm0, $0xb8;
	[tilespmem:$0x18490] =	vst v63  }
0x82: {  	s13 =	simm.s32 $0x10400  }
0x83: {  	[tilespmem:s13], [sflag:$0x1] =	stream.indirect_vreg.gather [hbm4b:s8+s5], $0x80, v29, vm0, $0xb8;
	[tilespmem:$0x18490] =	vst v63  }
0x84: {  	s14 =	simm.s32 $0x10C00  }
0x85: {  	[tilespmem:s14], [sflag:$0x1] =	stream.indirect_vreg.gather [hbm4b:s20+s5], $0x80, v28, vm0, $0xb8;
	[tilespmem:$0x18490] =	vst v63  }
0x86: {  	s15 =	simm.s32 $0x11400  }
0x87: {  	[tilespmem:s15], [sflag:$0x1] =	stream.indirect_vreg.gather [hbm4b:s7+s5], $0x80, v28, vm0, $0xb8;
	[tilespmem:$0x18490] =	vst v63  }
0x88: {  	s16 =	simm.s32 $0x11C00  }
0x89: {  	[tilespmem:s16], [sflag:$0x1] =	stream.indirect_vreg.gather [hbm4b:s8+s5], $0x80, v28, vm0, $0xb8;
	[tilespmem:$0x18490] =	vst v63  }
0x8a: {  	v28 =	vld [tilespmem:$0x3E0];
	_ =	sdelay $0x4  }
0x8b: {  	v29 =	vshrl.u32 v28, $0x3  }
0x8c: {  	v29 =	vmul.u32 $0x30, v29  }
0x8d: {  	v28 =	vand.u32 $0x7, v28  }
0x8e: {  	v28 =	vor.u32 v28, v29  }
0x8f: {  	v29 =	vperm.xlane v28, v8;
	_ =	sdelay $0x1  }
0x90: {  	v29 =	vadd.s32 v10, v29;
	_ =	sdelay $0x3  }
0x91: {  	s17 =	simm.s32 $0x12400;
	v28 =	vperm.xlane v28, v9  }
0x92: {  	[tilespmem:s17], [sflag:$0x1] =	stream.indirect_vreg.gather [hbm4b:s20+s5], $0x80, v29, vm0, $0xb8;
	[tilespmem:$0x18490] =	vst v63  }
0x93: {  	s18 =	simm.s32 $0x12C00;
	v28 =	vadd.s32 v10, v28  }
0x94: {  	[tilespmem:s18], [sflag:$0x1] =	stream.indirect_vreg.gather [hbm4b:s7+s5], $0x80, v29, vm0, $0xb8;
	[tilespmem:$0x18490] =	vst v63  }
0x95: {  	s19 =	simm.s32 $0x13400  }
0x96: {  	[tilespmem:s19], [sflag:$0x1] =	stream.indirect_vreg.gather [hbm4b:s8+s5], $0x80, v29, vm0, $0xb8;
	[tilespmem:$0x18490] =	vst v63  }
0x97: {  	s21 =	simm.s32 $0x13C00  }
0x98: {  	[tilespmem:s21], [sflag:$0x1] =	stream.indirect_vreg.gather [hbm4b:s20+s5], $0x80, v28, vm0, $0xb8;
	[tilespmem:$0x18490] =	vst v63  }
0x99: {  	s22 =	simm.s32 $0x14400  }
0x9a: {  	[tilespmem:s22], [sflag:$0x1] =	stream.indirect_vreg.gather [hbm4b:s7+s5], $0x80, v28, vm0, $0xb8;
	[tilespmem:$0x18490] =	vst v63  }
0x9b: {  	s23 =	simm.s32 $0x14C00  }
0x9c: {  	[tilespmem:s23], [sflag:$0x1] =	stream.indirect_vreg.gather [hbm4b:s8+s5], $0x80, v28, vm0, $0xb8;
	[tilespmem:$0x18490] =	vst v63  }
0x9d: {  	v28 =	vld [tilespmem:$0x3F0];
	_ =	sdelay $0x4  }
0x9e: {  	v29 =	vshrl.u32 v28, $0x3  }
0x9f: {  	v29 =	vmul.u32 $0x30, v29  }
0xa0: {  	v28 =	vand.u32 $0x7, v28  }
0xa1: {  	v28 =	vor.u32 v28, v29  }
0xa2: {  	v29 =	vperm.xlane v28, v8;
	_ =	sdelay $0x1  }
0xa3: {  	v29 =	vadd.s32 v10, v29;
	_ =	sdelay $0x3  }
0xa4: {  	s24 =	simm.s32 $0x15400;
	v28 =	vperm.xlane v28, v9  }
0xa5: {  	[tilespmem:s24], [sflag:$0x1] =	stream.indirect_vreg.gather [hbm4b:s20+s5], $0x80, v29, vm0, $0xb8;
	[tilespmem:$0x18490] =	vst v63  }
0xa6: {  	s25 =	simm.s32 $0x15C00;
	v28 =	vadd.s32 v10, v28  }
0xa7: {  	[tilespmem:s25], [sflag:$0x1] =	stream.indirect_vreg.gather [hbm4b:s7+s5], $0x80, v29, vm0, $0xb8;
	[tilespmem:$0x18490] =	vst v63  }
0xa8: {  	s26 =	simm.s32 $0x16400  }
0xa9: {  	[tilespmem:s26], [sflag:$0x1] =	stream.indirect_vreg.gather [hbm4b:s8+s5], $0x80, v29, vm0, $0xb8;
	[tilespmem:$0x18490] =	vst v63  }
0xaa: {  	s28 =	simm.s32 $0x16C00  }
0xab: {  	[tilespmem:s28], [sflag:$0x1] =	stream.indirect_vreg.gather [hbm4b:s20+s5], $0x80, v28, vm0, $0xb8;
	[tilespmem:$0x18490] =	vst v63  }
0xac: {  	s30 =	simm.s32 $0x17400  }
0xad: {  	[tilespmem:s30], [sflag:$0x1] =	stream.indirect_vreg.gather [hbm4b:s7+s5], $0x80, v28, vm0, $0xb8;
	[tilespmem:$0x18490] =	vst v63  }
0xae: {  	s29 =	simm.s32 $0x17C00  }
0xaf: {  	[tilespmem:s29], [sflag:$0x1] =	stream.indirect_vreg.gather [hbm4b:s8+s5], $0x80, v28, vm0, $0xb8;
	[tilespmem:$0x18490] =	vst v63  }
0xb0: {  	s31 =	rddreg [dreg:$0x6];
	s2 =	simm.s32 $0x3  }
0xb1: {  	[tilespmem:s5], [sflag:$0x3] =	stream.linear.gather [hbm4b:s31+s5], $0x100, $0x38;
	[tilespmem:$0x18490] =	vst v63  }
0xb2: {  	_ =	swait.ge [sflag:s2], $0x100  }
0xb3: {  	[sflag:s2] =	ssyncset.done $0x0  }
0xb4: {  	s21 =	simm.s32 $0x0;
	v29 =	vimm.s32 $0x0;
	v28 =	vimm.s32 $0x0;
	[sflag:s2] =	ssyncadd.s32 $0xFFFFFF00  }
.LBB2_2:
0xb5: {  	s22 =	sshll.u32 s21, $0x4  }
0xb6: {  	s22 =	sand.u32 $0x3FFFFFF0, s22  }
0xb7: {  	v30 =	vld [tilespmem:s22+$0x0];
	_ =	sdelay $0x3  }
0xb8: {  	s23 =	simm.s32 $0x0  }
0xb9: {  	vm0 =	veq.s32 v30, s23  }
0xba: {  	v31 =	vsel vm0, $0x1, v17  }
0xbb: {  	(xrf0) =	vadd.scan.msk.s32 $0xffff, v31;
	_ =	sdelay $0x4  }
0xbc: {  	s22 =	simm.s32 $0x1  }
0xbd: {  	vm0 =	veq.s32 v30, s22;
	v31, _, _ =	vpop (xrf0)  }
0xbe: {  	v33 =	vperm.xlane v31, v18;
	v31 =	vsel vm0, $0x1, v17  }
0xbf: {  	(xrf0) =	vadd.scan.msk.s32 $0xffff, v31  }
0xc0: {  	v32 =	vmov s23  }
0xc1: {  	vm0 =	veq.s32 v32, v0  }
0xc2: {  	s23 =	simm.s32 $0x2;
	v31 =	vimm.s32 $0x0;
	v32 =	vnsel vm0, $0x0, v33  }
.LBB2_3:
0xc3: {  	vm0 =	veq.s32 v30, s23;
	p1 =	sne.s32 s23, $0x7;
	v31 =	vadd.s32 v31, v32;
	s24 =	smov.u32 s23;
	s23 =	sadd.s32 $0x1, s23  }
.Ltmp0:
0xc4: {  	v33 =	vsel vm0, $0x1, v17;
	(pc) =	sbr.rel @p1 .LBB2_3-.Ltmp0, $4  }
0xc5: {  	(xrf0) =	vadd.scan.msk.s32 $0xffff, v33;
	v32, _, _ =	vpop (xrf0)  }
0xc6: {  	v33 =	vmov s22;
	s22 =	smov.u32 s24;
	v32 =	vperm.xlane v32, v18  }
0xc7: {  	vm0 =	veq.s32 v33, v0  }
0xc8: {  	v32 =	vnsel vm0, $0x0, v32  }
0xc9: {  	_ =	sdelay $0x1  }
0xca: {  	v30, _, _ =	vpop (xrf0)  }
0xcb: {  	v33 =	vmov s22;
	p1 =	slt.u32 s21, $0x8;
	s22 =	simm.s32 $0x1;
	s21 =	sadd.s32 $0x1, s21;
	v30 =	vperm.xlane v30, v18  }
0xcc: {  	vm0 =	veq.s32 v33, v0;
	s22 =	simm.s32 @!p1 $0x0;
	p1 =	sne.s32 s21, $0x10  }
.Ltmp1:
0xcd: {  	v31 =	vadd.s32 v31, v32;
	v30 =	vnsel vm0, $0x0, v30;
	(pc) =	sbr.rel @p1 .LBB2_2-.Ltmp1, $3  }
0xce: {  	v30 =	vadd.s32 v31, v30  }
0xcf: {  	v31 =	vmul.u32 s22, v30;
	_ =	sdelay $0x1  }
0xd0: {  	v29 =	vadd.s32 v29, v30;
	v28 =	vadd.s32 v28, v31  }
0xd1: {  	[tilespmem:$0x100] =	vst v29;
	s21 =	rddreg [dreg:$0x7];
	s0 =	simm.s32 $0x100  }
0xd2: {  	[spmem:s21] =	stream.linear.scatter [tilespmem:s0], [sflag:$0x3], $0x10, $0x38;
	[tilespmem:$0x18490] =	vst v63  }
0xd3: {  	_ =	swait.ge [sflag:s2], $0x10  }
0xd4: {  	[sflag:s2] =	ssyncset.done $0x0  }
0xd5: {  	[sflag:s2] =	ssyncadd.s32 $0xFFFFFFF0  }
0xd6: {  	[bflag:$0x0] =	sbarrier.arrive $0xFFFF  }
0xd7: {  	s31 =	simm.s32 $0x180;
	s22 =	rddreg [dreg:$0x4]  }
0xd8: {  	[tilespmem:s31], [sflag:$0x3] =	stream.linear.gather [spmem:s22], $0x100, $0x38;
	[tilespmem:$0x18490] =	vst v63  }
0xd9: {  	_ =	swait.ge [sflag:s2], $0x100  }
0xda: {  	[sflag:s2] =	ssyncset.done $0x0  }
0xdb: {  	[sflag:s2] =	ssyncadd.s32 $0xFFFFFF00  }
0xdc: {  	v30 =	vld [tilespmem:s31+$0x0];
	_ =	sdelay $0x2  }
0xdd: {  	p1 =	sgt.u32 s3, $0x0;
	s22 =	simm.s32 $0x1  }
0xde: {  	v29 =	vimm.s32 $0x0;
	s22 =	simm.s32 @!p1 $0x0  }
0xdf: {  	s21 =	simm.s32 $0x1;
	v31 =	vadd.s32 v29, v30;
	v30 =	vmul.u32 s22, v30;
	s22 =	simm.s32 $0x190  }
.LBB2_6:
0xe0: {  	v32 =	vld [tilespmem:s22+$0x0];
	p1 =	sne.s32 s21, $0xF;
	s23 =	smov.u32 s21;
	s21 =	sadd.s32 $0x1, s21  }
.Ltmp2:
0xe1: {  	v29 =	vadd.s32 v29, v30;
	(pc) =	sbr.rel @p1 .LBB2_6-.Ltmp2, $4  }
0xe2: {  	_ = 	snop  }
0xe3: {  	p2 =	slt.u32 s23, s3;
	s23 =	simm.s32 $0x1  }
0xe4: {  	s23 =	simm.s32 @!p2 $0x0  }
0xe5: {  	s22 =	sadd.s32 $0x10, s22;
	v31 =	vadd.s32 v31, v32;
	v30 =	vmul.u32 s23, v32  }
0xe6: {  	v31 =	vadd.s32 $0xFF, v31  }
0xe7: {  	v31 =	vshra.s32 v31, $0x8  }
0xe8: {  	(xrf0) =	vadd.scan.msk.s32 $0xffff, v31;
	_ =	sdelay $0x5  }
0xe9: {  	v32, _, _ =	vpop (xrf0)  }
0xea: {  	v31 =	vsub.s32 v32, v31  }
0xeb: {  	v32 =	vperm.xlane v32, v19;
	v33 =	vperm.xlane v31, v17  }
0xec: {  	v34 =	vperm.xlane v31, v20;
	v35 =	vperm.xlane v31, v22  }
0xed: {  	v38 =	vperm.xlane v31, v23;
	v39 =	vperm.xlane v31, v24  }
0xee: {  	v59 =	vperm.xlane v31, v25;
	v41 =	vperm.xlane v31, v26  }
0xef: {  	v42 =	vperm.xlane v31, v19;
	vm0 =	vgt.s32 v33, v0;
	vm1 =	vgt.s32 v33, v1  }
0xf0: {  	vm10 =	vlt.s32 v34, v27;
	v36 =	vsel vm0, $0xFFFFFFFF, v17;
	vm0 =	vlt.s32 v34, v21  }
0xf1: {  	v33 =	vsel vm1, $0xFFFFFFFF, v17;
	v34 =	vsel vm10, $0x1, v17;
	vm1 =	vlt.s32 v35, v27  }
0xf2: {  	v37 =	vsel vm0, $0x1, v17;
	vm0 =	vlt.s32 v35, v21;
	v33 =	vadd.s32 v33, v34  }
0xf3: {  	v63 =	vsel vm1, $0x1, v17;
	vm1 =	vlt.s32 v38, v27;
	v36 =	vadd.s32 v36, v37  }
0xf4: {  	v58 =	vsel vm0, $0x1, v17;
	vm0 =	vlt.s32 v38, v21;
	v33 =	vadd.s32 v63, v33  }
0xf5: {  	v38 =	vsel vm1, $0x1, v17;
	vm1 =	vlt.s32 v39, v27;
	v36 =	vadd.s32 v58, v36  }
0xf6: {  	v40 =	vsel vm0, $0x1, v17;
	vm0 =	vlt.s32 v39, v21;
	v33 =	vadd.s32 v38, v33  }
0xf7: {  	v36 =	vadd.s32 v40, v36;
	v60 =	vsel vm0, $0x1, v17;
	vm0 =	vlt.s32 v59, v21  }
0xf8: {  	v40 =	vsel vm1, $0x1, v17;
	vm1 =	vlt.s32 v59, v27;
	v36 =	vadd.s32 v60, v36  }
0xf9: {  	v47 =	vld [tilespmem:$0x1FFE0];
	v61 =	vsel vm0, $0x1, v17;
	vm0 =	vlt.s32 v41, v21;
	v33 =	vadd.s32 v40, v33  }
0xfa: {  	v43 =	vsel vm1, $0x1, v17;
	vm1 =	vlt.s32 v41, v27;
	v36 =	vadd.s32 v61, v36  }
0xfb: {  	v62 =	vsel vm0, $0x1, v17;
	vm0 =	vlt.s32 v42, v21;
	v33 =	vadd.s32 v43, v33  }
0xfc: {  	v44 =	vsel vm1, $0x1, v17;
	vm1 =	vlt.s32 v42, v27;
	v36 =	vadd.s32 v62, v36  }
0xfd: {  	v45 =	vsel vm0, $0x1, v17;
	v33 =	vadd.s32 v44, v33;
	v46 =	vsel vm1, $0x1, v17  }
0xfe: {  	vm0 =	vnez.u8 v47;
	v35 =	vadd.s32 v45, v36;
	v33 =	vadd.s32 v46, v33  }
0xff: {  	[tilespmem:$0x18400] =	vst v35;
	v32 =	vsel vm0, v33, v32  }
0x100: {  	s21 =	simm.s32 @!p0 $0x0;
	s22 =	simm.s32 @!p0 $0x18400;
	s23 =	rddreg [dreg:$0x3];
	[tilespmem:$0x18410] =	vst v32  }
0x101: {  	[hbm4b:s23+s21] =	stream.linear.scatter @!p0 [tilespmem:s22], [sflag:$0x3], $0x80, $0x38;
	[tilespmem:$0x18490] =	vst v63  }
0x102: {  	s21 =	simm.s32 @!p0 $0x3  }
0x103: {  	_ =	swait.ge @!p0 [sflag:s21], $0x80  }
0x104: {  	[sflag:s21] =	ssyncset.done @!p0 $0x0  }
0x105: {  	[sflag:s21] =	ssyncadd.s32 @!p0 $0xFFFFFF80;
	s21 =	simm.s32 $0x0  }
0x106: {  	v48 =	vld.idx.msk [tilespmem:v4+s21+$0x0 ss:$0x1], $0xffff;
	_ =	sdelay $0x4  }
0x107: {  	vm15 =	veq.s32 v48, $0x0  }
0x108: {  	vm0 =	veq.s32 v48, $0x1;
	v49 =	vsel vm15, $0x1, v17  }
0x109: {  	v50 =	vsel vm0, $0x1, v17;
	(xrf0) =	vadd.scan.msk.s32 $0xffff, v49  }
0x10a: {  	vm1 =	veq.s32 v48, $0x2;
	(xrf0) =	vadd.scan.msk.s32 $0xffff, v50  }
0x10b: {  	vm10 =	veq.s32 v48, $0x3;
	v51 =	vsel vm1, $0x1, v17  }
0x10c: {  	v29 =	vadd.s32 v29, v30;
	vm14 =	veq.s32 v48, $0x4;
	v30 =	vsel vm10, $0x1, v17;
	(xrf0) =	vadd.scan.msk.s32 $0xffff, v51  }
0x10d: {  	v28 =	vmul.u32 v2, v28;
	vm11 =	veq.s32 v48, $0x5;
	v52 =	vsel vm14, $0x1, v17;
	(xrf0) =	vadd.scan.msk.s32 $0xffff, v30  }
0x10e: {  	vm12 =	veq.s32 v48, $0x6;
	v30 =	vshll.u32 v31, $0x8;
	v31 =	vsel vm11, $0x1, v17;
	(xrf0) =	vadd.scan.msk.s32 $0xffff, v52  }
0x10f: {  	v28 =	vadd.s32 v28, v29;
	vm13 =	veq.s32 v48, $0x7;
	v29 =	vsel vm12, $0x1, v17;
	(xrf0) =	vadd.scan.msk.s32 $0xffff, v31;
	v53, _, _ =	vpop (xrf0)  }
0x110: {  	v31 =	vsel vm13, $0x1, v17;
	(xrf0) =	vadd.scan.msk.s32 $0xffff, v29;
	v55, _, _ =	vpop (xrf0)  }
0x111: {  	v28 =	vadd.s32 v30, v28;
	(xrf0) =	vadd.scan.msk.s32 $0xffff, v31;
	v31 =	vperm.xlane v55, v18  }
0x112: {  	v30 =	vimm.s32 $0x0;
	v29 =	vnsel vm15, $0x0, v53;
	v33 =	vperm.xlane v53, v18  }
0x113: {  	v54 =	vadd.s32 v30, v28;
	v29 =	vsel vm0, v55, v29;
	v56, _, _ =	vpop (xrf0);
	v31 =	vsel vm3, $0x0, v31  }
0x114: {  	v34 =	vperm.xlane v54, v48;
	v33 =	vnsel vm2, $0x0, v33;
	v29 =	vsel vm1, v56, v29;
	v57, _, _ =	vpop (xrf0)  }
0x115: {  	v32 =	vperm.xlane v56, v18;
	v29 =	vsel vm10, v57, v29;
	v30 =	vadd.s32 v30, v33;
	v58, _, _ =	vpop (xrf0)  }
0x116: {  	v35 =	vperm.xlane v57, v18;
	v29 =	vsel vm14, v58, v29;
	v30 =	vadd.s32 v31, v30;
	v31, _, _ =	vpop (xrf0)  }
0x117: {  	v33 =	vperm.xlane v58, v18;
	v32 =	vsel vm4, $0x0, v32;
	v29 =	vsel vm11, v31, v29;
	v59, _, _ =	vpop (xrf0)  }
0x118: {  	v60 =	vadd.s32 v32, v30;
	v35 =	vsel vm5, $0x0, v35;
	v29 =	vsel vm12, v59, v29;
	v61, _, _ =	vpop (xrf0)  }
0x119: {  	v32 =	vsel vm6, $0x0, v33;
	v31 =	vperm.xlane v31, v18;
	v62 =	vsel vm13, v61, v29  }
0x11a: {  	v30 =	vperm.xlane v59, v18;
	v29 =	vperm.xlane v61, v18;
	v63 =	vadd.s32 v62, v34  }
0x11b: {  	s1 =	simm.s32 $0x1400;
	s20 =	simm.s32 $0xC400;
	s22 =	simm.s32 $0x40;
	v31 =	vsel vm7, $0x0, v31;
	v34 =	vadd.s32 v35, v60;
	v33 =	vadd.s32 $0xFFFFFFFF, v63  }
.LBB2_8:
0x11c: {  	p1 =	sne.s32 s22, $0x1C0;
	v30 =	vsel vm8, $0x0, v30;
	[tilespmem:s21+$0x280] =	vst v33;
	v32 =	vadd.s32 v32, v34;
	s23 =	smov.u32 s22;
	s22 =	sadd.s32 $0x40, s22  }
0x11d: {  	v29 =	vsel vm9, $0x0, v29;
	[tilespmem:s21+$0x300] =	vst v33;
	s21 =	sshra.s32 s23, $0x2;
	v31 =	vadd.s32 v31, v32  }
0x11e: {  	v32 =	vld.idx.msk [tilespmem:v4+s21+$0x0 ss:$0x1], $0xffff;
	v30 =	vadd.s32 v30, v31  }
0x11f: {  	v29 =	vadd.s32 v29, v30;
	_ =	sdelay $0x4  }
0x120: {  	vm0 =	veq.s32 v32, $0x0  }
0x121: {  	vm1 =	veq.s32 v32, $0x1;
	v30 =	vsel vm0, $0x1, v17  }
0x122: {  	vm15 =	veq.s32 v32, $0x2;
	v31 =	vsel vm1, $0x1, v17;
	(xrf0) =	vadd.scan.msk.s32 $0xffff, v30  }
0x123: {  	vm13 =	veq.s32 v32, $0x3;
	v30 =	vsel vm15, $0x1, v17;
	(xrf0) =	vadd.scan.msk.s32 $0xffff, v31  }
0x124: {  	vm14 =	veq.s32 v32, $0x4;
	v31 =	vsel vm13, $0x1, v17;
	(xrf0) =	vadd.scan.msk.s32 $0xffff, v30  }
0x125: {  	vm12 =	veq.s32 v32, $0x5;
	v30 =	vsel vm14, $0x1, v17;
	(xrf0) =	vadd.scan.msk.s32 $0xffff, v31  }
0x126: {  	vm11 =	veq.s32 v32, $0x6;
	v31 =	vsel vm12, $0x1, v17;
	(xrf0) =	vadd.scan.msk.s32 $0xffff, v30  }
0x127: {  	vm10 =	veq.s32 v32, $0x7;
	v30 =	vsel vm11, $0x1, v17;
	(xrf0) =	vadd.scan.msk.s32 $0xffff, v31  }
0x128: {  	v31 =	vsel vm10, $0x1, v17;
	v33, _, _ =	vpop (xrf0);
	(xrf0) =	vadd.scan.msk.s32 $0xffff, v30  }
0x129: {  	v34 =	vadd.s32 v29, v28;
	v30 =	vnsel vm0, $0x0, v33;
	v38 =	vperm.xlane v33, v18;
	v35, _, _ =	vpop (xrf0);
	(xrf0) =	vadd.scan.msk.s32 $0xffff, v31  }
0x12a: {  	v34 =	vperm.xlane v34, v32;
	v30 =	vsel vm1, v35, v30;
	v40 =	vperm.xlane v35, v18;
	v32, _, _ =	vpop (xrf0)  }
0x12b: {  	v36 =	vnsel vm2, $0x0, v38;
	v30 =	vsel vm15, v32, v30;
	v32 =	vperm.xlane v32, v18;
	v35, _, _ =	vpop (xrf0)  }
0x12c: {  	v37 =	vsel vm3, $0x0, v40;
	v30 =	vsel vm13, v35, v30;
	v29 =	vadd.s32 v29, v36;
	v33, _, _ =	vpop (xrf0)  }
0x12d: {  	v30 =	vsel vm14, v33, v30;
	v33 =	vperm.xlane v33, v18;
	v39 =	vadd.s32 v37, v29;
	v31, _, _ =	vpop (xrf0)  }
.Ltmp3:
0x12e: {  	v32 =	vsel vm4, $0x0, v32;
	v30 =	vsel vm12, v31, v30;
	v31 =	vperm.xlane v31, v18;
	v36, _, _ =	vpop (xrf0);
	(pc) =	sbr.rel @p1 .LBB2_8-.Ltmp3, $4  }
0x12f: {  	v35 =	vperm.xlane v35, v18;
	v38 =	vadd.s32 v32, v39;
	v37 =	vsel vm11, v36, v30;
	v29, _, _ =	vpop (xrf0)  }
0x130: {  	v30 =	vperm.xlane v36, v18;
	v36 =	vsel vm10, v29, v37;
	v29 =	vperm.xlane v29, v18  }
0x131: {  	v35 =	vsel vm5, $0x0, v35;
	v32 =	vsel vm6, $0x0, v33;
	v33 =	vadd.s32 v36, v34  }
0x132: {  	v31 =	vsel vm7, $0x0, v31;
	v34 =	vadd.s32 v35, v38;
	v33 =	vadd.s32 $0xFFFFFFFF, v33  }
0x133: {  	[tilespmem:s21+$0x280] =	vst v33  }
0x134: {  	[tilespmem:s21+$0x300] =	vst v33;
	s0 =	simm.s32 $0x1  }
0x135: {  	_ =	swait.ge [sflag:s0], $0x18000  }
0x136: {  	[sflag:s0] =	ssyncset.done $0x0  }
0x137: {  	[sflag:s0] =	ssyncadd.s32 $0xFFFE8000  }
0x138: {  	v28 =	vld [tilespmem:$0x300];
	_ =	sdelay $0x4  }
0x139: {  	v29 =	vshrl.u32 v28, $0x3  }
0x13a: {  	v29 =	vmul.u32 $0x30, v29  }
0x13b: {  	v28 =	vand.u32 $0x7, v28  }
0x13c: {  	v28 =	vor.u32 v28, v29  }
0x13d: {  	v29 =	vperm.xlane v28, v8  }
0x13e: {  	v30 =	vld [tilespmem:$0x1FFF0]  }
0x13f: {  	v29 =	vadd.s32 v10, v29;
	_ =	sdelay $0x3  }
0x140: {  	s18 =	simm.s32 $0x400;
	vm0 =	vnez.u8 v30;
	v28 =	vperm.xlane v28, v9  }
0x141: {  	[hbm4b:s6+s5] =	stream.indirect_vreg.scatter [tilespmem:s18], [sflag:$0x2], $0x80, v29, vm0, $0xb8;
	[tilespmem:$0x18490] =	vst v63  }
0x142: {  	s23 =	simm.s32 $0xC00;
	v28 =	vadd.s32 v10, v28  }
0x143: {  	[hbm4b:s11+s5] =	stream.indirect_vreg.scatter [tilespmem:s23], [sflag:$0x2], $0x80, v29, vm0, $0xb8;
	[tilespmem:$0x18490] =	vst v63  }
0x144: {  	_ = 	snop  }
0x145: {  	[hbm4b:s12+s5] =	stream.indirect_vreg.scatter [tilespmem:s1], [sflag:$0x2], $0x80, v29, vm0, $0xb8;
	[tilespmem:$0x18490] =	vst v63  }
0x146: {  	s19 =	simm.s32 $0x1C00  }
0x147: {  	[hbm4b:s6+s5] =	stream.indirect_vreg.scatter [tilespmem:s19], [sflag:$0x2], $0x80, v28, vm0, $0xb8;
	[tilespmem:$0x18490] =	vst v63  }
0x148: {  	s25 =	simm.s32 $0x2400  }
0x149: {  	[hbm4b:s11+s5] =	stream.indirect_vreg.scatter [tilespmem:s25], [sflag:$0x2], $0x80, v28, vm0, $0xb8;
	[tilespmem:$0x18490] =	vst v63  }
0x14a: {  	s26 =	simm.s32 $0x2C00  }
0x14b: {  	[hbm4b:s12+s5] =	stream.indirect_vreg.scatter [tilespmem:s26], [sflag:$0x2], $0x80, v28, vm0, $0xb8;
	[tilespmem:$0x18490] =	vst v63  }
0x14c: {  	v28 =	vld [tilespmem:$0x310];
	_ =	sdelay $0x4  }
0x14d: {  	v29 =	vshrl.u32 v28, $0x3  }
0x14e: {  	v29 =	vmul.u32 $0x30, v29  }
0x14f: {  	v28 =	vand.u32 $0x7, v28  }
0x150: {  	v28 =	vor.u32 v28, v29  }
0x151: {  	v29 =	vperm.xlane v28, v8;
	_ =	sdelay $0x1  }
0x152: {  	v29 =	vadd.s32 v10, v29;
	_ =	sdelay $0x3  }
0x153: {  	s28 =	simm.s32 $0x3400;
	v28 =	vperm.xlane v28, v9  }
0x154: {  	[hbm4b:s6+s5] =	stream.indirect_vreg.scatter [tilespmem:s28], [sflag:$0x2], $0x80, v29, vm0, $0xb8;
	[tilespmem:$0x18490] =	vst v63  }
0x155: {  	s29 =	simm.s32 $0x3C00;
	v28 =	vadd.s32 v10, v28  }
0x156: {  	[hbm4b:s11+s5] =	stream.indirect_vreg.scatter [tilespmem:s29], [sflag:$0x2], $0x80, v29, vm0, $0xb8;
	[tilespmem:$0x18490] =	vst v63  }
0x157: {  	s30 =	simm.s32 $0x4400  }
0x158: {  	[hbm4b:s12+s5] =	stream.indirect_vreg.scatter [tilespmem:s30], [sflag:$0x2], $0x80, v29, vm0, $0xb8;
	[tilespmem:$0x18490] =	vst v63  }
0x159: {  	s31 =	simm.s32 $0x4C00  }
0x15a: {  	[hbm4b:s6+s5] =	stream.indirect_vreg.scatter [tilespmem:s31], [sflag:$0x2], $0x80, v28, vm0, $0xb8;
	[tilespmem:$0x18490] =	vst v63  }
0x15b: {  	s0 =	simm.s32 $0x5400  }
0x15c: {  	[hbm4b:s11+s5] =	stream.indirect_vreg.scatter [tilespmem:s0], [sflag:$0x2], $0x80, v28, vm0, $0xb8;
	[tilespmem:$0x18490] =	vst v63  }
0x15d: {  	s2 =	simm.s32 $0x5C00  }
0x15e: {  	[hbm4b:s12+s5] =	stream.indirect_vreg.scatter [tilespmem:s2], [sflag:$0x2], $0x80, v28, vm0, $0xb8;
	[tilespmem:$0x18490] =	vst v63  }
0x15f: {  	v28 =	vld [tilespmem:$0x320];
	_ =	sdelay $0x4  }
0x160: {  	v29 =	vshrl.u32 v28, $0x3  }
0x161: {  	v29 =	vmul.u32 $0x30, v29  }
0x162: {  	v28 =	vand.u32 $0x7, v28  }
0x163: {  	v28 =	vor.u32 v28, v29  }
0x164: {  	v29 =	vperm.xlane v28, v8;
	_ =	sdelay $0x1  }
0x165: {  	v29 =	vadd.s32 v10, v29;
	_ =	sdelay $0x3  }
0x166: {  	s4 =	simm.s32 $0x6400;
	v28 =	vperm.xlane v28, v9  }
0x167: {  	[hbm4b:s6+s5] =	stream.indirect_vreg.scatter [tilespmem:s4], [sflag:$0x2], $0x80, v29, vm0, $0xb8;
	[tilespmem:$0x18490] =	vst v63  }
0x168: {  	s9 =	simm.s32 $0x6C00;
	v28 =	vadd.s32 v10, v28  }
0x169: {  	[hbm4b:s11+s5] =	stream.indirect_vreg.scatter [tilespmem:s9], [sflag:$0x2], $0x80, v29, vm0, $0xb8;
	[tilespmem:$0x18490] =	vst v63  }
0x16a: {  	s15 =	simm.s32 $0x7400  }
0x16b: {  	[hbm4b:s12+s5] =	stream.indirect_vreg.scatter [tilespmem:s15], [sflag:$0x2], $0x80, v29, vm0, $0xb8;
	[tilespmem:$0x18490] =	vst v63  }
0x16c: {  	s10 =	simm.s32 $0x7C00  }
0x16d: {  	[hbm4b:s6+s5] =	stream.indirect_vreg.scatter [tilespmem:s10], [sflag:$0x2], $0x80, v28, vm0, $0xb8;
	[tilespmem:$0x18490] =	vst v63  }
0x16e: {  	s16 =	simm.s32 $0x8400  }
0x16f: {  	[hbm4b:s11+s5] =	stream.indirect_vreg.scatter [tilespmem:s16], [sflag:$0x2], $0x80, v28, vm0, $0xb8;
	[tilespmem:$0x18490] =	vst v63  }
0x170: {  	s17 =	simm.s32 $0x8C00  }
0x171: {  	[hbm4b:s12+s5] =	stream.indirect_vreg.scatter [tilespmem:s17], [sflag:$0x2], $0x80, v28, vm0, $0xb8;
	[tilespmem:$0x18490] =	vst v63  }
0x172: {  	v28 =	vld [tilespmem:$0x330];
	_ =	sdelay $0x4  }
0x173: {  	v29 =	vshrl.u32 v28, $0x3  }
0x174: {  	v29 =	vmul.u32 $0x30, v29  }
0x175: {  	v28 =	vand.u32 $0x7, v28  }
0x176: {  	v28 =	vor.u32 v28, v29  }
0x177: {  	v29 =	vperm.xlane v28, v8;
	_ =	sdelay $0x1  }
0x178: {  	v29 =	vadd.s32 v10, v29;
	_ =	sdelay $0x3  }
0x179: {  	s18 =	simm.s32 $0x9400;
	v28 =	vperm.xlane v28, v9  }
0x17a: {  	[hbm4b:s6+s5] =	stream.indirect_vreg.scatter [tilespmem:s18], [sflag:$0x2], $0x80, v29, vm0, $0xb8;
	[tilespmem:$0x18490] =	vst v63  }
0x17b: {  	s19 =	simm.s32 $0x9C00;
	v28 =	vadd.s32 v10, v28  }
0x17c: {  	[hbm4b:s11+s5] =	stream.indirect_vreg.scatter [tilespmem:s19], [sflag:$0x2], $0x80, v29, vm0, $0xb8;
	[tilespmem:$0x18490] =	vst v63  }
0x17d: {  	s14 =	simm.s32 $0xA400  }
0x17e: {  	[hbm4b:s12+s5] =	stream.indirect_vreg.scatter [tilespmem:s14], [sflag:$0x2], $0x80, v29, vm0, $0xb8;
	[tilespmem:$0x18490] =	vst v63  }
0x17f: {  	s24 =	simm.s32 $0xAC00  }
0x180: {  	[hbm4b:s6+s5] =	stream.indirect_vreg.scatter [tilespmem:s24], [sflag:$0x2], $0x80, v28, vm0, $0xb8;
	[tilespmem:$0x18490] =	vst v63  }
0x181: {  	s13 =	simm.s32 $0xB400  }
0x182: {  	[hbm4b:s11+s5] =	stream.indirect_vreg.scatter [tilespmem:s13], [sflag:$0x2], $0x80, v28, vm0, $0xb8;
	[tilespmem:$0x18490] =	vst v63  }
0x183: {  	s1 =	simm.s32 $0xBC00  }
0x184: {  	[hbm4b:s12+s5] =	stream.indirect_vreg.scatter [tilespmem:s1], [sflag:$0x2], $0x80, v28, vm0, $0xb8;
	[tilespmem:$0x18490] =	vst v63  }
0x185: {  	v28 =	vld [tilespmem:$0x340];
	_ =	sdelay $0x4  }
0x186: {  	v29 =	vshrl.u32 v28, $0x3  }
0x187: {  	v29 =	vmul.u32 $0x30, v29  }
0x188: {  	v28 =	vand.u32 $0x7, v28  }
0x189: {  	v28 =	vor.u32 v28, v29  }
0x18a: {  	v29 =	vperm.xlane v28, v8;
	_ =	sdelay $0x1  }
0x18b: {  	v29 =	vadd.s32 v10, v29;
	_ =	sdelay $0x3  }
0x18c: {  	v28 =	vperm.xlane v28, v9  }
0x18d: {  	[hbm4b:s6+s5] =	stream.indirect_vreg.scatter [tilespmem:s20], [sflag:$0x2], $0x80, v29, vm0, $0xb8;
	[tilespmem:$0x18490] =	vst v63  }
0x18e: {  	s21 =	simm.s32 $0xCC00;
	v28 =	vadd.s32 v10, v28  }
0x18f: {  	[hbm4b:s11+s5] =	stream.indirect_vreg.scatter [tilespmem:s21], [sflag:$0x2], $0x80, v29, vm0, $0xb8;
	[tilespmem:$0x18490] =	vst v63  }
0x190: {  	s22 =	simm.s32 $0xD400  }
0x191: {  	[hbm4b:s12+s5] =	stream.indirect_vreg.scatter [tilespmem:s22], [sflag:$0x2], $0x80, v29, vm0, $0xb8;
	[tilespmem:$0x18490] =	vst v63  }
0x192: {  	s21 =	simm.s32 $0xDC00  }
0x193: {  	[hbm4b:s6+s5] =	stream.indirect_vreg.scatter [tilespmem:s21], [sflag:$0x2], $0x80, v28, vm0, $0xb8;
	[tilespmem:$0x18490] =	vst v63  }
0x194: {  	s22 =	simm.s32 $0xE400  }
0x195: {  	[hbm4b:s11+s5] =	stream.indirect_vreg.scatter [tilespmem:s22], [sflag:$0x2], $0x80, v28, vm0, $0xb8;
	[tilespmem:$0x18490] =	vst v63  }
0x196: {  	s21 =	simm.s32 $0xEC00  }
0x197: {  	[hbm4b:s12+s5] =	stream.indirect_vreg.scatter [tilespmem:s21], [sflag:$0x2], $0x80, v28, vm0, $0xb8;
	[tilespmem:$0x18490] =	vst v63  }
0x198: {  	v28 =	vld [tilespmem:$0x350];
	_ =	sdelay $0x4  }
0x199: {  	v29 =	vshrl.u32 v28, $0x3  }
0x19a: {  	v29 =	vmul.u32 $0x30, v29  }
0x19b: {  	v28 =	vand.u32 $0x7, v28  }
0x19c: {  	v28 =	vor.u32 v28, v29  }
0x19d: {  	v29 =	vperm.xlane v28, v8;
	_ =	sdelay $0x1  }
0x19e: {  	v29 =	vadd.s32 v10, v29;
	_ =	sdelay $0x3  }
0x19f: {  	s22 =	simm.s32 $0xF400;
	v28 =	vperm.xlane v28, v9  }
0x1a0: {  	[hbm4b:s6+s5] =	stream.indirect_vreg.scatter [tilespmem:s22], [sflag:$0x2], $0x80, v29, vm0, $0xb8;
	[tilespmem:$0x18490] =	vst v63  }
0x1a1: {  	s21 =	simm.s32 $0xFC00;
	v28 =	vadd.s32 v10, v28  }
0x1a2: {  	[hbm4b:s11+s5] =	stream.indirect_vreg.scatter [tilespmem:s21], [sflag:$0x2], $0x80, v29, vm0, $0xb8;
	[tilespmem:$0x18490] =	vst v63  }
0x1a3: {  	s22 =	simm.s32 $0x10400  }
0x1a4: {  	[hbm4b:s12+s5] =	stream.indirect_vreg.scatter [tilespmem:s22], [sflag:$0x2], $0x80, v29, vm0, $0xb8;
	[tilespmem:$0x18490] =	vst v63  }
0x1a5: {  	s21 =	simm.s32 $0x10C00  }
0x1a6: {  	[hbm4b:s6+s5] =	stream.indirect_vreg.scatter [tilespmem:s21], [sflag:$0x2], $0x80, v28, vm0, $0xb8;
	[tilespmem:$0x18490] =	vst v63  }
0x1a7: {  	s22 =	simm.s32 $0x11400  }
0x1a8: {  	[hbm4b:s11+s5] =	stream.indirect_vreg.scatter [tilespmem:s22], [sflag:$0x2], $0x80, v28, vm0, $0xb8;
	[tilespmem:$0x18490] =	vst v63  }
0x1a9: {  	s21 =	simm.s32 $0x11C00  }
0x1aa: {  	[hbm4b:s12+s5] =	stream.indirect_vreg.scatter [tilespmem:s21], [sflag:$0x2], $0x80, v28, vm0, $0xb8;
	[tilespmem:$0x18490] =	vst v63  }
0x1ab: {  	v28 =	vld [tilespmem:$0x360];
	_ =	sdelay $0x4  }
0x1ac: {  	v29 =	vshrl.u32 v28, $0x3  }
0x1ad: {  	v29 =	vmul.u32 $0x30, v29  }
0x1ae: {  	v28 =	vand.u32 $0x7, v28  }
0x1af: {  	v28 =	vor.u32 v28, v29  }
0x1b0: {  	v29 =	vperm.xlane v28, v8;
	_ =	sdelay $0x1  }
0x1b1: {  	v29 =	vadd.s32 v10, v29;
	_ =	sdelay $0x3  }
0x1b2: {  	s22 =	simm.s32 $0x12400;
	v28 =	vperm.xlane v28, v9  }
0x1b3: {  	[hbm4b:s6+s5] =	stream.indirect_vreg.scatter [tilespmem:s22], [sflag:$0x2], $0x80, v29, vm0, $0xb8;
	[tilespmem:$0x18490] =	vst v63  }
0x1b4: {  	s21 =	simm.s32 $0x12C00;
	v28 =	vadd.s32 v10, v28  }
0x1b5: {  	[hbm4b:s11+s5] =	stream.indirect_vreg.scatter [tilespmem:s21], [sflag:$0x2], $0x80, v29, vm0, $0xb8;
	[tilespmem:$0x18490] =	vst v63  }
0x1b6: {  	s22 =	simm.s32 $0x13400  }
0x1b7: {  	[hbm4b:s12+s5] =	stream.indirect_vreg.scatter [tilespmem:s22], [sflag:$0x2], $0x80, v29, vm0, $0xb8;
	[tilespmem:$0x18490] =	vst v63  }
0x1b8: {  	s21 =	simm.s32 $0x13C00  }
0x1b9: {  	[hbm4b:s6+s5] =	stream.indirect_vreg.scatter [tilespmem:s21], [sflag:$0x2], $0x80, v28, vm0, $0xb8;
	[tilespmem:$0x18490] =	vst v63  }
0x1ba: {  	s22 =	simm.s32 $0x14400  }
0x1bb: {  	[hbm4b:s11+s5] =	stream.indirect_vreg.scatter [tilespmem:s22], [sflag:$0x2], $0x80, v28, vm0, $0xb8;
	[tilespmem:$0x18490] =	vst v63  }
0x1bc: {  	s21 =	simm.s32 $0x14C00  }
0x1bd: {  	[hbm4b:s12+s5] =	stream.indirect_vreg.scatter [tilespmem:s21], [sflag:$0x2], $0x80, v28, vm0, $0xb8;
	[tilespmem:$0x18490] =	vst v63  }
0x1be: {  	v28 =	vld [tilespmem:$0x370];
	_ =	sdelay $0x4  }
0x1bf: {  	v29 =	vshrl.u32 v28, $0x3  }
0x1c0: {  	v29 =	vmul.u32 $0x30, v29  }
0x1c1: {  	v28 =	vand.u32 $0x7, v28  }
0x1c2: {  	v28 =	vor.u32 v28, v29  }
0x1c3: {  	v29 =	vperm.xlane v28, v8;
	_ =	sdelay $0x1  }
0x1c4: {  	v29 =	vadd.s32 v10, v29;
	_ =	sdelay $0x3  }
0x1c5: {  	s22 =	simm.s32 $0x15400;
	v28 =	vperm.xlane v28, v9  }
0x1c6: {  	[hbm4b:s6+s5] =	stream.indirect_vreg.scatter [tilespmem:s22], [sflag:$0x2], $0x80, v29, vm0, $0xb8;
	[tilespmem:$0x18490] =	vst v63  }
0x1c7: {  	s21 =	simm.s32 $0x15C00;
	v28 =	vadd.s32 v10, v28  }
0x1c8: {  	[hbm4b:s11+s5] =	stream.indirect_vreg.scatter [tilespmem:s21], [sflag:$0x2], $0x80, v29, vm0, $0xb8;
	[tilespmem:$0x18490] =	vst v63  }
0x1c9: {  	s22 =	simm.s32 $0x16400  }
0x1ca: {  	[hbm4b:s12+s5] =	stream.indirect_vreg.scatter [tilespmem:s22], [sflag:$0x2], $0x80, v29, vm0, $0xb8;
	[tilespmem:$0x18490] =	vst v63  }
0x1cb: {  	s21 =	simm.s32 $0x16C00  }
0x1cc: {  	[hbm4b:s6+s5] =	stream.indirect_vreg.scatter [tilespmem:s21], [sflag:$0x2], $0x80, v28, vm0, $0xb8;
	[tilespmem:$0x18490] =	vst v63  }
0x1cd: {  	s22 =	simm.s32 $0x17400  }
0x1ce: {  	[hbm4b:s11+s5] =	stream.indirect_vreg.scatter [tilespmem:s22], [sflag:$0x2], $0x80, v28, vm0, $0xb8;
	[tilespmem:$0x18490] =	vst v63  }
0x1cf: {  	s21 =	simm.s32 $0x17C00;
	s22 =	simm.s32 $0x2  }
0x1d0: {  	[hbm4b:s12+s5] =	stream.indirect_vreg.scatter [tilespmem:s21], [sflag:$0x2], $0x80, v28, vm0, $0xb8;
	[tilespmem:$0x18490] =	vst v63  }
0x1d1: {  	_ =	swait.ge [sflag:s22], $0x18000  }
0x1d2: {  	[sflag:s22] =	ssyncset.done $0x0  }
0x1d3: {  	s20 =	rddreg [dreg:$0x8];
	[sflag:s22] =	ssyncadd.s32 $0xFFFE8000;
	s22 =	simm.s32 $0x280  }
0x1d4: {  	[hbm4b:s20+s5] =	stream.linear.scatter [tilespmem:s22], [sflag:$0x3], $0x80, $0x38;
	[tilespmem:$0x18490] =	vst v63  }
0x1d5: {  	s20 =	simm.s32 $0x3  }
0x1d6: {  	_ =	swait.ge [sflag:s20], $0x80  }
0x1d7: {  	s22 =	rddreg [dreg:$0xa]  }
0x1d8: {  	s21 =	rddreg [dreg:$0x9];
	s22 =	sadd.s32 $0x1, s22  }
0x1d9: {  	p1 =	sne.s32 s22, s21  }
.Ltmp4:
0x1da: {  	_ = 	snop;
	(pc) =	sbr.rel @p1 .LBB2_1-.Ltmp4, $4  }
0x1db: {  	_ = 	snop  }
0x1dc: {  	[sflag:s20] =	ssyncset.done $0x0  }
0x1dd: {  	[sflag:s20] =	ssyncadd.s32 $0xFFFFFF80  }
0x1de: {  	[dreg:$0xa] =	wrdreg s22;
	s22 =	simm.s32 $0x400;
	s21 =	simm.s32 $0x1C00  }
0x1df: {  	_ =	sfence.sel $0x180000  }
0x1e0: {  	[bflag:$0x0] =	sbarrier.arrive $0xFFFF  }
0x1e1: {  	_ =	strace $0x90000047  }
0x1e2: {  	[bflag:$0x2] =	sbarrier.arrive $0xFFFF  }
0x1e3: {  	p0 =	sne.s32 s3, $0x0;
	s0 =	rddreg [dreg:$0x5]  }
0x1e4: {  	s0 =	sadd.s32 @!p0 $0x100000, s0  }
0x1e5: {  	[sflag:s0] =	ssyncadd.tile.s32 @!p0 $0x1;
	_ =	shalt  }
.Lfunc_end2:
_tile_overlayer_lowered:
.L_overlay_start_2:
0x1e6: {  	(tag) =	ssettag $0x2  }
0x1e7: {  	s0 =	rddreg [dreg:$0x0];
	s2 =	stileid.u32  }
0x1e8: {  	s1 =	rddreg [dreg:$0x1];
	p0 =	sne.s32 s2, $0x0  }
0x1e9: {  	s3 =	rddreg [dreg:$0x2];
	[bflag:$0x3] =	sbarrier.arrive $0xFFFF;
	s2 =	simm.s32 @!p0 $0x1C03  }
0x1ea: {  	[timem:s3], [sflag:s2] =	dma.local @!p0 [hbm:s0], s1  }
0x1eb: {  	s0 =	simm.s32 @!p0 $0x3  }
0x1ec: {  	_ =	swait.ge @!p0 [sflag:s0], s1  }
0x1ed: {  	s1 =	ssub.s32 @!p0 $0x0, s1;
	[sflag:s0] =	ssyncset.done @!p0 $0x0  }
0x1ee: {  	[sflag:s0] =	ssyncadd.s32 @!p0 s1  }
0x1ef: {  	[bflag:$0x3] =	sbarrier.arrive $0xFFFF  }
0x1f0: {  	_ =	shalt  }

</sc_bundles>
